<compile_context>
chip_gen: v7x
topology: tpu7x:2x2x1
jax: 0.10.2.dev20260603
libtpu: 0.0.44.dev20260713+nightly
codegen_flags: <defaults>
</compile_context>

<pallas_src>
import functools

import jax
import jax.numpy as jnp
import numpy as np
from jax import lax
from jax.experimental import pallas as pl
from jax.experimental.pallas import tpu as pltpu
from jax.experimental.pallas import tpu_sc as plsc

_FIELD_DIMS = [100000] * 26
_EMBED_DIM = 16
_BATCH = 16384
_NUM_FIELDS = len(_FIELD_DIMS)
_TOTAL = _BATCH * _NUM_FIELDS
_TABLE_ROWS = sum(_FIELD_DIMS)

_NC = 2
_NS = 16
_NW = _NC * _NS
_LANES = 16

_B_PER_W = _BATCH // _NW
_PER_W = _TOTAL // _NW
_CHUNK = 26 * 64
_NCHUNKS = _PER_W // _CHUNK
_BBLK = 128


def _mesh():
    return plsc.VectorSubcoreMesh(core_axis_name="c", subcore_axis_name="s")


def _wid():
    return lax.axis_index("s") * _NC + lax.axis_index("c")


_RT_LB = 256
_RT_FULL = _TABLE_ROWS // _RT_LB
_RT_T = (_RT_FULL + _NW - 1) // _NW
_RT_TAIL = _TABLE_ROWS - _RT_FULL * _RT_LB


def _build_retile():
    @functools.partial(
        pl.kernel,
        mesh=_mesh(),
        out_type=jax.ShapeDtypeStruct((_TABLE_ROWS // 8, 8 * _EMBED_DIM), jnp.float32),
        scratch_types=[
            pltpu.VMEM((_EMBED_DIM, _RT_LB), jnp.float32),
            pltpu.VMEM((_EMBED_DIM, _RT_LB), jnp.float32),
            pltpu.VMEM((_EMBED_DIM, _RT_TAIL), jnp.float32),
            pltpu.VMEM((_RT_LB // 8, 8 * _EMBED_DIM), jnp.float32),
            pltpu.VMEM((_RT_LB // 8, 8 * _EMBED_DIM), jnp.float32),
            pltpu.SemaphoreType.DMA,
            pltpu.SemaphoreType.DMA,
            pltpu.SemaphoreType.DMA,
            pltpu.SemaphoreType.DMA,
        ],
        compiler_params=pltpu.CompilerParams(use_tc_tiling_on_sc=True, needs_layout_passes=False),
    )
    def retile(wt_hbm, tail_hbm, w128_hbm, xb0, xb1, tb, ob0, ob1, si0, si1, so0, so1):
        w = _wid()
        jv = lax.iota(jnp.int32, _LANES)
        xbufs = (xb0, xb1)
        obufs = (ob0, ob1)
        sis = (si0, si1)
        sos = (so0, so1)

        def blk_c(t):
            return w + _NW * t

        def start_in(t, par):
            c = blk_c(t)

            @pl.when(jnp.logical_and(t < _RT_T, c < _RT_FULL))
            def _():
                pltpu.async_copy(
                    wt_hbm.at[:, pl.ds(c * _RT_LB, _RT_LB)], xbufs[par], sis[par])

        def wait_in(t, par):
            c = blk_c(t)

            @pl.when(jnp.logical_and(t < _RT_T, c < _RT_FULL))
            def _():
                pltpu.make_async_copy(
                    wt_hbm.at[:, pl.ds(c * _RT_LB, _RT_LB)], xbufs[par], sis[par]).wait()

        def wait_out(t, par):
            c = blk_c(t)

            @pl.when(jnp.logical_and(t >= 0, c < _RT_FULL))
            def _():
                pltpu.make_async_copy(
                    obufs[par], w128_hbm.at[pl.ds(c * (_RT_LB // 8), _RT_LB // 8)], sos[par]).wait()

        def compute(t, par):
            c = blk_c(t)

            @pl.when(c < _RT_FULL)
            def _():
                xb = xbufs[par]
                ob = obufs[par]
                def p2_body(p2, carry):
                    g0 = 8 * p2
                    vals = [plsc.load_gather(xb, [jv, jnp.full((_LANES,), g0, jnp.int32) + a])
                            for a in range(8)]
                    for a in range(8):
                        ob[p2, pl.ds(a * _EMBED_DIM, _EMBED_DIM)] = vals[a]
                    return carry

                lax.fori_loop(0, _RT_LB // 8, p2_body, 0, unroll=8)
                pltpu.async_copy(
                    ob, w128_hbm.at[pl.ds(c * (_RT_LB // 8), _RT_LB // 8)], sos[par])

        start_in(0, 0)

        def pair_body(q, carry):
            t0 = 2 * q
            start_in(t0 + 1, 1)
            wait_in(t0, 0)
            wait_out(t0 - 2, 0)
            compute(t0, 0)
            start_in(t0 + 2, 0)
            wait_in(t0 + 1, 1)
            wait_out(t0 - 1, 1)
            compute(t0 + 1, 1)
            return carry

        lax.fori_loop(0, _RT_T // 2, pair_body, 0)
        wait_out(_RT_T - 2, 0)
        wait_out(_RT_T - 1, 1)

        @pl.when(w == _NW - 1)
        def _tail():
            pltpu.sync_copy(tail_hbm, tb)
            for g in range(_RT_TAIL):
                gfull = jnp.full((_LANES,), g, jnp.int32)
                ob0[g // 8, pl.ds((g % 8) * _EMBED_DIM, _EMBED_DIM)] = plsc.load_gather(tb, [jv, gfull])
            pltpu.sync_copy(
                ob0.at[pl.ds(0, _RT_TAIL // 8)],
                w128_hbm.at[pl.ds(_RT_FULL * (_RT_LB // 8), _RT_TAIL // 8)])

    return retile


def _build_prep():
    @functools.partial(
        pl.kernel,
        mesh=_mesh(),
        out_type=jax.ShapeDtypeStruct((_TOTAL,), jnp.int32),
        scratch_types=[
            pltpu.VMEM((_NUM_FIELDS, _B_PER_W), jnp.int32),
            pltpu.VMEM((2 * _LANES,), jnp.int32),
            pltpu.VMEM((_PER_W,), jnp.int32),
        ],
        compiler_params=pltpu.CompilerParams(use_tc_tiling_on_sc=True, needs_layout_passes=False),
    )
    def prep(xt_hbm, off_hbm, idx_hbm, xv, offv, idxv):
        w = _wid()
        b0 = w * _B_PER_W
        pltpu.sync_copy(off_hbm, offv)
        pltpu.sync_copy(xt_hbm.at[:, pl.ds(b0, _B_PER_W)], xv)
        off_lo = offv[pl.ds(0, _LANES)]
        off_hi = offv[pl.ds(_LANES, _LANES)]
        f_lo = lax.iota(jnp.int32, _LANES)
        f_hi = f_lo + _LANES
        f_hi_c = jnp.minimum(f_hi, _NUM_FIELDS - 1)
        hi_mask = f_hi < _NUM_FIELDS

        def body(b, carry):
            bvec = jnp.full((_LANES,), b, jnp.int32)
            lo = plsc.load_gather(xv, [f_lo, bvec]) + off_lo
            hi = plsc.load_gather(xv, [f_hi_c, bvec]) + off_hi
            n0 = b * _NUM_FIELDS
            idxv[pl.ds(n0, _LANES)] = lo
            nvec = n0 + f_hi
            plsc.store_scatter(idxv, [nvec], hi, mask=hi_mask)
            return carry

        lax.fori_loop(0, _B_PER_W, body, 0, unroll=4)
        pltpu.sync_copy(idxv, idx_hbm.at[pl.ds(w * _PER_W, _PER_W)])

    return prep


_GCHUNK = 416
_NGCHUNKS = _PER_W // _GCHUNK
_GROUPS = _GCHUNK // _LANES


def _build_gather():
    @functools.partial(
        pl.kernel,
        mesh=_mesh(),
        out_type=jax.ShapeDtypeStruct((_NUM_FIELDS, _EMBED_DIM, _BATCH), jnp.float32),
        scratch_types=[
            pltpu.VMEM((_GCHUNK,), jnp.int32),
            pltpu.VMEM((_GCHUNK,), jnp.int32),
            pltpu.VMEM((_GCHUNK,), jnp.int32),
            pltpu.VMEM((_GCHUNK, 8 * _EMBED_DIM), jnp.float32),
            pltpu.VMEM((_NUM_FIELDS, _EMBED_DIM, _BBLK), jnp.float32),
            pltpu.SemaphoreType.DMA,
        ],
        compiler_params=pltpu.CompilerParams(use_tc_tiling_on_sc=True, needs_layout_passes=False),
    )
    def gather(idx_hbm, w_hbm, out_hbm, idxv, rowv, lanev, rows, slab, sem):
        w = _wid()
        base = w * _PER_W
        iota26 = lax.iota(jnp.int32, _LANES) * _NUM_FIELDS

        def chunk_body(t, carry):
            g = base + t * _GCHUNK
            pltpu.sync_copy(idx_hbm.at[pl.ds(g, _GCHUNK)], idxv)

            def split_body(sp, c2):
                sl = pl.ds(sp * _LANES, _LANES)
                iv = idxv[sl]
                rowv[sl] = lax.shift_right_logical(iv, 3)
                lanev[sl] = (iv & 7) * _EMBED_DIM
                return c2

            lax.fori_loop(0, _GROUPS, split_body, 0, unroll=4)
            pltpu.async_copy(w_hbm.at[rowv], rows, sem).wait()
            bloc = (t % 8) * _LANES

            def f_body(f, c2):
                rvec = iota26 + f
                av = plsc.load_gather(lanev, [rvec])
                vals = [plsc.load_gather(rows, [rvec, av + j]) for j in range(_EMBED_DIM)]
                for j in range(_EMBED_DIM):
                    slab[f, j, pl.ds(bloc, _LANES)] = vals[j]
                return c2

            lax.fori_loop(0, _NUM_FIELDS, f_body, 0)

            @pl.when(t % 8 == 7)
            def _flush():
                bbase = w * _B_PER_W + (t // 8) * _BBLK
                pltpu.sync_copy(slab, out_hbm.at[:, :, pl.ds(bbase, _BBLK)])

            return carry

        lax.fori_loop(0, _NGCHUNKS, chunk_body, 0)

    return gather


_RETILE = _build_retile()
_PREP = _build_prep()
_GATHER = _build_gather()


def kernel(x, W):
    offsets = np.concatenate(([0], np.cumsum(_FIELD_DIMS)[:-1])).astype(np.int32)
    off_pad = np.zeros(2 * _LANES, np.int32)
    off_pad[:_NUM_FIELDS] = offsets
    xt = x.astype(jnp.int32).T
    idx = _PREP(xt, jnp.asarray(off_pad))
    w128 = _RETILE(W.T, W[_RT_FULL * _RT_LB:, :].T)
    ot = _GATHER(idx, w128)
    return ot.transpose(2, 0, 1)

# --- scband reference (transcript-rebuilt; emitter-appended) ---
"""Pipeline reference for scband-features-embedding-40759239639126 (READ-ONLY COPY).

The authoritative reference and input builder live on the scoring server;
editing this copy changes nothing except your own understanding.
"""

import jax, jax.numpy as jnp
import numpy as np

FIELD_DIMS = [100000] * 26
EMBED_DIM = 16
BATCH = 16384
NUM_FIELDS = len(FIELD_DIMS)
TOTAL_ROWS = sum(FIELD_DIMS)


def setup_inputs(seed: int = 0) -> dict:
    key = jax.random.key(seed)
    k_x, k_w = jax.random.split(key)
    x = jax.random.randint(k_x, (BATCH, NUM_FIELDS), 0, 100000, dtype=jnp.int64 if jax.config.read('jax_enable_x64') else jnp.int32)
    # xavier uniform init for embedding table of shape (sum(field_dims), embed_dim)
    fan_in, fan_out = TOTAL_ROWS, EMBED_DIM
    bound = float(np.sqrt(6.0 / (fan_in + fan_out)))
    W = jax.random.uniform(k_w, (TOTAL_ROWS, EMBED_DIM), minval=-bound, maxval=bound, dtype=jnp.float32)
    return {"x": x, "W": W}


def reference(x, W):
    # offsets = (0, cumsum(field_dims)[:-1])
    offsets = jnp.asarray(np.concatenate(([0], np.cumsum(FIELD_DIMS)[:-1])), dtype=x.dtype)
    idx = x + offsets[None, :]
    # embedding lookup -> gather
    out = jnp.take(W, idx, axis=0)
    return out

if __name__ == "__main__":
    import jax
    _d = setup_inputs()
    print(jax.jit(kernel)(*tuple(_d.values())))

</pallas_src>

<mosaic_0001>
#map = affine_map<(d0, d1) -> (0, 0)>
module attributes {stable_mosaic.version = 14 : i64} {
  func.func @retile(%arg0: i32, %arg1: i32, %arg2: memref<16x2600000xf32, #tpu.memory_space<hbm>>, %arg3: memref<16x64xf32, #tpu.memory_space<hbm>>, %arg4: memref<325000x128xf32, #tpu.memory_space<hbm>>, %arg5: memref<16x256xf32, #tpu.memory_space<vmem>>, %arg6: memref<16x256xf32, #tpu.memory_space<vmem>>, %arg7: memref<16x64xf32, #tpu.memory_space<vmem>>, %arg8: memref<32x128xf32, #tpu.memory_space<vmem>>, %arg9: memref<32x128xf32, #tpu.memory_space<vmem>>, %arg10: memref<!tpu.dma_semaphore, #tpu.memory_space<semaphore_mem>>, %arg11: memref<!tpu.dma_semaphore, #tpu.memory_space<semaphore_mem>>, %arg12: memref<!tpu.dma_semaphore, #tpu.memory_space<semaphore_mem>>, %arg13: memref<!tpu.dma_semaphore, #tpu.memory_space<semaphore_mem>>) attributes {dimension_semantics = [#tpu.dimension_semantics<core_parallel>, #tpu.dimension_semantics<subcore_parallel>], iteration_bounds = array<i64: 2, 16>, scalar_prefetch = 0 : i64, scratch_operands = 9 : i64, tpu.core_type = #tpu.core_type<sc_vector_subcore>, window_params = [{transform_indices = #map}, {transform_indices = #map}, {transform_indices = #map}]} {
    %mul3A = arith.constant 2 : i32
    %mul3A_0 = arith.muli %arg1, %mul3A : i32
    %add3A = arith.addi %mul3A_0, %arg0 : i32
    %iota3A = tpu.iota {dimensions = array<i32: 0>} : vector<16xi32>
    %add3A_1 = arith.constant 0 : i32
    %add3A_2 = arith.addi %add3A, %add3A_1 : i32
    %lt3A = arith.constant 10156 : i32
    %lt3A_3 = arith.cmpi slt, %add3A_2, %lt3A : i32
    %and3A = arith.constant true
    %and3A_4 = arith.andi %and3A, %lt3A_3 : i1
    %convert_element_type3A = arith.extui %and3A_4 : i1 to i32
    %cond3A = arith.constant 0 : i32
    %cond3A_5 = arith.cmpi ne, %convert_element_type3A, %cond3A : i32
    scf.if %cond3A_5 {
      %mul3A_33 = arith.constant 256 : i32
      %mul3A_34 = arith.muli %add3A_2, %mul3A_33 : i32
      %dma_start3A = arith.constant 0 : i32
      %dma_start3A_35 = tpu.memref_slice %arg2[%dma_start3A, %mul3A_34] : memref<16x2600000xf32, #tpu.memory_space<hbm>> -> memref<16x256xf32, #tpu.memory_space<hbm>>
      %dma_start3A_36 = arith.constant 0 : i32
      %dma_start3A_37 = tpu.memref_slice %arg2[%dma_start3A_36, %mul3A_34] : memref<16x2600000xf32, #tpu.memory_space<hbm>> -> memref<16x256xf32, #tpu.memory_space<hbm>>
      tpu.enqueue_dma source(%dma_start3A_37 : memref<16x256xf32, #tpu.memory_space<hbm>>) target(%arg5 : memref<16x256xf32, #tpu.memory_space<vmem>>) target_semaphore(%arg10 : memref<!tpu.dma_semaphore, #tpu.memory_space<semaphore_mem>>)
    } else {
    }
    %scan3A = arith.constant 0 : i32
    %scan3A_6 = arith.constant 0 : i32
    %scan3A_7 = arith.constant 159 : i32
    %scan3A_8 = arith.addi %scan3A_6, %scan3A_7 : i32
    %scan3A_9 = arith.constant 1 : i32
    scf.for %scan3A_33 = %scan3A_6 to %scan3A_8 step %scan3A_9  : i32 {
      %mul3A_34 = arith.constant 2 : i32
      %mul3A_35 = arith.muli %mul3A_34, %scan3A_33 : i32
      %add3A_36 = arith.constant 1 : i32
      %add3A_37 = arith.addi %mul3A_35, %add3A_36 : i32
      %mul3A_38 = arith.constant 32 : i32
      %mul3A_39 = arith.muli %mul3A_38, %add3A_37 : i32
      %add3A_40 = arith.addi %add3A, %mul3A_39 : i32
      %lt3A_41 = arith.constant 318 : i32
      %lt3A_42 = arith.cmpi slt, %add3A_37, %lt3A_41 : i32
      %lt3A_43 = arith.constant 10156 : i32
      %lt3A_44 = arith.cmpi slt, %add3A_40, %lt3A_43 : i32
      %and3A_45 = arith.andi %lt3A_42, %lt3A_44 : i1
      %convert_element_type3A_46 = arith.extui %and3A_45 : i1 to i32
      %cond3A_47 = arith.constant 0 : i32
      %cond3A_48 = arith.cmpi ne, %convert_element_type3A_46, %cond3A_47 : i32
      scf.if %cond3A_48 {
        %mul3A_128 = arith.constant 256 : i32
        %mul3A_129 = arith.muli %add3A_40, %mul3A_128 : i32
        %dma_start3A = arith.constant 0 : i32
        %dma_start3A_130 = tpu.memref_slice %arg2[%dma_start3A, %mul3A_129] : memref<16x2600000xf32, #tpu.memory_space<hbm>> -> memref<16x256xf32, #tpu.memory_space<hbm>>
        %dma_start3A_131 = arith.constant 0 : i32
        %dma_start3A_132 = tpu.memref_slice %arg2[%dma_start3A_131, %mul3A_129] : memref<16x2600000xf32, #tpu.memory_space<hbm>> -> memref<16x256xf32, #tpu.memory_space<hbm>>
        tpu.enqueue_dma source(%dma_start3A_132 : memref<16x256xf32, #tpu.memory_space<hbm>>) target(%arg6 : memref<16x256xf32, #tpu.memory_space<vmem>>) target_semaphore(%arg11 : memref<!tpu.dma_semaphore, #tpu.memory_space<semaphore_mem>>)
      } else {
      }
      %mul3A_49 = arith.constant 32 : i32
      %mul3A_50 = arith.muli %mul3A_49, %mul3A_35 : i32
      %add3A_51 = arith.addi %add3A, %mul3A_50 : i32
      %lt3A_52 = arith.constant 318 : i32
      %lt3A_53 = arith.cmpi slt, %mul3A_35, %lt3A_52 : i32
      %lt3A_54 = arith.constant 10156 : i32
      %lt3A_55 = arith.cmpi slt, %add3A_51, %lt3A_54 : i32
      %and3A_56 = arith.andi %lt3A_53, %lt3A_55 : i1
      %convert_element_type3A_57 = arith.extui %and3A_56 : i1 to i32
      %cond3A_58 = arith.constant 0 : i32
      %cond3A_59 = arith.cmpi ne, %convert_element_type3A_57, %cond3A_58 : i32
      scf.if %cond3A_59 {
        %mul3A_128 = arith.constant 256 : i32
        %mul3A_129 = arith.muli %add3A_51, %mul3A_128 : i32
        %dma_wait3A = arith.constant 0 : i32
        %dma_wait3A_130 = tpu.memref_slice %arg2[%dma_wait3A, %mul3A_129] : memref<16x2600000xf32, #tpu.memory_space<hbm>> -> memref<16x256xf32, #tpu.memory_space<hbm>>
        %dma_wait3A_131 = arith.constant 0 : i32
        %dma_wait3A_132 = tpu.memref_slice %arg2[%dma_wait3A_131, %mul3A_129] : memref<16x2600000xf32, #tpu.memory_space<hbm>> -> memref<16x256xf32, #tpu.memory_space<hbm>>
        tpu.wait_dma2 semaphore(%arg10 : memref<!tpu.dma_semaphore, #tpu.memory_space<semaphore_mem>>) src(%dma_wait3A_132 : memref<16x256xf32, #tpu.memory_space<hbm>>) dst(%arg5 : memref<16x256xf32, #tpu.memory_space<vmem>>)
      } else {
      }
      %sub3A = arith.constant 2 : i32
      %sub3A_60 = arith.subi %mul3A_35, %sub3A : i32
      %mul3A_61 = arith.constant 32 : i32
      %mul3A_62 = arith.muli %mul3A_61, %sub3A_60 : i32
      %add3A_63 = arith.addi %add3A, %mul3A_62 : i32
      %ge3A = arith.constant 0 : i32
      %ge3A_64 = arith.cmpi sge, %sub3A_60, %ge3A : i32
      %lt3A_65 = arith.constant 10156 : i32
      %lt3A_66 = arith.cmpi slt, %add3A_63, %lt3A_65 : i32
      %and3A_67 = arith.andi %ge3A_64, %lt3A_66 : i1
      %convert_element_type3A_68 = arith.extui %and3A_67 : i1 to i32
      %cond3A_69 = arith.constant 0 : i32
      %cond3A_70 = arith.cmpi ne, %convert_element_type3A_68, %cond3A_69 : i32
      scf.if %cond3A_70 {
        %mul3A_128 = arith.constant 32 : i32
        %mul3A_129 = arith.muli %add3A_63, %mul3A_128 : i32
        %dma_wait3A = arith.constant 0 : i32
        %dma_wait3A_130 = tpu.memref_slice %arg4[%mul3A_129, %dma_wait3A] : memref<325000x128xf32, #tpu.memory_space<hbm>> -> memref<32x128xf32, #tpu.memory_space<hbm>>
        %dma_wait3A_131 = arith.constant 0 : i32
        %dma_wait3A_132 = tpu.memref_slice %arg4[%mul3A_129, %dma_wait3A_131] : memref<325000x128xf32, #tpu.memory_space<hbm>> -> memref<32x128xf32, #tpu.memory_space<hbm>>
        tpu.wait_dma2 semaphore(%arg12 : memref<!tpu.dma_semaphore, #tpu.memory_space<semaphore_mem>>) src(%arg8 : memref<32x128xf32, #tpu.memory_space<vmem>>) dst(%dma_wait3A_132 : memref<32x128xf32, #tpu.memory_space<hbm>>)
      } else {
      }
      %mul3A_71 = arith.constant 32 : i32
      %mul3A_72 = arith.muli %mul3A_71, %mul3A_35 : i32
      %add3A_73 = arith.addi %add3A, %mul3A_72 : i32
      %lt3A_74 = arith.constant 10156 : i32
      %lt3A_75 = arith.cmpi slt, %add3A_73, %lt3A_74 : i32
      %convert_element_type3A_76 = arith.extui %lt3A_75 : i1 to i32
      %cond3A_77 = arith.constant 0 : i32
      %cond3A_78 = arith.cmpi ne, %convert_element_type3A_76, %cond3A_77 : i32
      scf.if %cond3A_78 {
        %scan3A_128 = arith.constant 0 : i32
        %scan3A_129 = arith.constant 0 : i32
        %scan3A_130 = arith.constant 32 : i32
        %scan3A_131 = arith.addi %scan3A_129, %scan3A_130 : i32
        %scan3A_132 = arith.constant 8 : i32
        scf.for %scan3A_139 = %scan3A_129 to %scan3A_131 step %scan3A_132  : i32 {
          %mul3A_140 = arith.constant 8 : i32
          %mul3A_141 = arith.muli %mul3A_140, %scan3A_139 : i32
          %broadcast_in_dim3A = vector.broadcast %mul3A_141 : i32 to vector<16xi32>
          %add3A_142 = arith.constant 0 : i32
          %add3A_143 = vector.broadcast %add3A_142 : i32 to vector<16xi32>
          %add3A_144 = arith.addi %broadcast_in_dim3A, %add3A_143 : vector<16xi32>
          %gather3A = tpu.vector_load_idx %arg5[%iota3A, %add3A_144] : memref<16x256xf32, #tpu.memory_space<vmem>>[vector<16xi32>, vector<16xi32>], vector<16xf32>,
          %broadcast_in_dim3A_145 = vector.broadcast %mul3A_141 : i32 to vector<16xi32>
          %add3A_146 = arith.constant 1 : i32
          %add3A_147 = vector.broadcast %add3A_146 : i32 to vector<16xi32>
          %add3A_148 = arith.addi %broadcast_in_dim3A_145, %add3A_147 : vector<16xi32>
          %gather3A_149 = tpu.vector_load_idx %arg5[%iota3A, %add3A_148] : memref<16x256xf32, #tpu.memory_space<vmem>>[vector<16xi32>, vector<16xi32>], vector<16xf32>,
          %broadcast_in_dim3A_150 = vector.broadcast %mul3A_141 : i32 to vector<16xi32>
          %add3A_151 = arith.constant 2 : i32
          %add3A_152 = vector.broadcast %add3A_151 : i32 to vector<16xi32>
          %add3A_153 = arith.addi %broadcast_in_dim3A_150, %add3A_152 : vector<16xi32>
          %gather3A_154 = tpu.vector_load_idx %arg5[%iota3A, %add3A_153] : memref<16x256xf32, #tpu.memory_space<vmem>>[vector<16xi32>, vector<16xi32>], vector<16xf32>,
          %broadcast_in_dim3A_155 = vector.broadcast %mul3A_141 : i32 to vector<16xi32>
          %add3A_156 = arith.constant 3 : i32
          %add3A_157 = vector.broadcast %add3A_156 : i32 to vector<16xi32>
          %add3A_158 = arith.addi %broadcast_in_dim3A_155, %add3A_157 : vector<16xi32>
          %gather3A_159 = tpu.vector_load_idx %arg5[%iota3A, %add3A_158] : memref<16x256xf32, #tpu.memory_space<vmem>>[vector<16xi32>, vector<16xi32>], vector<16xf32>,
          %broadcast_in_dim3A_160 = vector.broadcast %mul3A_141 : i32 to vector<16xi32>
          %add3A_161 = arith.constant 4 : i32
          %add3A_162 = vector.broadcast %add3A_161 : i32 to vector<16xi32>
          %add3A_163 = arith.addi %broadcast_in_dim3A_160, %add3A_162 : vector<16xi32>
          %gather3A_164 = tpu.vector_load_idx %arg5[%iota3A, %add3A_163] : memref<16x256xf32, #tpu.memory_space<vmem>>[vector<16xi32>, vector<16xi32>], vector<16xf32>,
          %broadcast_in_dim3A_165 = vector.broadcast %mul3A_141 : i32 to vector<16xi32>
          %add3A_166 = arith.constant 5 : i32
          %add3A_167 = vector.broadcast %add3A_166 : i32 to vector<16xi32>
          %add3A_168 = arith.addi %broadcast_in_dim3A_165, %add3A_167 : vector<16xi32>
          %gather3A_169 = tpu.vector_load_idx %arg5[%iota3A, %add3A_168] : memref<16x256xf32, #tpu.memory_space<vmem>>[vector<16xi32>, vector<16xi32>], vector<16xf32>,
          %broadcast_in_dim3A_170 = vector.broadcast %mul3A_141 : i32 to vector<16xi32>
          %add3A_171 = arith.constant 6 : i32
          %add3A_172 = vector.broadcast %add3A_171 : i32 to vector<16xi32>
          %add3A_173 = arith.addi %broadcast_in_dim3A_170, %add3A_172 : vector<16xi32>
          %gather3A_174 = tpu.vector_load_idx %arg5[%iota3A, %add3A_173] : memref<16x256xf32, #tpu.memory_space<vmem>>[vector<16xi32>, vector<16xi32>], vector<16xf32>,
          %broadcast_in_dim3A_175 = vector.broadcast %mul3A_141 : i32 to vector<16xi32>
          %add3A_176 = arith.constant 7 : i32
          %add3A_177 = vector.broadcast %add3A_176 : i32 to vector<16xi32>
          %add3A_178 = arith.addi %broadcast_in_dim3A_175, %add3A_177 : vector<16xi32>
          %gather3A_179 = tpu.vector_load_idx %arg5[%iota3A, %add3A_178] : memref<16x256xf32, #tpu.memory_space<vmem>>[vector<16xi32>, vector<16xi32>], vector<16xf32>,
          %swap3A = arith.index_cast %scan3A_139 : i32 to index
          %swap3A_180 = arith.constant 0 : index
          %swap3A_181 = tpu.vector_load %arg8[%swap3A, %swap3A_180] {strides = array<i32>} : memref<32x128xf32, #tpu.memory_space<vmem>>, vector<16xf32>,
          tpu.vector_store %arg8[%swap3A, %swap3A_180], %gather3A {strides = array<i32>} : memref<32x128xf32, #tpu.memory_space<vmem>>, vector<16xf32>,
          %swap3A_182 = arith.index_cast %scan3A_139 : i32 to index
          %swap3A_183 = arith.constant 16 : index
          %swap3A_184 = tpu.vector_load %arg8[%swap3A_182, %swap3A_183] {strides = array<i32>} : memref<32x128xf32, #tpu.memory_space<vmem>>, vector<16xf32>,
          tpu.vector_store %arg8[%swap3A_182, %swap3A_183], %gather3A_149 {strides = array<i32>} : memref<32x128xf32, #tpu.memory_space<vmem>>, vector<16xf32>,
          %swap3A_185 = arith.index_cast %scan3A_139 : i32 to index
          %swap3A_186 = arith.constant 32 : index
          %swap3A_187 = tpu.vector_load %arg8[%swap3A_185, %swap3A_186] {strides = array<i32>} : memref<32x128xf32, #tpu.memory_space<vmem>>, vector<16xf32>,
          tpu.vector_store %arg8[%swap3A_185, %swap3A_186], %gather3A_154 {strides = array<i32>} : memref<32x128xf32, #tpu.memory_space<vmem>>, vector<16xf32>,
          %swap3A_188 = arith.index_cast %scan3A_139 : i32 to index
          %swap3A_189 = arith.constant 48 : index
          %swap3A_190 = tpu.vector_load %arg8[%swap3A_188, %swap3A_189] {strides = array<i32>} : memref<32x128xf32, #tpu.memory_space<vmem>>, vector<16xf32>,
          tpu.vector_store %arg8[%swap3A_188, %swap3A_189], %gather3A_159 {strides = array<i32>} : memref<32x128xf32, #tpu.memory_space<vmem>>, vector<16xf32>,
          %swap3A_191 = arith.index_cast %scan3A_139 : i32 to index
          %swap3A_192 = arith.constant 64 : index
          %swap3A_193 = tpu.vector_load %arg8[%swap3A_191, %swap3A_192] {strides = array<i32>} : memref<32x128xf32, #tpu.memory_space<vmem>>, vector<16xf32>,
          tpu.vector_store %arg8[%swap3A_191, %swap3A_192], %gather3A_164 {strides = array<i32>} : memref<32x128xf32, #tpu.memory_space<vmem>>, vector<16xf32>,
          %swap3A_194 = arith.index_cast %scan3A_139 : i32 to index
          %swap3A_195 = arith.constant 80 : index
          %swap3A_196 = tpu.vector_load %arg8[%swap3A_194, %swap3A_195] {strides = array<i32>} : memref<32x128xf32, #tpu.memory_space<vmem>>, vector<16xf32>,
          tpu.vector_store %arg8[%swap3A_194, %swap3A_195], %gather3A_169 {strides = array<i32>} : memref<32x128xf32, #tpu.memory_space<vmem>>, vector<16xf32>,
          %swap3A_197 = arith.index_cast %scan3A_139 : i32 to index
          %swap3A_198 = arith.constant 96 : index
          %swap3A_199 = tpu.vector_load %arg8[%swap3A_197, %swap3A_198] {strides = array<i32>} : memref<32x128xf32, #tpu.memory_space<vmem>>, vector<16xf32>,
          tpu.vector_store %arg8[%swap3A_197, %swap3A_198], %gather3A_174 {strides = array<i32>} : memref<32x128xf32, #tpu.memory_space<vmem>>, vector<16xf32>,
          %swap3A_200 = arith.index_cast %scan3A_139 : i32 to index
          %swap3A_201 = arith.constant 112 : index
          %swap3A_202 = tpu.vector_load %arg8[%swap3A_200, %swap3A_201] {strides = array<i32>} : memref<32x128xf32, #tpu.memory_space<vmem>>, vector<16xf32>,
          tpu.vector_store %arg8[%swap3A_200, %swap3A_201], %gather3A_179 {strides = array<i32>} : memref<32x128xf32, #tpu.memory_space<vmem>>, vector<16xf32>,
          %scan3A_203 = arith.constant 1 : i32
          %scan3A_204 = arith.addi %scan3A_139, %scan3A_203 : i32
          %mul3A_205 = arith.constant 8 : i32
          %mul3A_206 = arith.muli %mul3A_205, %scan3A_204 : i32
          %broadcast_in_dim3A_207 = vector.broadcast %mul3A_206 : i32 to vector<16xi32>
          %add3A_208 = arith.constant 0 : i32
          %add3A_209 = vector.broadcast %add3A_208 : i32 to vector<16xi32>
          %add3A_210 = arith.addi %broadcast_in_dim3A_207, %add3A_209 : vector<16xi32>
          %gather3A_211 = tpu.vector_load_idx %arg5[%iota3A, %add3A_210] : memref<16x256xf32, #tpu.memory_space<vmem>>[vector<16xi32>, vector<16xi32>], vector<16xf32>,
          %broadcast_in_dim3A_212 = vector.broadcast %mul3A_206 : i32 to vector<16xi32>
          %add3A_213 = arith.constant 1 : i32
          %add3A_214 = vector.broadcast %add3A_213 : i32 to vector<16xi32>
          %add3A_215 = arith.addi %broadcast_in_dim3A_212, %add3A_214 : vector<16xi32>
          %gather3A_216 = tpu.vector_load_idx %arg5[%iota3A, %add3A_215] : memref<16x256xf32, #tpu.memory_space<vmem>>[vector<16xi32>, vector<16xi32>], vector<16xf32>,
          %broadcast_in_dim3A_217 = vector.broadcast %mul3A_206 : i32 to vector<16xi32>
          %add3A_218 = arith.constant 2 : i32
          %add3A_219 = vector.broadcast %add3A_218 : i32 to vector<16xi32>
          %add3A_220 = arith.addi %broadcast_in_dim3A_217, %add3A_219 : vector<16xi32>
          %gather3A_221 = tpu.vector_load_idx %arg5[%iota3A, %add3A_220] : memref<16x256xf32, #tpu.memory_space<vmem>>[vector<16xi32>, vector<16xi32>], vector<16xf32>,
          %broadcast_in_dim3A_222 = vector.broadcast %mul3A_206 : i32 to vector<16xi32>
          %add3A_223 = arith.constant 3 : i32
          %add3A_224 = vector.broadcast %add3A_223 : i32 to vector<16xi32>
          %add3A_225 = arith.addi %broadcast_in_dim3A_222, %add3A_224 : vector<16xi32>
          %gather3A_226 = tpu.vector_load_idx %arg5[%iota3A, %add3A_225] : memref<16x256xf32, #tpu.memory_space<vmem>>[vector<16xi32>, vector<16xi32>], vector<16xf32>,
          %broadcast_in_dim3A_227 = vector.broadcast %mul3A_206 : i32 to vector<16xi32>
          %add3A_228 = arith.constant 4 : i32
          %add3A_229 = vector.broadcast %add3A_228 : i32 to vector<16xi32>
          %add3A_230 = arith.addi %broadcast_in_dim3A_227, %add3A_229 : vector<16xi32>
          %gather3A_231 = tpu.vector_load_idx %arg5[%iota3A, %add3A_230] : memref<16x256xf32, #tpu.memory_space<vmem>>[vector<16xi32>, vector<16xi32>], vector<16xf32>,
          %broadcast_in_dim3A_232 = vector.broadcast %mul3A_206 : i32 to vector<16xi32>
          %add3A_233 = arith.constant 5 : i32
          %add3A_234 = vector.broadcast %add3A_233 : i32 to vector<16xi32>
          %add3A_235 = arith.addi %broadcast_in_dim3A_232, %add3A_234 : vector<16xi32>
          %gather3A_236 = tpu.vector_load_idx %arg5[%iota3A, %add3A_235] : memref<16x256xf32, #tpu.memory_space<vmem>>[vector<16xi32>, vector<16xi32>], vector<16xf32>,
          %broadcast_in_dim3A_237 = vector.broadcast %mul3A_206 : i32 to vector<16xi32>
          %add3A_238 = arith.constant 6 : i32
          %add3A_239 = vector.broadcast %add3A_238 : i32 to vector<16xi32>
          %add3A_240 = arith.addi %broadcast_in_dim3A_237, %add3A_239 : vector<16xi32>
          %gather3A_241 = tpu.vector_load_idx %arg5[%iota3A, %add3A_240] : memref<16x256xf32, #tpu.memory_space<vmem>>[vector<16xi32>, vector<16xi32>], vector<16xf32>,
          %broadcast_in_dim3A_242 = vector.broadcast %mul3A_206 : i32 to vector<16xi32>
          %add3A_243 = arith.constant 7 : i32
          %add3A_244 = vector.broadcast %add3A_243 : i32 to vector<16xi32>
          %add3A_245 = arith.addi %broadcast_in_dim3A_242, %add3A_244 : vector<16xi32>
          %gather3A_246 = tpu.vector_load_idx %arg5[%iota3A, %add3A_245] : memref<16x256xf32, #tpu.memory_space<vmem>>[vector<16xi32>, vector<16xi32>], vector<16xf32>,
          %swap3A_247 = arith.index_cast %scan3A_204 : i32 to index
          %swap3A_248 = arith.constant 0 : index
          %swap3A_249 = tpu.vector_load %arg8[%swap3A_247, %swap3A_248] {strides = array<i32>} : memref<32x128xf32, #tpu.memory_space<vmem>>, vector<16xf32>,
          tpu.vector_store %arg8[%swap3A_247, %swap3A_248], %gather3A_211 {strides = array<i32>} : memref<32x128xf32, #tpu.memory_space<vmem>>, vector<16xf32>,
          %swap3A_250 = arith.index_cast %scan3A_204 : i32 to index
          %swap3A_251 = arith.constant 16 : index
          %swap3A_252 = tpu.vector_load %arg8[%swap3A_250, %swap3A_251] {strides = array<i32>} : memref<32x128xf32, #tpu.memory_space<vmem>>, vector<16xf32>,
          tpu.vector_store %arg8[%swap3A_250, %swap3A_251], %gather3A_216 {strides = array<i32>} : memref<32x128xf32, #tpu.memory_space<vmem>>, vector<16xf32>,
          %swap3A_253 = arith.index_cast %scan3A_204 : i32 to index
          %swap3A_254 = arith.constant 32 : index
          %swap3A_255 = tpu.vector_load %arg8[%swap3A_253, %swap3A_254] {strides = array<i32>} : memref<32x128xf32, #tpu.memory_space<vmem>>, vector<16xf32>,
          tpu.vector_store %arg8[%swap3A_253, %swap3A_254], %gather3A_221 {strides = array<i32>} : memref<32x128xf32, #tpu.memory_space<vmem>>, vector<16xf32>,
          %swap3A_256 = arith.index_cast %scan3A_204 : i32 to index
          %swap3A_257 = arith.constant 48 : index
          %swap3A_258 = tpu.vector_load %arg8[%swap3A_256, %swap3A_257] {strides = array<i32>} : memref<32x128xf32, #tpu.memory_space<vmem>>, vector<16xf32>,
          tpu.vector_store %arg8[%swap3A_256, %swap3A_257], %gather3A_226 {strides = array<i32>} : memref<32x128xf32, #tpu.memory_space<vmem>>, vector<16xf32>,
          %swap3A_259 = arith.index_cast %scan3A_204 : i32 to index
          %swap3A_260 = arith.constant 64 : index
          %swap3A_261 = tpu.vector_load %arg8[%swap3A_259, %swap3A_260] {strides = array<i32>} : memref<32x128xf32, #tpu.memory_space<vmem>>, vector<16xf32>,
          tpu.vector_store %arg8[%swap3A_259, %swap3A_260], %gather3A_231 {strides = array<i32>} : memref<32x128xf32, #tpu.memory_space<vmem>>, vector<16xf32>,
          %swap3A_262 = arith.index_cast %scan3A_204 : i32 to index
          %swap3A_263 = arith.constant 80 : index
          %swap3A_264 = tpu.vector_load %arg8[%swap3A_262, %swap3A_263] {strides = array<i32>} : memref<32x128xf32, #tpu.memory_space<vmem>>, vector<16xf32>,
          tpu.vector_store %arg8[%swap3A_262, %swap3A_263], %gather3A_236 {strides = array<i32>} : memref<32x128xf32, #tpu.memory_space<vmem>>, vector<16xf32>,
          %swap3A_265 = arith.index_cast %scan3A_204 : i32 to index
          %swap3A_266 = arith.constant 96 : index
          %swap3A_267 = tpu.vector_load %arg8[%swap3A_265, %swap3A_266] {strides = array<i32>} : memref<32x128xf32, #tpu.memory_space<vmem>>, vector<16xf32>,
          tpu.vector_store %arg8[%swap3A_265, %swap3A_266], %gather3A_241 {strides = array<i32>} : memref<32x128xf32, #tpu.memory_space<vmem>>, vector<16xf32>,
          %swap3A_268 = arith.index_cast %scan3A_204 : i32 to index
          %swap3A_269 = arith.constant 112 : index
          %swap3A_270 = tpu.vector_load %arg8[%swap3A_268, %swap3A_269] {strides = array<i32>} : memref<32x128xf32, #tpu.memory_space<vmem>>, vector<16xf32>,
          tpu.vector_store %arg8[%swap3A_268, %swap3A_269], %gather3A_246 {strides = array<i32>} : memref<32x128xf32, #tpu.memory_space<vmem>>, vector<16xf32>,
          %scan3A_271 = arith.constant 2 : i32
          %scan3A_272 = arith.addi %scan3A_139, %scan3A_271 : i32
          %mul3A_273 = arith.constant 8 : i32
          %mul3A_274 = arith.muli %mul3A_273, %scan3A_272 : i32
          %broadcast_in_dim3A_275 = vector.broadcast %mul3A_274 : i32 to vector<16xi32>
          %add3A_276 = arith.constant 0 : i32
          %add3A_277 = vector.broadcast %add3A_276 : i32 to vector<16xi32>
          %add3A_278 = arith.addi %broadcast_in_dim3A_275, %add3A_277 : vector<16xi32>
          %gather3A_279 = tpu.vector_load_idx %arg5[%iota3A, %add3A_278] : memref<16x256xf32, #tpu.memory_space<vmem>>[vector<16xi32>, vector<16xi32>], vector<16xf32>,
          %broadcast_in_dim3A_280 = vector.broadcast %mul3A_274 : i32 to vector<16xi32>
          %add3A_281 = arith.constant 1 : i32
          %add3A_282 = vector.broadcast %add3A_281 : i32 to vector<16xi32>
          %add3A_283 = arith.addi %broadcast_in_dim3A_280, %add3A_282 : vector<16xi32>
          %gather3A_284 = tpu.vector_load_idx %arg5[%iota3A, %add3A_283] : memref<16x256xf32, #tpu.memory_space<vmem>>[vector<16xi32>, vector<16xi32>], vector<16xf32>,
          %broadcast_in_dim3A_285 = vector.broadcast %mul3A_274 : i32 to vector<16xi32>
          %add3A_286 = arith.constant 2 : i32
          %add3A_287 = vector.broadcast %add3A_286 : i32 to vector<16xi32>
          %add3A_288 = arith.addi %broadcast_in_dim3A_285, %add3A_287 : vector<16xi32>
          %gather3A_289 = tpu.vector_load_idx %arg5[%iota3A, %add3A_288] : memref<16x256xf32, #tpu.memory_space<vmem>>[vector<16xi32>, vector<16xi32>], vector<16xf32>,
          %broadcast_in_dim3A_290 = vector.broadcast %mul3A_274 : i32 to vector<16xi32>
          %add3A_291 = arith.constant 3 : i32
          %add3A_292 = vector.broadcast %add3A_291 : i32 to vector<16xi32>
          %add3A_293 = arith.addi %broadcast_in_dim3A_290, %add3A_292 : vector<16xi32>
          %gather3A_294 = tpu.vector_load_idx %arg5[%iota3A, %add3A_293] : memref<16x256xf32, #tpu.memory_space<vmem>>[vector<16xi32>, vector<16xi32>], vector<16xf32>,
          %broadcast_in_dim3A_295 = vector.broadcast %mul3A_274 : i32 to vector<16xi32>
          %add3A_296 = arith.constant 4 : i32
          %add3A_297 = vector.broadcast %add3A_296 : i32 to vector<16xi32>
          %add3A_298 = arith.addi %broadcast_in_dim3A_295, %add3A_297 : vector<16xi32>
          %gather3A_299 = tpu.vector_load_idx %arg5[%iota3A, %add3A_298] : memref<16x256xf32, #tpu.memory_space<vmem>>[vector<16xi32>, vector<16xi32>], vector<16xf32>,
          %broadcast_in_dim3A_300 = vector.broadcast %mul3A_274 : i32 to vector<16xi32>
          %add3A_301 = arith.constant 5 : i32
          %add3A_302 = vector.broadcast %add3A_301 : i32 to vector<16xi32>
          %add3A_303 = arith.addi %broadcast_in_dim3A_300, %add3A_302 : vector<16xi32>
          %gather3A_304 = tpu.vector_load_idx %arg5[%iota3A, %add3A_303] : memref<16x256xf32, #tpu.memory_space<vmem>>[vector<16xi32>, vector<16xi32>], vector<16xf32>,
          %broadcast_in_dim3A_305 = vector.broadcast %mul3A_274 : i32 to vector<16xi32>
          %add3A_306 = arith.constant 6 : i32
          %add3A_307 = vector.broadcast %add3A_306 : i32 to vector<16xi32>
          %add3A_308 = arith.addi %broadcast_in_dim3A_305, %add3A_307 : vector<16xi32>
          %gather3A_309 = tpu.vector_load_idx %arg5[%iota3A, %add3A_308] : memref<16x256xf32, #tpu.memory_space<vmem>>[vector<16xi32>, vector<16xi32>], vector<16xf32>,
          %broadcast_in_dim3A_310 = vector.broadcast %mul3A_274 : i32 to vector<16xi32>
          %add3A_311 = arith.constant 7 : i32
          %add3A_312 = vector.broadcast %add3A_311 : i32 to vector<16xi32>
          %add3A_313 = arith.addi %broadcast_in_dim3A_310, %add3A_312 : vector<16xi32>
          %gather3A_314 = tpu.vector_load_idx %arg5[%iota3A, %add3A_313] : memref<16x256xf32, #tpu.memory_space<vmem>>[vector<16xi32>, vector<16xi32>], vector<16xf32>,
          %swap3A_315 = arith.index_cast %scan3A_272 : i32 to index
          %swap3A_316 = arith.constant 0 : index
          %swap3A_317 = tpu.vector_load %arg8[%swap3A_315, %swap3A_316] {strides = array<i32>} : memref<32x128xf32, #tpu.memory_space<vmem>>, vector<16xf32>,
          tpu.vector_store %arg8[%swap3A_315, %swap3A_316], %gather3A_279 {strides = array<i32>} : memref<32x128xf32, #tpu.memory_space<vmem>>, vector<16xf32>,
          %swap3A_318 = arith.index_cast %scan3A_272 : i32 to index
          %swap3A_319 = arith.constant 16 : index
          %swap3A_320 = tpu.vector_load %arg8[%swap3A_318, %swap3A_319] {strides = array<i32>} : memref<32x128xf32, #tpu.memory_space<vmem>>, vector<16xf32>,
          tpu.vector_store %arg8[%swap3A_318, %swap3A_319], %gather3A_284 {strides = array<i32>} : memref<32x128xf32, #tpu.memory_space<vmem>>, vector<16xf32>,
          %swap3A_321 = arith.index_cast %scan3A_272 : i32 to index
          %swap3A_322 = arith.constant 32 : index
          %swap3A_323 = tpu.vector_load %arg8[%swap3A_321, %swap3A_322] {strides = array<i32>} : memref<32x128xf32, #tpu.memory_space<vmem>>, vector<16xf32>,
          tpu.vector_store %arg8[%swap3A_321, %swap3A_322], %gather3A_289 {strides = array<i32>} : memref<32x128xf32, #tpu.memory_space<vmem>>, vector<16xf32>,
          %swap3A_324 = arith.index_cast %scan3A_272 : i32 to index
          %swap3A_325 = arith.constant 48 : index
          %swap3A_326 = tpu.vector_load %arg8[%swap3A_324, %swap3A_325] {strides = array<i32>} : memref<32x128xf32, #tpu.memory_space<vmem>>, vector<16xf32>,
          tpu.vector_store %arg8[%swap3A_324, %swap3A_325], %gather3A_294 {strides = array<i32>} : memref<32x128xf32, #tpu.memory_space<vmem>>, vector<16xf32>,
          %swap3A_327 = arith.index_cast %scan3A_272 : i32 to index
          %swap3A_328 = arith.constant 64 : index
          %swap3A_329 = tpu.vector_load %arg8[%swap3A_327, %swap3A_328] {strides = array<i32>} : memref<32x128xf32, #tpu.memory_space<vmem>>, vector<16xf32>,
          tpu.vector_store %arg8[%swap3A_327, %swap3A_328], %gather3A_299 {strides = array<i32>} : memref<32x128xf32, #tpu.memory_space<vmem>>, vector<16xf32>,
          %swap3A_330 = arith.index_cast %scan3A_272 : i32 to index
          %swap3A_331 = arith.constant 80 : index
          %swap3A_332 = tpu.vector_load %arg8[%swap3A_330, %swap3A_331] {strides = array<i32>} : memref<32x128xf32, #tpu.memory_space<vmem>>, vector<16xf32>,
          tpu.vector_store %arg8[%swap3A_330, %swap3A_331], %gather3A_304 {strides = array<i32>} : memref<32x128xf32, #tpu.memory_space<vmem>>, vector<16xf32>,
          %swap3A_333 = arith.index_cast %scan3A_272 : i32 to index
          %swap3A_334 = arith.constant 96 : index
          %swap3A_335 = tpu.vector_load %arg8[%swap3A_333, %swap3A_334] {strides = array<i32>} : memref<32x128xf32, #tpu.memory_space<vmem>>, vector<16xf32>,
          tpu.vector_store %arg8[%swap3A_333, %swap3A_334], %gather3A_309 {strides = array<i32>} : memref<32x128xf32, #tpu.memory_space<vmem>>, vector<16xf32>,
          %swap3A_336 = arith.index_cast %scan3A_272 : i32 to index
          %swap3A_337 = arith.constant 112 : index
          %swap3A_338 = tpu.vector_load %arg8[%swap3A_336, %swap3A_337] {strides = array<i32>} : memref<32x128xf32, #tpu.memory_space<vmem>>, vector<16xf32>,
          tpu.vector_store %arg8[%swap3A_336, %swap3A_337], %gather3A_314 {strides = array<i32>} : memref<32x128xf32, #tpu.memory_space<vmem>>, vector<16xf32>,
          %scan3A_339 = arith.constant 3 : i32
          %scan3A_340 = arith.addi %scan3A_139, %scan3A_339 : i32
          %mul3A_341 = arith.constant 8 : i32
          %mul3A_342 = arith.muli %mul3A_341, %scan3A_340 : i32
          %broadcast_in_dim3A_343 = vector.broadcast %mul3A_342 : i32 to vector<16xi32>
          %add3A_344 = arith.constant 0 : i32
          %add3A_345 = vector.broadcast %add3A_344 : i32 to vector<16xi32>
          %add3A_346 = arith.addi %broadcast_in_dim3A_343, %add3A_345 : vector<16xi32>
          %gather3A_347 = tpu.vector_load_idx %arg5[%iota3A, %add3A_346] : memref<16x256xf32, #tpu.memory_space<vmem>>[vector<16xi32>, vector<16xi32>], vector<16xf32>,
          %broadcast_in_dim3A_348 = vector.broadcast %mul3A_342 : i32 to vector<16xi32>
          %add3A_349 = arith.constant 1 : i32
          %add3A_350 = vector.broadcast %add3A_349 : i32 to vector<16xi32>
          %add3A_351 = arith.addi %broadcast_in_dim3A_348, %add3A_350 : vector<16xi32>
          %gather3A_352 = tpu.vector_load_idx %arg5[%iota3A, %add3A_351] : memref<16x256xf32, #tpu.memory_space<vmem>>[vector<16xi32>, vector<16xi32>], vector<16xf32>,
          %broadcast_in_dim3A_353 = vector.broadcast %mul3A_342 : i32 to vector<16xi32>
          %add3A_354 = arith.constant 2 : i32
          %add3A_355 = vector.broadcast %add3A_354 : i32 to vector<16xi32>
          %add3A_356 = arith.addi %broadcast_in_dim3A_353, %add3A_355 : vector<16xi32>
          %gather3A_357 = tpu.vector_load_idx %arg5[%iota3A, %add3A_356] : memref<16x256xf32, #tpu.memory_space<vmem>>[vector<16xi32>, vector<16xi32>], vector<16xf32>,
          %broadcast_in_dim3A_358 = vector.broadcast %mul3A_342 : i32 to vector<16xi32>
          %add3A_359 = arith.constant 3 : i32
          %add3A_360 = vector.broadcast %add3A_359 : i32 to vector<16xi32>
          %add3A_361 = arith.addi %broadcast_in_dim3A_358, %add3A_360 : vector<16xi32>
          %gather3A_362 = tpu.vector_load_idx %arg5[%iota3A, %add3A_361] : memref<16x256xf32, #tpu.memory_space<vmem>>[vector<16xi32>, vector<16xi32>], vector<16xf32>,
          %broadcast_in_dim3A_363 = vector.broadcast %mul3A_342 : i32 to vector<16xi32>
          %add3A_364 = arith.constant 4 : i32
          %add3A_365 = vector.broadcast %add3A_364 : i32 to vector<16xi32>
          %add3A_366 = arith.addi %broadcast_in_dim3A_363, %add3A_365 : vector<16xi32>
          %gather3A_367 = tpu.vector_load_idx %arg5[%iota3A, %add3A_366] : memref<16x256xf32, #tpu.memory_space<vmem>>[vector<16xi32>, vector<16xi32>], vector<16xf32>,
          %broadcast_in_dim3A_368 = vector.broadcast %mul3A_342 : i32 to vector<16xi32>
          %add3A_369 = arith.constant 5 : i32
          %add3A_370 = vector.broadcast %add3A_369 : i32 to vector<16xi32>
          %add3A_371 = arith.addi %broadcast_in_dim3A_368, %add3A_370 : vector<16xi32>
          %gather3A_372 = tpu.vector_load_idx %arg5[%iota3A, %add3A_371] : memref<16x256xf32, #tpu.memory_space<vmem>>[vector<16xi32>, vector<16xi32>], vector<16xf32>,
          %broadcast_in_dim3A_373 = vector.broadcast %mul3A_342 : i32 to vector<16xi32>
          %add3A_374 = arith.constant 6 : i32
          %add3A_375 = vector.broadcast %add3A_374 : i32 to vector<16xi32>
          %add3A_376 = arith.addi %broadcast_in_dim3A_373, %add3A_375 : vector<16xi32>
          %gather3A_377 = tpu.vector_load_idx %arg5[%iota3A, %add3A_376] : memref<16x256xf32, #tpu.memory_space<vmem>>[vector<16xi32>, vector<16xi32>], vector<16xf32>,
          %broadcast_in_dim3A_378 = vector.broadcast %mul3A_342 : i32 to vector<16xi32>
          %add3A_379 = arith.constant 7 : i32
          %add3A_380 = vector.broadcast %add3A_379 : i32 to vector<16xi32>
          %add3A_381 = arith.addi %broadcast_in_dim3A_378, %add3A_380 : vector<16xi32>
          %gather3A_382 = tpu.vector_load_idx %arg5[%iota3A, %add3A_381] : memref<16x256xf32, #tpu.memory_space<vmem>>[vector<16xi32>, vector<16xi32>], vector<16xf32>,
          %swap3A_383 = arith.index_cast %scan3A_340 : i32 to index
          %swap3A_384 = arith.constant 0 : index
          %swap3A_385 = tpu.vector_load %arg8[%swap3A_383, %swap3A_384] {strides = array<i32>} : memref<32x128xf32, #tpu.memory_space<vmem>>, vector<16xf32>,
          tpu.vector_store %arg8[%swap3A_383, %swap3A_384], %gather3A_347 {strides = array<i32>} : memref<32x128xf32, #tpu.memory_space<vmem>>, vector<16xf32>,
          %swap3A_386 = arith.index_cast %scan3A_340 : i32 to index
          %swap3A_387 = arith.constant 16 : index
          %swap3A_388 = tpu.vector_load %arg8[%swap3A_386, %swap3A_387] {strides = array<i32>} : memref<32x128xf32, #tpu.memory_space<vmem>>, vector<16xf32>,
          tpu.vector_store %arg8[%swap3A_386, %swap3A_387], %gather3A_352 {strides = array<i32>} : memref<32x128xf32, #tpu.memory_space<vmem>>, vector<16xf32>,
          %swap3A_389 = arith.index_cast %scan3A_340 : i32 to index
          %swap3A_390 = arith.constant 32 : index
          %swap3A_391 = tpu.vector_load %arg8[%swap3A_389, %swap3A_390] {strides = array<i32>} : memref<32x128xf32, #tpu.memory_space<vmem>>, vector<16xf32>,
          tpu.vector_store %arg8[%swap3A_389, %swap3A_390], %gather3A_357 {strides = array<i32>} : memref<32x128xf32, #tpu.memory_space<vmem>>, vector<16xf32>,
          %swap3A_392 = arith.index_cast %scan3A_340 : i32 to index
          %swap3A_393 = arith.constant 48 : index
          %swap3A_394 = tpu.vector_load %arg8[%swap3A_392, %swap3A_393] {strides = array<i32>} : memref<32x128xf32, #tpu.memory_space<vmem>>, vector<16xf32>,
          tpu.vector_store %arg8[%swap3A_392, %swap3A_393], %gather3A_362 {strides = array<i32>} : memref<32x128xf32, #tpu.memory_space<vmem>>, vector<16xf32>,
          %swap3A_395 = arith.index_cast %scan3A_340 : i32 to index
          %swap3A_396 = arith.constant 64 : index
          %swap3A_397 = tpu.vector_load %arg8[%swap3A_395, %swap3A_396] {strides = array<i32>} : memref<32x128xf32, #tpu.memory_space<vmem>>, vector<16xf32>,
          tpu.vector_store %arg8[%swap3A_395, %swap3A_396], %gather3A_367 {strides = array<i32>} : memref<32x128xf32, #tpu.memory_space<vmem>>, vector<16xf32>,
          %swap3A_398 = arith.index_cast %scan3A_340 : i32 to index
          %swap3A_399 = arith.constant 80 : index
          %swap3A_400 = tpu.vector_load %arg8[%swap3A_398, %swap3A_399] {strides = array<i32>} : memref<32x128xf32, #tpu.memory_space<vmem>>, vector<16xf32>,
          tpu.vector_store %arg8[%swap3A_398, %swap3A_399], %gather3A_372 {strides = array<i32>} : memref<32x128xf32, #tpu.memory_space<vmem>>, vector<16xf32>,
          %swap3A_401 = arith.index_cast %scan3A_340 : i32 to index
          %swap3A_402 = arith.constant 96 : index
          %swap3A_403 = tpu.vector_load %arg8[%swap3A_401, %swap3A_402] {strides = array<i32>} : memref<32x128xf32, #tpu.memory_space<vmem>>, vector<16xf32>,
          tpu.vector_store %arg8[%swap3A_401, %swap3A_402], %gather3A_377 {strides = array<i32>} : memref<32x128xf32, #tpu.memory_space<vmem>>, vector<16xf32>,
          %swap3A_404 = arith.index_cast %scan3A_340 : i32 to index
          %swap3A_405 = arith.constant 112 : index
          %swap3A_406 = tpu.vector_load %arg8[%swap3A_404, %swap3A_405] {strides = array<i32>} : memref<32x128xf32, #tpu.memory_space<vmem>>, vector<16xf32>,
          tpu.vector_store %arg8[%swap3A_404, %swap3A_405], %gather3A_382 {strides = array<i32>} : memref<32x128xf32, #tpu.memory_space<vmem>>, vector<16xf32>,
          %scan3A_407 = arith.constant 4 : i32
          %scan3A_408 = arith.addi %scan3A_139, %scan3A_407 : i32
          %mul3A_409 = arith.constant 8 : i32
          %mul3A_410 = arith.muli %mul3A_409, %scan3A_408 : i32
          %broadcast_in_dim3A_411 = vector.broadcast %mul3A_410 : i32 to vector<16xi32>
          %add3A_412 = arith.constant 0 : i32
          %add3A_413 = vector.broadcast %add3A_412 : i32 to vector<16xi32>
          %add3A_414 = arith.addi %broadcast_in_dim3A_411, %add3A_413 : vector<16xi32>
          %gather3A_415 = tpu.vector_load_idx %arg5[%iota3A, %add3A_414] : memref<16x256xf32, #tpu.memory_space<vmem>>[vector<16xi32>, vector<16xi32>], vector<16xf32>,
          %broadcast_in_dim3A_416 = vector.broadcast %mul3A_410 : i32 to vector<16xi32>
          %add3A_417 = arith.constant 1 : i32
          %add3A_418 = vector.broadcast %add3A_417 : i32 to vector<16xi32>
          %add3A_419 = arith.addi %broadcast_in_dim3A_416, %add3A_418 : vector<16xi32>
          %gather3A_420 = tpu.vector_load_idx %arg5[%iota3A, %add3A_419] : memref<16x256xf32, #tpu.memory_space<vmem>>[vector<16xi32>, vector<16xi32>], vector<16xf32>,
          %broadcast_in_dim3A_421 = vector.broadcast %mul3A_410 : i32 to vector<16xi32>
          %add3A_422 = arith.constant 2 : i32
          %add3A_423 = vector.broadcast %add3A_422 : i32 to vector<16xi32>
          %add3A_424 = arith.addi %broadcast_in_dim3A_421, %add3A_423 : vector<16xi32>
          %gather3A_425 = tpu.vector_load_idx %arg5[%iota3A, %add3A_424] : memref<16x256xf32, #tpu.memory_space<vmem>>[vector<16xi32>, vector<16xi32>], vector<16xf32>,
          %broadcast_in_dim3A_426 = vector.broadcast %mul3A_410 : i32 to vector<16xi32>
          %add3A_427 = arith.constant 3 : i32
          %add3A_428 = vector.broadcast %add3A_427 : i32 to vector<16xi32>
          %add3A_429 = arith.addi %broadcast_in_dim3A_426, %add3A_428 : vector<16xi32>
          %gather3A_430 = tpu.vector_load_idx %arg5[%iota3A, %add3A_429] : memref<16x256xf32, #tpu.memory_space<vmem>>[vector<16xi32>, vector<16xi32>], vector<16xf32>,
          %broadcast_in_dim3A_431 = vector.broadcast %mul3A_410 : i32 to vector<16xi32>
          %add3A_432 = arith.constant 4 : i32
          %add3A_433 = vector.broadcast %add3A_432 : i32 to vector<16xi32>
          %add3A_434 = arith.addi %broadcast_in_dim3A_431, %add3A_433 : vector<16xi32>
          %gather3A_435 = tpu.vector_load_idx %arg5[%iota3A, %add3A_434] : memref<16x256xf32, #tpu.memory_space<vmem>>[vector<16xi32>, vector<16xi32>], vector<16xf32>,
          %broadcast_in_dim3A_436 = vector.broadcast %mul3A_410 : i32 to vector<16xi32>
          %add3A_437 = arith.constant 5 : i32
          %add3A_438 = vector.broadcast %add3A_437 : i32 to vector<16xi32>
          %add3A_439 = arith.addi %broadcast_in_dim3A_436, %add3A_438 : vector<16xi32>
          %gather3A_440 = tpu.vector_load_idx %arg5[%iota3A, %add3A_439] : memref<16x256xf32, #tpu.memory_space<vmem>>[vector<16xi32>, vector<16xi32>], vector<16xf32>,
          %broadcast_in_dim3A_441 = vector.broadcast %mul3A_410 : i32 to vector<16xi32>
          %add3A_442 = arith.constant 6 : i32
          %add3A_443 = vector.broadcast %add3A_442 : i32 to vector<16xi32>
          %add3A_444 = arith.addi %broadcast_in_dim3A_441, %add3A_443 : vector<16xi32>
          %gather3A_445 = tpu.vector_load_idx %arg5[%iota3A, %add3A_444] : memref<16x256xf32, #tpu.memory_space<vmem>>[vector<16xi32>, vector<16xi32>], vector<16xf32>,
          %broadcast_in_dim3A_446 = vector.broadcast %mul3A_410 : i32 to vector<16xi32>
          %add3A_447 = arith.constant 7 : i32
          %add3A_448 = vector.broadcast %add3A_447 : i32 to vector<16xi32>
          %add3A_449 = arith.addi %broadcast_in_dim3A_446, %add3A_448 : vector<16xi32>
          %gather3A_450 = tpu.vector_load_idx %arg5[%iota3A, %add3A_449] : memref<16x256xf32, #tpu.memory_space<vmem>>[vector<16xi32>, vector<16xi32>], vector<16xf32>,
          %swap3A_451 = arith.index_cast %scan3A_408 : i32 to index
          %swap3A_452 = arith.constant 0 : index
          %swap3A_453 = tpu.vector_load %arg8[%swap3A_451, %swap3A_452] {strides = array<i32>} : memref<32x128xf32, #tpu.memory_space<vmem>>, vector<16xf32>,
          tpu.vector_store %arg8[%swap3A_451, %swap3A_452], %gather3A_415 {strides = array<i32>} : memref<32x128xf32, #tpu.memory_space<vmem>>, vector<16xf32>,
          %swap3A_454 = arith.index_cast %scan3A_408 : i32 to index
          %swap3A_455 = arith.constant 16 : index
          %swap3A_456 = tpu.vector_load %arg8[%swap3A_454, %swap3A_455] {strides = array<i32>} : memref<32x128xf32, #tpu.memory_space<vmem>>, vector<16xf32>,
          tpu.vector_store %arg8[%swap3A_454, %swap3A_455], %gather3A_420 {strides = array<i32>} : memref<32x128xf32, #tpu.memory_space<vmem>>, vector<16xf32>,
          %swap3A_457 = arith.index_cast %scan3A_408 : i32 to index
          %swap3A_458 = arith.constant 32 : index
          %swap3A_459 = tpu.vector_load %arg8[%swap3A_457, %swap3A_458] {strides = array<i32>} : memref<32x128xf32, #tpu.memory_space<vmem>>, vector<16xf32>,
          tpu.vector_store %arg8[%swap3A_457, %swap3A_458], %gather3A_425 {strides = array<i32>} : memref<32x128xf32, #tpu.memory_space<vmem>>, vector<16xf32>,
          %swap3A_460 = arith.index_cast %scan3A_408 : i32 to index
          %swap3A_461 = arith.constant 48 : index
          %swap3A_462 = tpu.vector_load %arg8[%swap3A_460, %swap3A_461] {strides = array<i32>} : memref<32x128xf32, #tpu.memory_space<vmem>>, vector<16xf32>,
          tpu.vector_store %arg8[%swap3A_460, %swap3A_461], %gather3A_430 {strides = array<i32>} : memref<32x128xf32, #tpu.memory_space<vmem>>, vector<16xf32>,
          %swap3A_463 = arith.index_cast %scan3A_408 : i32 to index
          %swap3A_464 = arith.constant 64 : index
          %swap3A_465 = tpu.vector_load %arg8[%swap3A_463, %swap3A_464] {strides = array<i32>} : memref<32x128xf32, #tpu.memory_space<vmem>>, vector<16xf32>,
          tpu.vector_store %arg8[%swap3A_463, %swap3A_464], %gather3A_435 {strides = array<i32>} : memref<32x128xf32, #tpu.memory_space<vmem>>, vector<16xf32>,
          %swap3A_466 = arith.index_cast %scan3A_408 : i32 to index
          %swap3A_467 = arith.constant 80 : index
          %swap3A_468 = tpu.vector_load %arg8[%swap3A_466, %swap3A_467] {strides = array<i32>} : memref<32x128xf32, #tpu.memory_space<vmem>>, vector<16xf32>,
          tpu.vector_store %arg8[%swap3A_466, %swap3A_467], %gather3A_440 {strides = array<i32>} : memref<32x128xf32, #tpu.memory_space<vmem>>, vector<16xf32>,
          %swap3A_469 = arith.index_cast %scan3A_408 : i32 to index
          %swap3A_470 = arith.constant 96 : index
          %swap3A_471 = tpu.vector_load %arg8[%swap3A_469, %swap3A_470] {strides = array<i32>} : memref<32x128xf32, #tpu.memory_space<vmem>>, vector<16xf32>,
          tpu.vector_store %arg8[%swap3A_469, %swap3A_470], %gather3A_445 {strides = array<i32>} : memref<32x128xf32, #tpu.memory_space<vmem>>, vector<16xf32>,
          %swap3A_472 = arith.index_cast %scan3A_408 : i32 to index
          %swap3A_473 = arith.constant 112 : index
          %swap3A_474 = tpu.vector_load %arg8[%swap3A_472, %swap3A_473] {strides = array<i32>} : memref<32x128xf32, #tpu.memory_space<vmem>>, vector<16xf32>,
          tpu.vector_store %arg8[%swap3A_472, %swap3A_473], %gather3A_450 {strides = array<i32>} : memref<32x128xf32, #tpu.memory_space<vmem>>, vector<16xf32>,
          %scan3A_475 = arith.constant 5 : i32
          %scan3A_476 = arith.addi %scan3A_139, %scan3A_475 : i32
          %mul3A_477 = arith.constant 8 : i32
          %mul3A_478 = arith.muli %mul3A_477, %scan3A_476 : i32
          %broadcast_in_dim3A_479 = vector.broadcast %mul3A_478 : i32 to vector<16xi32>
          %add3A_480 = arith.constant 0 : i32
          %add3A_481 = vector.broadcast %add3A_480 : i32 to vector<16xi32>
          %add3A_482 = arith.addi %broadcast_in_dim3A_479, %add3A_481 : vector<16xi32>
          %gather3A_483 = tpu.vector_load_idx %arg5[%iota3A, %add3A_482] : memref<16x256xf32, #tpu.memory_space<vmem>>[vector<16xi32>, vector<16xi32>], vector<16xf32>,
          %broadcast_in_dim3A_484 = vector.broadcast %mul3A_478 : i32 to vector<16xi32>
          %add3A_485 = arith.constant 1 : i32
          %add3A_486 = vector.broadcast %add3A_485 : i32 to vector<16xi32>
          %add3A_487 = arith.addi %broadcast_in_dim3A_484, %add3A_486 : vector<16xi32>
          %gather3A_488 = tpu.vector_load_idx %arg5[%iota3A, %add3A_487] : memref<16x256xf32, #tpu.memory_space<vmem>>[vector<16xi32>, vector<16xi32>], vector<16xf32>,
          %broadcast_in_dim3A_489 = vector.broadcast %mul3A_478 : i32 to vector<16xi32>
          %add3A_490 = arith.constant 2 : i32
          %add3A_491 = vector.broadcast %add3A_490 : i32 to vector<16xi32>
          %add3A_492 = arith.addi %broadcast_in_dim3A_489, %add3A_491 : vector<16xi32>
          %gather3A_493 = tpu.vector_load_idx %arg5[%iota3A, %add3A_492] : memref<16x256xf32, #tpu.memory_space<vmem>>[vector<16xi32>, vector<16xi32>], vector<16xf32>,
          %broadcast_in_dim3A_494 = vector.broadcast %mul3A_478 : i32 to vector<16xi32>
          %add3A_495 = arith.constant 3 : i32
          %add3A_496 = vector.broadcast %add3A_495 : i32 to vector<16xi32>
          %add3A_497 = arith.addi %broadcast_in_dim3A_494, %add3A_496 : vector<16xi32>
          %gather3A_498 = tpu.vector_load_idx %arg5[%iota3A, %add3A_497] : memref<16x256xf32, #tpu.memory_space<vmem>>[vector<16xi32>, vector<16xi32>], vector<16xf32>,
          %broadcast_in_dim3A_499 = vector.broadcast %mul3A_478 : i32 to vector<16xi32>
          %add3A_500 = arith.constant 4 : i32
          %add3A_501 = vector.broadcast %add3A_500 : i32 to vector<16xi32>
          %add3A_502 = arith.addi %broadcast_in_dim3A_499, %add3A_501 : vector<16xi32>
          %gather3A_503 = tpu.vector_load_idx %arg5[%iota3A, %add3A_502] : memref<16x256xf32, #tpu.memory_space<vmem>>[vector<16xi32>, vector<16xi32>], vector<16xf32>,
          %broadcast_in_dim3A_504 = vector.broadcast %mul3A_478 : i32 to vector<16xi32>
          %add3A_505 = arith.constant 5 : i32
          %add3A_506 = vector.broadcast %add3A_505 : i32 to vector<16xi32>
          %add3A_507 = arith.addi %broadcast_in_dim3A_504, %add3A_506 : vector<16xi32>
          %gather3A_508 = tpu.vector_load_idx %arg5[%iota3A, %add3A_507] : memref<16x256xf32, #tpu.memory_space<vmem>>[vector<16xi32>, vector<16xi32>], vector<16xf32>,
          %broadcast_in_dim3A_509 = vector.broadcast %mul3A_478 : i32 to vector<16xi32>
          %add3A_510 = arith.constant 6 : i32
          %add3A_511 = vector.broadcast %add3A_510 : i32 to vector<16xi32>
          %add3A_512 = arith.addi %broadcast_in_dim3A_509, %add3A_511 : vector<16xi32>
          %gather3A_513 = tpu.vector_load_idx %arg5[%iota3A, %add3A_512] : memref<16x256xf32, #tpu.memory_space<vmem>>[vector<16xi32>, vector<16xi32>], vector<16xf32>,
          %broadcast_in_dim3A_514 = vector.broadcast %mul3A_478 : i32 to vector<16xi32>
          %add3A_515 = arith.constant 7 : i32
          %add3A_516 = vector.broadcast %add3A_515 : i32 to vector<16xi32>
          %add3A_517 = arith.addi %broadcast_in_dim3A_514, %add3A_516 : vector<16xi32>
          %gather3A_518 = tpu.vector_load_idx %arg5[%iota3A, %add3A_517] : memref<16x256xf32, #tpu.memory_space<vmem>>[vector<16xi32>, vector<16xi32>], vector<16xf32>,
          %swap3A_519 = arith.index_cast %scan3A_476 : i32 to index
          %swap3A_520 = arith.constant 0 : index
          %swap3A_521 = tpu.vector_load %arg8[%swap3A_519, %swap3A_520] {strides = array<i32>} : memref<32x128xf32, #tpu.memory_space<vmem>>, vector<16xf32>,
          tpu.vector_store %arg8[%swap3A_519, %swap3A_520], %gather3A_483 {strides = array<i32>} : memref<32x128xf32, #tpu.memory_space<vmem>>, vector<16xf32>,
          %swap3A_522 = arith.index_cast %scan3A_476 : i32 to index
          %swap3A_523 = arith.constant 16 : index
          %swap3A_524 = tpu.vector_load %arg8[%swap3A_522, %swap3A_523] {strides = array<i32>} : memref<32x128xf32, #tpu.memory_space<vmem>>, vector<16xf32>,
          tpu.vector_store %arg8[%swap3A_522, %swap3A_523], %gather3A_488 {strides = array<i32>} : memref<32x128xf32, #tpu.memory_space<vmem>>, vector<16xf32>,
          %swap3A_525 = arith.index_cast %scan3A_476 : i32 to index
          %swap3A_526 = arith.constant 32 : index
          %swap3A_527 = tpu.vector_load %arg8[%swap3A_525, %swap3A_526] {strides = array<i32>} : memref<32x128xf32, #tpu.memory_space<vmem>>, vector<16xf32>,
          tpu.vector_store %arg8[%swap3A_525, %swap3A_526], %gather3A_493 {strides = array<i32>} : memref<32x128xf32, #tpu.memory_space<vmem>>, vector<16xf32>,
          %swap3A_528 = arith.index_cast %scan3A_476 : i32 to index
          %swap3A_529 = arith.constant 48 : index
          %swap3A_530 = tpu.vector_load %arg8[%swap3A_528, %swap3A_529] {strides = array<i32>} : memref<32x128xf32, #tpu.memory_space<vmem>>, vector<16xf32>,
          tpu.vector_store %arg8[%swap3A_528, %swap3A_529], %gather3A_498 {strides = array<i32>} : memref<32x128xf32, #tpu.memory_space<vmem>>, vector<16xf32>,
          %swap3A_531 = arith.index_cast %scan3A_476 : i32 to index
          %swap3A_532 = arith.constant 64 : index
          %swap3A_533 = tpu.vector_load %arg8[%swap3A_531, %swap3A_532] {strides = array<i32>} : memref<32x128xf32, #tpu.memory_space<vmem>>, vector<16xf32>,
          tpu.vector_store %arg8[%swap3A_531, %swap3A_532], %gather3A_503 {strides = array<i32>} : memref<32x128xf32, #tpu.memory_space<vmem>>, vector<16xf32>,
          %swap3A_534 = arith.index_cast %scan3A_476 : i32 to index
          %swap3A_535 = arith.constant 80 : index
          %swap3A_536 = tpu.vector_load %arg8[%swap3A_534, %swap3A_535] {strides = array<i32>} : memref<32x128xf32, #tpu.memory_space<vmem>>, vector<16xf32>,
          tpu.vector_store %arg8[%swap3A_534, %swap3A_535], %gather3A_508 {strides = array<i32>} : memref<32x128xf32, #tpu.memory_space<vmem>>, vector<16xf32>,
          %swap3A_537 = arith.index_cast %scan3A_476 : i32 to index
          %swap3A_538 = arith.constant 96 : index
          %swap3A_539 = tpu.vector_load %arg8[%swap3A_537, %swap3A_538] {strides = array<i32>} : memref<32x128xf32, #tpu.memory_space<vmem>>, vector<16xf32>,
          tpu.vector_store %arg8[%swap3A_537, %swap3A_538], %gather3A_513 {strides = array<i32>} : memref<32x128xf32, #tpu.memory_space<vmem>>, vector<16xf32>,
          %swap3A_540 = arith.index_cast %scan3A_476 : i32 to index
          %swap3A_541 = arith.constant 112 : index
          %swap3A_542 = tpu.vector_load %arg8[%swap3A_540, %swap3A_541] {strides = array<i32>} : memref<32x128xf32, #tpu.memory_space<vmem>>, vector<16xf32>,
          tpu.vector_store %arg8[%swap3A_540, %swap3A_541], %gather3A_518 {strides = array<i32>} : memref<32x128xf32, #tpu.memory_space<vmem>>, vector<16xf32>,
          %scan3A_543 = arith.constant 6 : i32
          %scan3A_544 = arith.addi %scan3A_139, %scan3A_543 : i32
          %mul3A_545 = arith.constant 8 : i32
          %mul3A_546 = arith.muli %mul3A_545, %scan3A_544 : i32
          %broadcast_in_dim3A_547 = vector.broadcast %mul3A_546 : i32 to vector<16xi32>
          %add3A_548 = arith.constant 0 : i32
          %add3A_549 = vector.broadcast %add3A_548 : i32 to vector<16xi32>
          %add3A_550 = arith.addi %broadcast_in_dim3A_547, %add3A_549 : vector<16xi32>
          %gather3A_551 = tpu.vector_load_idx %arg5[%iota3A, %add3A_550] : memref<16x256xf32, #tpu.memory_space<vmem>>[vector<16xi32>, vector<16xi32>], vector<16xf32>,
          %broadcast_in_dim3A_552 = vector.broadcast %mul3A_546 : i32 to vector<16xi32>
          %add3A_553 = arith.constant 1 : i32
          %add3A_554 = vector.broadcast %add3A_553 : i32 to vector<16xi32>
          %add3A_555 = arith.addi %broadcast_in_dim3A_552, %add3A_554 : vector<16xi32>
          %gather3A_556 = tpu.vector_load_idx %arg5[%iota3A, %add3A_555] : memref<16x256xf32, #tpu.memory_space<vmem>>[vector<16xi32>, vector<16xi32>], vector<16xf32>,
          %broadcast_in_dim3A_557 = vector.broadcast %mul3A_546 : i32 to vector<16xi32>
          %add3A_558 = arith.constant 2 : i32
          %add3A_559 = vector.broadcast %add3A_558 : i32 to vector<16xi32>
          %add3A_560 = arith.addi %broadcast_in_dim3A_557, %add3A_559 : vector<16xi32>
          %gather3A_561 = tpu.vector_load_idx %arg5[%iota3A, %add3A_560] : memref<16x256xf32, #tpu.memory_space<vmem>>[vector<16xi32>, vector<16xi32>], vector<16xf32>,
          %broadcast_in_dim3A_562 = vector.broadcast %mul3A_546 : i32 to vector<16xi32>
          %add3A_563 = arith.constant 3 : i32
          %add3A_564 = vector.broadcast %add3A_563 : i32 to vector<16xi32>
          %add3A_565 = arith.addi %broadcast_in_dim3A_562, %add3A_564 : vector<16xi32>
          %gather3A_566 = tpu.vector_load_idx %arg5[%iota3A, %add3A_565] : memref<16x256xf32, #tpu.memory_space<vmem>>[vector<16xi32>, vector<16xi32>], vector<16xf32>,
          %broadcast_in_dim3A_567 = vector.broadcast %mul3A_546 : i32 to vector<16xi32>
          %add3A_568 = arith.constant 4 : i32
          %add3A_569 = vector.broadcast %add3A_568 : i32 to vector<16xi32>
          %add3A_570 = arith.addi %broadcast_in_dim3A_567, %add3A_569 : vector<16xi32>
          %gather3A_571 = tpu.vector_load_idx %arg5[%iota3A, %add3A_570] : memref<16x256xf32, #tpu.memory_space<vmem>>[vector<16xi32>, vector<16xi32>], vector<16xf32>,
          %broadcast_in_dim3A_572 = vector.broadcast %mul3A_546 : i32 to vector<16xi32>
          %add3A_573 = arith.constant 5 : i32
          %add3A_574 = vector.broadcast %add3A_573 : i32 to vector<16xi32>
          %add3A_575 = arith.addi %broadcast_in_dim3A_572, %add3A_574 : vector<16xi32>
          %gather3A_576 = tpu.vector_load_idx %arg5[%iota3A, %add3A_575] : memref<16x256xf32, #tpu.memory_space<vmem>>[vector<16xi32>, vector<16xi32>], vector<16xf32>,
          %broadcast_in_dim3A_577 = vector.broadcast %mul3A_546 : i32 to vector<16xi32>
          %add3A_578 = arith.constant 6 : i32
          %add3A_579 = vector.broadcast %add3A_578 : i32 to vector<16xi32>
          %add3A_580 = arith.addi %broadcast_in_dim3A_577, %add3A_579 : vector<16xi32>
          %gather3A_581 = tpu.vector_load_idx %arg5[%iota3A, %add3A_580] : memref<16x256xf32, #tpu.memory_space<vmem>>[vector<16xi32>, vector<16xi32>], vector<16xf32>,
          %broadcast_in_dim3A_582 = vector.broadcast %mul3A_546 : i32 to vector<16xi32>
          %add3A_583 = arith.constant 7 : i32
          %add3A_584 = vector.broadcast %add3A_583 : i32 to vector<16xi32>
          %add3A_585 = arith.addi %broadcast_in_dim3A_582, %add3A_584 : vector<16xi32>
          %gather3A_586 = tpu.vector_load_idx %arg5[%iota3A, %add3A_585] : memref<16x256xf32, #tpu.memory_space<vmem>>[vector<16xi32>, vector<16xi32>], vector<16xf32>,
          %swap3A_587 = arith.index_cast %scan3A_544 : i32 to index
          %swap3A_588 = arith.constant 0 : index
          %swap3A_589 = tpu.vector_load %arg8[%swap3A_587, %swap3A_588] {strides = array<i32>} : memref<32x128xf32, #tpu.memory_space<vmem>>, vector<16xf32>,
          tpu.vector_store %arg8[%swap3A_587, %swap3A_588], %gather3A_551 {strides = array<i32>} : memref<32x128xf32, #tpu.memory_space<vmem>>, vector<16xf32>,
          %swap3A_590 = arith.index_cast %scan3A_544 : i32 to index
          %swap3A_591 = arith.constant 16 : index
          %swap3A_592 = tpu.vector_load %arg8[%swap3A_590, %swap3A_591] {strides = array<i32>} : memref<32x128xf32, #tpu.memory_space<vmem>>, vector<16xf32>,
          tpu.vector_store %arg8[%swap3A_590, %swap3A_591], %gather3A_556 {strides = array<i32>} : memref<32x128xf32, #tpu.memory_space<vmem>>, vector<16xf32>,
          %swap3A_593 = arith.index_cast %scan3A_544 : i32 to index
          %swap3A_594 = arith.constant 32 : index
          %swap3A_595 = tpu.vector_load %arg8[%swap3A_593, %swap3A_594] {strides = array<i32>} : memref<32x128xf32, #tpu.memory_space<vmem>>, vector<16xf32>,
          tpu.vector_store %arg8[%swap3A_593, %swap3A_594], %gather3A_561 {strides = array<i32>} : memref<32x128xf32, #tpu.memory_space<vmem>>, vector<16xf32>,
          %swap3A_596 = arith.index_cast %scan3A_544 : i32 to index
          %swap3A_597 = arith.constant 48 : index
          %swap3A_598 = tpu.vector_load %arg8[%swap3A_596, %swap3A_597] {strides = array<i32>} : memref<32x128xf32, #tpu.memory_space<vmem>>, vector<16xf32>,
          tpu.vector_store %arg8[%swap3A_596, %swap3A_597], %gather3A_566 {strides = array<i32>} : memref<32x128xf32, #tpu.memory_space<vmem>>, vector<16xf32>,
          %swap3A_599 = arith.index_cast %scan3A_544 : i32 to index
          %swap3A_600 = arith.constant 64 : index
          %swap3A_601 = tpu.vector_load %arg8[%swap3A_599, %swap3A_600] {strides = array<i32>} : memref<32x128xf32, #tpu.memory_space<vmem>>, vector<16xf32>,
          tpu.vector_store %arg8[%swap3A_599, %swap3A_600], %gather3A_571 {strides = array<i32>} : memref<32x128xf32, #tpu.memory_space<vmem>>, vector<16xf32>,
          %swap3A_602 = arith.index_cast %scan3A_544 : i32 to index
          %swap3A_603 = arith.constant 80 : index
          %swap3A_604 = tpu.vector_load %arg8[%swap3A_602, %swap3A_603] {strides = array<i32>} : memref<32x128xf32, #tpu.memory_space<vmem>>, vector<16xf32>,
          tpu.vector_store %arg8[%swap3A_602, %swap3A_603], %gather3A_576 {strides = array<i32>} : memref<32x128xf32, #tpu.memory_space<vmem>>, vector<16xf32>,
          %swap3A_605 = arith.index_cast %scan3A_544 : i32 to index
          %swap3A_606 = arith.constant 96 : index
          %swap3A_607 = tpu.vector_load %arg8[%swap3A_605, %swap3A_606] {strides = array<i32>} : memref<32x128xf32, #tpu.memory_space<vmem>>, vector<16xf32>,
          tpu.vector_store %arg8[%swap3A_605, %swap3A_606], %gather3A_581 {strides = array<i32>} : memref<32x128xf32, #tpu.memory_space<vmem>>, vector<16xf32>,
          %swap3A_608 = arith.index_cast %scan3A_544 : i32 to index
          %swap3A_609 = arith.constant 112 : index
          %swap3A_610 = tpu.vector_load %arg8[%swap3A_608, %swap3A_609] {strides = array<i32>} : memref<32x128xf32, #tpu.memory_space<vmem>>, vector<16xf32>,
          tpu.vector_store %arg8[%swap3A_608, %swap3A_609], %gather3A_586 {strides = array<i32>} : memref<32x128xf32, #tpu.memory_space<vmem>>, vector<16xf32>,
          %scan3A_611 = arith.constant 7 : i32
          %scan3A_612 = arith.addi %scan3A_139, %scan3A_611 : i32
          %mul3A_613 = arith.constant 8 : i32
          %mul3A_614 = arith.muli %mul3A_613, %scan3A_612 : i32
          %broadcast_in_dim3A_615 = vector.broadcast %mul3A_614 : i32 to vector<16xi32>
          %add3A_616 = arith.constant 0 : i32
          %add3A_617 = vector.broadcast %add3A_616 : i32 to vector<16xi32>
          %add3A_618 = arith.addi %broadcast_in_dim3A_615, %add3A_617 : vector<16xi32>
          %gather3A_619 = tpu.vector_load_idx %arg5[%iota3A, %add3A_618] : memref<16x256xf32, #tpu.memory_space<vmem>>[vector<16xi32>, vector<16xi32>], vector<16xf32>,
          %broadcast_in_dim3A_620 = vector.broadcast %mul3A_614 : i32 to vector<16xi32>
          %add3A_621 = arith.constant 1 : i32
          %add3A_622 = vector.broadcast %add3A_621 : i32 to vector<16xi32>
          %add3A_623 = arith.addi %broadcast_in_dim3A_620, %add3A_622 : vector<16xi32>
          %gather3A_624 = tpu.vector_load_idx %arg5[%iota3A, %add3A_623] : memref<16x256xf32, #tpu.memory_space<vmem>>[vector<16xi32>, vector<16xi32>], vector<16xf32>,
          %broadcast_in_dim3A_625 = vector.broadcast %mul3A_614 : i32 to vector<16xi32>
          %add3A_626 = arith.constant 2 : i32
          %add3A_627 = vector.broadcast %add3A_626 : i32 to vector<16xi32>
          %add3A_628 = arith.addi %broadcast_in_dim3A_625, %add3A_627 : vector<16xi32>
          %gather3A_629 = tpu.vector_load_idx %arg5[%iota3A, %add3A_628] : memref<16x256xf32, #tpu.memory_space<vmem>>[vector<16xi32>, vector<16xi32>], vector<16xf32>,
          %broadcast_in_dim3A_630 = vector.broadcast %mul3A_614 : i32 to vector<16xi32>
          %add3A_631 = arith.constant 3 : i32
          %add3A_632 = vector.broadcast %add3A_631 : i32 to vector<16xi32>
          %add3A_633 = arith.addi %broadcast_in_dim3A_630, %add3A_632 : vector<16xi32>
          %gather3A_634 = tpu.vector_load_idx %arg5[%iota3A, %add3A_633] : memref<16x256xf32, #tpu.memory_space<vmem>>[vector<16xi32>, vector<16xi32>], vector<16xf32>,
          %broadcast_in_dim3A_635 = vector.broadcast %mul3A_614 : i32 to vector<16xi32>
          %add3A_636 = arith.constant 4 : i32
          %add3A_637 = vector.broadcast %add3A_636 : i32 to vector<16xi32>
          %add3A_638 = arith.addi %broadcast_in_dim3A_635, %add3A_637 : vector<16xi32>
          %gather3A_639 = tpu.vector_load_idx %arg5[%iota3A, %add3A_638] : memref<16x256xf32, #tpu.memory_space<vmem>>[vector<16xi32>, vector<16xi32>], vector<16xf32>,
          %broadcast_in_dim3A_640 = vector.broadcast %mul3A_614 : i32 to vector<16xi32>
          %add3A_641 = arith.constant 5 : i32
          %add3A_642 = vector.broadcast %add3A_641 : i32 to vector<16xi32>
          %add3A_643 = arith.addi %broadcast_in_dim3A_640, %add3A_642 : vector<16xi32>
          %gather3A_644 = tpu.vector_load_idx %arg5[%iota3A, %add3A_643] : memref<16x256xf32, #tpu.memory_space<vmem>>[vector<16xi32>, vector<16xi32>], vector<16xf32>,
          %broadcast_in_dim3A_645 = vector.broadcast %mul3A_614 : i32 to vector<16xi32>
          %add3A_646 = arith.constant 6 : i32
          %add3A_647 = vector.broadcast %add3A_646 : i32 to vector<16xi32>
          %add3A_648 = arith.addi %broadcast_in_dim3A_645, %add3A_647 : vector<16xi32>
          %gather3A_649 = tpu.vector_load_idx %arg5[%iota3A, %add3A_648] : memref<16x256xf32, #tpu.memory_space<vmem>>[vector<16xi32>, vector<16xi32>], vector<16xf32>,
          %broadcast_in_dim3A_650 = vector.broadcast %mul3A_614 : i32 to vector<16xi32>
          %add3A_651 = arith.constant 7 : i32
          %add3A_652 = vector.broadcast %add3A_651 : i32 to vector<16xi32>
          %add3A_653 = arith.addi %broadcast_in_dim3A_650, %add3A_652 : vector<16xi32>
          %gather3A_654 = tpu.vector_load_idx %arg5[%iota3A, %add3A_653] : memref<16x256xf32, #tpu.memory_space<vmem>>[vector<16xi32>, vector<16xi32>], vector<16xf32>,
          %swap3A_655 = arith.index_cast %scan3A_612 : i32 to index
          %swap3A_656 = arith.constant 0 : index
          %swap3A_657 = tpu.vector_load %arg8[%swap3A_655, %swap3A_656] {strides = array<i32>} : memref<32x128xf32, #tpu.memory_space<vmem>>, vector<16xf32>,
          tpu.vector_store %arg8[%swap3A_655, %swap3A_656], %gather3A_619 {strides = array<i32>} : memref<32x128xf32, #tpu.memory_space<vmem>>, vector<16xf32>,
          %swap3A_658 = arith.index_cast %scan3A_612 : i32 to index
          %swap3A_659 = arith.constant 16 : index
          %swap3A_660 = tpu.vector_load %arg8[%swap3A_658, %swap3A_659] {strides = array<i32>} : memref<32x128xf32, #tpu.memory_space<vmem>>, vector<16xf32>,
          tpu.vector_store %arg8[%swap3A_658, %swap3A_659], %gather3A_624 {strides = array<i32>} : memref<32x128xf32, #tpu.memory_space<vmem>>, vector<16xf32>,
          %swap3A_661 = arith.index_cast %scan3A_612 : i32 to index
          %swap3A_662 = arith.constant 32 : index
          %swap3A_663 = tpu.vector_load %arg8[%swap3A_661, %swap3A_662] {strides = array<i32>} : memref<32x128xf32, #tpu.memory_space<vmem>>, vector<16xf32>,
          tpu.vector_store %arg8[%swap3A_661, %swap3A_662], %gather3A_629 {strides = array<i32>} : memref<32x128xf32, #tpu.memory_space<vmem>>, vector<16xf32>,
          %swap3A_664 = arith.index_cast %scan3A_612 : i32 to index
          %swap3A_665 = arith.constant 48 : index
          %swap3A_666 = tpu.vector_load %arg8[%swap3A_664, %swap3A_665] {strides = array<i32>} : memref<32x128xf32, #tpu.memory_space<vmem>>, vector<16xf32>,
          tpu.vector_store %arg8[%swap3A_664, %swap3A_665], %gather3A_634 {strides = array<i32>} : memref<32x128xf32, #tpu.memory_space<vmem>>, vector<16xf32>,
          %swap3A_667 = arith.index_cast %scan3A_612 : i32 to index
          %swap3A_668 = arith.constant 64 : index
          %swap3A_669 = tpu.vector_load %arg8[%swap3A_667, %swap3A_668] {strides = array<i32>} : memref<32x128xf32, #tpu.memory_space<vmem>>, vector<16xf32>,
          tpu.vector_store %arg8[%swap3A_667, %swap3A_668], %gather3A_639 {strides = array<i32>} : memref<32x128xf32, #tpu.memory_space<vmem>>, vector<16xf32>,
          %swap3A_670 = arith.index_cast %scan3A_612 : i32 to index
          %swap3A_671 = arith.constant 80 : index
          %swap3A_672 = tpu.vector_load %arg8[%swap3A_670, %swap3A_671] {strides = array<i32>} : memref<32x128xf32, #tpu.memory_space<vmem>>, vector<16xf32>,
          tpu.vector_store %arg8[%swap3A_670, %swap3A_671], %gather3A_644 {strides = array<i32>} : memref<32x128xf32, #tpu.memory_space<vmem>>, vector<16xf32>,
          %swap3A_673 = arith.index_cast %scan3A_612 : i32 to index
          %swap3A_674 = arith.constant 96 : index
          %swap3A_675 = tpu.vector_load %arg8[%swap3A_673, %swap3A_674] {strides = array<i32>} : memref<32x128xf32, #tpu.memory_space<vmem>>, vector<16xf32>,
          tpu.vector_store %arg8[%swap3A_673, %swap3A_674], %gather3A_649 {strides = array<i32>} : memref<32x128xf32, #tpu.memory_space<vmem>>, vector<16xf32>,
          %swap3A_676 = arith.index_cast %scan3A_612 : i32 to index
          %swap3A_677 = arith.constant 112 : index
          %swap3A_678 = tpu.vector_load %arg8[%swap3A_676, %swap3A_677] {strides = array<i32>} : memref<32x128xf32, #tpu.memory_space<vmem>>, vector<16xf32>,
          tpu.vector_store %arg8[%swap3A_676, %swap3A_677], %gather3A_654 {strides = array<i32>} : memref<32x128xf32, #tpu.memory_space<vmem>>, vector<16xf32>,
        }
        %scan3A_133 = arith.constant 32 : i32
        %mul3A_134 = arith.constant 32 : i32
        %mul3A_135 = arith.muli %add3A_73, %mul3A_134 : i32
        %dma_start3A = arith.constant 0 : i32
        %dma_start3A_136 = tpu.memref_slice %arg4[%mul3A_135, %dma_start3A] : memref<325000x128xf32, #tpu.memory_space<hbm>> -> memref<32x128xf32, #tpu.memory_space<hbm>>
        %dma_start3A_137 = arith.constant 0 : i32
        %dma_start3A_138 = tpu.memref_slice %arg4[%mul3A_135, %dma_start3A_137] : memref<325000x128xf32, #tpu.memory_space<hbm>> -> memref<32x128xf32, #tpu.memory_space<hbm>>
        tpu.enqueue_dma source(%arg8 : memref<32x128xf32, #tpu.memory_space<vmem>>) target(%dma_start3A_138 : memref<32x128xf32, #tpu.memory_space<hbm>>) target_semaphore(%arg12 : memref<!tpu.dma_semaphore, #tpu.memory_space<semaphore_mem>>)
      } else {
      }
      %add3A_79 = arith.constant 2 : i32
      %add3A_80 = arith.addi %mul3A_35, %add3A_79 : i32
      %mul3A_81 = arith.constant 32 : i32
      %mul3A_82 = arith.muli %mul3A_81, %add3A_80 : i32
      %add3A_83 = arith.addi %add3A, %mul3A_82 : i32
      %lt3A_84 = arith.constant 318 : i32
      %lt3A_85 = arith.cmpi slt, %add3A_80, %lt3A_84 : i32
      %lt3A_86 = arith.constant 10156 : i32
      %lt3A_87 = arith.cmpi slt, %add3A_83, %lt3A_86 : i32
      %and3A_88 = arith.andi %lt3A_85, %lt3A_87 : i1
      %convert_element_type3A_89 = arith.extui %and3A_88 : i1 to i32
      %cond3A_90 = arith.constant 0 : i32
      %cond3A_91 = arith.cmpi ne, %convert_element_type3A_89, %cond3A_90 : i32
      scf.if %cond3A_91 {
        %mul3A_128 = arith.constant 256 : i32
        %mul3A_129 = arith.muli %add3A_83, %mul3A_128 : i32
        %dma_start3A = arith.constant 0 : i32
        %dma_start3A_130 = tpu.memref_slice %arg2[%dma_start3A, %mul3A_129] : memref<16x2600000xf32, #tpu.memory_space<hbm>> -> memref<16x256xf32, #tpu.memory_space<hbm>>
        %dma_start3A_131 = arith.constant 0 : i32
        %dma_start3A_132 = tpu.memref_slice %arg2[%dma_start3A_131, %mul3A_129] : memref<16x2600000xf32, #tpu.memory_space<hbm>> -> memref<16x256xf32, #tpu.memory_space<hbm>>
        tpu.enqueue_dma source(%dma_start3A_132 : memref<16x256xf32, #tpu.memory_space<hbm>>) target(%arg5 : memref<16x256xf32, #tpu.memory_space<vmem>>) target_semaphore(%arg10 : memref<!tpu.dma_semaphore, #tpu.memory_space<semaphore_mem>>)
      } else {
      }
      %add3A_92 = arith.constant 1 : i32
      %add3A_93 = arith.addi %mul3A_35, %add3A_92 : i32
      %mul3A_94 = arith.constant 32 : i32
      %mul3A_95 = arith.muli %mul3A_94, %add3A_93 : i32
      %add3A_96 = arith.addi %add3A, %mul3A_95 : i32
      %lt3A_97 = arith.constant 318 : i32
      %lt3A_98 = arith.cmpi slt, %add3A_93, %lt3A_97 : i32
      %lt3A_99 = arith.constant 10156 : i32
      %lt3A_100 = arith.cmpi slt, %add3A_96, %lt3A_99 : i32
      %and3A_101 = arith.andi %lt3A_98, %lt3A_100 : i1
      %convert_element_type3A_102 = arith.extui %and3A_101 : i1 to i32
      %cond3A_103 = arith.constant 0 : i32
      %cond3A_104 = arith.cmpi ne, %convert_element_type3A_102, %cond3A_103 : i32
      scf.if %cond3A_104 {
        %mul3A_128 = arith.constant 256 : i32
        %mul3A_129 = arith.muli %add3A_96, %mul3A_128 : i32
        %dma_wait3A = arith.constant 0 : i32
        %dma_wait3A_130 = tpu.memref_slice %arg2[%dma_wait3A, %mul3A_129] : memref<16x2600000xf32, #tpu.memory_space<hbm>> -> memref<16x256xf32, #tpu.memory_space<hbm>>
        %dma_wait3A_131 = arith.constant 0 : i32
        %dma_wait3A_132 = tpu.memref_slice %arg2[%dma_wait3A_131, %mul3A_129] : memref<16x2600000xf32, #tpu.memory_space<hbm>> -> memref<16x256xf32, #tpu.memory_space<hbm>>
        tpu.wait_dma2 semaphore(%arg11 : memref<!tpu.dma_semaphore, #tpu.memory_space<semaphore_mem>>) src(%dma_wait3A_132 : memref<16x256xf32, #tpu.memory_space<hbm>>) dst(%arg6 : memref<16x256xf32, #tpu.memory_space<vmem>>)
      } else {
      }
      %sub3A_105 = arith.constant 1 : i32
      %sub3A_106 = arith.subi %mul3A_35, %sub3A_105 : i32
      %mul3A_107 = arith.constant 32 : i32
      %mul3A_108 = arith.muli %mul3A_107, %sub3A_106 : i32
      %add3A_109 = arith.addi %add3A, %mul3A_108 : i32
      %ge3A_110 = arith.constant 0 : i32
      %ge3A_111 = arith.cmpi sge, %sub3A_106, %ge3A_110 : i32
      %lt3A_112 = arith.constant 10156 : i32
      %lt3A_113 = arith.cmpi slt, %add3A_109, %lt3A_112 : i32
      %and3A_114 = arith.andi %ge3A_111, %lt3A_113 : i1
      %convert_element_type3A_115 = arith.extui %and3A_114 : i1 to i32
      %cond3A_116 = arith.constant 0 : i32
      %cond3A_117 = arith.cmpi ne, %convert_element_type3A_115, %cond3A_116 : i32
      scf.if %cond3A_117 {
        %mul3A_128 = arith.constant 32 : i32
        %mul3A_129 = arith.muli %add3A_109, %mul3A_128 : i32
        %dma_wait3A = arith.constant 0 : i32
        %dma_wait3A_130 = tpu.memref_slice %arg4[%mul3A_129, %dma_wait3A] : memref<325000x128xf32, #tpu.memory_space<hbm>> -> memref<32x128xf32, #tpu.memory_space<hbm>>
        %dma_wait3A_131 = arith.constant 0 : i32
        %dma_wait3A_132 = tpu.memref_slice %arg4[%mul3A_129, %dma_wait3A_131] : memref<325000x128xf32, #tpu.memory_space<hbm>> -> memref<32x128xf32, #tpu.memory_space<hbm>>
        tpu.wait_dma2 semaphore(%arg13 : memref<!tpu.dma_semaphore, #tpu.memory_space<semaphore_mem>>) src(%arg9 : memref<32x128xf32, #tpu.memory_space<vmem>>) dst(%dma_wait3A_132 : memref<32x128xf32, #tpu.memory_space<hbm>>)
      } else {
      }
      %add3A_118 = arith.constant 1 : i32
      %add3A_119 = arith.addi %mul3A_35, %add3A_118 : i32
      %mul3A_120 = arith.constant 32 : i32
      %mul3A_121 = arith.muli %mul3A_120, %add3A_119 : i32
      %add3A_122 = arith.addi %add3A, %mul3A_121 : i32
      %lt3A_123 = arith.constant 10156 : i32
      %lt3A_124 = arith.cmpi slt, %add3A_122, %lt3A_123 : i32
      %convert_element_type3A_125 = arith.extui %lt3A_124 : i1 to i32
      %cond3A_126 = arith.constant 0 : i32
      %cond3A_127 = arith.cmpi ne, %convert_element_type3A_125, %cond3A_126 : i32
      scf.if %cond3A_127 {
        %scan3A_128 = arith.constant 0 : i32
        %scan3A_129 = arith.constant 0 : i32
        %scan3A_130 = arith.constant 32 : i32
        %scan3A_131 = arith.addi %scan3A_129, %scan3A_130 : i32
        %scan3A_132 = arith.constant 8 : i32
        scf.for %scan3A_139 = %scan3A_129 to %scan3A_131 step %scan3A_132  : i32 {
          %mul3A_140 = arith.constant 8 : i32
          %mul3A_141 = arith.muli %mul3A_140, %scan3A_139 : i32
          %broadcast_in_dim3A = vector.broadcast %mul3A_141 : i32 to vector<16xi32>
          %add3A_142 = arith.constant 0 : i32
          %add3A_143 = vector.broadcast %add3A_142 : i32 to vector<16xi32>
          %add3A_144 = arith.addi %broadcast_in_dim3A, %add3A_143 : vector<16xi32>
          %gather3A = tpu.vector_load_idx %arg6[%iota3A, %add3A_144] : memref<16x256xf32, #tpu.memory_space<vmem>>[vector<16xi32>, vector<16xi32>], vector<16xf32>,
          %broadcast_in_dim3A_145 = vector.broadcast %mul3A_141 : i32 to vector<16xi32>
          %add3A_146 = arith.constant 1 : i32
          %add3A_147 = vector.broadcast %add3A_146 : i32 to vector<16xi32>
          %add3A_148 = arith.addi %broadcast_in_dim3A_145, %add3A_147 : vector<16xi32>
          %gather3A_149 = tpu.vector_load_idx %arg6[%iota3A, %add3A_148] : memref<16x256xf32, #tpu.memory_space<vmem>>[vector<16xi32>, vector<16xi32>], vector<16xf32>,
          %broadcast_in_dim3A_150 = vector.broadcast %mul3A_141 : i32 to vector<16xi32>
          %add3A_151 = arith.constant 2 : i32
          %add3A_152 = vector.broadcast %add3A_151 : i32 to vector<16xi32>
          %add3A_153 = arith.addi %broadcast_in_dim3A_150, %add3A_152 : vector<16xi32>
          %gather3A_154 = tpu.vector_load_idx %arg6[%iota3A, %add3A_153] : memref<16x256xf32, #tpu.memory_space<vmem>>[vector<16xi32>, vector<16xi32>], vector<16xf32>,
          %broadcast_in_dim3A_155 = vector.broadcast %mul3A_141 : i32 to vector<16xi32>
          %add3A_156 = arith.constant 3 : i32
          %add3A_157 = vector.broadcast %add3A_156 : i32 to vector<16xi32>
          %add3A_158 = arith.addi %broadcast_in_dim3A_155, %add3A_157 : vector<16xi32>
          %gather3A_159 = tpu.vector_load_idx %arg6[%iota3A, %add3A_158] : memref<16x256xf32, #tpu.memory_space<vmem>>[vector<16xi32>, vector<16xi32>], vector<16xf32>,
          %broadcast_in_dim3A_160 = vector.broadcast %mul3A_141 : i32 to vector<16xi32>
          %add3A_161 = arith.constant 4 : i32
          %add3A_162 = vector.broadcast %add3A_161 : i32 to vector<16xi32>
          %add3A_163 = arith.addi %broadcast_in_dim3A_160, %add3A_162 : vector<16xi32>
          %gather3A_164 = tpu.vector_load_idx %arg6[%iota3A, %add3A_163] : memref<16x256xf32, #tpu.memory_space<vmem>>[vector<16xi32>, vector<16xi32>], vector<16xf32>,
          %broadcast_in_dim3A_165 = vector.broadcast %mul3A_141 : i32 to vector<16xi32>
          %add3A_166 = arith.constant 5 : i32
          %add3A_167 = vector.broadcast %add3A_166 : i32 to vector<16xi32>
          %add3A_168 = arith.addi %broadcast_in_dim3A_165, %add3A_167 : vector<16xi32>
          %gather3A_169 = tpu.vector_load_idx %arg6[%iota3A, %add3A_168] : memref<16x256xf32, #tpu.memory_space<vmem>>[vector<16xi32>, vector<16xi32>], vector<16xf32>,
          %broadcast_in_dim3A_170 = vector.broadcast %mul3A_141 : i32 to vector<16xi32>
          %add3A_171 = arith.constant 6 : i32
          %add3A_172 = vector.broadcast %add3A_171 : i32 to vector<16xi32>
          %add3A_173 = arith.addi %broadcast_in_dim3A_170, %add3A_172 : vector<16xi32>
          %gather3A_174 = tpu.vector_load_idx %arg6[%iota3A, %add3A_173] : memref<16x256xf32, #tpu.memory_space<vmem>>[vector<16xi32>, vector<16xi32>], vector<16xf32>,
          %broadcast_in_dim3A_175 = vector.broadcast %mul3A_141 : i32 to vector<16xi32>
          %add3A_176 = arith.constant 7 : i32
          %add3A_177 = vector.broadcast %add3A_176 : i32 to vector<16xi32>
          %add3A_178 = arith.addi %broadcast_in_dim3A_175, %add3A_177 : vector<16xi32>
          %gather3A_179 = tpu.vector_load_idx %arg6[%iota3A, %add3A_178] : memref<16x256xf32, #tpu.memory_space<vmem>>[vector<16xi32>, vector<16xi32>], vector<16xf32>,
          %swap3A = arith.index_cast %scan3A_139 : i32 to index
          %swap3A_180 = arith.constant 0 : index
          %swap3A_181 = tpu.vector_load %arg9[%swap3A, %swap3A_180] {strides = array<i32>} : memref<32x128xf32, #tpu.memory_space<vmem>>, vector<16xf32>,
          tpu.vector_store %arg9[%swap3A, %swap3A_180], %gather3A {strides = array<i32>} : memref<32x128xf32, #tpu.memory_space<vmem>>, vector<16xf32>,
          %swap3A_182 = arith.index_cast %scan3A_139 : i32 to index
          %swap3A_183 = arith.constant 16 : index
          %swap3A_184 = tpu.vector_load %arg9[%swap3A_182, %swap3A_183] {strides = array<i32>} : memref<32x128xf32, #tpu.memory_space<vmem>>, vector<16xf32>,
          tpu.vector_store %arg9[%swap3A_182, %swap3A_183], %gather3A_149 {strides = array<i32>} : memref<32x128xf32, #tpu.memory_space<vmem>>, vector<16xf32>,
          %swap3A_185 = arith.index_cast %scan3A_139 : i32 to index
          %swap3A_186 = arith.constant 32 : index
          %swap3A_187 = tpu.vector_load %arg9[%swap3A_185, %swap3A_186] {strides = array<i32>} : memref<32x128xf32, #tpu.memory_space<vmem>>, vector<16xf32>,
          tpu.vector_store %arg9[%swap3A_185, %swap3A_186], %gather3A_154 {strides = array<i32>} : memref<32x128xf32, #tpu.memory_space<vmem>>, vector<16xf32>,
          %swap3A_188 = arith.index_cast %scan3A_139 : i32 to index
          %swap3A_189 = arith.constant 48 : index
          %swap3A_190 = tpu.vector_load %arg9[%swap3A_188, %swap3A_189] {strides = array<i32>} : memref<32x128xf32, #tpu.memory_space<vmem>>, vector<16xf32>,
          tpu.vector_store %arg9[%swap3A_188, %swap3A_189], %gather3A_159 {strides = array<i32>} : memref<32x128xf32, #tpu.memory_space<vmem>>, vector<16xf32>,
          %swap3A_191 = arith.index_cast %scan3A_139 : i32 to index
          %swap3A_192 = arith.constant 64 : index
          %swap3A_193 = tpu.vector_load %arg9[%swap3A_191, %swap3A_192] {strides = array<i32>} : memref<32x128xf32, #tpu.memory_space<vmem>>, vector<16xf32>,
          tpu.vector_store %arg9[%swap3A_191, %swap3A_192], %gather3A_164 {strides = array<i32>} : memref<32x128xf32, #tpu.memory_space<vmem>>, vector<16xf32>,
          %swap3A_194 = arith.index_cast %scan3A_139 : i32 to index
          %swap3A_195 = arith.constant 80 : index
          %swap3A_196 = tpu.vector_load %arg9[%swap3A_194, %swap3A_195] {strides = array<i32>} : memref<32x128xf32, #tpu.memory_space<vmem>>, vector<16xf32>,
          tpu.vector_store %arg9[%swap3A_194, %swap3A_195], %gather3A_169 {strides = array<i32>} : memref<32x128xf32, #tpu.memory_space<vmem>>, vector<16xf32>,
          %swap3A_197 = arith.index_cast %scan3A_139 : i32 to index
          %swap3A_198 = arith.constant 96 : index
          %swap3A_199 = tpu.vector_load %arg9[%swap3A_197, %swap3A_198] {strides = array<i32>} : memref<32x128xf32, #tpu.memory_space<vmem>>, vector<16xf32>,
          tpu.vector_store %arg9[%swap3A_197, %swap3A_198], %gather3A_174 {strides = array<i32>} : memref<32x128xf32, #tpu.memory_space<vmem>>, vector<16xf32>,
          %swap3A_200 = arith.index_cast %scan3A_139 : i32 to index
          %swap3A_201 = arith.constant 112 : index
          %swap3A_202 = tpu.vector_load %arg9[%swap3A_200, %swap3A_201] {strides = array<i32>} : memref<32x128xf32, #tpu.memory_space<vmem>>, vector<16xf32>,
          tpu.vector_store %arg9[%swap3A_200, %swap3A_201], %gather3A_179 {strides = array<i32>} : memref<32x128xf32, #tpu.memory_space<vmem>>, vector<16xf32>,
          %scan3A_203 = arith.constant 1 : i32
          %scan3A_204 = arith.addi %scan3A_139, %scan3A_203 : i32
          %mul3A_205 = arith.constant 8 : i32
          %mul3A_206 = arith.muli %mul3A_205, %scan3A_204 : i32
          %broadcast_in_dim3A_207 = vector.broadcast %mul3A_206 : i32 to vector<16xi32>
          %add3A_208 = arith.constant 0 : i32
          %add3A_209 = vector.broadcast %add3A_208 : i32 to vector<16xi32>
          %add3A_210 = arith.addi %broadcast_in_dim3A_207, %add3A_209 : vector<16xi32>
          %gather3A_211 = tpu.vector_load_idx %arg6[%iota3A, %add3A_210] : memref<16x256xf32, #tpu.memory_space<vmem>>[vector<16xi32>, vector<16xi32>], vector<16xf32>,
          %broadcast_in_dim3A_212 = vector.broadcast %mul3A_206 : i32 to vector<16xi32>
          %add3A_213 = arith.constant 1 : i32
          %add3A_214 = vector.broadcast %add3A_213 : i32 to vector<16xi32>
          %add3A_215 = arith.addi %broadcast_in_dim3A_212, %add3A_214 : vector<16xi32>
          %gather3A_216 = tpu.vector_load_idx %arg6[%iota3A, %add3A_215] : memref<16x256xf32, #tpu.memory_space<vmem>>[vector<16xi32>, vector<16xi32>], vector<16xf32>,
          %broadcast_in_dim3A_217 = vector.broadcast %mul3A_206 : i32 to vector<16xi32>
          %add3A_218 = arith.constant 2 : i32
          %add3A_219 = vector.broadcast %add3A_218 : i32 to vector<16xi32>
          %add3A_220 = arith.addi %broadcast_in_dim3A_217, %add3A_219 : vector<16xi32>
          %gather3A_221 = tpu.vector_load_idx %arg6[%iota3A, %add3A_220] : memref<16x256xf32, #tpu.memory_space<vmem>>[vector<16xi32>, vector<16xi32>], vector<16xf32>,
          %broadcast_in_dim3A_222 = vector.broadcast %mul3A_206 : i32 to vector<16xi32>
          %add3A_223 = arith.constant 3 : i32
          %add3A_224 = vector.broadcast %add3A_223 : i32 to vector<16xi32>
          %add3A_225 = arith.addi %broadcast_in_dim3A_222, %add3A_224 : vector<16xi32>
          %gather3A_226 = tpu.vector_load_idx %arg6[%iota3A, %add3A_225] : memref<16x256xf32, #tpu.memory_space<vmem>>[vector<16xi32>, vector<16xi32>], vector<16xf32>,
          %broadcast_in_dim3A_227 = vector.broadcast %mul3A_206 : i32 to vector<16xi32>
          %add3A_228 = arith.constant 4 : i32
          %add3A_229 = vector.broadcast %add3A_228 : i32 to vector<16xi32>
          %add3A_230 = arith.addi %broadcast_in_dim3A_227, %add3A_229 : vector<16xi32>
          %gather3A_231 = tpu.vector_load_idx %arg6[%iota3A, %add3A_230] : memref<16x256xf32, #tpu.memory_space<vmem>>[vector<16xi32>, vector<16xi32>], vector<16xf32>,
          %broadcast_in_dim3A_232 = vector.broadcast %mul3A_206 : i32 to vector<16xi32>
          %add3A_233 = arith.constant 5 : i32
          %add3A_234 = vector.broadcast %add3A_233 : i32 to vector<16xi32>
          %add3A_235 = arith.addi %broadcast_in_dim3A_232, %add3A_234 : vector<16xi32>
          %gather3A_236 = tpu.vector_load_idx %arg6[%iota3A, %add3A_235] : memref<16x256xf32, #tpu.memory_space<vmem>>[vector<16xi32>, vector<16xi32>], vector<16xf32>,
          %broadcast_in_dim3A_237 = vector.broadcast %mul3A_206 : i32 to vector<16xi32>
          %add3A_238 = arith.constant 6 : i32
          %add3A_239 = vector.broadcast %add3A_238 : i32 to vector<16xi32>
          %add3A_240 = arith.addi %broadcast_in_dim3A_237, %add3A_239 : vector<16xi32>
          %gather3A_241 = tpu.vector_load_idx %arg6[%iota3A, %add3A_240] : memref<16x256xf32, #tpu.memory_space<vmem>>[vector<16xi32>, vector<16xi32>], vector<16xf32>,
          %broadcast_in_dim3A_242 = vector.broadcast %mul3A_206 : i32 to vector<16xi32>
          %add3A_243 = arith.constant 7 : i32
          %add3A_244 = vector.broadcast %add3A_243 : i32 to vector<16xi32>
          %add3A_245 = arith.addi %broadcast_in_dim3A_242, %add3A_244 : vector<16xi32>
          %gather3A_246 = tpu.vector_load_idx %arg6[%iota3A, %add3A_245] : memref<16x256xf32, #tpu.memory_space<vmem>>[vector<16xi32>, vector<16xi32>], vector<16xf32>,
          %swap3A_247 = arith.index_cast %scan3A_204 : i32 to index
          %swap3A_248 = arith.constant 0 : index
          %swap3A_249 = tpu.vector_load %arg9[%swap3A_247, %swap3A_248] {strides = array<i32>} : memref<32x128xf32, #tpu.memory_space<vmem>>, vector<16xf32>,
          tpu.vector_store %arg9[%swap3A_247, %swap3A_248], %gather3A_211 {strides = array<i32>} : memref<32x128xf32, #tpu.memory_space<vmem>>, vector<16xf32>,
          %swap3A_250 = arith.index_cast %scan3A_204 : i32 to index
          %swap3A_251 = arith.constant 16 : index
          %swap3A_252 = tpu.vector_load %arg9[%swap3A_250, %swap3A_251] {strides = array<i32>} : memref<32x128xf32, #tpu.memory_space<vmem>>, vector<16xf32>,
          tpu.vector_store %arg9[%swap3A_250, %swap3A_251], %gather3A_216 {strides = array<i32>} : memref<32x128xf32, #tpu.memory_space<vmem>>, vector<16xf32>,
          %swap3A_253 = arith.index_cast %scan3A_204 : i32 to index
          %swap3A_254 = arith.constant 32 : index
          %swap3A_255 = tpu.vector_load %arg9[%swap3A_253, %swap3A_254] {strides = array<i32>} : memref<32x128xf32, #tpu.memory_space<vmem>>, vector<16xf32>,
          tpu.vector_store %arg9[%swap3A_253, %swap3A_254], %gather3A_221 {strides = array<i32>} : memref<32x128xf32, #tpu.memory_space<vmem>>, vector<16xf32>,
          %swap3A_256 = arith.index_cast %scan3A_204 : i32 to index
          %swap3A_257 = arith.constant 48 : index
          %swap3A_258 = tpu.vector_load %arg9[%swap3A_256, %swap3A_257] {strides = array<i32>} : memref<32x128xf32, #tpu.memory_space<vmem>>, vector<16xf32>,
          tpu.vector_store %arg9[%swap3A_256, %swap3A_257], %gather3A_226 {strides = array<i32>} : memref<32x128xf32, #tpu.memory_space<vmem>>, vector<16xf32>,
          %swap3A_259 = arith.index_cast %scan3A_204 : i32 to index
          %swap3A_260 = arith.constant 64 : index
          %swap3A_261 = tpu.vector_load %arg9[%swap3A_259, %swap3A_260] {strides = array<i32>} : memref<32x128xf32, #tpu.memory_space<vmem>>, vector<16xf32>,
          tpu.vector_store %arg9[%swap3A_259, %swap3A_260], %gather3A_231 {strides = array<i32>} : memref<32x128xf32, #tpu.memory_space<vmem>>, vector<16xf32>,
          %swap3A_262 = arith.index_cast %scan3A_204 : i32 to index
          %swap3A_263 = arith.constant 80 : index
          %swap3A_264 = tpu.vector_load %arg9[%swap3A_262, %swap3A_263] {strides = array<i32>} : memref<32x128xf32, #tpu.memory_space<vmem>>, vector<16xf32>,
          tpu.vector_store %arg9[%swap3A_262, %swap3A_263], %gather3A_236 {strides = array<i32>} : memref<32x128xf32, #tpu.memory_space<vmem>>, vector<16xf32>,
          %swap3A_265 = arith.index_cast %scan3A_204 : i32 to index
          %swap3A_266 = arith.constant 96 : index
          %swap3A_267 = tpu.vector_load %arg9[%swap3A_265, %swap3A_266] {strides = array<i32>} : memref<32x128xf32, #tpu.memory_space<vmem>>, vector<16xf32>,
          tpu.vector_store %arg9[%swap3A_265, %swap3A_266], %gather3A_241 {strides = array<i32>} : memref<32x128xf32, #tpu.memory_space<vmem>>, vector<16xf32>,
          %swap3A_268 = arith.index_cast %scan3A_204 : i32 to index
          %swap3A_269 = arith.constant 112 : index
          %swap3A_270 = tpu.vector_load %arg9[%swap3A_268, %swap3A_269] {strides = array<i32>} : memref<32x128xf32, #tpu.memory_space<vmem>>, vector<16xf32>,
          tpu.vector_store %arg9[%swap3A_268, %swap3A_269], %gather3A_246 {strides = array<i32>} : memref<32x128xf32, #tpu.memory_space<vmem>>, vector<16xf32>,
          %scan3A_271 = arith.constant 2 : i32
          %scan3A_272 = arith.addi %scan3A_139, %scan3A_271 : i32
          %mul3A_273 = arith.constant 8 : i32
          %mul3A_274 = arith.muli %mul3A_273, %scan3A_272 : i32
          %broadcast_in_dim3A_275 = vector.broadcast %mul3A_274 : i32 to vector<16xi32>
          %add3A_276 = arith.constant 0 : i32
          %add3A_277 = vector.broadcast %add3A_276 : i32 to vector<16xi32>
          %add3A_278 = arith.addi %broadcast_in_dim3A_275, %add3A_277 : vector<16xi32>
          %gather3A_279 = tpu.vector_load_idx %arg6[%iota3A, %add3A_278] : memref<16x256xf32, #tpu.memory_space<vmem>>[vector<16xi32>, vector<16xi32>], vector<16xf32>,
          %broadcast_in_dim3A_280 = vector.broadcast %mul3A_274 : i32 to vector<16xi32>
          %add3A_281 = arith.constant 1 : i32
          %add3A_282 = vector.broadcast %add3A_281 : i32 to vector<16xi32>
          %add3A_283 = arith.addi %broadcast_in_dim3A_280, %add3A_282 : vector<16xi32>
          %gather3A_284 = tpu.vector_load_idx %arg6[%iota3A, %add3A_283] : memref<16x256xf32, #tpu.memory_space<vmem>>[vector<16xi32>, vector<16xi32>], vector<16xf32>,
          %broadcast_in_dim3A_285 = vector.broadcast %mul3A_274 : i32 to vector<16xi32>
          %add3A_286 = arith.constant 2 : i32
          %add3A_287 = vector.broadcast %add3A_286 : i32 to vector<16xi32>
          %add3A_288 = arith.addi %broadcast_in_dim3A_285, %add3A_287 : vector<16xi32>
          %gather3A_289 = tpu.vector_load_idx %arg6[%iota3A, %add3A_288] : memref<16x256xf32, #tpu.memory_space<vmem>>[vector<16xi32>, vector<16xi32>], vector<16xf32>,
          %broadcast_in_dim3A_290 = vector.broadcast %mul3A_274 : i32 to vector<16xi32>
          %add3A_291 = arith.constant 3 : i32
          %add3A_292 = vector.broadcast %add3A_291 : i32 to vector<16xi32>
          %add3A_293 = arith.addi %broadcast_in_dim3A_290, %add3A_292 : vector<16xi32>
          %gather3A_294 = tpu.vector_load_idx %arg6[%iota3A, %add3A_293] : memref<16x256xf32, #tpu.memory_space<vmem>>[vector<16xi32>, vector<16xi32>], vector<16xf32>,
          %broadcast_in_dim3A_295 = vector.broadcast %mul3A_274 : i32 to vector<16xi32>
          %add3A_296 = arith.constant 4 : i32
          %add3A_297 = vector.broadcast %add3A_296 : i32 to vector<16xi32>
          %add3A_298 = arith.addi %broadcast_in_dim3A_295, %add3A_297 : vector<16xi32>
          %gather3A_299 = tpu.vector_load_idx %arg6[%iota3A, %add3A_298] : memref<16x256xf32, #tpu.memory_space<vmem>>[vector<16xi32>, vector<16xi32>], vector<16xf32>,
          %broadcast_in_dim3A_300 = vector.broadcast %mul3A_274 : i32 to vector<16xi32>
          %add3A_301 = arith.constant 5 : i32
          %add3A_302 = vector.broadcast %add3A_301 : i32 to vector<16xi32>
          %add3A_303 = arith.addi %broadcast_in_dim3A_300, %add3A_302 : vector<16xi32>
          %gather3A_304 = tpu.vector_load_idx %arg6[%iota3A, %add3A_303] : memref<16x256xf32, #tpu.memory_space<vmem>>[vector<16xi32>, vector<16xi32>], vector<16xf32>,
          %broadcast_in_dim3A_305 = vector.broadcast %mul3A_274 : i32 to vector<16xi32>
          %add3A_306 = arith.constant 6 : i32
          %add3A_307 = vector.broadcast %add3A_306 : i32 to vector<16xi32>
          %add3A_308 = arith.addi %broadcast_in_dim3A_305, %add3A_307 : vector<16xi32>
          %gather3A_309 = tpu.vector_load_idx %arg6[%iota3A, %add3A_308] : memref<16x256xf32, #tpu.memory_space<vmem>>[vector<16xi32>, vector<16xi32>], vector<16xf32>,
          %broadcast_in_dim3A_310 = vector.broadcast %mul3A_274 : i32 to vector<16xi32>
          %add3A_311 = arith.constant 7 : i32
          %add3A_312 = vector.broadcast %add3A_311 : i32 to vector<16xi32>
          %add3A_313 = arith.addi %broadcast_in_dim3A_310, %add3A_312 : vector<16xi32>
          %gather3A_314 = tpu.vector_load_idx %arg6[%iota3A, %add3A_313] : memref<16x256xf32, #tpu.memory_space<vmem>>[vector<16xi32>, vector<16xi32>], vector<16xf32>,
          %swap3A_315 = arith.index_cast %scan3A_272 : i32 to index
          %swap3A_316 = arith.constant 0 : index
          %swap3A_317 = tpu.vector_load %arg9[%swap3A_315, %swap3A_316] {strides = array<i32>} : memref<32x128xf32, #tpu.memory_space<vmem>>, vector<16xf32>,
          tpu.vector_store %arg9[%swap3A_315, %swap3A_316], %gather3A_279 {strides = array<i32>} : memref<32x128xf32, #tpu.memory_space<vmem>>, vector<16xf32>,
          %swap3A_318 = arith.index_cast %scan3A_272 : i32 to index
          %swap3A_319 = arith.constant 16 : index
          %swap3A_320 = tpu.vector_load %arg9[%swap3A_318, %swap3A_319] {strides = array<i32>} : memref<32x128xf32, #tpu.memory_space<vmem>>, vector<16xf32>,
          tpu.vector_store %arg9[%swap3A_318, %swap3A_319], %gather3A_284 {strides = array<i32>} : memref<32x128xf32, #tpu.memory_space<vmem>>, vector<16xf32>,
          %swap3A_321 = arith.index_cast %scan3A_272 : i32 to index
          %swap3A_322 = arith.constant 32 : index
          %swap3A_323 = tpu.vector_load %arg9[%swap3A_321, %swap3A_322] {strides = array<i32>} : memref<32x128xf32, #tpu.memory_space<vmem>>, vector<16xf32>,
          tpu.vector_store %arg9[%swap3A_321, %swap3A_322], %gather3A_289 {strides = array<i32>} : memref<32x128xf32, #tpu.memory_space<vmem>>, vector<16xf32>,
          %swap3A_324 = arith.index_cast %scan3A_272 : i32 to index
          %swap3A_325 = arith.constant 48 : index
          %swap3A_326 = tpu.vector_load %arg9[%swap3A_324, %swap3A_325] {strides = array<i32>} : memref<32x128xf32, #tpu.memory_space<vmem>>, vector<16xf32>,
          tpu.vector_store %arg9[%swap3A_324, %swap3A_325], %gather3A_294 {strides = array<i32>} : memref<32x128xf32, #tpu.memory_space<vmem>>, vector<16xf32>,
          %swap3A_327 = arith.index_cast %scan3A_272 : i32 to index
          %swap3A_328 = arith.constant 64 : index
          %swap3A_329 = tpu.vector_load %arg9[%swap3A_327, %swap3A_328] {strides = array<i32>} : memref<32x128xf32, #tpu.memory_space<vmem>>, vector<16xf32>,
          tpu.vector_store %arg9[%swap3A_327, %swap3A_328], %gather3A_299 {strides = array<i32>} : memref<32x128xf32, #tpu.memory_space<vmem>>, vector<16xf32>,
          %swap3A_330 = arith.index_cast %scan3A_272 : i32 to index
          %swap3A_331 = arith.constant 80 : index
          %swap3A_332 = tpu.vector_load %arg9[%swap3A_330, %swap3A_331] {strides = array<i32>} : memref<32x128xf32, #tpu.memory_space<vmem>>, vector<16xf32>,
          tpu.vector_store %arg9[%swap3A_330, %swap3A_331], %gather3A_304 {strides = array<i32>} : memref<32x128xf32, #tpu.memory_space<vmem>>, vector<16xf32>,
          %swap3A_333 = arith.index_cast %scan3A_272 : i32 to index
          %swap3A_334 = arith.constant 96 : index
          %swap3A_335 = tpu.vector_load %arg9[%swap3A_333, %swap3A_334] {strides = array<i32>} : memref<32x128xf32, #tpu.memory_space<vmem>>, vector<16xf32>,
          tpu.vector_store %arg9[%swap3A_333, %swap3A_334], %gather3A_309 {strides = array<i32>} : memref<32x128xf32, #tpu.memory_space<vmem>>, vector<16xf32>,
          %swap3A_336 = arith.index_cast %scan3A_272 : i32 to index
          %swap3A_337 = arith.constant 112 : index
          %swap3A_338 = tpu.vector_load %arg9[%swap3A_336, %swap3A_337] {strides = array<i32>} : memref<32x128xf32, #tpu.memory_space<vmem>>, vector<16xf32>,
          tpu.vector_store %arg9[%swap3A_336, %swap3A_337], %gather3A_314 {strides = array<i32>} : memref<32x128xf32, #tpu.memory_space<vmem>>, vector<16xf32>,
          %scan3A_339 = arith.constant 3 : i32
          %scan3A_340 = arith.addi %scan3A_139, %scan3A_339 : i32
          %mul3A_341 = arith.constant 8 : i32
          %mul3A_342 = arith.muli %mul3A_341, %scan3A_340 : i32
          %broadcast_in_dim3A_343 = vector.broadcast %mul3A_342 : i32 to vector<16xi32>
          %add3A_344 = arith.constant 0 : i32
          %add3A_345 = vector.broadcast %add3A_344 : i32 to vector<16xi32>
          %add3A_346 = arith.addi %broadcast_in_dim3A_343, %add3A_345 : vector<16xi32>
          %gather3A_347 = tpu.vector_load_idx %arg6[%iota3A, %add3A_346] : memref<16x256xf32, #tpu.memory_space<vmem>>[vector<16xi32>, vector<16xi32>], vector<16xf32>,
          %broadcast_in_dim3A_348 = vector.broadcast %mul3A_342 : i32 to vector<16xi32>
          %add3A_349 = arith.constant 1 : i32
          %add3A_350 = vector.broadcast %add3A_349 : i32 to vector<16xi32>
          %add3A_351 = arith.addi %broadcast_in_dim3A_348, %add3A_350 : vector<16xi32>
          %gather3A_352 = tpu.vector_load_idx %arg6[%iota3A, %add3A_351] : memref<16x256xf32, #tpu.memory_space<vmem>>[vector<16xi32>, vector<16xi32>], vector<16xf32>,
          %broadcast_in_dim3A_353 = vector.broadcast %mul3A_342 : i32 to vector<16xi32>
          %add3A_354 = arith.constant 2 : i32
          %add3A_355 = vector.broadcast %add3A_354 : i32 to vector<16xi32>
          %add3A_356 = arith.addi %broadcast_in_dim3A_353, %add3A_355 : vector<16xi32>
          %gather3A_357 = tpu.vector_load_idx %arg6[%iota3A, %add3A_356] : memref<16x256xf32, #tpu.memory_space<vmem>>[vector<16xi32>, vector<16xi32>], vector<16xf32>,
          %broadcast_in_dim3A_358 = vector.broadcast %mul3A_342 : i32 to vector<16xi32>
          %add3A_359 = arith.constant 3 : i32
          %add3A_360 = vector.broadcast %add3A_359 : i32 to vector<16xi32>
          %add3A_361 = arith.addi %broadcast_in_dim3A_358, %add3A_360 : vector<16xi32>
          %gather3A_362 = tpu.vector_load_idx %arg6[%iota3A, %add3A_361] : memref<16x256xf32, #tpu.memory_space<vmem>>[vector<16xi32>, vector<16xi32>], vector<16xf32>,
          %broadcast_in_dim3A_363 = vector.broadcast %mul3A_342 : i32 to vector<16xi32>
          %add3A_364 = arith.constant 4 : i32
          %add3A_365 = vector.broadcast %add3A_364 : i32 to vector<16xi32>
          %add3A_366 = arith.addi %broadcast_in_dim3A_363, %add3A_365 : vector<16xi32>
          %gather3A_367 = tpu.vector_load_idx %arg6[%iota3A, %add3A_366] : memref<16x256xf32, #tpu.memory_space<vmem>>[vector<16xi32>, vector<16xi32>], vector<16xf32>,
          %broadcast_in_dim3A_368 = vector.broadcast %mul3A_342 : i32 to vector<16xi32>
          %add3A_369 = arith.constant 5 : i32
          %add3A_370 = vector.broadcast %add3A_369 : i32 to vector<16xi32>
          %add3A_371 = arith.addi %broadcast_in_dim3A_368, %add3A_370 : vector<16xi32>
          %gather3A_372 = tpu.vector_load_idx %arg6[%iota3A, %add3A_371] : memref<16x256xf32, #tpu.memory_space<vmem>>[vector<16xi32>, vector<16xi32>], vector<16xf32>,
          %broadcast_in_dim3A_373 = vector.broadcast %mul3A_342 : i32 to vector<16xi32>
          %add3A_374 = arith.constant 6 : i32
          %add3A_375 = vector.broadcast %add3A_374 : i32 to vector<16xi32>
          %add3A_376 = arith.addi %broadcast_in_dim3A_373, %add3A_375 : vector<16xi32>
          %gather3A_377 = tpu.vector_load_idx %arg6[%iota3A, %add3A_376] : memref<16x256xf32, #tpu.memory_space<vmem>>[vector<16xi32>, vector<16xi32>], vector<16xf32>,
          %broadcast_in_dim3A_378 = vector.broadcast %mul3A_342 : i32 to vector<16xi32>
          %add3A_379 = arith.constant 7 : i32
          %add3A_380 = vector.broadcast %add3A_379 : i32 to vector<16xi32>
          %add3A_381 = arith.addi %broadcast_in_dim3A_378, %add3A_380 : vector<16xi32>
          %gather3A_382 = tpu.vector_load_idx %arg6[%iota3A, %add3A_381] : memref<16x256xf32, #tpu.memory_space<vmem>>[vector<16xi32>, vector<16xi32>], vector<16xf32>,
          %swap3A_383 = arith.index_cast %scan3A_340 : i32 to index
          %swap3A_384 = arith.constant 0 : index
          %swap3A_385 = tpu.vector_load %arg9[%swap3A_383, %swap3A_384] {strides = array<i32>} : memref<32x128xf32, #tpu.memory_space<vmem>>, vector<16xf32>,
          tpu.vector_store %arg9[%swap3A_383, %swap3A_384], %gather3A_347 {strides = array<i32>} : memref<32x128xf32, #tpu.memory_space<vmem>>, vector<16xf32>,
          %swap3A_386 = arith.index_cast %scan3A_340 : i32 to index
          %swap3A_387 = arith.constant 16 : index
          %swap3A_388 = tpu.vector_load %arg9[%swap3A_386, %swap3A_387] {strides = array<i32>} : memref<32x128xf32, #tpu.memory_space<vmem>>, vector<16xf32>,
          tpu.vector_store %arg9[%swap3A_386, %swap3A_387], %gather3A_352 {strides = array<i32>} : memref<32x128xf32, #tpu.memory_space<vmem>>, vector<16xf32>,
          %swap3A_389 = arith.index_cast %scan3A_340 : i32 to index
          %swap3A_390 = arith.constant 32 : index
          %swap3A_391 = tpu.vector_load %arg9[%swap3A_389, %swap3A_390] {strides = array<i32>} : memref<32x128xf32, #tpu.memory_space<vmem>>, vector<16xf32>,
          tpu.vector_store %arg9[%swap3A_389, %swap3A_390], %gather3A_357 {strides = array<i32>} : memref<32x128xf32, #tpu.memory_space<vmem>>, vector<16xf32>,
          %swap3A_392 = arith.index_cast %scan3A_340 : i32 to index
          %swap3A_393 = arith.constant 48 : index
          %swap3A_394 = tpu.vector_load %arg9[%swap3A_392, %swap3A_393] {strides = array<i32>} : memref<32x128xf32, #tpu.memory_space<vmem>>, vector<16xf32>,
          tpu.vector_store %arg9[%swap3A_392, %swap3A_393], %gather3A_362 {strides = array<i32>} : memref<32x128xf32, #tpu.memory_space<vmem>>, vector<16xf32>,
          %swap3A_395 = arith.index_cast %scan3A_340 : i32 to index
          %swap3A_396 = arith.constant 64 : index
          %swap3A_397 = tpu.vector_load %arg9[%swap3A_395, %swap3A_396] {strides = array<i32>} : memref<32x128xf32, #tpu.memory_space<vmem>>, vector<16xf32>,
          tpu.vector_store %arg9[%swap3A_395, %swap3A_396], %gather3A_367 {strides = array<i32>} : memref<32x128xf32, #tpu.memory_space<vmem>>, vector<16xf32>,
          %swap3A_398 = arith.index_cast %scan3A_340 : i32 to index
          %swap3A_399 = arith.constant 80 : index
          %swap3A_400 = tpu.vector_load %arg9[%swap3A_398, %swap3A_399] {strides = array<i32>} : memref<32x128xf32, #tpu.memory_space<vmem>>, vector<16xf32>,
          tpu.vector_store %arg9[%swap3A_398, %swap3A_399], %gather3A_372 {strides = array<i32>} : memref<32x128xf32, #tpu.memory_space<vmem>>, vector<16xf32>,
          %swap3A_401 = arith.index_cast %scan3A_340 : i32 to index
          %swap3A_402 = arith.constant 96 : index
          %swap3A_403 = tpu.vector_load %arg9[%swap3A_401, %swap3A_402] {strides = array<i32>} : memref<32x128xf32, #tpu.memory_space<vmem>>, vector<16xf32>,
          tpu.vector_store %arg9[%swap3A_401, %swap3A_402], %gather3A_377 {strides = array<i32>} : memref<32x128xf32, #tpu.memory_space<vmem>>, vector<16xf32>,
          %swap3A_404 = arith.index_cast %scan3A_340 : i32 to index
          %swap3A_405 = arith.constant 112 : index
          %swap3A_406 = tpu.vector_load %arg9[%swap3A_404, %swap3A_405] {strides = array<i32>} : memref<32x128xf32, #tpu.memory_space<vmem>>, vector<16xf32>,
          tpu.vector_store %arg9[%swap3A_404, %swap3A_405], %gather3A_382 {strides = array<i32>} : memref<32x128xf32, #tpu.memory_space<vmem>>, vector<16xf32>,
          %scan3A_407 = arith.constant 4 : i32
          %scan3A_408 = arith.addi %scan3A_139, %scan3A_407 : i32
          %mul3A_409 = arith.constant 8 : i32
          %mul3A_410 = arith.muli %mul3A_409, %scan3A_408 : i32
          %broadcast_in_dim3A_411 = vector.broadcast %mul3A_410 : i32 to vector<16xi32>
          %add3A_412 = arith.constant 0 : i32
          %add3A_413 = vector.broadcast %add3A_412 : i32 to vector<16xi32>
          %add3A_414 = arith.addi %broadcast_in_dim3A_411, %add3A_413 : vector<16xi32>
          %gather3A_415 = tpu.vector_load_idx %arg6[%iota3A, %add3A_414] : memref<16x256xf32, #tpu.memory_space<vmem>>[vector<16xi32>, vector<16xi32>], vector<16xf32>,
          %broadcast_in_dim3A_416 = vector.broadcast %mul3A_410 : i32 to vector<16xi32>
          %add3A_417 = arith.constant 1 : i32
          %add3A_418 = vector.broadcast %add3A_417 : i32 to vector<16xi32>
          %add3A_419 = arith.addi %broadcast_in_dim3A_416, %add3A_418 : vector<16xi32>
          %gather3A_420 = tpu.vector_load_idx %arg6[%iota3A, %add3A_419] : memref<16x256xf32, #tpu.memory_space<vmem>>[vector<16xi32>, vector<16xi32>], vector<16xf32>,
          %broadcast_in_dim3A_421 = vector.broadcast %mul3A_410 : i32 to vector<16xi32>
          %add3A_422 = arith.constant 2 : i32
          %add3A_423 = vector.broadcast %add3A_422 : i32 to vector<16xi32>
          %add3A_424 = arith.addi %broadcast_in_dim3A_421, %add3A_423 : vector<16xi32>
          %gather3A_425 = tpu.vector_load_idx %arg6[%iota3A, %add3A_424] : memref<16x256xf32, #tpu.memory_space<vmem>>[vector<16xi32>, vector<16xi32>], vector<16xf32>,
          %broadcast_in_dim3A_426 = vector.broadcast %mul3A_410 : i32 to vector<16xi32>
          %add3A_427 = arith.constant 3 : i32
          %add3A_428 = vector.broadcast %add3A_427 : i32 to vector<16xi32>
          %add3A_429 = arith.addi %broadcast_in_dim3A_426, %add3A_428 : vector<16xi32>
          %gather3A_430 = tpu.vector_load_idx %arg6[%iota3A, %add3A_429] : memref<16x256xf32, #tpu.memory_space<vmem>>[vector<16xi32>, vector<16xi32>], vector<16xf32>,
          %broadcast_in_dim3A_431 = vector.broadcast %mul3A_410 : i32 to vector<16xi32>
          %add3A_432 = arith.constant 4 : i32
          %add3A_433 = vector.broadcast %add3A_432 : i32 to vector<16xi32>
          %add3A_434 = arith.addi %broadcast_in_dim3A_431, %add3A_433 : vector<16xi32>
          %gather3A_435 = tpu.vector_load_idx %arg6[%iota3A, %add3A_434] : memref<16x256xf32, #tpu.memory_space<vmem>>[vector<16xi32>, vector<16xi32>], vector<16xf32>,
          %broadcast_in_dim3A_436 = vector.broadcast %mul3A_410 : i32 to vector<16xi32>
          %add3A_437 = arith.constant 5 : i32
          %add3A_438 = vector.broadcast %add3A_437 : i32 to vector<16xi32>
          %add3A_439 = arith.addi %broadcast_in_dim3A_436, %add3A_438 : vector<16xi32>
          %gather3A_440 = tpu.vector_load_idx %arg6[%iota3A, %add3A_439] : memref<16x256xf32, #tpu.memory_space<vmem>>[vector<16xi32>, vector<16xi32>], vector<16xf32>,
          %broadcast_in_dim3A_441 = vector.broadcast %mul3A_410 : i32 to vector<16xi32>
          %add3A_442 = arith.constant 6 : i32
          %add3A_443 = vector.broadcast %add3A_442 : i32 to vector<16xi32>
          %add3A_444 = arith.addi %broadcast_in_dim3A_441, %add3A_443 : vector<16xi32>
          %gather3A_445 = tpu.vector_load_idx %arg6[%iota3A, %add3A_444] : memref<16x256xf32, #tpu.memory_space<vmem>>[vector<16xi32>, vector<16xi32>], vector<16xf32>,
          %broadcast_in_dim3A_446 = vector.broadcast %mul3A_410 : i32 to vector<16xi32>
          %add3A_447 = arith.constant 7 : i32
          %add3A_448 = vector.broadcast %add3A_447 : i32 to vector<16xi32>
          %add3A_449 = arith.addi %broadcast_in_dim3A_446, %add3A_448 : vector<16xi32>
          %gather3A_450 = tpu.vector_load_idx %arg6[%iota3A, %add3A_449] : memref<16x256xf32, #tpu.memory_space<vmem>>[vector<16xi32>, vector<16xi32>], vector<16xf32>,
          %swap3A_451 = arith.index_cast %scan3A_408 : i32 to index
          %swap3A_452 = arith.constant 0 : index
          %swap3A_453 = tpu.vector_load %arg9[%swap3A_451, %swap3A_452] {strides = array<i32>} : memref<32x128xf32, #tpu.memory_space<vmem>>, vector<16xf32>,
          tpu.vector_store %arg9[%swap3A_451, %swap3A_452], %gather3A_415 {strides = array<i32>} : memref<32x128xf32, #tpu.memory_space<vmem>>, vector<16xf32>,
          %swap3A_454 = arith.index_cast %scan3A_408 : i32 to index
          %swap3A_455 = arith.constant 16 : index
          %swap3A_456 = tpu.vector_load %arg9[%swap3A_454, %swap3A_455] {strides = array<i32>} : memref<32x128xf32, #tpu.memory_space<vmem>>, vector<16xf32>,
          tpu.vector_store %arg9[%swap3A_454, %swap3A_455], %gather3A_420 {strides = array<i32>} : memref<32x128xf32, #tpu.memory_space<vmem>>, vector<16xf32>,
          %swap3A_457 = arith.index_cast %scan3A_408 : i32 to index
          %swap3A_458 = arith.constant 32 : index
          %swap3A_459 = tpu.vector_load %arg9[%swap3A_457, %swap3A_458] {strides = array<i32>} : memref<32x128xf32, #tpu.memory_space<vmem>>, vector<16xf32>,
          tpu.vector_store %arg9[%swap3A_457, %swap3A_458], %gather3A_425 {strides = array<i32>} : memref<32x128xf32, #tpu.memory_space<vmem>>, vector<16xf32>,
          %swap3A_460 = arith.index_cast %scan3A_408 : i32 to index
          %swap3A_461 = arith.constant 48 : index
          %swap3A_462 = tpu.vector_load %arg9[%swap3A_460, %swap3A_461] {strides = array<i32>} : memref<32x128xf32, #tpu.memory_space<vmem>>, vector<16xf32>,
          tpu.vector_store %arg9[%swap3A_460, %swap3A_461], %gather3A_430 {strides = array<i32>} : memref<32x128xf32, #tpu.memory_space<vmem>>, vector<16xf32>,
          %swap3A_463 = arith.index_cast %scan3A_408 : i32 to index
          %swap3A_464 = arith.constant 64 : index
          %swap3A_465 = tpu.vector_load %arg9[%swap3A_463, %swap3A_464] {strides = array<i32>} : memref<32x128xf32, #tpu.memory_space<vmem>>, vector<16xf32>,
          tpu.vector_store %arg9[%swap3A_463, %swap3A_464], %gather3A_435 {strides = array<i32>} : memref<32x128xf32, #tpu.memory_space<vmem>>, vector<16xf32>,
          %swap3A_466 = arith.index_cast %scan3A_408 : i32 to index
          %swap3A_467 = arith.constant 80 : index
          %swap3A_468 = tpu.vector_load %arg9[%swap3A_466, %swap3A_467] {strides = array<i32>} : memref<32x128xf32, #tpu.memory_space<vmem>>, vector<16xf32>,
          tpu.vector_store %arg9[%swap3A_466, %swap3A_467], %gather3A_440 {strides = array<i32>} : memref<32x128xf32, #tpu.memory_space<vmem>>, vector<16xf32>,
          %swap3A_469 = arith.index_cast %scan3A_408 : i32 to index
          %swap3A_470 = arith.constant 96 : index
          %swap3A_471 = tpu.vector_load %arg9[%swap3A_469, %swap3A_470] {strides = array<i32>} : memref<32x128xf32, #tpu.memory_space<vmem>>, vector<16xf32>,
          tpu.vector_store %arg9[%swap3A_469, %swap3A_470], %gather3A_445 {strides = array<i32>} : memref<32x128xf32, #tpu.memory_space<vmem>>, vector<16xf32>,
          %swap3A_472 = arith.index_cast %scan3A_408 : i32 to index
          %swap3A_473 = arith.constant 112 : index
          %swap3A_474 = tpu.vector_load %arg9[%swap3A_472, %swap3A_473] {strides = array<i32>} : memref<32x128xf32, #tpu.memory_space<vmem>>, vector<16xf32>,
          tpu.vector_store %arg9[%swap3A_472, %swap3A_473], %gather3A_450 {strides = array<i32>} : memref<32x128xf32, #tpu.memory_space<vmem>>, vector<16xf32>,
          %scan3A_475 = arith.constant 5 : i32
          %scan3A_476 = arith.addi %scan3A_139, %scan3A_475 : i32
          %mul3A_477 = arith.constant 8 : i32
          %mul3A_478 = arith.muli %mul3A_477, %scan3A_476 : i32
          %broadcast_in_dim3A_479 = vector.broadcast %mul3A_478 : i32 to vector<16xi32>
          %add3A_480 = arith.constant 0 : i32
          %add3A_481 = vector.broadcast %add3A_480 : i32 to vector<16xi32>
          %add3A_482 = arith.addi %broadcast_in_dim3A_479, %add3A_481 : vector<16xi32>
          %gather3A_483 = tpu.vector_load_idx %arg6[%iota3A, %add3A_482] : memref<16x256xf32, #tpu.memory_space<vmem>>[vector<16xi32>, vector<16xi32>], vector<16xf32>,
          %broadcast_in_dim3A_484 = vector.broadcast %mul3A_478 : i32 to vector<16xi32>
          %add3A_485 = arith.constant 1 : i32
          %add3A_486 = vector.broadcast %add3A_485 : i32 to vector<16xi32>
          %add3A_487 = arith.addi %broadcast_in_dim3A_484, %add3A_486 : vector<16xi32>
          %gather3A_488 = tpu.vector_load_idx %arg6[%iota3A, %add3A_487] : memref<16x256xf32, #tpu.memory_space<vmem>>[vector<16xi32>, vector<16xi32>], vector<16xf32>,
          %broadcast_in_dim3A_489 = vector.broadcast %mul3A_478 : i32 to vector<16xi32>
          %add3A_490 = arith.constant 2 : i32
          %add3A_491 = vector.broadcast %add3A_490 : i32 to vector<16xi32>
          %add3A_492 = arith.addi %broadcast_in_dim3A_489, %add3A_491 : vector<16xi32>
          %gather3A_493 = tpu.vector_load_idx %arg6[%iota3A, %add3A_492] : memref<16x256xf32, #tpu.memory_space<vmem>>[vector<16xi32>, vector<16xi32>], vector<16xf32>,
          %broadcast_in_dim3A_494 = vector.broadcast %mul3A_478 : i32 to vector<16xi32>
          %add3A_495 = arith.constant 3 : i32
          %add3A_496 = vector.broadcast %add3A_495 : i32 to vector<16xi32>
          %add3A_497 = arith.addi %broadcast_in_dim3A_494, %add3A_496 : vector<16xi32>
          %gather3A_498 = tpu.vector_load_idx %arg6[%iota3A, %add3A_497] : memref<16x256xf32, #tpu.memory_space<vmem>>[vector<16xi32>, vector<16xi32>], vector<16xf32>,
          %broadcast_in_dim3A_499 = vector.broadcast %mul3A_478 : i32 to vector<16xi32>
          %add3A_500 = arith.constant 4 : i32
          %add3A_501 = vector.broadcast %add3A_500 : i32 to vector<16xi32>
          %add3A_502 = arith.addi %broadcast_in_dim3A_499, %add3A_501 : vector<16xi32>
          %gather3A_503 = tpu.vector_load_idx %arg6[%iota3A, %add3A_502] : memref<16x256xf32, #tpu.memory_space<vmem>>[vector<16xi32>, vector<16xi32>], vector<16xf32>,
          %broadcast_in_dim3A_504 = vector.broadcast %mul3A_478 : i32 to vector<16xi32>
          %add3A_505 = arith.constant 5 : i32
          %add3A_506 = vector.broadcast %add3A_505 : i32 to vector<16xi32>
          %add3A_507 = arith.addi %broadcast_in_dim3A_504, %add3A_506 : vector<16xi32>
          %gather3A_508 = tpu.vector_load_idx %arg6[%iota3A, %add3A_507] : memref<16x256xf32, #tpu.memory_space<vmem>>[vector<16xi32>, vector<16xi32>], vector<16xf32>,
          %broadcast_in_dim3A_509 = vector.broadcast %mul3A_478 : i32 to vector<16xi32>
          %add3A_510 = arith.constant 6 : i32
          %add3A_511 = vector.broadcast %add3A_510 : i32 to vector<16xi32>
          %add3A_512 = arith.addi %broadcast_in_dim3A_509, %add3A_511 : vector<16xi32>
          %gather3A_513 = tpu.vector_load_idx %arg6[%iota3A, %add3A_512] : memref<16x256xf32, #tpu.memory_space<vmem>>[vector<16xi32>, vector<16xi32>], vector<16xf32>,
          %broadcast_in_dim3A_514 = vector.broadcast %mul3A_478 : i32 to vector<16xi32>
          %add3A_515 = arith.constant 7 : i32
          %add3A_516 = vector.broadcast %add3A_515 : i32 to vector<16xi32>
          %add3A_517 = arith.addi %broadcast_in_dim3A_514, %add3A_516 : vector<16xi32>
          %gather3A_518 = tpu.vector_load_idx %arg6[%iota3A, %add3A_517] : memref<16x256xf32, #tpu.memory_space<vmem>>[vector<16xi32>, vector<16xi32>], vector<16xf32>,
          %swap3A_519 = arith.index_cast %scan3A_476 : i32 to index
          %swap3A_520 = arith.constant 0 : index
          %swap3A_521 = tpu.vector_load %arg9[%swap3A_519, %swap3A_520] {strides = array<i32>} : memref<32x128xf32, #tpu.memory_space<vmem>>, vector<16xf32>,
          tpu.vector_store %arg9[%swap3A_519, %swap3A_520], %gather3A_483 {strides = array<i32>} : memref<32x128xf32, #tpu.memory_space<vmem>>, vector<16xf32>,
          %swap3A_522 = arith.index_cast %scan3A_476 : i32 to index
          %swap3A_523 = arith.constant 16 : index
          %swap3A_524 = tpu.vector_load %arg9[%swap3A_522, %swap3A_523] {strides = array<i32>} : memref<32x128xf32, #tpu.memory_space<vmem>>, vector<16xf32>,
          tpu.vector_store %arg9[%swap3A_522, %swap3A_523], %gather3A_488 {strides = array<i32>} : memref<32x128xf32, #tpu.memory_space<vmem>>, vector<16xf32>,
          %swap3A_525 = arith.index_cast %scan3A_476 : i32 to index
          %swap3A_526 = arith.constant 32 : index
          %swap3A_527 = tpu.vector_load %arg9[%swap3A_525, %swap3A_526] {strides = array<i32>} : memref<32x128xf32, #tpu.memory_space<vmem>>, vector<16xf32>,
          tpu.vector_store %arg9[%swap3A_525, %swap3A_526], %gather3A_493 {strides = array<i32>} : memref<32x128xf32, #tpu.memory_space<vmem>>, vector<16xf32>,
          %swap3A_528 = arith.index_cast %scan3A_476 : i32 to index
          %swap3A_529 = arith.constant 48 : index
          %swap3A_530 = tpu.vector_load %arg9[%swap3A_528, %swap3A_529] {strides = array<i32>} : memref<32x128xf32, #tpu.memory_space<vmem>>, vector<16xf32>,
          tpu.vector_store %arg9[%swap3A_528, %swap3A_529], %gather3A_498 {strides = array<i32>} : memref<32x128xf32, #tpu.memory_space<vmem>>, vector<16xf32>,
          %swap3A_531 = arith.index_cast %scan3A_476 : i32 to index
          %swap3A_532 = arith.constant 64 : index
          %swap3A_533 = tpu.vector_load %arg9[%swap3A_531, %swap3A_532] {strides = array<i32>} : memref<32x128xf32, #tpu.memory_space<vmem>>, vector<16xf32>,
          tpu.vector_store %arg9[%swap3A_531, %swap3A_532], %gather3A_503 {strides = array<i32>} : memref<32x128xf32, #tpu.memory_space<vmem>>, vector<16xf32>,
          %swap3A_534 = arith.index_cast %scan3A_476 : i32 to index
          %swap3A_535 = arith.constant 80 : index
          %swap3A_536 = tpu.vector_load %arg9[%swap3A_534, %swap3A_535] {strides = array<i32>} : memref<32x128xf32, #tpu.memory_space<vmem>>, vector<16xf32>,
          tpu.vector_store %arg9[%swap3A_534, %swap3A_535], %gather3A_508 {strides = array<i32>} : memref<32x128xf32, #tpu.memory_space<vmem>>, vector<16xf32>,
          %swap3A_537 = arith.index_cast %scan3A_476 : i32 to index
          %swap3A_538 = arith.constant 96 : index
          %swap3A_539 = tpu.vector_load %arg9[%swap3A_537, %swap3A_538] {strides = array<i32>} : memref<32x128xf32, #tpu.memory_space<vmem>>, vector<16xf32>,
          tpu.vector_store %arg9[%swap3A_537, %swap3A_538], %gather3A_513 {strides = array<i32>} : memref<32x128xf32, #tpu.memory_space<vmem>>, vector<16xf32>,
          %swap3A_540 = arith.index_cast %scan3A_476 : i32 to index
          %swap3A_541 = arith.constant 112 : index
          %swap3A_542 = tpu.vector_load %arg9[%swap3A_540, %swap3A_541] {strides = array<i32>} : memref<32x128xf32, #tpu.memory_space<vmem>>, vector<16xf32>,
          tpu.vector_store %arg9[%swap3A_540, %swap3A_541], %gather3A_518 {strides = array<i32>} : memref<32x128xf32, #tpu.memory_space<vmem>>, vector<16xf32>,
          %scan3A_543 = arith.constant 6 : i32
          %scan3A_544 = arith.addi %scan3A_139, %scan3A_543 : i32
          %mul3A_545 = arith.constant 8 : i32
          %mul3A_546 = arith.muli %mul3A_545, %scan3A_544 : i32
          %broadcast_in_dim3A_547 = vector.broadcast %mul3A_546 : i32 to vector<16xi32>
          %add3A_548 = arith.constant 0 : i32
          %add3A_549 = vector.broadcast %add3A_548 : i32 to vector<16xi32>
          %add3A_550 = arith.addi %broadcast_in_dim3A_547, %add3A_549 : vector<16xi32>
          %gather3A_551 = tpu.vector_load_idx %arg6[%iota3A, %add3A_550] : memref<16x256xf32, #tpu.memory_space<vmem>>[vector<16xi32>, vector<16xi32>], vector<16xf32>,
          %broadcast_in_dim3A_552 = vector.broadcast %mul3A_546 : i32 to vector<16xi32>
          %add3A_553 = arith.constant 1 : i32
          %add3A_554 = vector.broadcast %add3A_553 : i32 to vector<16xi32>
          %add3A_555 = arith.addi %broadcast_in_dim3A_552, %add3A_554 : vector<16xi32>
          %gather3A_556 = tpu.vector_load_idx %arg6[%iota3A, %add3A_555] : memref<16x256xf32, #tpu.memory_space<vmem>>[vector<16xi32>, vector<16xi32>], vector<16xf32>,
          %broadcast_in_dim3A_557 = vector.broadcast %mul3A_546 : i32 to vector<16xi32>
          %add3A_558 = arith.constant 2 : i32
          %add3A_559 = vector.broadcast %add3A_558 : i32 to vector<16xi32>
          %add3A_560 = arith.addi %broadcast_in_dim3A_557, %add3A_559 : vector<16xi32>
          %gather3A_561 = tpu.vector_load_idx %arg6[%iota3A, %add3A_560] : memref<16x256xf32, #tpu.memory_space<vmem>>[vector<16xi32>, vector<16xi32>], vector<16xf32>,
          %broadcast_in_dim3A_562 = vector.broadcast %mul3A_546 : i32 to vector<16xi32>
          %add3A_563 = arith.constant 3 : i32
          %add3A_564 = vector.broadcast %add3A_563 : i32 to vector<16xi32>
          %add3A_565 = arith.addi %broadcast_in_dim3A_562, %add3A_564 : vector<16xi32>
          %gather3A_566 = tpu.vector_load_idx %arg6[%iota3A, %add3A_565] : memref<16x256xf32, #tpu.memory_space<vmem>>[vector<16xi32>, vector<16xi32>], vector<16xf32>,
          %broadcast_in_dim3A_567 = vector.broadcast %mul3A_546 : i32 to vector<16xi32>
          %add3A_568 = arith.constant 4 : i32
          %add3A_569 = vector.broadcast %add3A_568 : i32 to vector<16xi32>
          %add3A_570 = arith.addi %broadcast_in_dim3A_567, %add3A_569 : vector<16xi32>
          %gather3A_571 = tpu.vector_load_idx %arg6[%iota3A, %add3A_570] : memref<16x256xf32, #tpu.memory_space<vmem>>[vector<16xi32>, vector<16xi32>], vector<16xf32>,
          %broadcast_in_dim3A_572 = vector.broadcast %mul3A_546 : i32 to vector<16xi32>
          %add3A_573 = arith.constant 5 : i32
          %add3A_574 = vector.broadcast %add3A_573 : i32 to vector<16xi32>
          %add3A_575 = arith.addi %broadcast_in_dim3A_572, %add3A_574 : vector<16xi32>
          %gather3A_576 = tpu.vector_load_idx %arg6[%iota3A, %add3A_575] : memref<16x256xf32, #tpu.memory_space<vmem>>[vector<16xi32>, vector<16xi32>], vector<16xf32>,
          %broadcast_in_dim3A_577 = vector.broadcast %mul3A_546 : i32 to vector<16xi32>
          %add3A_578 = arith.constant 6 : i32
          %add3A_579 = vector.broadcast %add3A_578 : i32 to vector<16xi32>
          %add3A_580 = arith.addi %broadcast_in_dim3A_577, %add3A_579 : vector<16xi32>
          %gather3A_581 = tpu.vector_load_idx %arg6[%iota3A, %add3A_580] : memref<16x256xf32, #tpu.memory_space<vmem>>[vector<16xi32>, vector<16xi32>], vector<16xf32>,
          %broadcast_in_dim3A_582 = vector.broadcast %mul3A_546 : i32 to vector<16xi32>
          %add3A_583 = arith.constant 7 : i32
          %add3A_584 = vector.broadcast %add3A_583 : i32 to vector<16xi32>
          %add3A_585 = arith.addi %broadcast_in_dim3A_582, %add3A_584 : vector<16xi32>
          %gather3A_586 = tpu.vector_load_idx %arg6[%iota3A, %add3A_585] : memref<16x256xf32, #tpu.memory_space<vmem>>[vector<16xi32>, vector<16xi32>], vector<16xf32>,
          %swap3A_587 = arith.index_cast %scan3A_544 : i32 to index
          %swap3A_588 = arith.constant 0 : index
          %swap3A_589 = tpu.vector_load %arg9[%swap3A_587, %swap3A_588] {strides = array<i32>} : memref<32x128xf32, #tpu.memory_space<vmem>>, vector<16xf32>,
          tpu.vector_store %arg9[%swap3A_587, %swap3A_588], %gather3A_551 {strides = array<i32>} : memref<32x128xf32, #tpu.memory_space<vmem>>, vector<16xf32>,
          %swap3A_590 = arith.index_cast %scan3A_544 : i32 to index
          %swap3A_591 = arith.constant 16 : index
          %swap3A_592 = tpu.vector_load %arg9[%swap3A_590, %swap3A_591] {strides = array<i32>} : memref<32x128xf32, #tpu.memory_space<vmem>>, vector<16xf32>,
          tpu.vector_store %arg9[%swap3A_590, %swap3A_591], %gather3A_556 {strides = array<i32>} : memref<32x128xf32, #tpu.memory_space<vmem>>, vector<16xf32>,
          %swap3A_593 = arith.index_cast %scan3A_544 : i32 to index
          %swap3A_594 = arith.constant 32 : index
          %swap3A_595 = tpu.vector_load %arg9[%swap3A_593, %swap3A_594] {strides = array<i32>} : memref<32x128xf32, #tpu.memory_space<vmem>>, vector<16xf32>,
          tpu.vector_store %arg9[%swap3A_593, %swap3A_594], %gather3A_561 {strides = array<i32>} : memref<32x128xf32, #tpu.memory_space<vmem>>, vector<16xf32>,
          %swap3A_596 = arith.index_cast %scan3A_544 : i32 to index
          %swap3A_597 = arith.constant 48 : index
          %swap3A_598 = tpu.vector_load %arg9[%swap3A_596, %swap3A_597] {strides = array<i32>} : memref<32x128xf32, #tpu.memory_space<vmem>>, vector<16xf32>,
          tpu.vector_store %arg9[%swap3A_596, %swap3A_597], %gather3A_566 {strides = array<i32>} : memref<32x128xf32, #tpu.memory_space<vmem>>, vector<16xf32>,
          %swap3A_599 = arith.index_cast %scan3A_544 : i32 to index
          %swap3A_600 = arith.constant 64 : index
          %swap3A_601 = tpu.vector_load %arg9[%swap3A_599, %swap3A_600] {strides = array<i32>} : memref<32x128xf32, #tpu.memory_space<vmem>>, vector<16xf32>,
          tpu.vector_store %arg9[%swap3A_599, %swap3A_600], %gather3A_571 {strides = array<i32>} : memref<32x128xf32, #tpu.memory_space<vmem>>, vector<16xf32>,
          %swap3A_602 = arith.index_cast %scan3A_544 : i32 to index
          %swap3A_603 = arith.constant 80 : index
          %swap3A_604 = tpu.vector_load %arg9[%swap3A_602, %swap3A_603] {strides = array<i32>} : memref<32x128xf32, #tpu.memory_space<vmem>>, vector<16xf32>,
          tpu.vector_store %arg9[%swap3A_602, %swap3A_603], %gather3A_576 {strides = array<i32>} : memref<32x128xf32, #tpu.memory_space<vmem>>, vector<16xf32>,
          %swap3A_605 = arith.index_cast %scan3A_544 : i32 to index
          %swap3A_606 = arith.constant 96 : index
          %swap3A_607 = tpu.vector_load %arg9[%swap3A_605, %swap3A_606] {strides = array<i32>} : memref<32x128xf32, #tpu.memory_space<vmem>>, vector<16xf32>,
          tpu.vector_store %arg9[%swap3A_605, %swap3A_606], %gather3A_581 {strides = array<i32>} : memref<32x128xf32, #tpu.memory_space<vmem>>, vector<16xf32>,
          %swap3A_608 = arith.index_cast %scan3A_544 : i32 to index
          %swap3A_609 = arith.constant 112 : index
          %swap3A_610 = tpu.vector_load %arg9[%swap3A_608, %swap3A_609] {strides = array<i32>} : memref<32x128xf32, #tpu.memory_space<vmem>>, vector<16xf32>,
          tpu.vector_store %arg9[%swap3A_608, %swap3A_609], %gather3A_586 {strides = array<i32>} : memref<32x128xf32, #tpu.memory_space<vmem>>, vector<16xf32>,
          %scan3A_611 = arith.constant 7 : i32
          %scan3A_612 = arith.addi %scan3A_139, %scan3A_611 : i32
          %mul3A_613 = arith.constant 8 : i32
          %mul3A_614 = arith.muli %mul3A_613, %scan3A_612 : i32
          %broadcast_in_dim3A_615 = vector.broadcast %mul3A_614 : i32 to vector<16xi32>
          %add3A_616 = arith.constant 0 : i32
          %add3A_617 = vector.broadcast %add3A_616 : i32 to vector<16xi32>
          %add3A_618 = arith.addi %broadcast_in_dim3A_615, %add3A_617 : vector<16xi32>
          %gather3A_619 = tpu.vector_load_idx %arg6[%iota3A, %add3A_618] : memref<16x256xf32, #tpu.memory_space<vmem>>[vector<16xi32>, vector<16xi32>], vector<16xf32>,
          %broadcast_in_dim3A_620 = vector.broadcast %mul3A_614 : i32 to vector<16xi32>
          %add3A_621 = arith.constant 1 : i32
          %add3A_622 = vector.broadcast %add3A_621 : i32 to vector<16xi32>
          %add3A_623 = arith.addi %broadcast_in_dim3A_620, %add3A_622 : vector<16xi32>
          %gather3A_624 = tpu.vector_load_idx %arg6[%iota3A, %add3A_623] : memref<16x256xf32, #tpu.memory_space<vmem>>[vector<16xi32>, vector<16xi32>], vector<16xf32>,
          %broadcast_in_dim3A_625 = vector.broadcast %mul3A_614 : i32 to vector<16xi32>
          %add3A_626 = arith.constant 2 : i32
          %add3A_627 = vector.broadcast %add3A_626 : i32 to vector<16xi32>
          %add3A_628 = arith.addi %broadcast_in_dim3A_625, %add3A_627 : vector<16xi32>
          %gather3A_629 = tpu.vector_load_idx %arg6[%iota3A, %add3A_628] : memref<16x256xf32, #tpu.memory_space<vmem>>[vector<16xi32>, vector<16xi32>], vector<16xf32>,
          %broadcast_in_dim3A_630 = vector.broadcast %mul3A_614 : i32 to vector<16xi32>
          %add3A_631 = arith.constant 3 : i32
          %add3A_632 = vector.broadcast %add3A_631 : i32 to vector<16xi32>
          %add3A_633 = arith.addi %broadcast_in_dim3A_630, %add3A_632 : vector<16xi32>
          %gather3A_634 = tpu.vector_load_idx %arg6[%iota3A, %add3A_633] : memref<16x256xf32, #tpu.memory_space<vmem>>[vector<16xi32>, vector<16xi32>], vector<16xf32>,
          %broadcast_in_dim3A_635 = vector.broadcast %mul3A_614 : i32 to vector<16xi32>
          %add3A_636 = arith.constant 4 : i32
          %add3A_637 = vector.broadcast %add3A_636 : i32 to vector<16xi32>
          %add3A_638 = arith.addi %broadcast_in_dim3A_635, %add3A_637 : vector<16xi32>
          %gather3A_639 = tpu.vector_load_idx %arg6[%iota3A, %add3A_638] : memref<16x256xf32, #tpu.memory_space<vmem>>[vector<16xi32>, vector<16xi32>], vector<16xf32>,
          %broadcast_in_dim3A_640 = vector.broadcast %mul3A_614 : i32 to vector<16xi32>
          %add3A_641 = arith.constant 5 : i32
          %add3A_642 = vector.broadcast %add3A_641 : i32 to vector<16xi32>
          %add3A_643 = arith.addi %broadcast_in_dim3A_640, %add3A_642 : vector<16xi32>
          %gather3A_644 = tpu.vector_load_idx %arg6[%iota3A, %add3A_643] : memref<16x256xf32, #tpu.memory_space<vmem>>[vector<16xi32>, vector<16xi32>], vector<16xf32>,
          %broadcast_in_dim3A_645 = vector.broadcast %mul3A_614 : i32 to vector<16xi32>
          %add3A_646 = arith.constant 6 : i32
          %add3A_647 = vector.broadcast %add3A_646 : i32 to vector<16xi32>
          %add3A_648 = arith.addi %broadcast_in_dim3A_645, %add3A_647 : vector<16xi32>
          %gather3A_649 = tpu.vector_load_idx %arg6[%iota3A, %add3A_648] : memref<16x256xf32, #tpu.memory_space<vmem>>[vector<16xi32>, vector<16xi32>], vector<16xf32>,
          %broadcast_in_dim3A_650 = vector.broadcast %mul3A_614 : i32 to vector<16xi32>
          %add3A_651 = arith.constant 7 : i32
          %add3A_652 = vector.broadcast %add3A_651 : i32 to vector<16xi32>
          %add3A_653 = arith.addi %broadcast_in_dim3A_650, %add3A_652 : vector<16xi32>
          %gather3A_654 = tpu.vector_load_idx %arg6[%iota3A, %add3A_653] : memref<16x256xf32, #tpu.memory_space<vmem>>[vector<16xi32>, vector<16xi32>], vector<16xf32>,
          %swap3A_655 = arith.index_cast %scan3A_612 : i32 to index
          %swap3A_656 = arith.constant 0 : index
          %swap3A_657 = tpu.vector_load %arg9[%swap3A_655, %swap3A_656] {strides = array<i32>} : memref<32x128xf32, #tpu.memory_space<vmem>>, vector<16xf32>,
          tpu.vector_store %arg9[%swap3A_655, %swap3A_656], %gather3A_619 {strides = array<i32>} : memref<32x128xf32, #tpu.memory_space<vmem>>, vector<16xf32>,
          %swap3A_658 = arith.index_cast %scan3A_612 : i32 to index
          %swap3A_659 = arith.constant 16 : index
          %swap3A_660 = tpu.vector_load %arg9[%swap3A_658, %swap3A_659] {strides = array<i32>} : memref<32x128xf32, #tpu.memory_space<vmem>>, vector<16xf32>,
          tpu.vector_store %arg9[%swap3A_658, %swap3A_659], %gather3A_624 {strides = array<i32>} : memref<32x128xf32, #tpu.memory_space<vmem>>, vector<16xf32>,
          %swap3A_661 = arith.index_cast %scan3A_612 : i32 to index
          %swap3A_662 = arith.constant 32 : index
          %swap3A_663 = tpu.vector_load %arg9[%swap3A_661, %swap3A_662] {strides = array<i32>} : memref<32x128xf32, #tpu.memory_space<vmem>>, vector<16xf32>,
          tpu.vector_store %arg9[%swap3A_661, %swap3A_662], %gather3A_629 {strides = array<i32>} : memref<32x128xf32, #tpu.memory_space<vmem>>, vector<16xf32>,
          %swap3A_664 = arith.index_cast %scan3A_612 : i32 to index
          %swap3A_665 = arith.constant 48 : index
          %swap3A_666 = tpu.vector_load %arg9[%swap3A_664, %swap3A_665] {strides = array<i32>} : memref<32x128xf32, #tpu.memory_space<vmem>>, vector<16xf32>,
          tpu.vector_store %arg9[%swap3A_664, %swap3A_665], %gather3A_634 {strides = array<i32>} : memref<32x128xf32, #tpu.memory_space<vmem>>, vector<16xf32>,
          %swap3A_667 = arith.index_cast %scan3A_612 : i32 to index
          %swap3A_668 = arith.constant 64 : index
          %swap3A_669 = tpu.vector_load %arg9[%swap3A_667, %swap3A_668] {strides = array<i32>} : memref<32x128xf32, #tpu.memory_space<vmem>>, vector<16xf32>,
          tpu.vector_store %arg9[%swap3A_667, %swap3A_668], %gather3A_639 {strides = array<i32>} : memref<32x128xf32, #tpu.memory_space<vmem>>, vector<16xf32>,
          %swap3A_670 = arith.index_cast %scan3A_612 : i32 to index
          %swap3A_671 = arith.constant 80 : index
          %swap3A_672 = tpu.vector_load %arg9[%swap3A_670, %swap3A_671] {strides = array<i32>} : memref<32x128xf32, #tpu.memory_space<vmem>>, vector<16xf32>,
          tpu.vector_store %arg9[%swap3A_670, %swap3A_671], %gather3A_644 {strides = array<i32>} : memref<32x128xf32, #tpu.memory_space<vmem>>, vector<16xf32>,
          %swap3A_673 = arith.index_cast %scan3A_612 : i32 to index
          %swap3A_674 = arith.constant 96 : index
          %swap3A_675 = tpu.vector_load %arg9[%swap3A_673, %swap3A_674] {strides = array<i32>} : memref<32x128xf32, #tpu.memory_space<vmem>>, vector<16xf32>,
          tpu.vector_store %arg9[%swap3A_673, %swap3A_674], %gather3A_649 {strides = array<i32>} : memref<32x128xf32, #tpu.memory_space<vmem>>, vector<16xf32>,
          %swap3A_676 = arith.index_cast %scan3A_612 : i32 to index
          %swap3A_677 = arith.constant 112 : index
          %swap3A_678 = tpu.vector_load %arg9[%swap3A_676, %swap3A_677] {strides = array<i32>} : memref<32x128xf32, #tpu.memory_space<vmem>>, vector<16xf32>,
          tpu.vector_store %arg9[%swap3A_676, %swap3A_677], %gather3A_654 {strides = array<i32>} : memref<32x128xf32, #tpu.memory_space<vmem>>, vector<16xf32>,
        }
        %scan3A_133 = arith.constant 32 : i32
        %mul3A_134 = arith.constant 32 : i32
        %mul3A_135 = arith.muli %add3A_122, %mul3A_134 : i32
        %dma_start3A = arith.constant 0 : i32
        %dma_start3A_136 = tpu.memref_slice %arg4[%mul3A_135, %dma_start3A] : memref<325000x128xf32, #tpu.memory_space<hbm>> -> memref<32x128xf32, #tpu.memory_space<hbm>>
        %dma_start3A_137 = arith.constant 0 : i32
        %dma_start3A_138 = tpu.memref_slice %arg4[%mul3A_135, %dma_start3A_137] : memref<325000x128xf32, #tpu.memory_space<hbm>> -> memref<32x128xf32, #tpu.memory_space<hbm>>
        tpu.enqueue_dma source(%arg9 : memref<32x128xf32, #tpu.memory_space<vmem>>) target(%dma_start3A_138 : memref<32x128xf32, #tpu.memory_space<hbm>>) target_semaphore(%arg13 : memref<!tpu.dma_semaphore, #tpu.memory_space<semaphore_mem>>)
      } else {
      }
    }
    %scan3A_10 = arith.constant 159 : i32
    %add3A_11 = arith.constant 10112 : i32
    %add3A_12 = arith.addi %add3A, %add3A_11 : i32
    %lt3A_13 = arith.constant 10156 : i32
    %lt3A_14 = arith.cmpi slt, %add3A_12, %lt3A_13 : i32
    %and3A_15 = arith.constant true
    %and3A_16 = arith.andi %and3A_15, %lt3A_14 : i1
    %convert_element_type3A_17 = arith.extui %and3A_16 : i1 to i32
    %cond3A_18 = arith.constant 0 : i32
    %cond3A_19 = arith.cmpi ne, %convert_element_type3A_17, %cond3A_18 : i32
    scf.if %cond3A_19 {
      %mul3A_33 = arith.constant 32 : i32
      %mul3A_34 = arith.muli %add3A_12, %mul3A_33 : i32
      %dma_wait3A = arith.constant 0 : i32
      %dma_wait3A_35 = tpu.memref_slice %arg4[%mul3A_34, %dma_wait3A] : memref<325000x128xf32, #tpu.memory_space<hbm>> -> memref<32x128xf32, #tpu.memory_space<hbm>>
      %dma_wait3A_36 = arith.constant 0 : i32
      %dma_wait3A_37 = tpu.memref_slice %arg4[%mul3A_34, %dma_wait3A_36] : memref<325000x128xf32, #tpu.memory_space<hbm>> -> memref<32x128xf32, #tpu.memory_space<hbm>>
      tpu.wait_dma2 semaphore(%arg12 : memref<!tpu.dma_semaphore, #tpu.memory_space<semaphore_mem>>) src(%arg8 : memref<32x128xf32, #tpu.memory_space<vmem>>) dst(%dma_wait3A_37 : memref<32x128xf32, #tpu.memory_space<hbm>>)
    } else {
    }
    %add3A_20 = arith.constant 10144 : i32
    %add3A_21 = arith.addi %add3A, %add3A_20 : i32
    %lt3A_22 = arith.constant 10156 : i32
    %lt3A_23 = arith.cmpi slt, %add3A_21, %lt3A_22 : i32
    %and3A_24 = arith.constant true
    %and3A_25 = arith.andi %and3A_24, %lt3A_23 : i1
    %convert_element_type3A_26 = arith.extui %and3A_25 : i1 to i32
    %cond3A_27 = arith.constant 0 : i32
    %cond3A_28 = arith.cmpi ne, %convert_element_type3A_26, %cond3A_27 : i32
    scf.if %cond3A_28 {
      %mul3A_33 = arith.constant 32 : i32
      %mul3A_34 = arith.muli %add3A_21, %mul3A_33 : i32
      %dma_wait3A = arith.constant 0 : i32
      %dma_wait3A_35 = tpu.memref_slice %arg4[%mul3A_34, %dma_wait3A] : memref<325000x128xf32, #tpu.memory_space<hbm>> -> memref<32x128xf32, #tpu.memory_space<hbm>>
      %dma_wait3A_36 = arith.constant 0 : i32
      %dma_wait3A_37 = tpu.memref_slice %arg4[%mul3A_34, %dma_wait3A_36] : memref<325000x128xf32, #tpu.memory_space<hbm>> -> memref<32x128xf32, #tpu.memory_space<hbm>>
      tpu.wait_dma2 semaphore(%arg13 : memref<!tpu.dma_semaphore, #tpu.memory_space<semaphore_mem>>) src(%arg9 : memref<32x128xf32, #tpu.memory_space<vmem>>) dst(%dma_wait3A_37 : memref<32x128xf32, #tpu.memory_space<hbm>>)
    } else {
    }
    %eq3A = arith.constant 31 : i32
    %eq3A_29 = arith.cmpi eq, %add3A, %eq3A : i32
    %convert_element_type3A_30 = arith.extui %eq3A_29 : i1 to i32
    %cond3A_31 = arith.constant 0 : i32
    %cond3A_32 = arith.cmpi ne, %convert_element_type3A_30, %cond3A_31 : i32
    scf.if %cond3A_32 {
      "tpu.region"() ({
        %run_scoped3A = tpu.sem_alloc : memref<!tpu.dma_semaphore, #tpu.memory_space<semaphore_mem>>
        tpu.enqueue_dma source(%arg3 : memref<16x64xf32, #tpu.memory_space<hbm>>) target(%arg7 : memref<16x64xf32, #tpu.memory_space<vmem>>) target_semaphore(%run_scoped3A : memref<!tpu.dma_semaphore, #tpu.memory_space<semaphore_mem>>)
        tpu.wait_dma2 semaphore(%run_scoped3A : memref<!tpu.dma_semaphore, #tpu.memory_space<semaphore_mem>>) src(%arg3 : memref<16x64xf32, #tpu.memory_space<hbm>>) dst(%arg7 : memref<16x64xf32, #tpu.memory_space<vmem>>)
        tpu.yield
      }) : () -> ()
      %broadcast_in_dim3A = arith.constant 0 : i32
      %broadcast_in_dim3A_33 = vector.broadcast %broadcast_in_dim3A : i32 to vector<16xi32>
      %gather3A = tpu.vector_load_idx %arg7[%iota3A, %broadcast_in_dim3A_33] : memref<16x64xf32, #tpu.memory_space<vmem>>[vector<16xi32>, vector<16xi32>], vector<16xf32>,
      %swap3A = arith.constant 0 : i32
      %swap3A_34 = arith.index_cast %swap3A : i32 to index
      %swap3A_35 = arith.constant 0 : index
      %swap3A_36 = tpu.vector_load %arg8[%swap3A_34, %swap3A_35] {strides = array<i32>} : memref<32x128xf32, #tpu.memory_space<vmem>>, vector<16xf32>,
      tpu.vector_store %arg8[%swap3A_34, %swap3A_35], %gather3A {strides = array<i32>} : memref<32x128xf32, #tpu.memory_space<vmem>>, vector<16xf32>,
      %broadcast_in_dim3A_37 = arith.constant 1 : i32
      %broadcast_in_dim3A_38 = vector.broadcast %broadcast_in_dim3A_37 : i32 to vector<16xi32>
      %gather3A_39 = tpu.vector_load_idx %arg7[%iota3A, %broadcast_in_dim3A_38] : memref<16x64xf32, #tpu.memory_space<vmem>>[vector<16xi32>, vector<16xi32>], vector<16xf32>,
      %swap3A_40 = arith.constant 0 : i32
      %swap3A_41 = arith.index_cast %swap3A_40 : i32 to index
      %swap3A_42 = arith.constant 16 : index
      %swap3A_43 = tpu.vector_load %arg8[%swap3A_41, %swap3A_42] {strides = array<i32>} : memref<32x128xf32, #tpu.memory_space<vmem>>, vector<16xf32>,
      tpu.vector_store %arg8[%swap3A_41, %swap3A_42], %gather3A_39 {strides = array<i32>} : memref<32x128xf32, #tpu.memory_space<vmem>>, vector<16xf32>,
      %broadcast_in_dim3A_44 = arith.constant 2 : i32
      %broadcast_in_dim3A_45 = vector.broadcast %broadcast_in_dim3A_44 : i32 to vector<16xi32>
      %gather3A_46 = tpu.vector_load_idx %arg7[%iota3A, %broadcast_in_dim3A_45] : memref<16x64xf32, #tpu.memory_space<vmem>>[vector<16xi32>, vector<16xi32>], vector<16xf32>,
      %swap3A_47 = arith.constant 0 : i32
      %swap3A_48 = arith.index_cast %swap3A_47 : i32 to index
      %swap3A_49 = arith.constant 32 : index
      %swap3A_50 = tpu.vector_load %arg8[%swap3A_48, %swap3A_49] {strides = array<i32>} : memref<32x128xf32, #tpu.memory_space<vmem>>, vector<16xf32>,
      tpu.vector_store %arg8[%swap3A_48, %swap3A_49], %gather3A_46 {strides = array<i32>} : memref<32x128xf32, #tpu.memory_space<vmem>>, vector<16xf32>,
      %broadcast_in_dim3A_51 = arith.constant 3 : i32
      %broadcast_in_dim3A_52 = vector.broadcast %broadcast_in_dim3A_51 : i32 to vector<16xi32>
      %gather3A_53 = tpu.vector_load_idx %arg7[%iota3A, %broadcast_in_dim3A_52] : memref<16x64xf32, #tpu.memory_space<vmem>>[vector<16xi32>, vector<16xi32>], vector<16xf32>,
      %swap3A_54 = arith.constant 0 : i32
      %swap3A_55 = arith.index_cast %swap3A_54 : i32 to index
      %swap3A_56 = arith.constant 48 : index
      %swap3A_57 = tpu.vector_load %arg8[%swap3A_55, %swap3A_56] {strides = array<i32>} : memref<32x128xf32, #tpu.memory_space<vmem>>, vector<16xf32>,
      tpu.vector_store %arg8[%swap3A_55, %swap3A_56], %gather3A_53 {strides = array<i32>} : memref<32x128xf32, #tpu.memory_space<vmem>>, vector<16xf32>,
      %broadcast_in_dim3A_58 = arith.constant 4 : i32
      %broadcast_in_dim3A_59 = vector.broadcast %broadcast_in_dim3A_58 : i32 to vector<16xi32>
      %gather3A_60 = tpu.vector_load_idx %arg7[%iota3A, %broadcast_in_dim3A_59] : memref<16x64xf32, #tpu.memory_space<vmem>>[vector<16xi32>, vector<16xi32>], vector<16xf32>,
      %swap3A_61 = arith.constant 0 : i32
      %swap3A_62 = arith.index_cast %swap3A_61 : i32 to index
      %swap3A_63 = arith.constant 64 : index
      %swap3A_64 = tpu.vector_load %arg8[%swap3A_62, %swap3A_63] {strides = array<i32>} : memref<32x128xf32, #tpu.memory_space<vmem>>, vector<16xf32>,
      tpu.vector_store %arg8[%swap3A_62, %swap3A_63], %gather3A_60 {strides = array<i32>} : memref<32x128xf32, #tpu.memory_space<vmem>>, vector<16xf32>,
      %broadcast_in_dim3A_65 = arith.constant 5 : i32
      %broadcast_in_dim3A_66 = vector.broadcast %broadcast_in_dim3A_65 : i32 to vector<16xi32>
      %gather3A_67 = tpu.vector_load_idx %arg7[%iota3A, %broadcast_in_dim3A_66] : memref<16x64xf32, #tpu.memory_space<vmem>>[vector<16xi32>, vector<16xi32>], vector<16xf32>,
      %swap3A_68 = arith.constant 0 : i32
      %swap3A_69 = arith.index_cast %swap3A_68 : i32 to index
      %swap3A_70 = arith.constant 80 : index
      %swap3A_71 = tpu.vector_load %arg8[%swap3A_69, %swap3A_70] {strides = array<i32>} : memref<32x128xf32, #tpu.memory_space<vmem>>, vector<16xf32>,
      tpu.vector_store %arg8[%swap3A_69, %swap3A_70], %gather3A_67 {strides = array<i32>} : memref<32x128xf32, #tpu.memory_space<vmem>>, vector<16xf32>,
      %broadcast_in_dim3A_72 = arith.constant 6 : i32
      %broadcast_in_dim3A_73 = vector.broadcast %broadcast_in_dim3A_72 : i32 to vector<16xi32>
      %gather3A_74 = tpu.vector_load_idx %arg7[%iota3A, %broadcast_in_dim3A_73] : memref<16x64xf32, #tpu.memory_space<vmem>>[vector<16xi32>, vector<16xi32>], vector<16xf32>,
      %swap3A_75 = arith.constant 0 : i32
      %swap3A_76 = arith.index_cast %swap3A_75 : i32 to index
      %swap3A_77 = arith.constant 96 : index
      %swap3A_78 = tpu.vector_load %arg8[%swap3A_76, %swap3A_77] {strides = array<i32>} : memref<32x128xf32, #tpu.memory_space<vmem>>, vector<16xf32>,
      tpu.vector_store %arg8[%swap3A_76, %swap3A_77], %gather3A_74 {strides = array<i32>} : memref<32x128xf32, #tpu.memory_space<vmem>>, vector<16xf32>,
      %broadcast_in_dim3A_79 = arith.constant 7 : i32
      %broadcast_in_dim3A_80 = vector.broadcast %broadcast_in_dim3A_79 : i32 to vector<16xi32>
      %gather3A_81 = tpu.vector_load_idx %arg7[%iota3A, %broadcast_in_dim3A_80] : memref<16x64xf32, #tpu.memory_space<vmem>>[vector<16xi32>, vector<16xi32>], vector<16xf32>,
      %swap3A_82 = arith.constant 0 : i32
      %swap3A_83 = arith.index_cast %swap3A_82 : i32 to index
      %swap3A_84 = arith.constant 112 : index
      %swap3A_85 = tpu.vector_load %arg8[%swap3A_83, %swap3A_84] {strides = array<i32>} : memref<32x128xf32, #tpu.memory_space<vmem>>, vector<16xf32>,
      tpu.vector_store %arg8[%swap3A_83, %swap3A_84], %gather3A_81 {strides = array<i32>} : memref<32x128xf32, #tpu.memory_space<vmem>>, vector<16xf32>,
      %broadcast_in_dim3A_86 = arith.constant 8 : i32
      %broadcast_in_dim3A_87 = vector.broadcast %broadcast_in_dim3A_86 : i32 to vector<16xi32>
      %gather3A_88 = tpu.vector_load_idx %arg7[%iota3A, %broadcast_in_dim3A_87] : memref<16x64xf32, #tpu.memory_space<vmem>>[vector<16xi32>, vector<16xi32>], vector<16xf32>,
      %swap3A_89 = arith.constant 1 : i32
      %swap3A_90 = arith.index_cast %swap3A_89 : i32 to index
      %swap3A_91 = arith.constant 0 : index
      %swap3A_92 = tpu.vector_load %arg8[%swap3A_90, %swap3A_91] {strides = array<i32>} : memref<32x128xf32, #tpu.memory_space<vmem>>, vector<16xf32>,
      tpu.vector_store %arg8[%swap3A_90, %swap3A_91], %gather3A_88 {strides = array<i32>} : memref<32x128xf32, #tpu.memory_space<vmem>>, vector<16xf32>,
      %broadcast_in_dim3A_93 = arith.constant 9 : i32
      %broadcast_in_dim3A_94 = vector.broadcast %broadcast_in_dim3A_93 : i32 to vector<16xi32>
      %gather3A_95 = tpu.vector_load_idx %arg7[%iota3A, %broadcast_in_dim3A_94] : memref<16x64xf32, #tpu.memory_space<vmem>>[vector<16xi32>, vector<16xi32>], vector<16xf32>,
      %swap3A_96 = arith.constant 1 : i32
      %swap3A_97 = arith.index_cast %swap3A_96 : i32 to index
      %swap3A_98 = arith.constant 16 : index
      %swap3A_99 = tpu.vector_load %arg8[%swap3A_97, %swap3A_98] {strides = array<i32>} : memref<32x128xf32, #tpu.memory_space<vmem>>, vector<16xf32>,
      tpu.vector_store %arg8[%swap3A_97, %swap3A_98], %gather3A_95 {strides = array<i32>} : memref<32x128xf32, #tpu.memory_space<vmem>>, vector<16xf32>,
      %broadcast_in_dim3A_100 = arith.constant 10 : i32
      %broadcast_in_dim3A_101 = vector.broadcast %broadcast_in_dim3A_100 : i32 to vector<16xi32>
      %gather3A_102 = tpu.vector_load_idx %arg7[%iota3A, %broadcast_in_dim3A_101] : memref<16x64xf32, #tpu.memory_space<vmem>>[vector<16xi32>, vector<16xi32>], vector<16xf32>,
      %swap3A_103 = arith.constant 1 : i32
      %swap3A_104 = arith.index_cast %swap3A_103 : i32 to index
      %swap3A_105 = arith.constant 32 : index
      %swap3A_106 = tpu.vector_load %arg8[%swap3A_104, %swap3A_105] {strides = array<i32>} : memref<32x128xf32, #tpu.memory_space<vmem>>, vector<16xf32>,
      tpu.vector_store %arg8[%swap3A_104, %swap3A_105], %gather3A_102 {strides = array<i32>} : memref<32x128xf32, #tpu.memory_space<vmem>>, vector<16xf32>,
      %broadcast_in_dim3A_107 = arith.constant 11 : i32
      %broadcast_in_dim3A_108 = vector.broadcast %broadcast_in_dim3A_107 : i32 to vector<16xi32>
      %gather3A_109 = tpu.vector_load_idx %arg7[%iota3A, %broadcast_in_dim3A_108] : memref<16x64xf32, #tpu.memory_space<vmem>>[vector<16xi32>, vector<16xi32>], vector<16xf32>,
      %swap3A_110 = arith.constant 1 : i32
      %swap3A_111 = arith.index_cast %swap3A_110 : i32 to index
      %swap3A_112 = arith.constant 48 : index
      %swap3A_113 = tpu.vector_load %arg8[%swap3A_111, %swap3A_112] {strides = array<i32>} : memref<32x128xf32, #tpu.memory_space<vmem>>, vector<16xf32>,
      tpu.vector_store %arg8[%swap3A_111, %swap3A_112], %gather3A_109 {strides = array<i32>} : memref<32x128xf32, #tpu.memory_space<vmem>>, vector<16xf32>,
      %broadcast_in_dim3A_114 = arith.constant 12 : i32
      %broadcast_in_dim3A_115 = vector.broadcast %broadcast_in_dim3A_114 : i32 to vector<16xi32>
      %gather3A_116 = tpu.vector_load_idx %arg7[%iota3A, %broadcast_in_dim3A_115] : memref<16x64xf32, #tpu.memory_space<vmem>>[vector<16xi32>, vector<16xi32>], vector<16xf32>,
      %swap3A_117 = arith.constant 1 : i32
      %swap3A_118 = arith.index_cast %swap3A_117 : i32 to index
      %swap3A_119 = arith.constant 64 : index
      %swap3A_120 = tpu.vector_load %arg8[%swap3A_118, %swap3A_119] {strides = array<i32>} : memref<32x128xf32, #tpu.memory_space<vmem>>, vector<16xf32>,
      tpu.vector_store %arg8[%swap3A_118, %swap3A_119], %gather3A_116 {strides = array<i32>} : memref<32x128xf32, #tpu.memory_space<vmem>>, vector<16xf32>,
      %broadcast_in_dim3A_121 = arith.constant 13 : i32
      %broadcast_in_dim3A_122 = vector.broadcast %broadcast_in_dim3A_121 : i32 to vector<16xi32>
      %gather3A_123 = tpu.vector_load_idx %arg7[%iota3A, %broadcast_in_dim3A_122] : memref<16x64xf32, #tpu.memory_space<vmem>>[vector<16xi32>, vector<16xi32>], vector<16xf32>,
      %swap3A_124 = arith.constant 1 : i32
      %swap3A_125 = arith.index_cast %swap3A_124 : i32 to index
      %swap3A_126 = arith.constant 80 : index
      %swap3A_127 = tpu.vector_load %arg8[%swap3A_125, %swap3A_126] {strides = array<i32>} : memref<32x128xf32, #tpu.memory_space<vmem>>, vector<16xf32>,
      tpu.vector_store %arg8[%swap3A_125, %swap3A_126], %gather3A_123 {strides = array<i32>} : memref<32x128xf32, #tpu.memory_space<vmem>>, vector<16xf32>,
      %broadcast_in_dim3A_128 = arith.constant 14 : i32
      %broadcast_in_dim3A_129 = vector.broadcast %broadcast_in_dim3A_128 : i32 to vector<16xi32>
      %gather3A_130 = tpu.vector_load_idx %arg7[%iota3A, %broadcast_in_dim3A_129] : memref<16x64xf32, #tpu.memory_space<vmem>>[vector<16xi32>, vector<16xi32>], vector<16xf32>,
      %swap3A_131 = arith.constant 1 : i32
      %swap3A_132 = arith.index_cast %swap3A_131 : i32 to index
      %swap3A_133 = arith.constant 96 : index
      %swap3A_134 = tpu.vector_load %arg8[%swap3A_132, %swap3A_133] {strides = array<i32>} : memref<32x128xf32, #tpu.memory_space<vmem>>, vector<16xf32>,
      tpu.vector_store %arg8[%swap3A_132, %swap3A_133], %gather3A_130 {strides = array<i32>} : memref<32x128xf32, #tpu.memory_space<vmem>>, vector<16xf32>,
      %broadcast_in_dim3A_135 = arith.constant 15 : i32
      %broadcast_in_dim3A_136 = vector.broadcast %broadcast_in_dim3A_135 : i32 to vector<16xi32>
      %gather3A_137 = tpu.vector_load_idx %arg7[%iota3A, %broadcast_in_dim3A_136] : memref<16x64xf32, #tpu.memory_space<vmem>>[vector<16xi32>, vector<16xi32>], vector<16xf32>,
      %swap3A_138 = arith.constant 1 : i32
      %swap3A_139 = arith.index_cast %swap3A_138 : i32 to index
      %swap3A_140 = arith.constant 112 : index
      %swap3A_141 = tpu.vector_load %arg8[%swap3A_139, %swap3A_140] {strides = array<i32>} : memref<32x128xf32, #tpu.memory_space<vmem>>, vector<16xf32>,
      tpu.vector_store %arg8[%swap3A_139, %swap3A_140], %gather3A_137 {strides = array<i32>} : memref<32x128xf32, #tpu.memory_space<vmem>>, vector<16xf32>,
      %broadcast_in_dim3A_142 = arith.constant 16 : i32
      %broadcast_in_dim3A_143 = vector.broadcast %broadcast_in_dim3A_142 : i32 to vector<16xi32>
      %gather3A_144 = tpu.vector_load_idx %arg7[%iota3A, %broadcast_in_dim3A_143] : memref<16x64xf32, #tpu.memory_space<vmem>>[vector<16xi32>, vector<16xi32>], vector<16xf32>,
      %swap3A_145 = arith.constant 2 : i32
      %swap3A_146 = arith.index_cast %swap3A_145 : i32 to index
      %swap3A_147 = arith.constant 0 : index
      %swap3A_148 = tpu.vector_load %arg8[%swap3A_146, %swap3A_147] {strides = array<i32>} : memref<32x128xf32, #tpu.memory_space<vmem>>, vector<16xf32>,
      tpu.vector_store %arg8[%swap3A_146, %swap3A_147], %gather3A_144 {strides = array<i32>} : memref<32x128xf32, #tpu.memory_space<vmem>>, vector<16xf32>,
      %broadcast_in_dim3A_149 = arith.constant 17 : i32
      %broadcast_in_dim3A_150 = vector.broadcast %broadcast_in_dim3A_149 : i32 to vector<16xi32>
      %gather3A_151 = tpu.vector_load_idx %arg7[%iota3A, %broadcast_in_dim3A_150] : memref<16x64xf32, #tpu.memory_space<vmem>>[vector<16xi32>, vector<16xi32>], vector<16xf32>,
      %swap3A_152 = arith.constant 2 : i32
      %swap3A_153 = arith.index_cast %swap3A_152 : i32 to index
      %swap3A_154 = arith.constant 16 : index
      %swap3A_155 = tpu.vector_load %arg8[%swap3A_153, %swap3A_154] {strides = array<i32>} : memref<32x128xf32, #tpu.memory_space<vmem>>, vector<16xf32>,
      tpu.vector_store %arg8[%swap3A_153, %swap3A_154], %gather3A_151 {strides = array<i32>} : memref<32x128xf32, #tpu.memory_space<vmem>>, vector<16xf32>,
      %broadcast_in_dim3A_156 = arith.constant 18 : i32
      %broadcast_in_dim3A_157 = vector.broadcast %broadcast_in_dim3A_156 : i32 to vector<16xi32>
      %gather3A_158 = tpu.vector_load_idx %arg7[%iota3A, %broadcast_in_dim3A_157] : memref<16x64xf32, #tpu.memory_space<vmem>>[vector<16xi32>, vector<16xi32>], vector<16xf32>,
      %swap3A_159 = arith.constant 2 : i32
      %swap3A_160 = arith.index_cast %swap3A_159 : i32 to index
      %swap3A_161 = arith.constant 32 : index
      %swap3A_162 = tpu.vector_load %arg8[%swap3A_160, %swap3A_161] {strides = array<i32>} : memref<32x128xf32, #tpu.memory_space<vmem>>, vector<16xf32>,
      tpu.vector_store %arg8[%swap3A_160, %swap3A_161], %gather3A_158 {strides = array<i32>} : memref<32x128xf32, #tpu.memory_space<vmem>>, vector<16xf32>,
      %broadcast_in_dim3A_163 = arith.constant 19 : i32
      %broadcast_in_dim3A_164 = vector.broadcast %broadcast_in_dim3A_163 : i32 to vector<16xi32>
      %gather3A_165 = tpu.vector_load_idx %arg7[%iota3A, %broadcast_in_dim3A_164] : memref<16x64xf32, #tpu.memory_space<vmem>>[vector<16xi32>, vector<16xi32>], vector<16xf32>,
      %swap3A_166 = arith.constant 2 : i32
      %swap3A_167 = arith.index_cast %swap3A_166 : i32 to index
      %swap3A_168 = arith.constant 48 : index
      %swap3A_169 = tpu.vector_load %arg8[%swap3A_167, %swap3A_168] {strides = array<i32>} : memref<32x128xf32, #tpu.memory_space<vmem>>, vector<16xf32>,
      tpu.vector_store %arg8[%swap3A_167, %swap3A_168], %gather3A_165 {strides = array<i32>} : memref<32x128xf32, #tpu.memory_space<vmem>>, vector<16xf32>,
      %broadcast_in_dim3A_170 = arith.constant 20 : i32
      %broadcast_in_dim3A_171 = vector.broadcast %broadcast_in_dim3A_170 : i32 to vector<16xi32>
      %gather3A_172 = tpu.vector_load_idx %arg7[%iota3A, %broadcast_in_dim3A_171] : memref<16x64xf32, #tpu.memory_space<vmem>>[vector<16xi32>, vector<16xi32>], vector<16xf32>,
      %swap3A_173 = arith.constant 2 : i32
      %swap3A_174 = arith.index_cast %swap3A_173 : i32 to index
      %swap3A_175 = arith.constant 64 : index
      %swap3A_176 = tpu.vector_load %arg8[%swap3A_174, %swap3A_175] {strides = array<i32>} : memref<32x128xf32, #tpu.memory_space<vmem>>, vector<16xf32>,
      tpu.vector_store %arg8[%swap3A_174, %swap3A_175], %gather3A_172 {strides = array<i32>} : memref<32x128xf32, #tpu.memory_space<vmem>>, vector<16xf32>,
      %broadcast_in_dim3A_177 = arith.constant 21 : i32
      %broadcast_in_dim3A_178 = vector.broadcast %broadcast_in_dim3A_177 : i32 to vector<16xi32>
      %gather3A_179 = tpu.vector_load_idx %arg7[%iota3A, %broadcast_in_dim3A_178] : memref<16x64xf32, #tpu.memory_space<vmem>>[vector<16xi32>, vector<16xi32>], vector<16xf32>,
      %swap3A_180 = arith.constant 2 : i32
      %swap3A_181 = arith.index_cast %swap3A_180 : i32 to index
      %swap3A_182 = arith.constant 80 : index
      %swap3A_183 = tpu.vector_load %arg8[%swap3A_181, %swap3A_182] {strides = array<i32>} : memref<32x128xf32, #tpu.memory_space<vmem>>, vector<16xf32>,
      tpu.vector_store %arg8[%swap3A_181, %swap3A_182], %gather3A_179 {strides = array<i32>} : memref<32x128xf32, #tpu.memory_space<vmem>>, vector<16xf32>,
      %broadcast_in_dim3A_184 = arith.constant 22 : i32
      %broadcast_in_dim3A_185 = vector.broadcast %broadcast_in_dim3A_184 : i32 to vector<16xi32>
      %gather3A_186 = tpu.vector_load_idx %arg7[%iota3A, %broadcast_in_dim3A_185] : memref<16x64xf32, #tpu.memory_space<vmem>>[vector<16xi32>, vector<16xi32>], vector<16xf32>,
      %swap3A_187 = arith.constant 2 : i32
      %swap3A_188 = arith.index_cast %swap3A_187 : i32 to index
      %swap3A_189 = arith.constant 96 : index
      %swap3A_190 = tpu.vector_load %arg8[%swap3A_188, %swap3A_189] {strides = array<i32>} : memref<32x128xf32, #tpu.memory_space<vmem>>, vector<16xf32>,
      tpu.vector_store %arg8[%swap3A_188, %swap3A_189], %gather3A_186 {strides = array<i32>} : memref<32x128xf32, #tpu.memory_space<vmem>>, vector<16xf32>,
      %broadcast_in_dim3A_191 = arith.constant 23 : i32
      %broadcast_in_dim3A_192 = vector.broadcast %broadcast_in_dim3A_191 : i32 to vector<16xi32>
      %gather3A_193 = tpu.vector_load_idx %arg7[%iota3A, %broadcast_in_dim3A_192] : memref<16x64xf32, #tpu.memory_space<vmem>>[vector<16xi32>, vector<16xi32>], vector<16xf32>,
      %swap3A_194 = arith.constant 2 : i32
      %swap3A_195 = arith.index_cast %swap3A_194 : i32 to index
      %swap3A_196 = arith.constant 112 : index
      %swap3A_197 = tpu.vector_load %arg8[%swap3A_195, %swap3A_196] {strides = array<i32>} : memref<32x128xf32, #tpu.memory_space<vmem>>, vector<16xf32>,
      tpu.vector_store %arg8[%swap3A_195, %swap3A_196], %gather3A_193 {strides = array<i32>} : memref<32x128xf32, #tpu.memory_space<vmem>>, vector<16xf32>,
      %broadcast_in_dim3A_198 = arith.constant 24 : i32
      %broadcast_in_dim3A_199 = vector.broadcast %broadcast_in_dim3A_198 : i32 to vector<16xi32>
      %gather3A_200 = tpu.vector_load_idx %arg7[%iota3A, %broadcast_in_dim3A_199] : memref<16x64xf32, #tpu.memory_space<vmem>>[vector<16xi32>, vector<16xi32>], vector<16xf32>,
      %swap3A_201 = arith.constant 3 : i32
      %swap3A_202 = arith.index_cast %swap3A_201 : i32 to index
      %swap3A_203 = arith.constant 0 : index
      %swap3A_204 = tpu.vector_load %arg8[%swap3A_202, %swap3A_203] {strides = array<i32>} : memref<32x128xf32, #tpu.memory_space<vmem>>, vector<16xf32>,
      tpu.vector_store %arg8[%swap3A_202, %swap3A_203], %gather3A_200 {strides = array<i32>} : memref<32x128xf32, #tpu.memory_space<vmem>>, vector<16xf32>,
      %broadcast_in_dim3A_205 = arith.constant 25 : i32
      %broadcast_in_dim3A_206 = vector.broadcast %broadcast_in_dim3A_205 : i32 to vector<16xi32>
      %gather3A_207 = tpu.vector_load_idx %arg7[%iota3A, %broadcast_in_dim3A_206] : memref<16x64xf32, #tpu.memory_space<vmem>>[vector<16xi32>, vector<16xi32>], vector<16xf32>,
      %swap3A_208 = arith.constant 3 : i32
      %swap3A_209 = arith.index_cast %swap3A_208 : i32 to index
      %swap3A_210 = arith.constant 16 : index
      %swap3A_211 = tpu.vector_load %arg8[%swap3A_209, %swap3A_210] {strides = array<i32>} : memref<32x128xf32, #tpu.memory_space<vmem>>, vector<16xf32>,
      tpu.vector_store %arg8[%swap3A_209, %swap3A_210], %gather3A_207 {strides = array<i32>} : memref<32x128xf32, #tpu.memory_space<vmem>>, vector<16xf32>,
      %broadcast_in_dim3A_212 = arith.constant 26 : i32
      %broadcast_in_dim3A_213 = vector.broadcast %broadcast_in_dim3A_212 : i32 to vector<16xi32>
      %gather3A_214 = tpu.vector_load_idx %arg7[%iota3A, %broadcast_in_dim3A_213] : memref<16x64xf32, #tpu.memory_space<vmem>>[vector<16xi32>, vector<16xi32>], vector<16xf32>,
      %swap3A_215 = arith.constant 3 : i32
      %swap3A_216 = arith.index_cast %swap3A_215 : i32 to index
      %swap3A_217 = arith.constant 32 : index
      %swap3A_218 = tpu.vector_load %arg8[%swap3A_216, %swap3A_217] {strides = array<i32>} : memref<32x128xf32, #tpu.memory_space<vmem>>, vector<16xf32>,
      tpu.vector_store %arg8[%swap3A_216, %swap3A_217], %gather3A_214 {strides = array<i32>} : memref<32x128xf32, #tpu.memory_space<vmem>>, vector<16xf32>,
      %broadcast_in_dim3A_219 = arith.constant 27 : i32
      %broadcast_in_dim3A_220 = vector.broadcast %broadcast_in_dim3A_219 : i32 to vector<16xi32>
      %gather3A_221 = tpu.vector_load_idx %arg7[%iota3A, %broadcast_in_dim3A_220] : memref<16x64xf32, #tpu.memory_space<vmem>>[vector<16xi32>, vector<16xi32>], vector<16xf32>,
      %swap3A_222 = arith.constant 3 : i32
      %swap3A_223 = arith.index_cast %swap3A_222 : i32 to index
      %swap3A_224 = arith.constant 48 : index
      %swap3A_225 = tpu.vector_load %arg8[%swap3A_223, %swap3A_224] {strides = array<i32>} : memref<32x128xf32, #tpu.memory_space<vmem>>, vector<16xf32>,
      tpu.vector_store %arg8[%swap3A_223, %swap3A_224], %gather3A_221 {strides = array<i32>} : memref<32x128xf32, #tpu.memory_space<vmem>>, vector<16xf32>,
      %broadcast_in_dim3A_226 = arith.constant 28 : i32
      %broadcast_in_dim3A_227 = vector.broadcast %broadcast_in_dim3A_226 : i32 to vector<16xi32>
      %gather3A_228 = tpu.vector_load_idx %arg7[%iota3A, %broadcast_in_dim3A_227] : memref<16x64xf32, #tpu.memory_space<vmem>>[vector<16xi32>, vector<16xi32>], vector<16xf32>,
      %swap3A_229 = arith.constant 3 : i32
      %swap3A_230 = arith.index_cast %swap3A_229 : i32 to index
      %swap3A_231 = arith.constant 64 : index
      %swap3A_232 = tpu.vector_load %arg8[%swap3A_230, %swap3A_231] {strides = array<i32>} : memref<32x128xf32, #tpu.memory_space<vmem>>, vector<16xf32>,
      tpu.vector_store %arg8[%swap3A_230, %swap3A_231], %gather3A_228 {strides = array<i32>} : memref<32x128xf32, #tpu.memory_space<vmem>>, vector<16xf32>,
      %broadcast_in_dim3A_233 = arith.constant 29 : i32
      %broadcast_in_dim3A_234 = vector.broadcast %broadcast_in_dim3A_233 : i32 to vector<16xi32>
      %gather3A_235 = tpu.vector_load_idx %arg7[%iota3A, %broadcast_in_dim3A_234] : memref<16x64xf32, #tpu.memory_space<vmem>>[vector<16xi32>, vector<16xi32>], vector<16xf32>,
      %swap3A_236 = arith.constant 3 : i32
      %swap3A_237 = arith.index_cast %swap3A_236 : i32 to index
      %swap3A_238 = arith.constant 80 : index
      %swap3A_239 = tpu.vector_load %arg8[%swap3A_237, %swap3A_238] {strides = array<i32>} : memref<32x128xf32, #tpu.memory_space<vmem>>, vector<16xf32>,
      tpu.vector_store %arg8[%swap3A_237, %swap3A_238], %gather3A_235 {strides = array<i32>} : memref<32x128xf32, #tpu.memory_space<vmem>>, vector<16xf32>,
      %broadcast_in_dim3A_240 = arith.constant 30 : i32
      %broadcast_in_dim3A_241 = vector.broadcast %broadcast_in_dim3A_240 : i32 to vector<16xi32>
      %gather3A_242 = tpu.vector_load_idx %arg7[%iota3A, %broadcast_in_dim3A_241] : memref<16x64xf32, #tpu.memory_space<vmem>>[vector<16xi32>, vector<16xi32>], vector<16xf32>,
      %swap3A_243 = arith.constant 3 : i32
      %swap3A_244 = arith.index_cast %swap3A_243 : i32 to index
      %swap3A_245 = arith.constant 96 : index
      %swap3A_246 = tpu.vector_load %arg8[%swap3A_244, %swap3A_245] {strides = array<i32>} : memref<32x128xf32, #tpu.memory_space<vmem>>, vector<16xf32>,
      tpu.vector_store %arg8[%swap3A_244, %swap3A_245], %gather3A_242 {strides = array<i32>} : memref<32x128xf32, #tpu.memory_space<vmem>>, vector<16xf32>,
      %broadcast_in_dim3A_247 = arith.constant 31 : i32
      %broadcast_in_dim3A_248 = vector.broadcast %broadcast_in_dim3A_247 : i32 to vector<16xi32>
      %gather3A_249 = tpu.vector_load_idx %arg7[%iota3A, %broadcast_in_dim3A_248] : memref<16x64xf32, #tpu.memory_space<vmem>>[vector<16xi32>, vector<16xi32>], vector<16xf32>,
      %swap3A_250 = arith.constant 3 : i32
      %swap3A_251 = arith.index_cast %swap3A_250 : i32 to index
      %swap3A_252 = arith.constant 112 : index
      %swap3A_253 = tpu.vector_load %arg8[%swap3A_251, %swap3A_252] {strides = array<i32>} : memref<32x128xf32, #tpu.memory_space<vmem>>, vector<16xf32>,
      tpu.vector_store %arg8[%swap3A_251, %swap3A_252], %gather3A_249 {strides = array<i32>} : memref<32x128xf32, #tpu.memory_space<vmem>>, vector<16xf32>,
      %broadcast_in_dim3A_254 = arith.constant 32 : i32
      %broadcast_in_dim3A_255 = vector.broadcast %broadcast_in_dim3A_254 : i32 to vector<16xi32>
      %gather3A_256 = tpu.vector_load_idx %arg7[%iota3A, %broadcast_in_dim3A_255] : memref<16x64xf32, #tpu.memory_space<vmem>>[vector<16xi32>, vector<16xi32>], vector<16xf32>,
      %swap3A_257 = arith.constant 4 : i32
      %swap3A_258 = arith.index_cast %swap3A_257 : i32 to index
      %swap3A_259 = arith.constant 0 : index
      %swap3A_260 = tpu.vector_load %arg8[%swap3A_258, %swap3A_259] {strides = array<i32>} : memref<32x128xf32, #tpu.memory_space<vmem>>, vector<16xf32>,
      tpu.vector_store %arg8[%swap3A_258, %swap3A_259], %gather3A_256 {strides = array<i32>} : memref<32x128xf32, #tpu.memory_space<vmem>>, vector<16xf32>,
      %broadcast_in_dim3A_261 = arith.constant 33 : i32
      %broadcast_in_dim3A_262 = vector.broadcast %broadcast_in_dim3A_261 : i32 to vector<16xi32>
      %gather3A_263 = tpu.vector_load_idx %arg7[%iota3A, %broadcast_in_dim3A_262] : memref<16x64xf32, #tpu.memory_space<vmem>>[vector<16xi32>, vector<16xi32>], vector<16xf32>,
      %swap3A_264 = arith.constant 4 : i32
      %swap3A_265 = arith.index_cast %swap3A_264 : i32 to index
      %swap3A_266 = arith.constant 16 : index
      %swap3A_267 = tpu.vector_load %arg8[%swap3A_265, %swap3A_266] {strides = array<i32>} : memref<32x128xf32, #tpu.memory_space<vmem>>, vector<16xf32>,
      tpu.vector_store %arg8[%swap3A_265, %swap3A_266], %gather3A_263 {strides = array<i32>} : memref<32x128xf32, #tpu.memory_space<vmem>>, vector<16xf32>,
      %broadcast_in_dim3A_268 = arith.constant 34 : i32
      %broadcast_in_dim3A_269 = vector.broadcast %broadcast_in_dim3A_268 : i32 to vector<16xi32>
      %gather3A_270 = tpu.vector_load_idx %arg7[%iota3A, %broadcast_in_dim3A_269] : memref<16x64xf32, #tpu.memory_space<vmem>>[vector<16xi32>, vector<16xi32>], vector<16xf32>,
      %swap3A_271 = arith.constant 4 : i32
      %swap3A_272 = arith.index_cast %swap3A_271 : i32 to index
      %swap3A_273 = arith.constant 32 : index
      %swap3A_274 = tpu.vector_load %arg8[%swap3A_272, %swap3A_273] {strides = array<i32>} : memref<32x128xf32, #tpu.memory_space<vmem>>, vector<16xf32>,
      tpu.vector_store %arg8[%swap3A_272, %swap3A_273], %gather3A_270 {strides = array<i32>} : memref<32x128xf32, #tpu.memory_space<vmem>>, vector<16xf32>,
      %broadcast_in_dim3A_275 = arith.constant 35 : i32
      %broadcast_in_dim3A_276 = vector.broadcast %broadcast_in_dim3A_275 : i32 to vector<16xi32>
      %gather3A_277 = tpu.vector_load_idx %arg7[%iota3A, %broadcast_in_dim3A_276] : memref<16x64xf32, #tpu.memory_space<vmem>>[vector<16xi32>, vector<16xi32>], vector<16xf32>,
      %swap3A_278 = arith.constant 4 : i32
      %swap3A_279 = arith.index_cast %swap3A_278 : i32 to index
      %swap3A_280 = arith.constant 48 : index
      %swap3A_281 = tpu.vector_load %arg8[%swap3A_279, %swap3A_280] {strides = array<i32>} : memref<32x128xf32, #tpu.memory_space<vmem>>, vector<16xf32>,
      tpu.vector_store %arg8[%swap3A_279, %swap3A_280], %gather3A_277 {strides = array<i32>} : memref<32x128xf32, #tpu.memory_space<vmem>>, vector<16xf32>,
      %broadcast_in_dim3A_282 = arith.constant 36 : i32
      %broadcast_in_dim3A_283 = vector.broadcast %broadcast_in_dim3A_282 : i32 to vector<16xi32>
      %gather3A_284 = tpu.vector_load_idx %arg7[%iota3A, %broadcast_in_dim3A_283] : memref<16x64xf32, #tpu.memory_space<vmem>>[vector<16xi32>, vector<16xi32>], vector<16xf32>,
      %swap3A_285 = arith.constant 4 : i32
      %swap3A_286 = arith.index_cast %swap3A_285 : i32 to index
      %swap3A_287 = arith.constant 64 : index
      %swap3A_288 = tpu.vector_load %arg8[%swap3A_286, %swap3A_287] {strides = array<i32>} : memref<32x128xf32, #tpu.memory_space<vmem>>, vector<16xf32>,
      tpu.vector_store %arg8[%swap3A_286, %swap3A_287], %gather3A_284 {strides = array<i32>} : memref<32x128xf32, #tpu.memory_space<vmem>>, vector<16xf32>,
      %broadcast_in_dim3A_289 = arith.constant 37 : i32
      %broadcast_in_dim3A_290 = vector.broadcast %broadcast_in_dim3A_289 : i32 to vector<16xi32>
      %gather3A_291 = tpu.vector_load_idx %arg7[%iota3A, %broadcast_in_dim3A_290] : memref<16x64xf32, #tpu.memory_space<vmem>>[vector<16xi32>, vector<16xi32>], vector<16xf32>,
      %swap3A_292 = arith.constant 4 : i32
      %swap3A_293 = arith.index_cast %swap3A_292 : i32 to index
      %swap3A_294 = arith.constant 80 : index
      %swap3A_295 = tpu.vector_load %arg8[%swap3A_293, %swap3A_294] {strides = array<i32>} : memref<32x128xf32, #tpu.memory_space<vmem>>, vector<16xf32>,
      tpu.vector_store %arg8[%swap3A_293, %swap3A_294], %gather3A_291 {strides = array<i32>} : memref<32x128xf32, #tpu.memory_space<vmem>>, vector<16xf32>,
      %broadcast_in_dim3A_296 = arith.constant 38 : i32
      %broadcast_in_dim3A_297 = vector.broadcast %broadcast_in_dim3A_296 : i32 to vector<16xi32>
      %gather3A_298 = tpu.vector_load_idx %arg7[%iota3A, %broadcast_in_dim3A_297] : memref<16x64xf32, #tpu.memory_space<vmem>>[vector<16xi32>, vector<16xi32>], vector<16xf32>,
      %swap3A_299 = arith.constant 4 : i32
      %swap3A_300 = arith.index_cast %swap3A_299 : i32 to index
      %swap3A_301 = arith.constant 96 : index
      %swap3A_302 = tpu.vector_load %arg8[%swap3A_300, %swap3A_301] {strides = array<i32>} : memref<32x128xf32, #tpu.memory_space<vmem>>, vector<16xf32>,
      tpu.vector_store %arg8[%swap3A_300, %swap3A_301], %gather3A_298 {strides = array<i32>} : memref<32x128xf32, #tpu.memory_space<vmem>>, vector<16xf32>,
      %broadcast_in_dim3A_303 = arith.constant 39 : i32
      %broadcast_in_dim3A_304 = vector.broadcast %broadcast_in_dim3A_303 : i32 to vector<16xi32>
      %gather3A_305 = tpu.vector_load_idx %arg7[%iota3A, %broadcast_in_dim3A_304] : memref<16x64xf32, #tpu.memory_space<vmem>>[vector<16xi32>, vector<16xi32>], vector<16xf32>,
      %swap3A_306 = arith.constant 4 : i32
      %swap3A_307 = arith.index_cast %swap3A_306 : i32 to index
      %swap3A_308 = arith.constant 112 : index
      %swap3A_309 = tpu.vector_load %arg8[%swap3A_307, %swap3A_308] {strides = array<i32>} : memref<32x128xf32, #tpu.memory_space<vmem>>, vector<16xf32>,
      tpu.vector_store %arg8[%swap3A_307, %swap3A_308], %gather3A_305 {strides = array<i32>} : memref<32x128xf32, #tpu.memory_space<vmem>>, vector<16xf32>,
      %broadcast_in_dim3A_310 = arith.constant 40 : i32
      %broadcast_in_dim3A_311 = vector.broadcast %broadcast_in_dim3A_310 : i32 to vector<16xi32>
      %gather3A_312 = tpu.vector_load_idx %arg7[%iota3A, %broadcast_in_dim3A_311] : memref<16x64xf32, #tpu.memory_space<vmem>>[vector<16xi32>, vector<16xi32>], vector<16xf32>,
      %swap3A_313 = arith.constant 5 : i32
      %swap3A_314 = arith.index_cast %swap3A_313 : i32 to index
      %swap3A_315 = arith.constant 0 : index
      %swap3A_316 = tpu.vector_load %arg8[%swap3A_314, %swap3A_315] {strides = array<i32>} : memref<32x128xf32, #tpu.memory_space<vmem>>, vector<16xf32>,
      tpu.vector_store %arg8[%swap3A_314, %swap3A_315], %gather3A_312 {strides = array<i32>} : memref<32x128xf32, #tpu.memory_space<vmem>>, vector<16xf32>,
      %broadcast_in_dim3A_317 = arith.constant 41 : i32
      %broadcast_in_dim3A_318 = vector.broadcast %broadcast_in_dim3A_317 : i32 to vector<16xi32>
      %gather3A_319 = tpu.vector_load_idx %arg7[%iota3A, %broadcast_in_dim3A_318] : memref<16x64xf32, #tpu.memory_space<vmem>>[vector<16xi32>, vector<16xi32>], vector<16xf32>,
      %swap3A_320 = arith.constant 5 : i32
      %swap3A_321 = arith.index_cast %swap3A_320 : i32 to index
      %swap3A_322 = arith.constant 16 : index
      %swap3A_323 = tpu.vector_load %arg8[%swap3A_321, %swap3A_322] {strides = array<i32>} : memref<32x128xf32, #tpu.memory_space<vmem>>, vector<16xf32>,
      tpu.vector_store %arg8[%swap3A_321, %swap3A_322], %gather3A_319 {strides = array<i32>} : memref<32x128xf32, #tpu.memory_space<vmem>>, vector<16xf32>,
      %broadcast_in_dim3A_324 = arith.constant 42 : i32
      %broadcast_in_dim3A_325 = vector.broadcast %broadcast_in_dim3A_324 : i32 to vector<16xi32>
      %gather3A_326 = tpu.vector_load_idx %arg7[%iota3A, %broadcast_in_dim3A_325] : memref<16x64xf32, #tpu.memory_space<vmem>>[vector<16xi32>, vector<16xi32>], vector<16xf32>,
      %swap3A_327 = arith.constant 5 : i32
      %swap3A_328 = arith.index_cast %swap3A_327 : i32 to index
      %swap3A_329 = arith.constant 32 : index
      %swap3A_330 = tpu.vector_load %arg8[%swap3A_328, %swap3A_329] {strides = array<i32>} : memref<32x128xf32, #tpu.memory_space<vmem>>, vector<16xf32>,
      tpu.vector_store %arg8[%swap3A_328, %swap3A_329], %gather3A_326 {strides = array<i32>} : memref<32x128xf32, #tpu.memory_space<vmem>>, vector<16xf32>,
      %broadcast_in_dim3A_331 = arith.constant 43 : i32
      %broadcast_in_dim3A_332 = vector.broadcast %broadcast_in_dim3A_331 : i32 to vector<16xi32>
      %gather3A_333 = tpu.vector_load_idx %arg7[%iota3A, %broadcast_in_dim3A_332] : memref<16x64xf32, #tpu.memory_space<vmem>>[vector<16xi32>, vector<16xi32>], vector<16xf32>,
      %swap3A_334 = arith.constant 5 : i32
      %swap3A_335 = arith.index_cast %swap3A_334 : i32 to index
      %swap3A_336 = arith.constant 48 : index
      %swap3A_337 = tpu.vector_load %arg8[%swap3A_335, %swap3A_336] {strides = array<i32>} : memref<32x128xf32, #tpu.memory_space<vmem>>, vector<16xf32>,
      tpu.vector_store %arg8[%swap3A_335, %swap3A_336], %gather3A_333 {strides = array<i32>} : memref<32x128xf32, #tpu.memory_space<vmem>>, vector<16xf32>,
      %broadcast_in_dim3A_338 = arith.constant 44 : i32
      %broadcast_in_dim3A_339 = vector.broadcast %broadcast_in_dim3A_338 : i32 to vector<16xi32>
      %gather3A_340 = tpu.vector_load_idx %arg7[%iota3A, %broadcast_in_dim3A_339] : memref<16x64xf32, #tpu.memory_space<vmem>>[vector<16xi32>, vector<16xi32>], vector<16xf32>,
      %swap3A_341 = arith.constant 5 : i32
      %swap3A_342 = arith.index_cast %swap3A_341 : i32 to index
      %swap3A_343 = arith.constant 64 : index
      %swap3A_344 = tpu.vector_load %arg8[%swap3A_342, %swap3A_343] {strides = array<i32>} : memref<32x128xf32, #tpu.memory_space<vmem>>, vector<16xf32>,
      tpu.vector_store %arg8[%swap3A_342, %swap3A_343], %gather3A_340 {strides = array<i32>} : memref<32x128xf32, #tpu.memory_space<vmem>>, vector<16xf32>,
      %broadcast_in_dim3A_345 = arith.constant 45 : i32
      %broadcast_in_dim3A_346 = vector.broadcast %broadcast_in_dim3A_345 : i32 to vector<16xi32>
      %gather3A_347 = tpu.vector_load_idx %arg7[%iota3A, %broadcast_in_dim3A_346] : memref<16x64xf32, #tpu.memory_space<vmem>>[vector<16xi32>, vector<16xi32>], vector<16xf32>,
      %swap3A_348 = arith.constant 5 : i32
      %swap3A_349 = arith.index_cast %swap3A_348 : i32 to index
      %swap3A_350 = arith.constant 80 : index
      %swap3A_351 = tpu.vector_load %arg8[%swap3A_349, %swap3A_350] {strides = array<i32>} : memref<32x128xf32, #tpu.memory_space<vmem>>, vector<16xf32>,
      tpu.vector_store %arg8[%swap3A_349, %swap3A_350], %gather3A_347 {strides = array<i32>} : memref<32x128xf32, #tpu.memory_space<vmem>>, vector<16xf32>,
      %broadcast_in_dim3A_352 = arith.constant 46 : i32
      %broadcast_in_dim3A_353 = vector.broadcast %broadcast_in_dim3A_352 : i32 to vector<16xi32>
      %gather3A_354 = tpu.vector_load_idx %arg7[%iota3A, %broadcast_in_dim3A_353] : memref<16x64xf32, #tpu.memory_space<vmem>>[vector<16xi32>, vector<16xi32>], vector<16xf32>,
      %swap3A_355 = arith.constant 5 : i32
      %swap3A_356 = arith.index_cast %swap3A_355 : i32 to index
      %swap3A_357 = arith.constant 96 : index
      %swap3A_358 = tpu.vector_load %arg8[%swap3A_356, %swap3A_357] {strides = array<i32>} : memref<32x128xf32, #tpu.memory_space<vmem>>, vector<16xf32>,
      tpu.vector_store %arg8[%swap3A_356, %swap3A_357], %gather3A_354 {strides = array<i32>} : memref<32x128xf32, #tpu.memory_space<vmem>>, vector<16xf32>,
      %broadcast_in_dim3A_359 = arith.constant 47 : i32
      %broadcast_in_dim3A_360 = vector.broadcast %broadcast_in_dim3A_359 : i32 to vector<16xi32>
      %gather3A_361 = tpu.vector_load_idx %arg7[%iota3A, %broadcast_in_dim3A_360] : memref<16x64xf32, #tpu.memory_space<vmem>>[vector<16xi32>, vector<16xi32>], vector<16xf32>,
      %swap3A_362 = arith.constant 5 : i32
      %swap3A_363 = arith.index_cast %swap3A_362 : i32 to index
      %swap3A_364 = arith.constant 112 : index
      %swap3A_365 = tpu.vector_load %arg8[%swap3A_363, %swap3A_364] {strides = array<i32>} : memref<32x128xf32, #tpu.memory_space<vmem>>, vector<16xf32>,
      tpu.vector_store %arg8[%swap3A_363, %swap3A_364], %gather3A_361 {strides = array<i32>} : memref<32x128xf32, #tpu.memory_space<vmem>>, vector<16xf32>,
      %broadcast_in_dim3A_366 = arith.constant 48 : i32
      %broadcast_in_dim3A_367 = vector.broadcast %broadcast_in_dim3A_366 : i32 to vector<16xi32>
      %gather3A_368 = tpu.vector_load_idx %arg7[%iota3A, %broadcast_in_dim3A_367] : memref<16x64xf32, #tpu.memory_space<vmem>>[vector<16xi32>, vector<16xi32>], vector<16xf32>,
      %swap3A_369 = arith.constant 6 : i32
      %swap3A_370 = arith.index_cast %swap3A_369 : i32 to index
      %swap3A_371 = arith.constant 0 : index
      %swap3A_372 = tpu.vector_load %arg8[%swap3A_370, %swap3A_371] {strides = array<i32>} : memref<32x128xf32, #tpu.memory_space<vmem>>, vector<16xf32>,
      tpu.vector_store %arg8[%swap3A_370, %swap3A_371], %gather3A_368 {strides = array<i32>} : memref<32x128xf32, #tpu.memory_space<vmem>>, vector<16xf32>,
      %broadcast_in_dim3A_373 = arith.constant 49 : i32
      %broadcast_in_dim3A_374 = vector.broadcast %broadcast_in_dim3A_373 : i32 to vector<16xi32>
      %gather3A_375 = tpu.vector_load_idx %arg7[%iota3A, %broadcast_in_dim3A_374] : memref<16x64xf32, #tpu.memory_space<vmem>>[vector<16xi32>, vector<16xi32>], vector<16xf32>,
      %swap3A_376 = arith.constant 6 : i32
      %swap3A_377 = arith.index_cast %swap3A_376 : i32 to index
      %swap3A_378 = arith.constant 16 : index
      %swap3A_379 = tpu.vector_load %arg8[%swap3A_377, %swap3A_378] {strides = array<i32>} : memref<32x128xf32, #tpu.memory_space<vmem>>, vector<16xf32>,
      tpu.vector_store %arg8[%swap3A_377, %swap3A_378], %gather3A_375 {strides = array<i32>} : memref<32x128xf32, #tpu.memory_space<vmem>>, vector<16xf32>,
      %broadcast_in_dim3A_380 = arith.constant 50 : i32
      %broadcast_in_dim3A_381 = vector.broadcast %broadcast_in_dim3A_380 : i32 to vector<16xi32>
      %gather3A_382 = tpu.vector_load_idx %arg7[%iota3A, %broadcast_in_dim3A_381] : memref<16x64xf32, #tpu.memory_space<vmem>>[vector<16xi32>, vector<16xi32>], vector<16xf32>,
      %swap3A_383 = arith.constant 6 : i32
      %swap3A_384 = arith.index_cast %swap3A_383 : i32 to index
      %swap3A_385 = arith.constant 32 : index
      %swap3A_386 = tpu.vector_load %arg8[%swap3A_384, %swap3A_385] {strides = array<i32>} : memref<32x128xf32, #tpu.memory_space<vmem>>, vector<16xf32>,
      tpu.vector_store %arg8[%swap3A_384, %swap3A_385], %gather3A_382 {strides = array<i32>} : memref<32x128xf32, #tpu.memory_space<vmem>>, vector<16xf32>,
      %broadcast_in_dim3A_387 = arith.constant 51 : i32
      %broadcast_in_dim3A_388 = vector.broadcast %broadcast_in_dim3A_387 : i32 to vector<16xi32>
      %gather3A_389 = tpu.vector_load_idx %arg7[%iota3A, %broadcast_in_dim3A_388] : memref<16x64xf32, #tpu.memory_space<vmem>>[vector<16xi32>, vector<16xi32>], vector<16xf32>,
      %swap3A_390 = arith.constant 6 : i32
      %swap3A_391 = arith.index_cast %swap3A_390 : i32 to index
      %swap3A_392 = arith.constant 48 : index
      %swap3A_393 = tpu.vector_load %arg8[%swap3A_391, %swap3A_392] {strides = array<i32>} : memref<32x128xf32, #tpu.memory_space<vmem>>, vector<16xf32>,
      tpu.vector_store %arg8[%swap3A_391, %swap3A_392], %gather3A_389 {strides = array<i32>} : memref<32x128xf32, #tpu.memory_space<vmem>>, vector<16xf32>,
      %broadcast_in_dim3A_394 = arith.constant 52 : i32
      %broadcast_in_dim3A_395 = vector.broadcast %broadcast_in_dim3A_394 : i32 to vector<16xi32>
      %gather3A_396 = tpu.vector_load_idx %arg7[%iota3A, %broadcast_in_dim3A_395] : memref<16x64xf32, #tpu.memory_space<vmem>>[vector<16xi32>, vector<16xi32>], vector<16xf32>,
      %swap3A_397 = arith.constant 6 : i32
      %swap3A_398 = arith.index_cast %swap3A_397 : i32 to index
      %swap3A_399 = arith.constant 64 : index
      %swap3A_400 = tpu.vector_load %arg8[%swap3A_398, %swap3A_399] {strides = array<i32>} : memref<32x128xf32, #tpu.memory_space<vmem>>, vector<16xf32>,
      tpu.vector_store %arg8[%swap3A_398, %swap3A_399], %gather3A_396 {strides = array<i32>} : memref<32x128xf32, #tpu.memory_space<vmem>>, vector<16xf32>,
      %broadcast_in_dim3A_401 = arith.constant 53 : i32
      %broadcast_in_dim3A_402 = vector.broadcast %broadcast_in_dim3A_401 : i32 to vector<16xi32>
      %gather3A_403 = tpu.vector_load_idx %arg7[%iota3A, %broadcast_in_dim3A_402] : memref<16x64xf32, #tpu.memory_space<vmem>>[vector<16xi32>, vector<16xi32>], vector<16xf32>,
      %swap3A_404 = arith.constant 6 : i32
      %swap3A_405 = arith.index_cast %swap3A_404 : i32 to index
      %swap3A_406 = arith.constant 80 : index
      %swap3A_407 = tpu.vector_load %arg8[%swap3A_405, %swap3A_406] {strides = array<i32>} : memref<32x128xf32, #tpu.memory_space<vmem>>, vector<16xf32>,
      tpu.vector_store %arg8[%swap3A_405, %swap3A_406], %gather3A_403 {strides = array<i32>} : memref<32x128xf32, #tpu.memory_space<vmem>>, vector<16xf32>,
      %broadcast_in_dim3A_408 = arith.constant 54 : i32
      %broadcast_in_dim3A_409 = vector.broadcast %broadcast_in_dim3A_408 : i32 to vector<16xi32>
      %gather3A_410 = tpu.vector_load_idx %arg7[%iota3A, %broadcast_in_dim3A_409] : memref<16x64xf32, #tpu.memory_space<vmem>>[vector<16xi32>, vector<16xi32>], vector<16xf32>,
      %swap3A_411 = arith.constant 6 : i32
      %swap3A_412 = arith.index_cast %swap3A_411 : i32 to index
      %swap3A_413 = arith.constant 96 : index
      %swap3A_414 = tpu.vector_load %arg8[%swap3A_412, %swap3A_413] {strides = array<i32>} : memref<32x128xf32, #tpu.memory_space<vmem>>, vector<16xf32>,
      tpu.vector_store %arg8[%swap3A_412, %swap3A_413], %gather3A_410 {strides = array<i32>} : memref<32x128xf32, #tpu.memory_space<vmem>>, vector<16xf32>,
      %broadcast_in_dim3A_415 = arith.constant 55 : i32
      %broadcast_in_dim3A_416 = vector.broadcast %broadcast_in_dim3A_415 : i32 to vector<16xi32>
      %gather3A_417 = tpu.vector_load_idx %arg7[%iota3A, %broadcast_in_dim3A_416] : memref<16x64xf32, #tpu.memory_space<vmem>>[vector<16xi32>, vector<16xi32>], vector<16xf32>,
      %swap3A_418 = arith.constant 6 : i32
      %swap3A_419 = arith.index_cast %swap3A_418 : i32 to index
      %swap3A_420 = arith.constant 112 : index
      %swap3A_421 = tpu.vector_load %arg8[%swap3A_419, %swap3A_420] {strides = array<i32>} : memref<32x128xf32, #tpu.memory_space<vmem>>, vector<16xf32>,
      tpu.vector_store %arg8[%swap3A_419, %swap3A_420], %gather3A_417 {strides = array<i32>} : memref<32x128xf32, #tpu.memory_space<vmem>>, vector<16xf32>,
      %broadcast_in_dim3A_422 = arith.constant 56 : i32
      %broadcast_in_dim3A_423 = vector.broadcast %broadcast_in_dim3A_422 : i32 to vector<16xi32>
      %gather3A_424 = tpu.vector_load_idx %arg7[%iota3A, %broadcast_in_dim3A_423] : memref<16x64xf32, #tpu.memory_space<vmem>>[vector<16xi32>, vector<16xi32>], vector<16xf32>,
      %swap3A_425 = arith.constant 7 : i32
      %swap3A_426 = arith.index_cast %swap3A_425 : i32 to index
      %swap3A_427 = arith.constant 0 : index
      %swap3A_428 = tpu.vector_load %arg8[%swap3A_426, %swap3A_427] {strides = array<i32>} : memref<32x128xf32, #tpu.memory_space<vmem>>, vector<16xf32>,
      tpu.vector_store %arg8[%swap3A_426, %swap3A_427], %gather3A_424 {strides = array<i32>} : memref<32x128xf32, #tpu.memory_space<vmem>>, vector<16xf32>,
      %broadcast_in_dim3A_429 = arith.constant 57 : i32
      %broadcast_in_dim3A_430 = vector.broadcast %broadcast_in_dim3A_429 : i32 to vector<16xi32>
      %gather3A_431 = tpu.vector_load_idx %arg7[%iota3A, %broadcast_in_dim3A_430] : memref<16x64xf32, #tpu.memory_space<vmem>>[vector<16xi32>, vector<16xi32>], vector<16xf32>,
      %swap3A_432 = arith.constant 7 : i32
      %swap3A_433 = arith.index_cast %swap3A_432 : i32 to index
      %swap3A_434 = arith.constant 16 : index
      %swap3A_435 = tpu.vector_load %arg8[%swap3A_433, %swap3A_434] {strides = array<i32>} : memref<32x128xf32, #tpu.memory_space<vmem>>, vector<16xf32>,
      tpu.vector_store %arg8[%swap3A_433, %swap3A_434], %gather3A_431 {strides = array<i32>} : memref<32x128xf32, #tpu.memory_space<vmem>>, vector<16xf32>,
      %broadcast_in_dim3A_436 = arith.constant 58 : i32
      %broadcast_in_dim3A_437 = vector.broadcast %broadcast_in_dim3A_436 : i32 to vector<16xi32>
      %gather3A_438 = tpu.vector_load_idx %arg7[%iota3A, %broadcast_in_dim3A_437] : memref<16x64xf32, #tpu.memory_space<vmem>>[vector<16xi32>, vector<16xi32>], vector<16xf32>,
      %swap3A_439 = arith.constant 7 : i32
      %swap3A_440 = arith.index_cast %swap3A_439 : i32 to index
      %swap3A_441 = arith.constant 32 : index
      %swap3A_442 = tpu.vector_load %arg8[%swap3A_440, %swap3A_441] {strides = array<i32>} : memref<32x128xf32, #tpu.memory_space<vmem>>, vector<16xf32>,
      tpu.vector_store %arg8[%swap3A_440, %swap3A_441], %gather3A_438 {strides = array<i32>} : memref<32x128xf32, #tpu.memory_space<vmem>>, vector<16xf32>,
      %broadcast_in_dim3A_443 = arith.constant 59 : i32
      %broadcast_in_dim3A_444 = vector.broadcast %broadcast_in_dim3A_443 : i32 to vector<16xi32>
      %gather3A_445 = tpu.vector_load_idx %arg7[%iota3A, %broadcast_in_dim3A_444] : memref<16x64xf32, #tpu.memory_space<vmem>>[vector<16xi32>, vector<16xi32>], vector<16xf32>,
      %swap3A_446 = arith.constant 7 : i32
      %swap3A_447 = arith.index_cast %swap3A_446 : i32 to index
      %swap3A_448 = arith.constant 48 : index
      %swap3A_449 = tpu.vector_load %arg8[%swap3A_447, %swap3A_448] {strides = array<i32>} : memref<32x128xf32, #tpu.memory_space<vmem>>, vector<16xf32>,
      tpu.vector_store %arg8[%swap3A_447, %swap3A_448], %gather3A_445 {strides = array<i32>} : memref<32x128xf32, #tpu.memory_space<vmem>>, vector<16xf32>,
      %broadcast_in_dim3A_450 = arith.constant 60 : i32
      %broadcast_in_dim3A_451 = vector.broadcast %broadcast_in_dim3A_450 : i32 to vector<16xi32>
      %gather3A_452 = tpu.vector_load_idx %arg7[%iota3A, %broadcast_in_dim3A_451] : memref<16x64xf32, #tpu.memory_space<vmem>>[vector<16xi32>, vector<16xi32>], vector<16xf32>,
      %swap3A_453 = arith.constant 7 : i32
      %swap3A_454 = arith.index_cast %swap3A_453 : i32 to index
      %swap3A_455 = arith.constant 64 : index
      %swap3A_456 = tpu.vector_load %arg8[%swap3A_454, %swap3A_455] {strides = array<i32>} : memref<32x128xf32, #tpu.memory_space<vmem>>, vector<16xf32>,
      tpu.vector_store %arg8[%swap3A_454, %swap3A_455], %gather3A_452 {strides = array<i32>} : memref<32x128xf32, #tpu.memory_space<vmem>>, vector<16xf32>,
      %broadcast_in_dim3A_457 = arith.constant 61 : i32
      %broadcast_in_dim3A_458 = vector.broadcast %broadcast_in_dim3A_457 : i32 to vector<16xi32>
      %gather3A_459 = tpu.vector_load_idx %arg7[%iota3A, %broadcast_in_dim3A_458] : memref<16x64xf32, #tpu.memory_space<vmem>>[vector<16xi32>, vector<16xi32>], vector<16xf32>,
      %swap3A_460 = arith.constant 7 : i32
      %swap3A_461 = arith.index_cast %swap3A_460 : i32 to index
      %swap3A_462 = arith.constant 80 : index
      %swap3A_463 = tpu.vector_load %arg8[%swap3A_461, %swap3A_462] {strides = array<i32>} : memref<32x128xf32, #tpu.memory_space<vmem>>, vector<16xf32>,
      tpu.vector_store %arg8[%swap3A_461, %swap3A_462], %gather3A_459 {strides = array<i32>} : memref<32x128xf32, #tpu.memory_space<vmem>>, vector<16xf32>,
      %broadcast_in_dim3A_464 = arith.constant 62 : i32
      %broadcast_in_dim3A_465 = vector.broadcast %broadcast_in_dim3A_464 : i32 to vector<16xi32>
      %gather3A_466 = tpu.vector_load_idx %arg7[%iota3A, %broadcast_in_dim3A_465] : memref<16x64xf32, #tpu.memory_space<vmem>>[vector<16xi32>, vector<16xi32>], vector<16xf32>,
      %swap3A_467 = arith.constant 7 : i32
      %swap3A_468 = arith.index_cast %swap3A_467 : i32 to index
      %swap3A_469 = arith.constant 96 : index
      %swap3A_470 = tpu.vector_load %arg8[%swap3A_468, %swap3A_469] {strides = array<i32>} : memref<32x128xf32, #tpu.memory_space<vmem>>, vector<16xf32>,
      tpu.vector_store %arg8[%swap3A_468, %swap3A_469], %gather3A_466 {strides = array<i32>} : memref<32x128xf32, #tpu.memory_space<vmem>>, vector<16xf32>,
      %broadcast_in_dim3A_471 = arith.constant 63 : i32
      %broadcast_in_dim3A_472 = vector.broadcast %broadcast_in_dim3A_471 : i32 to vector<16xi32>
      %gather3A_473 = tpu.vector_load_idx %arg7[%iota3A, %broadcast_in_dim3A_472] : memref<16x64xf32, #tpu.memory_space<vmem>>[vector<16xi32>, vector<16xi32>], vector<16xf32>,
      %swap3A_474 = arith.constant 7 : i32
      %swap3A_475 = arith.index_cast %swap3A_474 : i32 to index
      %swap3A_476 = arith.constant 112 : index
      %swap3A_477 = tpu.vector_load %arg8[%swap3A_475, %swap3A_476] {strides = array<i32>} : memref<32x128xf32, #tpu.memory_space<vmem>>, vector<16xf32>,
      tpu.vector_store %arg8[%swap3A_475, %swap3A_476], %gather3A_473 {strides = array<i32>} : memref<32x128xf32, #tpu.memory_space<vmem>>, vector<16xf32>,
      "tpu.region"() ({
        %run_scoped3A = tpu.sem_alloc : memref<!tpu.dma_semaphore, #tpu.memory_space<semaphore_mem>>
        %dma_start3A = arith.constant 0 : i32
        %dma_start3A_478 = arith.constant 0 : i32
        %dma_start3A_479 = tpu.memref_slice %arg8[%dma_start3A, %dma_start3A_478] : memref<32x128xf32, #tpu.memory_space<vmem>> -> memref<8x128xf32, #tpu.memory_space<vmem>>
        %dma_start3A_480 = arith.constant 324992 : i32
        %dma_start3A_481 = arith.constant 0 : i32
        %dma_start3A_482 = tpu.memref_slice %arg4[%dma_start3A_480, %dma_start3A_481] : memref<325000x128xf32, #tpu.memory_space<hbm>> -> memref<8x128xf32, #tpu.memory_space<hbm>>
        %dma_start3A_483 = arith.constant 324992 : i32
        %dma_start3A_484 = arith.constant 0 : i32
        %dma_start3A_485 = tpu.memref_slice %arg4[%dma_start3A_483, %dma_start3A_484] : memref<325000x128xf32, #tpu.memory_space<hbm>> -> memref<8x128xf32, #tpu.memory_space<hbm>>
        %dma_start3A_486 = arith.constant 0 : i32
        %dma_start3A_487 = arith.constant 0 : i32
        %dma_start3A_488 = tpu.memref_slice %arg8[%dma_start3A_486, %dma_start3A_487] : memref<32x128xf32, #tpu.memory_space<vmem>> -> memref<8x128xf32, #tpu.memory_space<vmem>>
        tpu.enqueue_dma source(%dma_start3A_488 : memref<8x128xf32, #tpu.memory_space<vmem>>) target(%dma_start3A_485 : memref<8x128xf32, #tpu.memory_space<hbm>>) target_semaphore(%run_scoped3A : memref<!tpu.dma_semaphore, #tpu.memory_space<semaphore_mem>>)
        %dma_wait3A = arith.constant 0 : i32
        %dma_wait3A_489 = arith.constant 0 : i32
        %dma_wait3A_490 = tpu.memref_slice %arg8[%dma_wait3A, %dma_wait3A_489] : memref<32x128xf32, #tpu.memory_space<vmem>> -> memref<8x128xf32, #tpu.memory_space<vmem>>
        %dma_wait3A_491 = arith.constant 324992 : i32
        %dma_wait3A_492 = arith.constant 0 : i32
        %dma_wait3A_493 = tpu.memref_slice %arg4[%dma_wait3A_491, %dma_wait3A_492] : memref<325000x128xf32, #tpu.memory_space<hbm>> -> memref<8x128xf32, #tpu.memory_space<hbm>>
        %dma_wait3A_494 = arith.constant 324992 : i32
        %dma_wait3A_495 = arith.constant 0 : i32
        %dma_wait3A_496 = tpu.memref_slice %arg4[%dma_wait3A_494, %dma_wait3A_495] : memref<325000x128xf32, #tpu.memory_space<hbm>> -> memref<8x128xf32, #tpu.memory_space<hbm>>
        %dma_wait3A_497 = arith.constant 0 : i32
        %dma_wait3A_498 = arith.constant 0 : i32
        %dma_wait3A_499 = tpu.memref_slice %arg8[%dma_wait3A_497, %dma_wait3A_498] : memref<32x128xf32, #tpu.memory_space<vmem>> -> memref<8x128xf32, #tpu.memory_space<vmem>>
        tpu.wait_dma2 semaphore(%run_scoped3A : memref<!tpu.dma_semaphore, #tpu.memory_space<semaphore_mem>>) src(%dma_wait3A_499 : memref<8x128xf32, #tpu.memory_space<vmem>>) dst(%dma_wait3A_496 : memref<8x128xf32, #tpu.memory_space<hbm>>)
        tpu.yield
      }) : () -> ()
    } else {
    }
    return
  }
}

#map = affine_map<(d0, d1) -> (0, 0)>
#map1 = affine_map<(d0, d1) -> (0)>
module attributes {stable_mosaic.version = 14 : i64} {
  func.func @prep(%arg0: i32, %arg1: i32, %arg2: memref<26x16384xi32, #tpu.memory_space<hbm>>, %arg3: memref<32xi32, #tpu.memory_space<hbm>>, %arg4: memref<425984xi32, #tpu.memory_space<hbm>>, %arg5: memref<26x512xi32, #tpu.memory_space<vmem>>, %arg6: memref<32xi32, #tpu.memory_space<vmem>>, %arg7: memref<13312xi32, #tpu.memory_space<vmem>>) attributes {dimension_semantics = [#tpu.dimension_semantics<core_parallel>, #tpu.dimension_semantics<subcore_parallel>], iteration_bounds = array<i64: 2, 16>, scalar_prefetch = 0 : i64, scratch_operands = 3 : i64, tpu.core_type = #tpu.core_type<sc_vector_subcore>, window_params = [{transform_indices = #map}, {transform_indices = #map1}, {transform_indices = #map1}]} {
    %mul3A = arith.constant 2 : i32
    %mul3A_0 = arith.muli %arg1, %mul3A : i32
    %add3A = arith.addi %mul3A_0, %arg0 : i32
    %mul3A_1 = arith.constant 512 : i32
    %mul3A_2 = arith.muli %add3A, %mul3A_1 : i32
    "tpu.region"() ({
      %run_scoped3A = tpu.sem_alloc : memref<!tpu.dma_semaphore, #tpu.memory_space<semaphore_mem>>
      tpu.enqueue_dma source(%arg3 : memref<32xi32, #tpu.memory_space<hbm>>) target(%arg6 : memref<32xi32, #tpu.memory_space<vmem>>) target_semaphore(%run_scoped3A : memref<!tpu.dma_semaphore, #tpu.memory_space<semaphore_mem>>)
      tpu.wait_dma2 semaphore(%run_scoped3A : memref<!tpu.dma_semaphore, #tpu.memory_space<semaphore_mem>>) src(%arg3 : memref<32xi32, #tpu.memory_space<hbm>>) dst(%arg6 : memref<32xi32, #tpu.memory_space<vmem>>)
      tpu.yield
    }) : () -> ()
    "tpu.region"() ({
      %run_scoped3A = tpu.sem_alloc : memref<!tpu.dma_semaphore, #tpu.memory_space<semaphore_mem>>
      %dma_start3A = arith.constant 0 : i32
      %dma_start3A_20 = tpu.memref_slice %arg2[%dma_start3A, %mul3A_2] : memref<26x16384xi32, #tpu.memory_space<hbm>> -> memref<26x512xi32, #tpu.memory_space<hbm>>
      %dma_start3A_21 = arith.constant 0 : i32
      %dma_start3A_22 = tpu.memref_slice %arg2[%dma_start3A_21, %mul3A_2] : memref<26x16384xi32, #tpu.memory_space<hbm>> -> memref<26x512xi32, #tpu.memory_space<hbm>>
      tpu.enqueue_dma source(%dma_start3A_22 : memref<26x512xi32, #tpu.memory_space<hbm>>) target(%arg5 : memref<26x512xi32, #tpu.memory_space<vmem>>) target_semaphore(%run_scoped3A : memref<!tpu.dma_semaphore, #tpu.memory_space<semaphore_mem>>)
      %dma_wait3A = arith.constant 0 : i32
      %dma_wait3A_23 = tpu.memref_slice %arg2[%dma_wait3A, %mul3A_2] : memref<26x16384xi32, #tpu.memory_space<hbm>> -> memref<26x512xi32, #tpu.memory_space<hbm>>
      %dma_wait3A_24 = arith.constant 0 : i32
      %dma_wait3A_25 = tpu.memref_slice %arg2[%dma_wait3A_24, %mul3A_2] : memref<26x16384xi32, #tpu.memory_space<hbm>> -> memref<26x512xi32, #tpu.memory_space<hbm>>
      tpu.wait_dma2 semaphore(%run_scoped3A : memref<!tpu.dma_semaphore, #tpu.memory_space<semaphore_mem>>) src(%dma_wait3A_25 : memref<26x512xi32, #tpu.memory_space<hbm>>) dst(%arg5 : memref<26x512xi32, #tpu.memory_space<vmem>>)
      tpu.yield
    }) : () -> ()
    %get3A = arith.constant 0 : index
    %get3A_3 = tpu.vector_load %arg6[%get3A] {strides = array<i32>} : memref<32xi32, #tpu.memory_space<vmem>>, vector<16xi32>,
    %get3A_4 = arith.constant 16 : index
    %get3A_5 = tpu.vector_load %arg6[%get3A_4] {strides = array<i32>} : memref<32xi32, #tpu.memory_space<vmem>>, vector<16xi32>,
    %iota3A = tpu.iota {dimensions = array<i32: 0>} : vector<16xi32>
    %add3A_6 = arith.constant 16 : i32
    %add3A_7 = vector.broadcast %add3A_6 : i32 to vector<16xi32>
    %add3A_8 = arith.addi %iota3A, %add3A_7 : vector<16xi32>
    %min3A = arith.constant 25 : i32
    %min3A_9 = vector.broadcast %min3A : i32 to vector<16xi32>
    %min3A_10 = arith.minsi %add3A_8, %min3A_9 : vector<16xi32>
    %lt3A = arith.constant 26 : i32
    %lt3A_11 = vector.broadcast %lt3A : i32 to vector<16xi32>
    %lt3A_12 = arith.cmpi slt, %add3A_8, %lt3A_11 : vector<16xi32>
    %scan3A = arith.constant 0 : i32
    %scan3A_13 = arith.constant 0 : i32
    %scan3A_14 = arith.constant 512 : i32
    %scan3A_15 = arith.addi %scan3A_13, %scan3A_14 : i32
    %scan3A_16 = arith.constant 4 : i32
    scf.for %scan3A_20 = %scan3A_13 to %scan3A_15 step %scan3A_16  : i32 {
      %broadcast_in_dim3A = vector.broadcast %scan3A_20 : i32 to vector<16xi32>
      %gather3A = tpu.vector_load_idx %arg5[%iota3A, %broadcast_in_dim3A] : memref<26x512xi32, #tpu.memory_space<vmem>>[vector<16xi32>, vector<16xi32>], vector<16xi32>,
      %add3A_21 = arith.addi %gather3A, %get3A_3 : vector<16xi32>
      %gather3A_22 = tpu.vector_load_idx %arg5[%min3A_10, %broadcast_in_dim3A] : memref<26x512xi32, #tpu.memory_space<vmem>>[vector<16xi32>, vector<16xi32>], vector<16xi32>,
      %add3A_23 = arith.addi %gather3A_22, %get3A_5 : vector<16xi32>
      %mul3A_24 = arith.constant 26 : i32
      %mul3A_25 = arith.muli %scan3A_20, %mul3A_24 : i32
      %swap3A = arith.index_cast %mul3A_25 : i32 to index
      %swap3A_26 = tpu.vector_load %arg7[%swap3A] {strides = array<i32>} : memref<13312xi32, #tpu.memory_space<vmem>>, vector<16xi32>,
      tpu.vector_store %arg7[%swap3A], %add3A_21 {strides = array<i32>} : memref<13312xi32, #tpu.memory_space<vmem>>, vector<16xi32>,
      %add3A_27 = vector.broadcast %mul3A_25 : i32 to vector<16xi32>
      %add3A_28 = arith.addi %add3A_27, %add3A_8 : vector<16xi32>
      tpu.vector_store_idx %arg7[%add3A_28], %add3A_23 masked %lt3A_12 : memref<13312xi32, #tpu.memory_space<vmem>>[vector<16xi32>], vector<16xi32>, vector<16xi1>
      %scan3A_29 = arith.constant 1 : i32
      %scan3A_30 = arith.addi %scan3A_20, %scan3A_29 : i32
      %broadcast_in_dim3A_31 = vector.broadcast %scan3A_30 : i32 to vector<16xi32>
      %gather3A_32 = tpu.vector_load_idx %arg5[%iota3A, %broadcast_in_dim3A_31] : memref<26x512xi32, #tpu.memory_space<vmem>>[vector<16xi32>, vector<16xi32>], vector<16xi32>,
      %add3A_33 = arith.addi %gather3A_32, %get3A_3 : vector<16xi32>
      %gather3A_34 = tpu.vector_load_idx %arg5[%min3A_10, %broadcast_in_dim3A_31] : memref<26x512xi32, #tpu.memory_space<vmem>>[vector<16xi32>, vector<16xi32>], vector<16xi32>,
      %add3A_35 = arith.addi %gather3A_34, %get3A_5 : vector<16xi32>
      %mul3A_36 = arith.constant 26 : i32
      %mul3A_37 = arith.muli %scan3A_30, %mul3A_36 : i32
      %swap3A_38 = arith.index_cast %mul3A_37 : i32 to index
      %swap3A_39 = tpu.vector_load %arg7[%swap3A_38] {strides = array<i32>} : memref<13312xi32, #tpu.memory_space<vmem>>, vector<16xi32>,
      tpu.vector_store %arg7[%swap3A_38], %add3A_33 {strides = array<i32>} : memref<13312xi32, #tpu.memory_space<vmem>>, vector<16xi32>,
      %add3A_40 = vector.broadcast %mul3A_37 : i32 to vector<16xi32>
      %add3A_41 = arith.addi %add3A_40, %add3A_8 : vector<16xi32>
      tpu.vector_store_idx %arg7[%add3A_41], %add3A_35 masked %lt3A_12 : memref<13312xi32, #tpu.memory_space<vmem>>[vector<16xi32>], vector<16xi32>, vector<16xi1>
      %scan3A_42 = arith.constant 2 : i32
      %scan3A_43 = arith.addi %scan3A_20, %scan3A_42 : i32
      %broadcast_in_dim3A_44 = vector.broadcast %scan3A_43 : i32 to vector<16xi32>
      %gather3A_45 = tpu.vector_load_idx %arg5[%iota3A, %broadcast_in_dim3A_44] : memref<26x512xi32, #tpu.memory_space<vmem>>[vector<16xi32>, vector<16xi32>], vector<16xi32>,
      %add3A_46 = arith.addi %gather3A_45, %get3A_3 : vector<16xi32>
      %gather3A_47 = tpu.vector_load_idx %arg5[%min3A_10, %broadcast_in_dim3A_44] : memref<26x512xi32, #tpu.memory_space<vmem>>[vector<16xi32>, vector<16xi32>], vector<16xi32>,
      %add3A_48 = arith.addi %gather3A_47, %get3A_5 : vector<16xi32>
      %mul3A_49 = arith.constant 26 : i32
      %mul3A_50 = arith.muli %scan3A_43, %mul3A_49 : i32
      %swap3A_51 = arith.index_cast %mul3A_50 : i32 to index
      %swap3A_52 = tpu.vector_load %arg7[%swap3A_51] {strides = array<i32>} : memref<13312xi32, #tpu.memory_space<vmem>>, vector<16xi32>,
      tpu.vector_store %arg7[%swap3A_51], %add3A_46 {strides = array<i32>} : memref<13312xi32, #tpu.memory_space<vmem>>, vector<16xi32>,
      %add3A_53 = vector.broadcast %mul3A_50 : i32 to vector<16xi32>
      %add3A_54 = arith.addi %add3A_53, %add3A_8 : vector<16xi32>
      tpu.vector_store_idx %arg7[%add3A_54], %add3A_48 masked %lt3A_12 : memref<13312xi32, #tpu.memory_space<vmem>>[vector<16xi32>], vector<16xi32>, vector<16xi1>
      %scan3A_55 = arith.constant 3 : i32
      %scan3A_56 = arith.addi %scan3A_20, %scan3A_55 : i32
      %broadcast_in_dim3A_57 = vector.broadcast %scan3A_56 : i32 to vector<16xi32>
      %gather3A_58 = tpu.vector_load_idx %arg5[%iota3A, %broadcast_in_dim3A_57] : memref<26x512xi32, #tpu.memory_space<vmem>>[vector<16xi32>, vector<16xi32>], vector<16xi32>,
      %add3A_59 = arith.addi %gather3A_58, %get3A_3 : vector<16xi32>
      %gather3A_60 = tpu.vector_load_idx %arg5[%min3A_10, %broadcast_in_dim3A_57] : memref<26x512xi32, #tpu.memory_space<vmem>>[vector<16xi32>, vector<16xi32>], vector<16xi32>,
      %add3A_61 = arith.addi %gather3A_60, %get3A_5 : vector<16xi32>
      %mul3A_62 = arith.constant 26 : i32
      %mul3A_63 = arith.muli %scan3A_56, %mul3A_62 : i32
      %swap3A_64 = arith.index_cast %mul3A_63 : i32 to index
      %swap3A_65 = tpu.vector_load %arg7[%swap3A_64] {strides = array<i32>} : memref<13312xi32, #tpu.memory_space<vmem>>, vector<16xi32>,
      tpu.vector_store %arg7[%swap3A_64], %add3A_59 {strides = array<i32>} : memref<13312xi32, #tpu.memory_space<vmem>>, vector<16xi32>,
      %add3A_66 = vector.broadcast %mul3A_63 : i32 to vector<16xi32>
      %add3A_67 = arith.addi %add3A_66, %add3A_8 : vector<16xi32>
      tpu.vector_store_idx %arg7[%add3A_67], %add3A_61 masked %lt3A_12 : memref<13312xi32, #tpu.memory_space<vmem>>[vector<16xi32>], vector<16xi32>, vector<16xi1>
    }
    %scan3A_17 = arith.constant 512 : i32
    %mul3A_18 = arith.constant 13312 : i32
    %mul3A_19 = arith.muli %add3A, %mul3A_18 : i32
    "tpu.region"() ({
      %run_scoped3A = tpu.sem_alloc : memref<!tpu.dma_semaphore, #tpu.memory_space<semaphore_mem>>
      %dma_start3A = tpu.memref_slice %arg4[%mul3A_19] : memref<425984xi32, #tpu.memory_space<hbm>> -> memref<13312xi32, #tpu.memory_space<hbm>>
      %dma_start3A_20 = tpu.memref_slice %arg4[%mul3A_19] : memref<425984xi32, #tpu.memory_space<hbm>> -> memref<13312xi32, #tpu.memory_space<hbm>>
      tpu.enqueue_dma source(%arg7 : memref<13312xi32, #tpu.memory_space<vmem>>) target(%dma_start3A_20 : memref<13312xi32, #tpu.memory_space<hbm>>) target_semaphore(%run_scoped3A : memref<!tpu.dma_semaphore, #tpu.memory_space<semaphore_mem>>)
      %dma_wait3A = tpu.memref_slice %arg4[%mul3A_19] : memref<425984xi32, #tpu.memory_space<hbm>> -> memref<13312xi32, #tpu.memory_space<hbm>>
      %dma_wait3A_21 = tpu.memref_slice %arg4[%mul3A_19] : memref<425984xi32, #tpu.memory_space<hbm>> -> memref<13312xi32, #tpu.memory_space<hbm>>
      tpu.wait_dma2 semaphore(%run_scoped3A : memref<!tpu.dma_semaphore, #tpu.memory_space<semaphore_mem>>) src(%arg7 : memref<13312xi32, #tpu.memory_space<vmem>>) dst(%dma_wait3A_21 : memref<13312xi32, #tpu.memory_space<hbm>>)
      tpu.yield
    }) : () -> ()
    return
  }
}

#map = affine_map<(d0, d1) -> (0)>
#map1 = affine_map<(d0, d1) -> (0, 0)>
#map2 = affine_map<(d0, d1) -> (0, 0, 0)>
module attributes {stable_mosaic.version = 14 : i64} {
  func.func @gather(%arg0: i32, %arg1: i32, %arg2: memref<425984xi32, #tpu.memory_space<hbm>>, %arg3: memref<325000x128xf32, #tpu.memory_space<hbm>>, %arg4: memref<26x16x16384xf32, #tpu.memory_space<hbm>>, %arg5: memref<416xi32, #tpu.memory_space<vmem>>, %arg6: memref<416xi32, #tpu.memory_space<vmem>>, %arg7: memref<416xi32, #tpu.memory_space<vmem>>, %arg8: memref<416x128xf32, #tpu.memory_space<vmem>>, %arg9: memref<26x16x128xf32, #tpu.memory_space<vmem>>, %arg10: memref<!tpu.dma_semaphore, #tpu.memory_space<semaphore_mem>>) attributes {dimension_semantics = [#tpu.dimension_semantics<core_parallel>, #tpu.dimension_semantics<subcore_parallel>], iteration_bounds = array<i64: 2, 16>, scalar_prefetch = 0 : i64, scratch_operands = 6 : i64, tpu.core_type = #tpu.core_type<sc_vector_subcore>, window_params = [{transform_indices = #map}, {transform_indices = #map1}, {transform_indices = #map2}]} {
    %mul3A = arith.constant 2 : i32
    %mul3A_0 = arith.muli %arg1, %mul3A : i32
    %add3A = arith.addi %mul3A_0, %arg0 : i32
    %mul3A_1 = arith.constant 13312 : i32
    %mul3A_2 = arith.muli %add3A, %mul3A_1 : i32
    %iota3A = tpu.iota {dimensions = array<i32: 0>} : vector<16xi32>
    %mul3A_3 = arith.constant 26 : i32
    %mul3A_4 = vector.broadcast %mul3A_3 : i32 to vector<16xi32>
    %mul3A_5 = arith.muli %iota3A, %mul3A_4 : vector<16xi32>
    %scan3A = arith.constant 0 : i32
    %scan3A_6 = arith.constant 0 : i32
    %scan3A_7 = arith.constant 32 : i32
    %scan3A_8 = arith.addi %scan3A_6, %scan3A_7 : i32
    %scan3A_9 = arith.constant 1 : i32
    scf.for %scan3A_11 = %scan3A_6 to %scan3A_8 step %scan3A_9  : i32 {
      %mul3A_12 = arith.constant 416 : i32
      %mul3A_13 = arith.muli %scan3A_11, %mul3A_12 : i32
      %add3A_14 = arith.addi %mul3A_2, %mul3A_13 : i32
      "tpu.region"() ({
        %run_scoped3A = tpu.sem_alloc : memref<!tpu.dma_semaphore, #tpu.memory_space<semaphore_mem>>
        %dma_start3A_96 = tpu.memref_slice %arg2[%add3A_14] : memref<425984xi32, #tpu.memory_space<hbm>> -> memref<416xi32, #tpu.memory_space<hbm>>
        %dma_start3A_97 = tpu.memref_slice %arg2[%add3A_14] : memref<425984xi32, #tpu.memory_space<hbm>> -> memref<416xi32, #tpu.memory_space<hbm>>
        tpu.enqueue_dma source(%dma_start3A_97 : memref<416xi32, #tpu.memory_space<hbm>>) target(%arg5 : memref<416xi32, #tpu.memory_space<vmem>>) target_semaphore(%run_scoped3A : memref<!tpu.dma_semaphore, #tpu.memory_space<semaphore_mem>>)
        %dma_wait3A_98 = tpu.memref_slice %arg2[%add3A_14] : memref<425984xi32, #tpu.memory_space<hbm>> -> memref<416xi32, #tpu.memory_space<hbm>>
        %dma_wait3A_99 = tpu.memref_slice %arg2[%add3A_14] : memref<425984xi32, #tpu.memory_space<hbm>> -> memref<416xi32, #tpu.memory_space<hbm>>
        tpu.wait_dma2 semaphore(%run_scoped3A : memref<!tpu.dma_semaphore, #tpu.memory_space<semaphore_mem>>) src(%dma_wait3A_99 : memref<416xi32, #tpu.memory_space<hbm>>) dst(%arg5 : memref<416xi32, #tpu.memory_space<vmem>>)
        tpu.yield
      }) : () -> ()
      %scan3A_15 = arith.constant 0 : i32
      %scan3A_16 = arith.constant 0 : i32
      %scan3A_17 = arith.constant 24 : i32
      %scan3A_18 = arith.addi %scan3A_16, %scan3A_17 : i32
      %scan3A_19 = arith.constant 4 : i32
      scf.for %scan3A_96 = %scan3A_16 to %scan3A_18 step %scan3A_19  : i32 {
        %mul3A_97 = arith.constant 16 : i32
        %mul3A_98 = arith.muli %scan3A_96, %mul3A_97 : i32
        %get3A_99 = arith.index_cast %mul3A_98 : i32 to index
        %get3A_100 = tpu.vector_load %arg5[%get3A_99] {strides = array<i32>} : memref<416xi32, #tpu.memory_space<vmem>>, vector<16xi32>,
        %shift_right_logical3A_101 = arith.constant 3 : i32
        %shift_right_logical3A_102 = vector.broadcast %shift_right_logical3A_101 : i32 to vector<16xi32>
        %shift_right_logical3A_103 = arith.shrui %get3A_100, %shift_right_logical3A_102 : vector<16xi32>
        %swap3A_104 = arith.index_cast %mul3A_98 : i32 to index
        %swap3A_105 = tpu.vector_load %arg6[%swap3A_104] {strides = array<i32>} : memref<416xi32, #tpu.memory_space<vmem>>, vector<16xi32>,
        tpu.vector_store %arg6[%swap3A_104], %shift_right_logical3A_103 {strides = array<i32>} : memref<416xi32, #tpu.memory_space<vmem>>, vector<16xi32>,
        %and3A_106 = arith.constant 7 : i32
        %and3A_107 = vector.broadcast %and3A_106 : i32 to vector<16xi32>
        %and3A_108 = arith.andi %get3A_100, %and3A_107 : vector<16xi32>
        %mul3A_109 = arith.constant 16 : i32
        %mul3A_110 = vector.broadcast %mul3A_109 : i32 to vector<16xi32>
        %mul3A_111 = arith.muli %and3A_108, %mul3A_110 : vector<16xi32>
        %swap3A_112 = arith.index_cast %mul3A_98 : i32 to index
        %swap3A_113 = tpu.vector_load %arg7[%swap3A_112] {strides = array<i32>} : memref<416xi32, #tpu.memory_space<vmem>>, vector<16xi32>,
        tpu.vector_store %arg7[%swap3A_112], %mul3A_111 {strides = array<i32>} : memref<416xi32, #tpu.memory_space<vmem>>, vector<16xi32>,
        %scan3A_114 = arith.constant 1 : i32
        %scan3A_115 = arith.addi %scan3A_96, %scan3A_114 : i32
        %mul3A_116 = arith.constant 16 : i32
        %mul3A_117 = arith.muli %scan3A_115, %mul3A_116 : i32
        %get3A_118 = arith.index_cast %mul3A_117 : i32 to index
        %get3A_119 = tpu.vector_load %arg5[%get3A_118] {strides = array<i32>} : memref<416xi32, #tpu.memory_space<vmem>>, vector<16xi32>,
        %shift_right_logical3A_120 = arith.constant 3 : i32
        %shift_right_logical3A_121 = vector.broadcast %shift_right_logical3A_120 : i32 to vector<16xi32>
        %shift_right_logical3A_122 = arith.shrui %get3A_119, %shift_right_logical3A_121 : vector<16xi32>
        %swap3A_123 = arith.index_cast %mul3A_117 : i32 to index
        %swap3A_124 = tpu.vector_load %arg6[%swap3A_123] {strides = array<i32>} : memref<416xi32, #tpu.memory_space<vmem>>, vector<16xi32>,
        tpu.vector_store %arg6[%swap3A_123], %shift_right_logical3A_122 {strides = array<i32>} : memref<416xi32, #tpu.memory_space<vmem>>, vector<16xi32>,
        %and3A_125 = arith.constant 7 : i32
        %and3A_126 = vector.broadcast %and3A_125 : i32 to vector<16xi32>
        %and3A_127 = arith.andi %get3A_119, %and3A_126 : vector<16xi32>
        %mul3A_128 = arith.constant 16 : i32
        %mul3A_129 = vector.broadcast %mul3A_128 : i32 to vector<16xi32>
        %mul3A_130 = arith.muli %and3A_127, %mul3A_129 : vector<16xi32>
        %swap3A_131 = arith.index_cast %mul3A_117 : i32 to index
        %swap3A_132 = tpu.vector_load %arg7[%swap3A_131] {strides = array<i32>} : memref<416xi32, #tpu.memory_space<vmem>>, vector<16xi32>,
        tpu.vector_store %arg7[%swap3A_131], %mul3A_130 {strides = array<i32>} : memref<416xi32, #tpu.memory_space<vmem>>, vector<16xi32>,
        %scan3A_133 = arith.constant 2 : i32
        %scan3A_134 = arith.addi %scan3A_96, %scan3A_133 : i32
        %mul3A_135 = arith.constant 16 : i32
        %mul3A_136 = arith.muli %scan3A_134, %mul3A_135 : i32
        %get3A_137 = arith.index_cast %mul3A_136 : i32 to index
        %get3A_138 = tpu.vector_load %arg5[%get3A_137] {strides = array<i32>} : memref<416xi32, #tpu.memory_space<vmem>>, vector<16xi32>,
        %shift_right_logical3A_139 = arith.constant 3 : i32
        %shift_right_logical3A_140 = vector.broadcast %shift_right_logical3A_139 : i32 to vector<16xi32>
        %shift_right_logical3A_141 = arith.shrui %get3A_138, %shift_right_logical3A_140 : vector<16xi32>
        %swap3A_142 = arith.index_cast %mul3A_136 : i32 to index
        %swap3A_143 = tpu.vector_load %arg6[%swap3A_142] {strides = array<i32>} : memref<416xi32, #tpu.memory_space<vmem>>, vector<16xi32>,
        tpu.vector_store %arg6[%swap3A_142], %shift_right_logical3A_141 {strides = array<i32>} : memref<416xi32, #tpu.memory_space<vmem>>, vector<16xi32>,
        %and3A_144 = arith.constant 7 : i32
        %and3A_145 = vector.broadcast %and3A_144 : i32 to vector<16xi32>
        %and3A_146 = arith.andi %get3A_138, %and3A_145 : vector<16xi32>
        %mul3A_147 = arith.constant 16 : i32
        %mul3A_148 = vector.broadcast %mul3A_147 : i32 to vector<16xi32>
        %mul3A_149 = arith.muli %and3A_146, %mul3A_148 : vector<16xi32>
        %swap3A_150 = arith.index_cast %mul3A_136 : i32 to index
        %swap3A_151 = tpu.vector_load %arg7[%swap3A_150] {strides = array<i32>} : memref<416xi32, #tpu.memory_space<vmem>>, vector<16xi32>,
        tpu.vector_store %arg7[%swap3A_150], %mul3A_149 {strides = array<i32>} : memref<416xi32, #tpu.memory_space<vmem>>, vector<16xi32>,
        %scan3A_152 = arith.constant 3 : i32
        %scan3A_153 = arith.addi %scan3A_96, %scan3A_152 : i32
        %mul3A_154 = arith.constant 16 : i32
        %mul3A_155 = arith.muli %scan3A_153, %mul3A_154 : i32
        %get3A_156 = arith.index_cast %mul3A_155 : i32 to index
        %get3A_157 = tpu.vector_load %arg5[%get3A_156] {strides = array<i32>} : memref<416xi32, #tpu.memory_space<vmem>>, vector<16xi32>,
        %shift_right_logical3A_158 = arith.constant 3 : i32
        %shift_right_logical3A_159 = vector.broadcast %shift_right_logical3A_158 : i32 to vector<16xi32>
        %shift_right_logical3A_160 = arith.shrui %get3A_157, %shift_right_logical3A_159 : vector<16xi32>
        %swap3A_161 = arith.index_cast %mul3A_155 : i32 to index
        %swap3A_162 = tpu.vector_load %arg6[%swap3A_161] {strides = array<i32>} : memref<416xi32, #tpu.memory_space<vmem>>, vector<16xi32>,
        tpu.vector_store %arg6[%swap3A_161], %shift_right_logical3A_160 {strides = array<i32>} : memref<416xi32, #tpu.memory_space<vmem>>, vector<16xi32>,
        %and3A_163 = arith.constant 7 : i32
        %and3A_164 = vector.broadcast %and3A_163 : i32 to vector<16xi32>
        %and3A_165 = arith.andi %get3A_157, %and3A_164 : vector<16xi32>
        %mul3A_166 = arith.constant 16 : i32
        %mul3A_167 = vector.broadcast %mul3A_166 : i32 to vector<16xi32>
        %mul3A_168 = arith.muli %and3A_165, %mul3A_167 : vector<16xi32>
        %swap3A_169 = arith.index_cast %mul3A_155 : i32 to index
        %swap3A_170 = tpu.vector_load %arg7[%swap3A_169] {strides = array<i32>} : memref<416xi32, #tpu.memory_space<vmem>>, vector<16xi32>,
        tpu.vector_store %arg7[%swap3A_169], %mul3A_168 {strides = array<i32>} : memref<416xi32, #tpu.memory_space<vmem>>, vector<16xi32>,
      }
      %scan3A_20 = arith.constant 24 : i32
      %scan3A_21 = arith.addi %scan3A_16, %scan3A_20 : i32
      %mul3A_22 = arith.constant 16 : i32
      %mul3A_23 = arith.muli %scan3A_21, %mul3A_22 : i32
      %get3A = arith.index_cast %mul3A_23 : i32 to index
      %get3A_24 = tpu.vector_load %arg5[%get3A] {strides = array<i32>} : memref<416xi32, #tpu.memory_space<vmem>>, vector<16xi32>,
      %shift_right_logical3A = arith.constant 3 : i32
      %shift_right_logical3A_25 = vector.broadcast %shift_right_logical3A : i32 to vector<16xi32>
      %shift_right_logical3A_26 = arith.shrui %get3A_24, %shift_right_logical3A_25 : vector<16xi32>
      %swap3A = arith.index_cast %mul3A_23 : i32 to index
      %swap3A_27 = tpu.vector_load %arg6[%swap3A] {strides = array<i32>} : memref<416xi32, #tpu.memory_space<vmem>>, vector<16xi32>,
      tpu.vector_store %arg6[%swap3A], %shift_right_logical3A_26 {strides = array<i32>} : memref<416xi32, #tpu.memory_space<vmem>>, vector<16xi32>,
      %and3A = arith.constant 7 : i32
      %and3A_28 = vector.broadcast %and3A : i32 to vector<16xi32>
      %and3A_29 = arith.andi %get3A_24, %and3A_28 : vector<16xi32>
      %mul3A_30 = arith.constant 16 : i32
      %mul3A_31 = vector.broadcast %mul3A_30 : i32 to vector<16xi32>
      %mul3A_32 = arith.muli %and3A_29, %mul3A_31 : vector<16xi32>
      %swap3A_33 = arith.index_cast %mul3A_23 : i32 to index
      %swap3A_34 = tpu.vector_load %arg7[%swap3A_33] {strides = array<i32>} : memref<416xi32, #tpu.memory_space<vmem>>, vector<16xi32>,
      tpu.vector_store %arg7[%swap3A_33], %mul3A_32 {strides = array<i32>} : memref<416xi32, #tpu.memory_space<vmem>>, vector<16xi32>,
      %scan3A_35 = arith.constant 25 : i32
      %scan3A_36 = arith.addi %scan3A_16, %scan3A_35 : i32
      %mul3A_37 = arith.constant 16 : i32
      %mul3A_38 = arith.muli %scan3A_36, %mul3A_37 : i32
      %get3A_39 = arith.index_cast %mul3A_38 : i32 to index
      %get3A_40 = tpu.vector_load %arg5[%get3A_39] {strides = array<i32>} : memref<416xi32, #tpu.memory_space<vmem>>, vector<16xi32>,
      %shift_right_logical3A_41 = arith.constant 3 : i32
      %shift_right_logical3A_42 = vector.broadcast %shift_right_logical3A_41 : i32 to vector<16xi32>
      %shift_right_logical3A_43 = arith.shrui %get3A_40, %shift_right_logical3A_42 : vector<16xi32>
      %swap3A_44 = arith.index_cast %mul3A_38 : i32 to index
      %swap3A_45 = tpu.vector_load %arg6[%swap3A_44] {strides = array<i32>} : memref<416xi32, #tpu.memory_space<vmem>>, vector<16xi32>,
      tpu.vector_store %arg6[%swap3A_44], %shift_right_logical3A_43 {strides = array<i32>} : memref<416xi32, #tpu.memory_space<vmem>>, vector<16xi32>,
      %and3A_46 = arith.constant 7 : i32
      %and3A_47 = vector.broadcast %and3A_46 : i32 to vector<16xi32>
      %and3A_48 = arith.andi %get3A_40, %and3A_47 : vector<16xi32>
      %mul3A_49 = arith.constant 16 : i32
      %mul3A_50 = vector.broadcast %mul3A_49 : i32 to vector<16xi32>
      %mul3A_51 = arith.muli %and3A_48, %mul3A_50 : vector<16xi32>
      %swap3A_52 = arith.index_cast %mul3A_38 : i32 to index
      %swap3A_53 = tpu.vector_load %arg7[%swap3A_52] {strides = array<i32>} : memref<416xi32, #tpu.memory_space<vmem>>, vector<16xi32>,
      tpu.vector_store %arg7[%swap3A_52], %mul3A_51 {strides = array<i32>} : memref<416xi32, #tpu.memory_space<vmem>>, vector<16xi32>,
      %scan3A_54 = arith.constant 26 : i32
      %dma_start3A = arith.constant 0 : i32
      %dma_start3A_55 = arith.constant 0 : i32
      %dma_start3A_56 = tpu.memref_slice %arg3[%dma_start3A, %dma_start3A_55] : memref<325000x128xf32, #tpu.memory_space<hbm>> -> memref<325000x128xf32, #tpu.memory_space<hbm>>
      tpu.enqueue_indirect_dma source(%dma_start3A_56 : memref<325000x128xf32, #tpu.memory_space<hbm>>) target(%arg8 : memref<416x128xf32, #tpu.memory_space<vmem>>) offsets(%arg6 : memref<416xi32, #tpu.memory_space<vmem>>) semaphore(%arg10 : memref<!tpu.dma_semaphore, #tpu.memory_space<semaphore_mem>>)
      %dma_wait3A = arith.constant 0 : i32
      %dma_wait3A_57 = arith.constant 0 : i32
      %dma_wait3A_58 = tpu.memref_slice %arg3[%dma_wait3A, %dma_wait3A_57] : memref<325000x128xf32, #tpu.memory_space<hbm>> -> memref<325000x128xf32, #tpu.memory_space<hbm>>
      tpu.wait_indirect_dma semaphore(%arg10 : memref<!tpu.dma_semaphore, #tpu.memory_space<semaphore_mem>>) src(%dma_wait3A_58 : memref<325000x128xf32, #tpu.memory_space<hbm>>) dst(%arg8 : memref<416x128xf32, #tpu.memory_space<vmem>>)
      %jit3A = arith.constant 8 : i32
      %eq3A = arith.constant 0 : i32
      %eq3A_59 = arith.cmpi eq, %jit3A, %eq3A : i32
      %jit3A_60 = arith.constant 1 : i32
      %select_n3A = arith.select %eq3A_59, %jit3A_60, %jit3A : i32
      %rem3A = arith.remsi %scan3A_11, %select_n3A : i32
      %ne3A = arith.constant 0 : i32
      %ne3A_61 = arith.cmpi ne, %rem3A, %ne3A : i32
      %lt3A = arith.constant 0 : i32
      %lt3A_62 = arith.cmpi slt, %rem3A, %lt3A : i32
      %lt3A_63 = arith.constant 0 : i32
      %lt3A_64 = arith.cmpi slt, %select_n3A, %lt3A_63 : i32
      %ne3A_65 = arith.xori %lt3A_62, %lt3A_64 : i1
      %and3A_66 = arith.andi %ne3A_65, %ne3A_61 : i1
      %add3A_67 = arith.addi %rem3A, %select_n3A : i32
      %select_n3A_68 = arith.select %and3A_66, %add3A_67, %rem3A : i32
      %mul3A_69 = arith.constant 16 : i32
      %mul3A_70 = arith.muli %select_n3A_68, %mul3A_69 : i32
      %scan3A_71 = arith.constant 0 : i32
      %scan3A_72 = arith.constant 0 : i32
      %scan3A_73 = arith.constant 26 : i32
      %scan3A_74 = arith.addi %scan3A_72, %scan3A_73 : i32
      %scan3A_75 = arith.constant 1 : i32
      scf.for %scan3A_96 = %scan3A_72 to %scan3A_74 step %scan3A_75  : i32 {
        %add3A_97 = vector.broadcast %scan3A_96 : i32 to vector<16xi32>
        %add3A_98 = arith.addi %mul3A_5, %add3A_97 : vector<16xi32>
        %gather3A = tpu.vector_load_idx %arg7[%add3A_98] : memref<416xi32, #tpu.memory_space<vmem>>[vector<16xi32>], vector<16xi32>,
        %add3A_99 = arith.constant 0 : i32
        %add3A_100 = vector.broadcast %add3A_99 : i32 to vector<16xi32>
        %add3A_101 = arith.addi %gather3A, %add3A_100 : vector<16xi32>
        %gather3A_102 = tpu.vector_load_idx %arg8[%add3A_98, %add3A_101] : memref<416x128xf32, #tpu.memory_space<vmem>>[vector<16xi32>, vector<16xi32>], vector<16xf32>,
        %add3A_103 = arith.constant 1 : i32
        %add3A_104 = vector.broadcast %add3A_103 : i32 to vector<16xi32>
        %add3A_105 = arith.addi %gather3A, %add3A_104 : vector<16xi32>
        %gather3A_106 = tpu.vector_load_idx %arg8[%add3A_98, %add3A_105] : memref<416x128xf32, #tpu.memory_space<vmem>>[vector<16xi32>, vector<16xi32>], vector<16xf32>,
        %add3A_107 = arith.constant 2 : i32
        %add3A_108 = vector.broadcast %add3A_107 : i32 to vector<16xi32>
        %add3A_109 = arith.addi %gather3A, %add3A_108 : vector<16xi32>
        %gather3A_110 = tpu.vector_load_idx %arg8[%add3A_98, %add3A_109] : memref<416x128xf32, #tpu.memory_space<vmem>>[vector<16xi32>, vector<16xi32>], vector<16xf32>,
        %add3A_111 = arith.constant 3 : i32
        %add3A_112 = vector.broadcast %add3A_111 : i32 to vector<16xi32>
        %add3A_113 = arith.addi %gather3A, %add3A_112 : vector<16xi32>
        %gather3A_114 = tpu.vector_load_idx %arg8[%add3A_98, %add3A_113] : memref<416x128xf32, #tpu.memory_space<vmem>>[vector<16xi32>, vector<16xi32>], vector<16xf32>,
        %add3A_115 = arith.constant 4 : i32
        %add3A_116 = vector.broadcast %add3A_115 : i32 to vector<16xi32>
        %add3A_117 = arith.addi %gather3A, %add3A_116 : vector<16xi32>
        %gather3A_118 = tpu.vector_load_idx %arg8[%add3A_98, %add3A_117] : memref<416x128xf32, #tpu.memory_space<vmem>>[vector<16xi32>, vector<16xi32>], vector<16xf32>,
        %add3A_119 = arith.constant 5 : i32
        %add3A_120 = vector.broadcast %add3A_119 : i32 to vector<16xi32>
        %add3A_121 = arith.addi %gather3A, %add3A_120 : vector<16xi32>
        %gather3A_122 = tpu.vector_load_idx %arg8[%add3A_98, %add3A_121] : memref<416x128xf32, #tpu.memory_space<vmem>>[vector<16xi32>, vector<16xi32>], vector<16xf32>,
        %add3A_123 = arith.constant 6 : i32
        %add3A_124 = vector.broadcast %add3A_123 : i32 to vector<16xi32>
        %add3A_125 = arith.addi %gather3A, %add3A_124 : vector<16xi32>
        %gather3A_126 = tpu.vector_load_idx %arg8[%add3A_98, %add3A_125] : memref<416x128xf32, #tpu.memory_space<vmem>>[vector<16xi32>, vector<16xi32>], vector<16xf32>,
        %add3A_127 = arith.constant 7 : i32
        %add3A_128 = vector.broadcast %add3A_127 : i32 to vector<16xi32>
        %add3A_129 = arith.addi %gather3A, %add3A_128 : vector<16xi32>
        %gather3A_130 = tpu.vector_load_idx %arg8[%add3A_98, %add3A_129] : memref<416x128xf32, #tpu.memory_space<vmem>>[vector<16xi32>, vector<16xi32>], vector<16xf32>,
        %add3A_131 = arith.constant 8 : i32
        %add3A_132 = vector.broadcast %add3A_131 : i32 to vector<16xi32>
        %add3A_133 = arith.addi %gather3A, %add3A_132 : vector<16xi32>
        %gather3A_134 = tpu.vector_load_idx %arg8[%add3A_98, %add3A_133] : memref<416x128xf32, #tpu.memory_space<vmem>>[vector<16xi32>, vector<16xi32>], vector<16xf32>,
        %add3A_135 = arith.constant 9 : i32
        %add3A_136 = vector.broadcast %add3A_135 : i32 to vector<16xi32>
        %add3A_137 = arith.addi %gather3A, %add3A_136 : vector<16xi32>
        %gather3A_138 = tpu.vector_load_idx %arg8[%add3A_98, %add3A_137] : memref<416x128xf32, #tpu.memory_space<vmem>>[vector<16xi32>, vector<16xi32>], vector<16xf32>,
        %add3A_139 = arith.constant 10 : i32
        %add3A_140 = vector.broadcast %add3A_139 : i32 to vector<16xi32>
        %add3A_141 = arith.addi %gather3A, %add3A_140 : vector<16xi32>
        %gather3A_142 = tpu.vector_load_idx %arg8[%add3A_98, %add3A_141] : memref<416x128xf32, #tpu.memory_space<vmem>>[vector<16xi32>, vector<16xi32>], vector<16xf32>,
        %add3A_143 = arith.constant 11 : i32
        %add3A_144 = vector.broadcast %add3A_143 : i32 to vector<16xi32>
        %add3A_145 = arith.addi %gather3A, %add3A_144 : vector<16xi32>
        %gather3A_146 = tpu.vector_load_idx %arg8[%add3A_98, %add3A_145] : memref<416x128xf32, #tpu.memory_space<vmem>>[vector<16xi32>, vector<16xi32>], vector<16xf32>,
        %add3A_147 = arith.constant 12 : i32
        %add3A_148 = vector.broadcast %add3A_147 : i32 to vector<16xi32>
        %add3A_149 = arith.addi %gather3A, %add3A_148 : vector<16xi32>
        %gather3A_150 = tpu.vector_load_idx %arg8[%add3A_98, %add3A_149] : memref<416x128xf32, #tpu.memory_space<vmem>>[vector<16xi32>, vector<16xi32>], vector<16xf32>,
        %add3A_151 = arith.constant 13 : i32
        %add3A_152 = vector.broadcast %add3A_151 : i32 to vector<16xi32>
        %add3A_153 = arith.addi %gather3A, %add3A_152 : vector<16xi32>
        %gather3A_154 = tpu.vector_load_idx %arg8[%add3A_98, %add3A_153] : memref<416x128xf32, #tpu.memory_space<vmem>>[vector<16xi32>, vector<16xi32>], vector<16xf32>,
        %add3A_155 = arith.constant 14 : i32
        %add3A_156 = vector.broadcast %add3A_155 : i32 to vector<16xi32>
        %add3A_157 = arith.addi %gather3A, %add3A_156 : vector<16xi32>
        %gather3A_158 = tpu.vector_load_idx %arg8[%add3A_98, %add3A_157] : memref<416x128xf32, #tpu.memory_space<vmem>>[vector<16xi32>, vector<16xi32>], vector<16xf32>,
        %add3A_159 = arith.constant 15 : i32
        %add3A_160 = vector.broadcast %add3A_159 : i32 to vector<16xi32>
        %add3A_161 = arith.addi %gather3A, %add3A_160 : vector<16xi32>
        %gather3A_162 = tpu.vector_load_idx %arg8[%add3A_98, %add3A_161] : memref<416x128xf32, #tpu.memory_space<vmem>>[vector<16xi32>, vector<16xi32>], vector<16xf32>,
        %swap3A_163 = arith.constant 0 : i32
        %swap3A_164 = arith.index_cast %scan3A_96 : i32 to index
        %swap3A_165 = arith.index_cast %swap3A_163 : i32 to index
        %swap3A_166 = arith.index_cast %mul3A_70 : i32 to index
        %swap3A_167 = tpu.vector_load %arg9[%swap3A_164, %swap3A_165, %swap3A_166] {strides = array<i32>} : memref<26x16x128xf32, #tpu.memory_space<vmem>>, vector<16xf32>,
        tpu.vector_store %arg9[%swap3A_164, %swap3A_165, %swap3A_166], %gather3A_102 {strides = array<i32>} : memref<26x16x128xf32, #tpu.memory_space<vmem>>, vector<16xf32>,
        %swap3A_168 = arith.constant 1 : i32
        %swap3A_169 = arith.index_cast %scan3A_96 : i32 to index
        %swap3A_170 = arith.index_cast %swap3A_168 : i32 to index
        %swap3A_171 = arith.index_cast %mul3A_70 : i32 to index
        %swap3A_172 = tpu.vector_load %arg9[%swap3A_169, %swap3A_170, %swap3A_171] {strides = array<i32>} : memref<26x16x128xf32, #tpu.memory_space<vmem>>, vector<16xf32>,
        tpu.vector_store %arg9[%swap3A_169, %swap3A_170, %swap3A_171], %gather3A_106 {strides = array<i32>} : memref<26x16x128xf32, #tpu.memory_space<vmem>>, vector<16xf32>,
        %swap3A_173 = arith.constant 2 : i32
        %swap3A_174 = arith.index_cast %scan3A_96 : i32 to index
        %swap3A_175 = arith.index_cast %swap3A_173 : i32 to index
        %swap3A_176 = arith.index_cast %mul3A_70 : i32 to index
        %swap3A_177 = tpu.vector_load %arg9[%swap3A_174, %swap3A_175, %swap3A_176] {strides = array<i32>} : memref<26x16x128xf32, #tpu.memory_space<vmem>>, vector<16xf32>,
        tpu.vector_store %arg9[%swap3A_174, %swap3A_175, %swap3A_176], %gather3A_110 {strides = array<i32>} : memref<26x16x128xf32, #tpu.memory_space<vmem>>, vector<16xf32>,
        %swap3A_178 = arith.constant 3 : i32
        %swap3A_179 = arith.index_cast %scan3A_96 : i32 to index
        %swap3A_180 = arith.index_cast %swap3A_178 : i32 to index
        %swap3A_181 = arith.index_cast %mul3A_70 : i32 to index
        %swap3A_182 = tpu.vector_load %arg9[%swap3A_179, %swap3A_180, %swap3A_181] {strides = array<i32>} : memref<26x16x128xf32, #tpu.memory_space<vmem>>, vector<16xf32>,
        tpu.vector_store %arg9[%swap3A_179, %swap3A_180, %swap3A_181], %gather3A_114 {strides = array<i32>} : memref<26x16x128xf32, #tpu.memory_space<vmem>>, vector<16xf32>,
        %swap3A_183 = arith.constant 4 : i32
        %swap3A_184 = arith.index_cast %scan3A_96 : i32 to index
        %swap3A_185 = arith.index_cast %swap3A_183 : i32 to index
        %swap3A_186 = arith.index_cast %mul3A_70 : i32 to index
        %swap3A_187 = tpu.vector_load %arg9[%swap3A_184, %swap3A_185, %swap3A_186] {strides = array<i32>} : memref<26x16x128xf32, #tpu.memory_space<vmem>>, vector<16xf32>,
        tpu.vector_store %arg9[%swap3A_184, %swap3A_185, %swap3A_186], %gather3A_118 {strides = array<i32>} : memref<26x16x128xf32, #tpu.memory_space<vmem>>, vector<16xf32>,
        %swap3A_188 = arith.constant 5 : i32
        %swap3A_189 = arith.index_cast %scan3A_96 : i32 to index
        %swap3A_190 = arith.index_cast %swap3A_188 : i32 to index
        %swap3A_191 = arith.index_cast %mul3A_70 : i32 to index
        %swap3A_192 = tpu.vector_load %arg9[%swap3A_189, %swap3A_190, %swap3A_191] {strides = array<i32>} : memref<26x16x128xf32, #tpu.memory_space<vmem>>, vector<16xf32>,
        tpu.vector_store %arg9[%swap3A_189, %swap3A_190, %swap3A_191], %gather3A_122 {strides = array<i32>} : memref<26x16x128xf32, #tpu.memory_space<vmem>>, vector<16xf32>,
        %swap3A_193 = arith.constant 6 : i32
        %swap3A_194 = arith.index_cast %scan3A_96 : i32 to index
        %swap3A_195 = arith.index_cast %swap3A_193 : i32 to index
        %swap3A_196 = arith.index_cast %mul3A_70 : i32 to index
        %swap3A_197 = tpu.vector_load %arg9[%swap3A_194, %swap3A_195, %swap3A_196] {strides = array<i32>} : memref<26x16x128xf32, #tpu.memory_space<vmem>>, vector<16xf32>,
        tpu.vector_store %arg9[%swap3A_194, %swap3A_195, %swap3A_196], %gather3A_126 {strides = array<i32>} : memref<26x16x128xf32, #tpu.memory_space<vmem>>, vector<16xf32>,
        %swap3A_198 = arith.constant 7 : i32
        %swap3A_199 = arith.index_cast %scan3A_96 : i32 to index
        %swap3A_200 = arith.index_cast %swap3A_198 : i32 to index
        %swap3A_201 = arith.index_cast %mul3A_70 : i32 to index
        %swap3A_202 = tpu.vector_load %arg9[%swap3A_199, %swap3A_200, %swap3A_201] {strides = array<i32>} : memref<26x16x128xf32, #tpu.memory_space<vmem>>, vector<16xf32>,
        tpu.vector_store %arg9[%swap3A_199, %swap3A_200, %swap3A_201], %gather3A_130 {strides = array<i32>} : memref<26x16x128xf32, #tpu.memory_space<vmem>>, vector<16xf32>,
        %swap3A_203 = arith.constant 8 : i32
        %swap3A_204 = arith.index_cast %scan3A_96 : i32 to index
        %swap3A_205 = arith.index_cast %swap3A_203 : i32 to index
        %swap3A_206 = arith.index_cast %mul3A_70 : i32 to index
        %swap3A_207 = tpu.vector_load %arg9[%swap3A_204, %swap3A_205, %swap3A_206] {strides = array<i32>} : memref<26x16x128xf32, #tpu.memory_space<vmem>>, vector<16xf32>,
        tpu.vector_store %arg9[%swap3A_204, %swap3A_205, %swap3A_206], %gather3A_134 {strides = array<i32>} : memref<26x16x128xf32, #tpu.memory_space<vmem>>, vector<16xf32>,
        %swap3A_208 = arith.constant 9 : i32
        %swap3A_209 = arith.index_cast %scan3A_96 : i32 to index
        %swap3A_210 = arith.index_cast %swap3A_208 : i32 to index
        %swap3A_211 = arith.index_cast %mul3A_70 : i32 to index
        %swap3A_212 = tpu.vector_load %arg9[%swap3A_209, %swap3A_210, %swap3A_211] {strides = array<i32>} : memref<26x16x128xf32, #tpu.memory_space<vmem>>, vector<16xf32>,
        tpu.vector_store %arg9[%swap3A_209, %swap3A_210, %swap3A_211], %gather3A_138 {strides = array<i32>} : memref<26x16x128xf32, #tpu.memory_space<vmem>>, vector<16xf32>,
        %swap3A_213 = arith.constant 10 : i32
        %swap3A_214 = arith.index_cast %scan3A_96 : i32 to index
        %swap3A_215 = arith.index_cast %swap3A_213 : i32 to index
        %swap3A_216 = arith.index_cast %mul3A_70 : i32 to index
        %swap3A_217 = tpu.vector_load %arg9[%swap3A_214, %swap3A_215, %swap3A_216] {strides = array<i32>} : memref<26x16x128xf32, #tpu.memory_space<vmem>>, vector<16xf32>,
        tpu.vector_store %arg9[%swap3A_214, %swap3A_215, %swap3A_216], %gather3A_142 {strides = array<i32>} : memref<26x16x128xf32, #tpu.memory_space<vmem>>, vector<16xf32>,
        %swap3A_218 = arith.constant 11 : i32
        %swap3A_219 = arith.index_cast %scan3A_96 : i32 to index
        %swap3A_220 = arith.index_cast %swap3A_218 : i32 to index
        %swap3A_221 = arith.index_cast %mul3A_70 : i32 to index
        %swap3A_222 = tpu.vector_load %arg9[%swap3A_219, %swap3A_220, %swap3A_221] {strides = array<i32>} : memref<26x16x128xf32, #tpu.memory_space<vmem>>, vector<16xf32>,
        tpu.vector_store %arg9[%swap3A_219, %swap3A_220, %swap3A_221], %gather3A_146 {strides = array<i32>} : memref<26x16x128xf32, #tpu.memory_space<vmem>>, vector<16xf32>,
        %swap3A_223 = arith.constant 12 : i32
        %swap3A_224 = arith.index_cast %scan3A_96 : i32 to index
        %swap3A_225 = arith.index_cast %swap3A_223 : i32 to index
        %swap3A_226 = arith.index_cast %mul3A_70 : i32 to index
        %swap3A_227 = tpu.vector_load %arg9[%swap3A_224, %swap3A_225, %swap3A_226] {strides = array<i32>} : memref<26x16x128xf32, #tpu.memory_space<vmem>>, vector<16xf32>,
        tpu.vector_store %arg9[%swap3A_224, %swap3A_225, %swap3A_226], %gather3A_150 {strides = array<i32>} : memref<26x16x128xf32, #tpu.memory_space<vmem>>, vector<16xf32>,
        %swap3A_228 = arith.constant 13 : i32
        %swap3A_229 = arith.index_cast %scan3A_96 : i32 to index
        %swap3A_230 = arith.index_cast %swap3A_228 : i32 to index
        %swap3A_231 = arith.index_cast %mul3A_70 : i32 to index
        %swap3A_232 = tpu.vector_load %arg9[%swap3A_229, %swap3A_230, %swap3A_231] {strides = array<i32>} : memref<26x16x128xf32, #tpu.memory_space<vmem>>, vector<16xf32>,
        tpu.vector_store %arg9[%swap3A_229, %swap3A_230, %swap3A_231], %gather3A_154 {strides = array<i32>} : memref<26x16x128xf32, #tpu.memory_space<vmem>>, vector<16xf32>,
        %swap3A_233 = arith.constant 14 : i32
        %swap3A_234 = arith.index_cast %scan3A_96 : i32 to index
        %swap3A_235 = arith.index_cast %swap3A_233 : i32 to index
        %swap3A_236 = arith.index_cast %mul3A_70 : i32 to index
        %swap3A_237 = tpu.vector_load %arg9[%swap3A_234, %swap3A_235, %swap3A_236] {strides = array<i32>} : memref<26x16x128xf32, #tpu.memory_space<vmem>>, vector<16xf32>,
        tpu.vector_store %arg9[%swap3A_234, %swap3A_235, %swap3A_236], %gather3A_158 {strides = array<i32>} : memref<26x16x128xf32, #tpu.memory_space<vmem>>, vector<16xf32>,
        %swap3A_238 = arith.constant 15 : i32
        %swap3A_239 = arith.index_cast %scan3A_96 : i32 to index
        %swap3A_240 = arith.index_cast %swap3A_238 : i32 to index
        %swap3A_241 = arith.index_cast %mul3A_70 : i32 to index
        %swap3A_242 = tpu.vector_load %arg9[%swap3A_239, %swap3A_240, %swap3A_241] {strides = array<i32>} : memref<26x16x128xf32, #tpu.memory_space<vmem>>, vector<16xf32>,
        tpu.vector_store %arg9[%swap3A_239, %swap3A_240, %swap3A_241], %gather3A_162 {strides = array<i32>} : memref<26x16x128xf32, #tpu.memory_space<vmem>>, vector<16xf32>,
      }
      %scan3A_76 = arith.constant 26 : i32
      %jit3A_77 = arith.constant 8 : i32
      %eq3A_78 = arith.constant 0 : i32
      %eq3A_79 = arith.cmpi eq, %jit3A_77, %eq3A_78 : i32
      %jit3A_80 = arith.constant 1 : i32
      %select_n3A_81 = arith.select %eq3A_79, %jit3A_80, %jit3A_77 : i32
      %rem3A_82 = arith.remsi %scan3A_11, %select_n3A_81 : i32
      %ne3A_83 = arith.constant 0 : i32
      %ne3A_84 = arith.cmpi ne, %rem3A_82, %ne3A_83 : i32
      %lt3A_85 = arith.constant 0 : i32
      %lt3A_86 = arith.cmpi slt, %rem3A_82, %lt3A_85 : i32
      %lt3A_87 = arith.constant 0 : i32
      %lt3A_88 = arith.cmpi slt, %select_n3A_81, %lt3A_87 : i32
      %ne3A_89 = arith.xori %lt3A_86, %lt3A_88 : i1
      %and3A_90 = arith.andi %ne3A_89, %ne3A_84 : i1
      %add3A_91 = arith.addi %rem3A_82, %select_n3A_81 : i32
      %select_n3A_92 = arith.select %and3A_90, %add3A_91, %rem3A_82 : i32
      %eq3A_93 = arith.constant 7 : i32
      %eq3A_94 = arith.cmpi eq, %select_n3A_92, %eq3A_93 : i32
      %convert_element_type3A = arith.extui %eq3A_94 : i1 to i32
      %cond3A = arith.constant 0 : i32
      %cond3A_95 = arith.cmpi ne, %convert_element_type3A, %cond3A : i32
      scf.if %cond3A_95 {
        %mul3A_96 = arith.constant 512 : i32
        %mul3A_97 = arith.muli %add3A, %mul3A_96 : i32
        %jit3A_98 = arith.constant 8 : i32
        %div3A = arith.divsi %scan3A_11, %jit3A_98 : i32
        %sign3A = arith.constant 0 : i32
        %sign3A_99 = arith.cmpi sgt, %scan3A_11, %sign3A : i32
        %sign3A_100 = arith.extui %sign3A_99 : i1 to i32
        %sign3A_101 = arith.constant 0 : i32
        %sign3A_102 = arith.cmpi slt, %scan3A_11, %sign3A_101 : i32
        %sign3A_103 = arith.extui %sign3A_102 : i1 to i32
        %sign3A_104 = arith.subi %sign3A_100, %sign3A_103 : i32
        %sign3A_105 = arith.constant 0 : i32
        %sign3A_106 = arith.cmpi sgt, %jit3A_98, %sign3A_105 : i32
        %sign3A_107 = arith.extui %sign3A_106 : i1 to i32
        %sign3A_108 = arith.constant 0 : i32
        %sign3A_109 = arith.cmpi slt, %jit3A_98, %sign3A_108 : i32
        %sign3A_110 = arith.extui %sign3A_109 : i1 to i32
        %sign3A_111 = arith.subi %sign3A_107, %sign3A_110 : i32
        %ne3A_112 = arith.cmpi ne, %sign3A_104, %sign3A_111 : i32
        %rem3A_113 = arith.remsi %scan3A_11, %jit3A_98 : i32
        %ne3A_114 = arith.constant 0 : i32
        %ne3A_115 = arith.cmpi ne, %rem3A_113, %ne3A_114 : i32
        %and3A_116 = arith.andi %ne3A_112, %ne3A_115 : i1
        %sub3A = arith.constant 1 : i32
        %sub3A_117 = arith.subi %div3A, %sub3A : i32
        %select_n3A_118 = arith.select %and3A_116, %sub3A_117, %div3A : i32
        %mul3A_119 = arith.constant 128 : i32
        %mul3A_120 = arith.muli %select_n3A_118, %mul3A_119 : i32
        %add3A_121 = arith.addi %mul3A_97, %mul3A_120 : i32
        "tpu.region"() ({
          %run_scoped3A = tpu.sem_alloc : memref<!tpu.dma_semaphore, #tpu.memory_space<semaphore_mem>>
          %dma_start3A_122 = arith.constant 0 : i32
          %dma_start3A_123 = arith.constant 0 : i32
          %dma_start3A_124 = tpu.memref_slice %arg4[%dma_start3A_122, %dma_start3A_123, %add3A_121] : memref<26x16x16384xf32, #tpu.memory_space<hbm>> -> memref<26x16x128xf32, #tpu.memory_space<hbm>>
          %dma_start3A_125 = arith.constant 0 : i32
          %dma_start3A_126 = arith.constant 0 : i32
          %dma_start3A_127 = tpu.memref_slice %arg4[%dma_start3A_125, %dma_start3A_126, %add3A_121] : memref<26x16x16384xf32, #tpu.memory_space<hbm>> -> memref<26x16x128xf32, #tpu.memory_space<hbm>>
          tpu.enqueue_dma source(%arg9 : memref<26x16x128xf32, #tpu.memory_space<vmem>>) target(%dma_start3A_127 : memref<26x16x128xf32, #tpu.memory_space<hbm>>) target_semaphore(%run_scoped3A : memref<!tpu.dma_semaphore, #tpu.memory_space<semaphore_mem>>)
          %dma_wait3A_128 = arith.constant 0 : i32
          %dma_wait3A_129 = arith.constant 0 : i32
          %dma_wait3A_130 = tpu.memref_slice %arg4[%dma_wait3A_128, %dma_wait3A_129, %add3A_121] : memref<26x16x16384xf32, #tpu.memory_space<hbm>> -> memref<26x16x128xf32, #tpu.memory_space<hbm>>
          %dma_wait3A_131 = arith.constant 0 : i32
          %dma_wait3A_132 = arith.constant 0 : i32
          %dma_wait3A_133 = tpu.memref_slice %arg4[%dma_wait3A_131, %dma_wait3A_132, %add3A_121] : memref<26x16x16384xf32, #tpu.memory_space<hbm>> -> memref<26x16x128xf32, #tpu.memory_space<hbm>>
          tpu.wait_dma2 semaphore(%run_scoped3A : memref<!tpu.dma_semaphore, #tpu.memory_space<semaphore_mem>>) src(%arg9 : memref<26x16x128xf32, #tpu.memory_space<vmem>>) dst(%dma_wait3A_133 : memref<26x16x128xf32, #tpu.memory_space<hbm>>)
          tpu.yield
        }) : () -> ()
      } else {
      }
    }
    %scan3A_10 = arith.constant 32 : i32
    return
  }
}

</mosaic_0001>

<sc_bundles>
// kernel: kernel.11.cloned.1.call-start
scs
__scs_entry_jumppad:
0x0: {  	(pc) =	sbr.rel $0x88, $3  }
0x1: {  	(tag) =	ssettag $0x0;
	lr =	simm.s32 $0x1  }
0x2: {  	[smem:$0x3F9F] =	sst lr;
	_ =	strace $0xD0000000  }
0x3: {  	_ = 	snop  }
0x4: {  	_ = 	snop  }
0x5: {  	_ = 	snop  }
0x6: {  	_ = 	snop  }
0x7: {  	_ = 	snop  }
__scs_overlays_trampoline_lowered:
0x8: {  	[smem:$0x3FAE] =	sst s0  }
0x9: {  	[smem:$0x3FAF] =	sst s1  }
0xa: {  	[smem:$0x3FB0] =	sst s2  }
0xb: {  	[smem:$0x3FB1] =	sst s3  }
0xc: {  	[smem:$0x3FB2] =	sst s4  }
0xd: {  	[smem:$0x3FB3] =	sst s5  }
0xe: {  	[smem:$0x3FB4] =	sst s6  }
0xf: {  	[smem:$0x3FB5] =	sst s7  }
0x10: {  	[smem:$0x3FB6] =	sst s8  }
0x11: {  	[smem:$0x3FB7] =	sst s9;
	s0 =	simm.s32 @!p0 $0x0  }
0x12: {  	s1 =	sld [smem:$0x3F9D];
	s0 =	simm.s32 @p0 $0x1  }
0x13: {  	[smem:$0x3FB8] =	sst s0;
	s0 =	simm.s32 @!p1 $0x0  }
0x14: {  	s2 =	sld [smem:$0x3F9C];
	s0 =	simm.s32 @p1 $0x1  }
0x15: {  	[smem:$0x3FB9] =	sst s0;
	s0 =	simm.s32 @!p2 $0x0  }
0x16: {  	s3 =	sld [smem:$0x3FDB];
	s0 =	simm.s32 @p2 $0x1  }
0x17: {  	s4 =	simm.s32 $0x1BF5;
	[smem:$0x3FBB] =	sst s0  }
0x18: {  	s0 =	sld [smem:$0x3F9E];
	_ =	swait.ge [sflag:s4], $0x0  }
0x19: {  	s7 =	sld [smem:$0x3F9F]  }
0x1a: {  	s8 =	sadd.s32 $0xFFFFE003, lr  }
0x1b: {  	s9 =	sadd.s32 $0xFFFFFEF7, lr;
	s5 =	simm.s32 $0xFFFFFFFF;
	p2 =	slt.u32 s8, $0xFFFFF086  }
0x1c: {  	p1 =	slt.u32 s9, $0xF7A;
	s5 =	simm.s32 @!p2 $0x0  }
0x1d: {  	s5 =	simm.s32 @p1 $0x1;
	p0 =	seq.s32 s7, s2  }
0x1e: {  	s7 =	smul.u32 @!p0 $0xF7A, s2;
	p2 =	seq.s32 @!p0 s5, $0x0  }
0x1f: {  	s9 =	smul.u32 $0xF7A, s1;
	s8 =	simm.s32 @!p0 $0x1BF5;
	p2 =	por !p2, p0  }
0x20: {  	[sflag:s8] =	ssyncset.s32 @!p0 $0xFFFFF086;
	s6 =	sadd.s32 @!p0 s3, s7;
	s7 =	simm.s32 @!p0 $0x108  }
0x21: {  	s3 =	sadd.s32 s3, s9;
	s6 =	sadd.s32 @!p0 $0x88, s6;
	s7 =	simm.s32 @p2 $0x1082  }
0x22: {  	[simem:s7], [sflag:s8] =	dma.local @!p0 [hbm:s6], $0xF7A  }
0x23: {  	s9 =	sor.u32 $0xD0000000, s2;
	s6 =	simm.s32 $0x108;
	_ =	swait.ge @!p0 [sflag:s8], $0x0  }
0x24: {  	s3 =	sadd.s32 $0x88, s3;
	s6 =	simm.s32 @!p1 $0x1082;
	[sflag:s4] =	ssyncset.s32 $0xFFFFF086  }
0x25: {  	[simem:s6], [sflag:s4] =	dma.local [hbm:s3], $0xF7A  }
0x26: {  	[smem:$0x3F9F] =	sst s1;
	(tag) =	ssettag s2;
	_ =	strace s9  }
0x27: {  	s1 =	sld [smem:$0x3FAF]  }
0x28: {  	s2 =	sld [smem:$0x3FB0]  }
0x29: {  	s4 =	sld [smem:$0x3FB2]  }
0x2a: {  	p0 =	seq.s32 s5, $0x0;
	s5 =	sld [smem:$0x3FB3]  }
0x2b: {  	s6 =	sld [smem:$0x3FB4]  }
0x2c: {  	s7 =	sld [smem:$0x3FB5]  }
0x2d: {  	s3 =	simm.s32 $0x108;
	s8 =	sld [smem:$0x3FB6]  }
0x2e: {  	s3 =	simm.s32 @!p0 $0x1082;
	s9 =	sld [smem:$0x3FB7]  }
0x2f: {  	lr =	sadd.s32 s0, s3;
	s0 =	sld [smem:$0x3FAE]  }
0x30: {  	s3 =	sld [smem:$0x3FB1]  }
0x31: {  	[smem:$0x3FBA] =	sst s10  }
0x32: {  	s10 =	sld [smem:$0x3FB8];
	_ =	sdelay $0x3  }
0x33: {  	p0 =	seq.s32 s10, $0x1;
	s10 =	sld [smem:$0x3FBA];
	_ =	sdelay $0x3  }
0x34: {  	[smem:$0x3FBA] =	sst s10  }
0x35: {  	s10 =	sld [smem:$0x3FB9];
	_ =	sdelay $0x3  }
0x36: {  	p1 =	seq.s32 s10, $0x1;
	s10 =	sld [smem:$0x3FBA];
	_ =	sdelay $0x3  }
0x37: {  	[smem:$0x3FBA] =	sst s10  }
0x38: {  	s10 =	sld [smem:$0x3FBB]  }
0x39: {  	_ = 	snop;
	(pc) =	sbr.ind lr, $3  }
0x3a: {  	_ = 	snop  }
0x3b: {  	_ = 	snop  }
0x3c: {  	p2 =	seq.s32 s10, $0x1;
	s10 =	sld [smem:$0x3FBA]  }
0x3d: {  	_ =	shalt  }
0x3e: {  	_ =	shalt  }
0x3f: {  	_ =	shalt  }
0x40: {  	_ =	shalt  }
0x41: {  	_ =	shalt  }
0x42: {  	_ =	shalt  }
0x43: {  	_ =	shalt  }
0x44: {  	_ =	shalt  }
0x45: {  	_ =	shalt  }
0x46: {  	_ =	shalt  }
0x47: {  	_ =	shalt  }
0x48: {  	_ =	shalt  }
0x49: {  	_ =	shalt  }
0x4a: {  	_ =	shalt  }
0x4b: {  	_ =	shalt  }
0x4c: {  	_ =	shalt  }
0x4d: {  	_ =	shalt  }
0x4e: {  	_ =	shalt  }
0x4f: {  	_ =	shalt  }
0x50: {  	_ =	shalt  }
0x51: {  	_ =	shalt  }
0x52: {  	_ =	shalt  }
0x53: {  	_ =	shalt  }
0x54: {  	_ =	shalt  }
0x55: {  	_ =	shalt  }
0x56: {  	_ =	shalt  }
0x57: {  	_ =	shalt  }
0x58: {  	_ =	shalt  }
0x59: {  	_ =	shalt  }
0x5a: {  	_ =	shalt  }
0x5b: {  	_ =	shalt  }
0x5c: {  	_ =	shalt  }
0x5d: {  	_ =	shalt  }
0x5e: {  	_ =	shalt  }
0x5f: {  	_ =	shalt  }
0x60: {  	_ =	shalt  }
0x61: {  	_ =	shalt  }
0x62: {  	_ =	shalt  }
0x63: {  	_ =	shalt  }
0x64: {  	_ =	shalt  }
0x65: {  	_ =	shalt  }
0x66: {  	_ =	shalt  }
0x67: {  	_ =	shalt  }
0x68: {  	_ =	shalt  }
0x69: {  	_ =	shalt  }
0x6a: {  	_ =	shalt  }
0x6b: {  	_ =	shalt  }
0x6c: {  	_ =	shalt  }
0x6d: {  	_ =	shalt  }
0x6e: {  	_ =	shalt  }
0x6f: {  	_ =	shalt  }
0x70: {  	_ =	shalt  }
0x71: {  	_ =	shalt  }
0x72: {  	_ =	shalt  }
0x73: {  	_ =	shalt  }
0x74: {  	_ =	shalt  }
0x75: {  	_ =	shalt  }
0x76: {  	_ =	shalt  }
0x77: {  	_ =	shalt  }
0x78: {  	_ =	shalt  }
0x79: {  	_ =	shalt  }
0x7a: {  	_ =	shalt  }
0x7b: {  	_ =	shalt  }
0x7c: {  	_ =	shalt  }
0x7d: {  	_ =	shalt  }
0x7e: {  	_ =	shalt  }
0x7f: {  	_ =	shalt  }
0x80: {  	_ =	shalt  }
0x81: {  	_ =	shalt  }
0x82: {  	_ =	shalt  }
0x83: {  	_ =	shalt  }
0x84: {  	_ =	shalt  }
0x85: {  	_ =	shalt  }
0x86: {  	_ =	shalt  }
0x87: {  	_ =	shalt  }
.Lfunc_end0:
.L_simem_size_0:
called_computation.2_lowered:
.L_overlay_start_0:
0x88: {  	s2 =	sld [smem:$0x3FD9]  }
0x89: {  	s3 =	sld [smem:$0x3FFE];
	_ =	sdelay $0x1  }
0x8a: {  	s1 =	srdreg.scid  }
0x8b: {  	s0 =	sand.u32 $0x1, s1  }
0x8c: {  	s17 =	sshll.u32 s0, $0xA;
	s2 =	sadd.s32 s3, s2  }
0x8d: {  	s2 =	sadd.s32 s2, s17  }
0x8e: {  	[smem:$0x3FC6] =	sst s2  }
0x8f: {  	_ = 	snop  }
0x90: {  	s2 =	sld [smem:$0x3FD0];
	(tm) =	ssettm $0x1  }
0x91: {  	s18 =	sld [smem:$0x3FFB];
	_ =	sdelay $0x3  }
0x92: {  	_ =	strace s18  }
0x93: {  	s3 =	sld [smem:$0x3FFC];
	_ =	sdelay $0x3  }
0x94: {  	_ =	strace s3  }
0x95: {  	s3 =	sld [smem:$0x3FFD];
	_ =	sdelay $0x3  }
0x96: {  	_ =	strace s3  }
0x97: {  	_ =	strace $0x8FFFFFFF  }
0x98: {  	s19 =	sld [smem:$0x3FDB];
	_ =	sdelay $0x1  }
0x99: {  	s4 =	simm.s32 $_scs_section_size  }
0x9a: {  	s5 =	simm.s32 $_size__tile_overlayer_lowered;
	s6 =	simm.s32 $_tile_overlayer_lowered  }
0x9b: {  	s22 =	simm.s32 $0x1BFF;
	s21 =	sshll.u32 s6, $0x1;
	s3 =	sadd.s32 s4, s19  }
0x9c: {  	s7 =	simm.s32 $0x0;
	s20 =	sshll.u32 s5, $0x1;
	s5 =	sadd.s32 s21, s3  }
0x9d: {  	[timem:s7], [sflag:s22] =	dma.local [hbm:s5], s20  }
0x9e: {  	_ =	swait.ge [sflag:s22], s20  }
0x9f: {  	s4 =	ssub.s32 $0x0, s20;
	[sflag:s22] =	ssyncset.done $0x0  }
0xa0: {  	[sflag:s22] =	ssyncadd.s32 s4;
	_ =	sdelay $0x1  }
0xa1: {  	s23 =	simm.s32 $0x1B8B  }
0xa2: {  	_ =	swait.ge [sflag:s23], $0x1  }
0xa3: {  	[sflag:s23] =	ssyncset.done $0x0  }
0xa4: {  	s25 =	simm.s32 $0x1B8E;
	s24 =	sld [smem:$0x3FFE];
	[sflag:s23] =	ssyncadd.s32 $0xFFFFFFFF  }
0xa5: {  	s26 =	simm.s32 $execute0_lowered;
	[smem:$0x3FD2] =	sst s25  }
0xa6: {  	s5 =	sshll.u32 s26, $0x1;
	_ =	strace $0x8000004C;
	[dreg:$0x1] =	wrdreg $0xFFFFFFFF  }
0xa7: {  	s28 =	simm.s32 $_size_execute0_lowered;
	s3 =	sadd.s32 s3, s5;
	[dreg:$0x0] =	wrdreg $0x0  }
0xa8: {  	s5 =	sshll.u32 s28, $0x1;
	[dreg:$0x2] =	wrdreg s3  }
0xa9: {  	[dreg:$0x3] =	wrdreg s5  }
0xaa: {  	[dreg:$0x4] =	wrdreg $0xC0  }
0xab: {  	_ =	task [dreg:s7], $0x5FFFF  }
0xac: {  	[dreg:$0x1] =	wrdreg $0xFFFFFFFF  }
0xad: {  	[dreg:$0x0] =	wrdreg $0x60  }
0xae: {  	[dreg:$0x2] =	wrdreg s24  }
0xaf: {  	[dreg:$0x3] =	wrdreg s2  }
0xb0: {  	[dreg:$0x4] =	wrdreg $0x9  }
0xb1: {  	_ =	task.clear_ibuf [dreg:s7], $0x5FFFF;
	_ =	strace $0x9000004C  }
0xb2: {  	s29 =	simm.s32 $0x9;
	_ =	strace $0x8000004E  }
0xb3: {  	_ =	swait.ge [sflag:s29], $0x1  }
0xb4: {  	[sflag:s29] =	ssyncadd.s32 $0xFFFFFFFF  }
0xb5: {  	_ =	strace $0x9000004E  }
0xb6: {  	_ =	sfence  }
0xb7: {  	s30 =	sld [smem:$0x0];
	_ =	sdelay $0x2  }
0xb8: {  	s31 =	sshll.u32 s1, $0xD;
	s1 =	sshrl.u32 s1, $0x2  }
0xb9: {  	s3 =	sand.u32 $0x4000, s31;
	s1 =	sadd.s32 s1, s30  }
0xba: {  	s0 =	sor.u32 s3, s0;
	s1 =	sshll.u32 s1, $0x11  }
0xbb: {  	s0 =	sor.u32 s1, s0  }
0xbc: {  	s0 =	sadd.s32 $0x8F2B, s0  }
0xbd: {  	[sflag:s0] =	ssyncadd.remote.s32 $0x1  }
0xbe: {  	_ =	sfence.sel $0xFFFF  }
0xbf: {  	[dreg:$0x0] =	wrdreg $0xFFFFFFFF;
	(pc) =	sbr.abs _section_cstart, $3  }
0xc0: {  	[dreg:$0x1] =	wrdreg $0xFFFFFFFF  }
0xc1: {  	_ =	task.clear_ibuf [dreg:s7], $0x2FFFF;
	_ =	strace $0x9FFFFFFF  }
0xc2: {  	(tm) =	ssettm $0x7FFFFFFF  }
0xc3: {  	_ =	shalt  }
tec
execute0_lowered:
.L_overlay_start_1:
0x0: {  	(tag) =	ssettag $0x1  }
0x1: {  	s4 =	rddreg [dreg:$0x0]  }
0x2: {  	s6 =	rddreg [dreg:$0x1]  }
0x3: {  	s0 =	rddreg [dreg:$0x2];
	s2 =	simm.s32 $0x0;
	s3 =	srdreg.scid  }
0x4: {  	s1 =	stileid.u32;
	s10 =	simm.s32 $0x200;
	s11 =	simm.s32 $0x600  }
0x5: {  	s12 =	simm.s32 $0x1;
	s13 =	simm.s32 $0x400;
	[smem:$0x7FF] =	sst s2  }
0x6: {  	s5 =	sand.u32 $0x1, s3;
	s8 =	sshll.u32 s1, $0x1;
	s3 =	sadd.s32 $0xE00, s4  }
0x7: {  	s4 =	sadd.s32 $0xDE00, s4;
	s7 =	ssub.s32 $0x2, s5;
	s5 =	sor.u32 s5, s8  }
0x8: {  	_ =	strace $0x8000004D;
	s9 =	sshrl.u32 s7, $0x1;
	s8 =	sshll.u32 s5, $0x9  }
0x9: {  	v0 =	vlaneseq.u32;
	s5 =	smul.u32 $0x3400, s5;
	s7 =	ssub.s32 s7, s9;
	s6 =	sadd.s32 s6, s8  }
0xa: {  	v0 =	vmul.u32 $0x1A, v0;
	s8 =	simm.s32 $0x3;
	s9 =	simm.s32 $0x1A0;
	s7 =	smax.u32 s7, $0x1  }
.LBB2_1:
0xb: {  	s14 =	simm.s32 $0x0;
	s15 =	simm.s32 $0x0  }
.LBB2_2:
0xc: {  	s16 =	smul.u32 $0x1A0, s15;
	_ =	sdelay $0x1  }
0xd: {  	s16 =	sadd.s32 s5, s16  }
0xe: {  	s16 =	sshrl.u32 s16, $0x3  }
0xf: {  	s29 =	simm.s32 $0x0;
	s17 =	sadd.s32 s3, s16  }
0x10: {  	[tilespmem:s29], [sflag:$0x3] =	stream.linear.gather [hbm4b:s17+s29], $0x1A0, $0x38;
	[tilespmem:$0x1A600] =	vst v63  }
0x11: {  	_ =	swait.ge [sflag:s8], $0x1A0  }
0x12: {  	[sflag:s8] =	ssyncset.done $0x0  }
0x13: {  	[sflag:s8] =	ssyncadd.s32 $0xFFFFFE60  }
0x14: {  	v1 =	vld [tilespmem:$0x0];
	_ =	sdelay $0x1  }
0x15: {  	v2 =	vld [tilespmem:$0x10];
	_ =	sdelay $0x1  }
0x16: {  	v3 =	vld [tilespmem:$0x20]  }
0x17: {  	v4 =	vshrl.u32 v1, $0x3;
	v1 =	vshll.u32 v1, $0x4  }
0x18: {  	[tilespmem:$0x200] =	vst v4;
	v1 =	vand.u32 $0x70, v1;
	v4 =	vld [tilespmem:$0x30]  }
0x19: {  	[tilespmem:$0x400] =	vst v1;
	v1 =	vshrl.u32 v2, $0x3;
	v2 =	vshll.u32 v2, $0x4  }
0x1a: {  	[tilespmem:$0x210] =	vst v1;
	v1 =	vand.u32 $0x70, v2;
	v2 =	vld [tilespmem:$0x40]  }
0x1b: {  	[tilespmem:$0x410] =	vst v1;
	v1 =	vshrl.u32 v3, $0x3;
	v3 =	vshll.u32 v3, $0x4  }
0x1c: {  	[tilespmem:$0x220] =	vst v1;
	v1 =	vand.u32 $0x70, v3;
	v3 =	vld [tilespmem:$0x50]  }
0x1d: {  	[tilespmem:$0x420] =	vst v1;
	v1 =	vshrl.u32 v4, $0x3;
	v4 =	vshll.u32 v4, $0x4  }
0x1e: {  	[tilespmem:$0x230] =	vst v1;
	v1 =	vand.u32 $0x70, v4;
	v4 =	vld [tilespmem:$0x60]  }
0x1f: {  	[tilespmem:$0x430] =	vst v1;
	v1 =	vshrl.u32 v2, $0x3;
	v2 =	vshll.u32 v2, $0x4  }
0x20: {  	[tilespmem:$0x240] =	vst v1;
	v1 =	vand.u32 $0x70, v2;
	v2 =	vld [tilespmem:$0x70]  }
0x21: {  	[tilespmem:$0x440] =	vst v1;
	v1 =	vshrl.u32 v3, $0x3;
	v3 =	vshll.u32 v3, $0x4  }
0x22: {  	[tilespmem:$0x250] =	vst v1;
	v1 =	vand.u32 $0x70, v3;
	v3 =	vld [tilespmem:$0x80]  }
0x23: {  	[tilespmem:$0x450] =	vst v1;
	v1 =	vshrl.u32 v4, $0x3;
	v4 =	vshll.u32 v4, $0x4  }
0x24: {  	[tilespmem:$0x260] =	vst v1;
	v1 =	vand.u32 $0x70, v4;
	v4 =	vld [tilespmem:$0x90]  }
0x25: {  	[tilespmem:$0x460] =	vst v1;
	v1 =	vshrl.u32 v2, $0x3;
	v2 =	vshll.u32 v2, $0x4  }
0x26: {  	[tilespmem:$0x270] =	vst v1;
	v1 =	vand.u32 $0x70, v2;
	v2 =	vld [tilespmem:$0xA0]  }
0x27: {  	[tilespmem:$0x470] =	vst v1;
	v1 =	vshrl.u32 v3, $0x3;
	v3 =	vshll.u32 v3, $0x4  }
0x28: {  	[tilespmem:$0x280] =	vst v1;
	v1 =	vand.u32 $0x70, v3;
	v3 =	vld [tilespmem:$0xB0]  }
0x29: {  	[tilespmem:$0x480] =	vst v1;
	v1 =	vshrl.u32 v4, $0x3;
	v4 =	vshll.u32 v4, $0x4  }
0x2a: {  	[tilespmem:$0x290] =	vst v1;
	v1 =	vand.u32 $0x70, v4;
	v4 =	vld [tilespmem:$0xC0]  }
0x2b: {  	[tilespmem:$0x490] =	vst v1;
	v1 =	vshrl.u32 v2, $0x3;
	v2 =	vshll.u32 v2, $0x4  }
0x2c: {  	[tilespmem:$0x2A0] =	vst v1;
	v1 =	vand.u32 $0x70, v2;
	v2 =	vld [tilespmem:$0xD0]  }
0x2d: {  	[tilespmem:$0x4A0] =	vst v1;
	v1 =	vshrl.u32 v3, $0x3;
	v3 =	vshll.u32 v3, $0x4  }
0x2e: {  	[tilespmem:$0x2B0] =	vst v1;
	v1 =	vand.u32 $0x70, v3;
	v3 =	vld [tilespmem:$0xE0]  }
0x2f: {  	[tilespmem:$0x4B0] =	vst v1;
	v1 =	vshrl.u32 v4, $0x3;
	v4 =	vshll.u32 v4, $0x4  }
0x30: {  	[tilespmem:$0x2C0] =	vst v1;
	v1 =	vand.u32 $0x70, v4;
	v4 =	vld [tilespmem:$0xF0]  }
0x31: {  	[tilespmem:$0x4C0] =	vst v1;
	v1 =	vshrl.u32 v2, $0x3;
	v2 =	vshll.u32 v2, $0x4  }
0x32: {  	[tilespmem:$0x2D0] =	vst v1;
	v1 =	vand.u32 $0x70, v2;
	v2 =	vld [tilespmem:$0x100]  }
0x33: {  	[tilespmem:$0x4D0] =	vst v1;
	v1 =	vshrl.u32 v3, $0x3;
	v3 =	vshll.u32 v3, $0x4  }
0x34: {  	[tilespmem:$0x2E0] =	vst v1;
	v1 =	vand.u32 $0x70, v3;
	v3 =	vld [tilespmem:$0x110]  }
0x35: {  	[tilespmem:$0x4E0] =	vst v1;
	v1 =	vshrl.u32 v4, $0x3;
	v4 =	vshll.u32 v4, $0x4  }
0x36: {  	[tilespmem:$0x2F0] =	vst v1;
	v1 =	vand.u32 $0x70, v4;
	v4 =	vld [tilespmem:$0x120]  }
0x37: {  	[tilespmem:$0x4F0] =	vst v1;
	v1 =	vshrl.u32 v2, $0x3;
	v2 =	vshll.u32 v2, $0x4  }
0x38: {  	[tilespmem:$0x300] =	vst v1;
	v1 =	vand.u32 $0x70, v2;
	v2 =	vld [tilespmem:$0x130]  }
0x39: {  	[tilespmem:$0x500] =	vst v1;
	v1 =	vshrl.u32 v3, $0x3;
	v3 =	vshll.u32 v3, $0x4  }
0x3a: {  	[tilespmem:$0x310] =	vst v1;
	v1 =	vand.u32 $0x70, v3;
	v3 =	vld [tilespmem:$0x140]  }
0x3b: {  	[tilespmem:$0x510] =	vst v1;
	v1 =	vshrl.u32 v4, $0x3;
	v4 =	vshll.u32 v4, $0x4  }
0x3c: {  	[tilespmem:$0x320] =	vst v1;
	v1 =	vand.u32 $0x70, v4;
	v4 =	vld [tilespmem:$0x150]  }
0x3d: {  	[tilespmem:$0x520] =	vst v1;
	v1 =	vshrl.u32 v2, $0x3;
	v2 =	vshll.u32 v2, $0x4  }
0x3e: {  	[tilespmem:$0x330] =	vst v1;
	v1 =	vand.u32 $0x70, v2;
	v2 =	vld [tilespmem:$0x160]  }
0x3f: {  	[tilespmem:$0x530] =	vst v1;
	v1 =	vshrl.u32 v3, $0x3;
	v3 =	vshll.u32 v3, $0x4  }
0x40: {  	[tilespmem:$0x340] =	vst v1;
	v1 =	vand.u32 $0x70, v3;
	v3 =	vld [tilespmem:$0x170]  }
0x41: {  	[tilespmem:$0x540] =	vst v1;
	v1 =	vshrl.u32 v4, $0x3;
	v4 =	vshll.u32 v4, $0x4  }
0x42: {  	[tilespmem:$0x350] =	vst v1;
	v1 =	vand.u32 $0x70, v4;
	v4 =	vld [tilespmem:$0x180]  }
0x43: {  	[tilespmem:$0x550] =	vst v1;
	v1 =	vshrl.u32 v2, $0x3;
	v2 =	vshll.u32 v2, $0x4  }
0x44: {  	[tilespmem:$0x360] =	vst v1;
	v1 =	vand.u32 $0x70, v2;
	v2 =	vld [tilespmem:$0x190]  }
0x45: {  	[tilespmem:$0x560] =	vst v1;
	v1 =	vshrl.u32 v3, $0x3;
	v3 =	vshll.u32 v3, $0x4  }
0x46: {  	[tilespmem:$0x370] =	vst v1;
	v1 =	vand.u32 $0x70, v3  }
0x47: {  	[tilespmem:$0x570] =	vst v1;
	v1 =	vshrl.u32 v4, $0x3;
	v3 =	vshll.u32 v4, $0x4  }
0x48: {  	[tilespmem:$0x380] =	vst v1;
	v1 =	vand.u32 $0x70, v3  }
0x49: {  	[tilespmem:$0x580] =	vst v1;
	v1 =	vshrl.u32 v2, $0x3;
	v2 =	vshll.u32 v2, $0x4  }
0x4a: {  	[tilespmem:$0x390] =	vst v1;
	v1 =	vand.u32 $0x70, v2  }
0x4b: {  	[tilespmem:$0x590] =	vst v1;
	v1 =	vadd.s32 s29, v0  }
0x4c: {  	[tilespmem:s11], [sflag:$0x1] =	stream.indirect.gather [hbm4b:s4+s9], $0x80, s10, s9, $0xb8;
	[tilespmem:$0x1A600] =	vst v63  }
0x4d: {  	_ =	swait.ge [sflag:s12], $0xD000  }
0x4e: {  	[sflag:s12] =	ssyncset.done $0x0  }
0x4f: {  	[sflag:s12] =	ssyncadd.s32 $0xFFFF3000  }
0x50: {  	v2 =	vld.idx.msk [tilespmem:v1+s13+$0x0], $0xffff;
	_ =	sdelay $0x3  }
0x51: {  	v1 =	vshll.u32 v1, $0x7  }
0x52: {  	v3 =	vand.u32 $0xFFFFFF80, v2;
	v4 =	vand.u32 $0x7F, v2;
	v5 =	vadd.s32 $0x1, v2  }
0x53: {  	v6 =	vadd.s32 $0x2, v2;
	v7 =	vadd.s32 $0x3, v2;
	v8 =	vadd.s32 $0x4, v2  }
0x54: {  	v9 =	vadd.s32 $0x5, v2;
	v10 =	vadd.s32 $0x6, v2;
	v11 =	vadd.s32 $0x7, v2  }
0x55: {  	v12 =	vadd.s32 $0x8, v2;
	v13 =	vadd.s32 $0x9, v2;
	v14 =	vadd.s32 $0xA, v2  }
0x56: {  	v15 =	vadd.s32 $0xB, v2;
	v16 =	vadd.s32 $0xC, v2;
	v17 =	vadd.s32 $0xD, v2  }
0x57: {  	v18 =	vadd.s32 $0xE, v2;
	v2 =	vadd.s32 $0xF, v2;
	v3 =	vadd.s32 v1, v3  }
0x58: {  	v19 =	vand.u32 $0x7F, v5;
	v20 =	vand.u32 $0x7F, v6;
	v21 =	vand.u32 $0x7F, v7  }
0x59: {  	v22 =	vand.u32 $0x7F, v8;
	v23 =	vand.u32 $0x7F, v9;
	v24 =	vand.u32 $0x7F, v10  }
0x5a: {  	v25 =	vand.u32 $0x7F, v11;
	v26 =	vand.u32 $0x7F, v12;
	v27 =	vand.u32 $0x7F, v13  }
0x5b: {  	v28 =	vand.u32 $0x7F, v14;
	v29 =	vand.u32 $0x7F, v15;
	v30 =	vand.u32 $0x7F, v16  }
0x5c: {  	v5 =	vand.u32 $0xFFFFFF80, v5;
	v31 =	vand.u32 $0x7F, v17;
	v32 =	vand.u32 $0x7F, v18  }
0x5d: {  	v3 =	vor.u32 v4, v3;
	v4 =	vadd.s32 v1, v5;
	v5 =	vand.u32 $0xFFFFFF80, v6  }
0x5e: {  	v6 =	vand.u32 $0xFFFFFF80, v7;
	v4 =	vor.u32 v19, v4;
	v5 =	vadd.s32 v1, v5  }
0x5f: {  	v7 =	vand.u32 $0xFFFFFF80, v8;
	v6 =	vadd.s32 v1, v6;
	v5 =	vor.u32 v20, v5  }
0x60: {  	v8 =	vand.u32 $0xFFFFFF80, v9;
	v7 =	vadd.s32 v1, v7;
	v6 =	vor.u32 v21, v6  }
0x61: {  	v9 =	vand.u32 $0xFFFFFF80, v10;
	v8 =	vadd.s32 v1, v8;
	v7 =	vor.u32 v22, v7  }
0x62: {  	v10 =	vand.u32 $0xFFFFFF80, v11;
	v9 =	vadd.s32 v1, v9;
	v8 =	vor.u32 v23, v8;
	v3 =	vld.idx.msk [tilespmem:v3+s11+$0x0], $0xffff  }
0x63: {  	v11 =	vand.u32 $0xFFFFFF80, v12;
	v10 =	vadd.s32 v1, v10;
	v9 =	vor.u32 v24, v9;
	v4 =	vld.idx.msk [tilespmem:v4+s11+$0x0], $0xffff  }
0x64: {  	v12 =	vand.u32 $0xFFFFFF80, v13;
	v11 =	vadd.s32 v1, v11;
	v10 =	vor.u32 v25, v10;
	v5 =	vld.idx.msk [tilespmem:v5+s11+$0x0], $0xffff  }
0x65: {  	v13 =	vand.u32 $0xFFFFFF80, v14;
	v12 =	vadd.s32 v1, v12;
	v11 =	vor.u32 v26, v11;
	v6 =	vld.idx.msk [tilespmem:v6+s11+$0x0], $0xffff  }
0x66: {  	v14 =	vand.u32 $0xFFFFFF80, v15;
	v13 =	vadd.s32 v1, v13;
	v12 =	vor.u32 v27, v12;
	v7 =	vld.idx.msk [tilespmem:v7+s11+$0x0], $0xffff  }
0x67: {  	v15 =	vand.u32 $0xFFFFFF80, v16;
	v14 =	vadd.s32 v1, v14;
	v13 =	vor.u32 v28, v13;
	v8 =	vld.idx.msk [tilespmem:v8+s11+$0x0], $0xffff  }
0x68: {  	v16 =	vand.u32 $0xFFFFFF80, v17;
	v15 =	vadd.s32 v1, v15;
	v14 =	vor.u32 v29, v14;
	v9 =	vld.idx.msk [tilespmem:v9+s11+$0x0], $0xffff  }
0x69: {  	v17 =	vand.u32 $0xFFFFFF80, v18;
	v16 =	vadd.s32 v1, v16;
	v15 =	vor.u32 v30, v15;
	v10 =	vld.idx.msk [tilespmem:v10+s11+$0x0], $0xffff  }
0x6a: {  	v18 =	vand.u32 $0xFFFFFF80, v2;
	v17 =	vadd.s32 v1, v17;
	v16 =	vor.u32 v31, v16;
	v11 =	vld.idx.msk [tilespmem:v11+s11+$0x0], $0xffff  }
0x6b: {  	v2 =	vand.u32 $0x7F, v2;
	v1 =	vadd.s32 v1, v18;
	v17 =	vor.u32 v32, v17;
	v12 =	vld.idx.msk [tilespmem:v12+s11+$0x0], $0xffff  }
0x6c: {  	v1 =	vor.u32 v2, v1;
	v13 =	vld.idx.msk [tilespmem:v13+s11+$0x0], $0xffff  }
0x6d: {  	v2 =	vld.idx.msk [tilespmem:v14+s11+$0x0], $0xffff  }
0x6e: {  	s30 =	sand.u32 $0x7, s14;
	v14 =	vld.idx.msk [tilespmem:v15+s11+$0x0], $0xffff  }
0x6f: {  	s16 =	sshll.u32 s30, $0x4;
	v15 =	vld.idx.msk [tilespmem:v16+s11+$0x0], $0xffff  }
0x70: {  	s16 =	sor.u32 $0xDA00, s16;
	v16 =	vld.idx.msk [tilespmem:v17+s11+$0x0], $0xffff  }
0x71: {  	v1 =	vld.idx.msk [tilespmem:v1+s11+$0x0], $0xffff;
	[tilespmem:s16+$0xFFFFFC00] =	vst v3  }
0x72: {  	[tilespmem:s16+$0xFFFFFC80] =	vst v4  }
0x73: {  	[tilespmem:s16+$0xFFFFFD00] =	vst v5  }
0x74: {  	[tilespmem:s16+$0xFFFFFD80] =	vst v6  }
0x75: {  	[tilespmem:s16+$0xFFFFFE00] =	vst v7  }
0x76: {  	[tilespmem:s16+$0xFFFFFE80] =	vst v8  }
0x77: {  	[tilespmem:s16+$0xFFFFFF00] =	vst v9  }
0x78: {  	[tilespmem:s16+$0xFFFFFF80] =	vst v10  }
0x79: {  	[tilespmem:s16+$0x0] =	vst v11  }
0x7a: {  	[tilespmem:s16+$0x80] =	vst v12  }
0x7b: {  	s31 =	simm.s32 $0x1;
	[tilespmem:s16+$0x100] =	vst v13  }
0x7c: {  	v3 =	vadd.s32 s31, v0;
	[tilespmem:s16+$0x180] =	vst v2  }
0x7d: {  	[tilespmem:s16+$0x200] =	vst v14  }
0x7e: {  	[tilespmem:s16+$0x280] =	vst v15  }
0x7f: {  	[tilespmem:s16+$0x300] =	vst v16  }
0x80: {  	[tilespmem:s16+$0x380] =	vst v1  }
0x81: {  	v2 =	vld.idx.msk [tilespmem:v3+s13+$0x0], $0xffff;
	_ =	sdelay $0x3  }
0x82: {  	v1 =	vshll.u32 v3, $0x7  }
0x83: {  	v3 =	vand.u32 $0xFFFFFF80, v2;
	v15 =	vand.u32 $0x7F, v2;
	v17 =	vadd.s32 $0x1, v2  }
0x84: {  	v16 =	vadd.s32 $0x2, v2;
	v14 =	vadd.s32 $0x3, v2;
	v13 =	vadd.s32 $0x4, v2  }
0x85: {  	v12 =	vadd.s32 $0x5, v2;
	v11 =	vadd.s32 $0x6, v2;
	v10 =	vadd.s32 $0x7, v2  }
0x86: {  	v9 =	vadd.s32 $0x8, v2;
	v8 =	vadd.s32 $0x9, v2;
	v7 =	vadd.s32 $0xA, v2  }
0x87: {  	v6 =	vadd.s32 $0xB, v2;
	v5 =	vadd.s32 $0xC, v2;
	v4 =	vadd.s32 $0xD, v2  }
0x88: {  	v20 =	vadd.s32 v1, v3;
	v3 =	vadd.s32 $0xE, v2;
	v2 =	vadd.s32 $0xF, v2  }
0x89: {  	s18 =	simm.s32 $0x2;
	s17 =	sand.u32 $0x7, s15;
	v21 =	vand.u32 $0x7F, v17;
	v19 =	vand.u32 $0x7F, v16;
	v18 =	vand.u32 $0x7F, v14  }
.LBB2_3:
0x8a: {  	p0 =	sne.s32 s18, $0x19;
	v22 =	vand.u32 $0x7F, v13;
	v23 =	vand.u32 $0x7F, v12;
	v24 =	vand.u32 $0x7F, v11  }
0x8b: {  	v25 =	vand.u32 $0x7F, v10;
	v26 =	vand.u32 $0x7F, v9;
	v27 =	vand.u32 $0x7F, v8  }
0x8c: {  	v28 =	vand.u32 $0x7F, v7;
	v29 =	vand.u32 $0x7F, v6;
	v30 =	vand.u32 $0x7F, v5  }
0x8d: {  	v17 =	vand.u32 $0xFFFFFF80, v17;
	v31 =	vand.u32 $0x7F, v4;
	v32 =	vand.u32 $0x7F, v3  }
0x8e: {  	v15 =	vor.u32 v15, v20;
	v16 =	vand.u32 $0xFFFFFF80, v16;
	v17 =	vadd.s32 v1, v17  }
0x8f: {  	v14 =	vand.u32 $0xFFFFFF80, v14;
	v16 =	vadd.s32 v1, v16;
	v17 =	vor.u32 v21, v17  }
0x90: {  	v13 =	vand.u32 $0xFFFFFF80, v13;
	v14 =	vadd.s32 v1, v14;
	v16 =	vor.u32 v19, v16  }
0x91: {  	v12 =	vand.u32 $0xFFFFFF80, v12;
	v13 =	vadd.s32 v1, v13;
	v14 =	vor.u32 v18, v14  }
0x92: {  	v11 =	vand.u32 $0xFFFFFF80, v11;
	v12 =	vadd.s32 v1, v12;
	v13 =	vor.u32 v22, v13  }
0x93: {  	v10 =	vand.u32 $0xFFFFFF80, v10;
	v11 =	vadd.s32 v1, v11;
	v12 =	vor.u32 v23, v12;
	v15 =	vld.idx.msk [tilespmem:v15+s11+$0x0], $0xffff  }
0x94: {  	v9 =	vand.u32 $0xFFFFFF80, v9;
	v10 =	vadd.s32 v1, v10;
	v11 =	vor.u32 v24, v11;
	v17 =	vld.idx.msk [tilespmem:v17+s11+$0x0], $0xffff  }
0x95: {  	v8 =	vand.u32 $0xFFFFFF80, v8;
	v9 =	vadd.s32 v1, v9;
	v10 =	vor.u32 v25, v10;
	v16 =	vld.idx.msk [tilespmem:v16+s11+$0x0], $0xffff  }
0x96: {  	v7 =	vand.u32 $0xFFFFFF80, v7;
	v8 =	vadd.s32 v1, v8;
	v9 =	vor.u32 v26, v9;
	v14 =	vld.idx.msk [tilespmem:v14+s11+$0x0], $0xffff  }
0x97: {  	v6 =	vand.u32 $0xFFFFFF80, v6;
	v7 =	vadd.s32 v1, v7;
	v8 =	vor.u32 v27, v8;
	v13 =	vld.idx.msk [tilespmem:v13+s11+$0x0], $0xffff  }
0x98: {  	v5 =	vand.u32 $0xFFFFFF80, v5;
	v6 =	vadd.s32 v1, v6;
	v7 =	vor.u32 v28, v7;
	v12 =	vld.idx.msk [tilespmem:v12+s11+$0x0], $0xffff  }
0x99: {  	v4 =	vand.u32 $0xFFFFFF80, v4;
	v5 =	vadd.s32 v1, v5;
	v6 =	vor.u32 v29, v6;
	v11 =	vld.idx.msk [tilespmem:v11+s11+$0x0], $0xffff  }
0x9a: {  	v3 =	vand.u32 $0xFFFFFF80, v3;
	v4 =	vadd.s32 v1, v4;
	v5 =	vor.u32 v30, v5;
	v10 =	vld.idx.msk [tilespmem:v10+s11+$0x0], $0xffff  }
0x9b: {  	v3 =	vadd.s32 v1, v3;
	v4 =	vor.u32 v31, v4;
	v18 =	vand.u32 $0xFFFFFF80, v2;
	v9 =	vld.idx.msk [tilespmem:v9+s11+$0x0], $0xffff  }
0x9c: {  	v3 =	vor.u32 v32, v3;
	v2 =	vand.u32 $0x7F, v2;
	v1 =	vadd.s32 v1, v18;
	v8 =	vld.idx.msk [tilespmem:v8+s11+$0x0], $0xffff  }
0x9d: {  	v1 =	vor.u32 v2, v1;
	v7 =	vld.idx.msk [tilespmem:v7+s11+$0x0], $0xffff  }
0x9e: {  	v2 =	vld.idx.msk [tilespmem:v6+s11+$0x0], $0xffff  }
0x9f: {  	v5 =	vld.idx.msk [tilespmem:v5+s11+$0x0], $0xffff  }
0xa0: {  	v4 =	vld.idx.msk [tilespmem:v4+s11+$0x0], $0xffff  }
0xa1: {  	s16 =	sadd.s32 $0x800, s16;
	v3 =	vld.idx.msk [tilespmem:v3+s11+$0x0], $0xffff  }
0xa2: {  	v1 =	vld.idx.msk [tilespmem:v1+s11+$0x0], $0xffff;
	[tilespmem:s16+$0xFFFFFC00] =	vst v15  }
0xa3: {  	[tilespmem:s16+$0xFFFFFC80] =	vst v17  }
0xa4: {  	[tilespmem:s16+$0xFFFFFD00] =	vst v16  }
0xa5: {  	[tilespmem:s16+$0xFFFFFD80] =	vst v14  }
0xa6: {  	[tilespmem:s16+$0xFFFFFE00] =	vst v13  }
0xa7: {  	[tilespmem:s16+$0xFFFFFE80] =	vst v12  }
0xa8: {  	[tilespmem:s16+$0xFFFFFF00] =	vst v11  }
0xa9: {  	[tilespmem:s16+$0xFFFFFF80] =	vst v10  }
0xaa: {  	[tilespmem:s16+$0x0] =	vst v9  }
0xab: {  	[tilespmem:s16+$0x80] =	vst v8  }
0xac: {  	[tilespmem:s16+$0x100] =	vst v7  }
0xad: {  	v6 =	vadd.s32 s18, v0;
	[tilespmem:s16+$0x180] =	vst v2  }
0xae: {  	[tilespmem:s16+$0x200] =	vst v5  }
0xaf: {  	[tilespmem:s16+$0x280] =	vst v4  }
0xb0: {  	[tilespmem:s16+$0x300] =	vst v3  }
0xb1: {  	[tilespmem:s16+$0x380] =	vst v1  }
0xb2: {  	v2 =	vld.idx.msk [tilespmem:v6+s13+$0x0], $0xffff;
	_ =	sdelay $0x4  }
0xb3: {  	v1 =	vshll.u32 v6, $0x7  }
0xb4: {  	v3 =	vand.u32 $0xFFFFFF80, v2;
	v15 =	vand.u32 $0x7F, v2;
	v17 =	vadd.s32 $0x1, v2  }
0xb5: {  	v16 =	vadd.s32 $0x2, v2;
	v14 =	vadd.s32 $0x3, v2;
	v13 =	vadd.s32 $0x4, v2  }
.Ltmp0:
0xb6: {  	v12 =	vadd.s32 $0x5, v2;
	v11 =	vadd.s32 $0x6, v2;
	v10 =	vadd.s32 $0x7, v2;
	(pc) =	sbr.rel @p0 .LBB2_3-.Ltmp0, $4  }
0xb7: {  	v9 =	vadd.s32 $0x8, v2;
	v8 =	vadd.s32 $0x9, v2;
	v7 =	vadd.s32 $0xA, v2  }
0xb8: {  	v6 =	vadd.s32 $0xB, v2;
	v5 =	vadd.s32 $0xC, v2;
	v4 =	vadd.s32 $0xD, v2  }
0xb9: {  	v20 =	vadd.s32 v1, v3;
	v3 =	vadd.s32 $0xE, v2;
	v2 =	vadd.s32 $0xF, v2  }
0xba: {  	s18 =	sadd.s32 $0x1, s18;
	v21 =	vand.u32 $0x7F, v17;
	v19 =	vand.u32 $0x7F, v16;
	v18 =	vand.u32 $0x7F, v14  }
0xbb: {  	v22 =	vand.u32 $0x7F, v13;
	v23 =	vand.u32 $0x7F, v12;
	v24 =	vand.u32 $0x7F, v11  }
0xbc: {  	v25 =	vand.u32 $0x7F, v10;
	v26 =	vand.u32 $0x7F, v9;
	v27 =	vand.u32 $0x7F, v8  }
0xbd: {  	v28 =	vand.u32 $0x7F, v7;
	v29 =	vand.u32 $0x7F, v6;
	v30 =	vand.u32 $0x7F, v5  }
0xbe: {  	v17 =	vand.u32 $0xFFFFFF80, v17;
	v31 =	vand.u32 $0x7F, v4;
	v32 =	vand.u32 $0x7F, v3  }
0xbf: {  	v15 =	vor.u32 v15, v20;
	v16 =	vand.u32 $0xFFFFFF80, v16;
	v17 =	vadd.s32 v1, v17  }
0xc0: {  	v14 =	vand.u32 $0xFFFFFF80, v14;
	v16 =	vadd.s32 v1, v16;
	v17 =	vor.u32 v21, v17  }
0xc1: {  	v53 =	vand.u32 $0xFFFFFF80, v13;
	v14 =	vadd.s32 v1, v14;
	v16 =	vor.u32 v19, v16  }
0xc2: {  	v54 =	vand.u32 $0xFFFFFF80, v12;
	v13 =	vadd.s32 v1, v53;
	v14 =	vor.u32 v18, v14  }
0xc3: {  	v55 =	vand.u32 $0xFFFFFF80, v11;
	v12 =	vadd.s32 v1, v54;
	v13 =	vor.u32 v22, v13  }
0xc4: {  	v56 =	vand.u32 $0xFFFFFF80, v10;
	v11 =	vadd.s32 v1, v55;
	v12 =	vor.u32 v23, v12;
	v15 =	vld.idx.msk [tilespmem:v15+s11+$0x0], $0xffff  }
0xc5: {  	v57 =	vand.u32 $0xFFFFFF80, v9;
	v10 =	vadd.s32 v1, v56;
	v11 =	vor.u32 v24, v11;
	v17 =	vld.idx.msk [tilespmem:v17+s11+$0x0], $0xffff  }
0xc6: {  	v58 =	vand.u32 $0xFFFFFF80, v8;
	v9 =	vadd.s32 v1, v57;
	v10 =	vor.u32 v25, v10;
	v16 =	vld.idx.msk [tilespmem:v16+s11+$0x0], $0xffff  }
0xc7: {  	v59 =	vand.u32 $0xFFFFFF80, v7;
	v8 =	vadd.s32 v1, v58;
	v9 =	vor.u32 v26, v9;
	v14 =	vld.idx.msk [tilespmem:v14+s11+$0x0], $0xffff  }
0xc8: {  	v60 =	vand.u32 $0xFFFFFF80, v6;
	v7 =	vadd.s32 v1, v59;
	v8 =	vor.u32 v27, v8;
	v13 =	vld.idx.msk [tilespmem:v13+s11+$0x0], $0xffff  }
0xc9: {  	v61 =	vand.u32 $0xFFFFFF80, v5;
	v6 =	vadd.s32 v1, v60;
	v7 =	vor.u32 v28, v7;
	v12 =	vld.idx.msk [tilespmem:v12+s11+$0x0], $0xffff  }
0xca: {  	v62 =	vand.u32 $0xFFFFFF80, v4;
	v5 =	vadd.s32 v1, v61;
	v6 =	vor.u32 v29, v6;
	v11 =	vld.idx.msk [tilespmem:v11+s11+$0x0], $0xffff  }
0xcb: {  	v3 =	vand.u32 $0xFFFFFF80, v3;
	v4 =	vadd.s32 v1, v62;
	v5 =	vor.u32 v30, v5;
	v10 =	vld.idx.msk [tilespmem:v10+s11+$0x0], $0xffff  }
0xcc: {  	v63 =	vand.u32 $0xFFFFFF80, v2;
	v3 =	vadd.s32 v1, v3;
	v4 =	vor.u32 v31, v4;
	v9 =	vld.idx.msk [tilespmem:v9+s11+$0x0], $0xffff  }
0xcd: {  	v2 =	vand.u32 $0x7F, v2;
	v1 =	vadd.s32 v1, v63;
	v3 =	vor.u32 v32, v3;
	v8 =	vld.idx.msk [tilespmem:v8+s11+$0x0], $0xffff  }
0xce: {  	v1 =	vor.u32 v2, v1;
	v7 =	vld.idx.msk [tilespmem:v7+s11+$0x0], $0xffff  }
0xcf: {  	v2 =	vld.idx.msk [tilespmem:v6+s11+$0x0], $0xffff  }
0xd0: {  	v5 =	vld.idx.msk [tilespmem:v5+s11+$0x0], $0xffff  }
0xd1: {  	v4 =	vld.idx.msk [tilespmem:v4+s11+$0x0], $0xffff  }
0xd2: {  	s16 =	sadd.s32 $0x800, s16;
	v3 =	vld.idx.msk [tilespmem:v3+s11+$0x0], $0xffff  }
0xd3: {  	v1 =	vld.idx.msk [tilespmem:v1+s11+$0x0], $0xffff;
	[tilespmem:s16+$0xFFFFFC00] =	vst v15  }
0xd4: {  	[tilespmem:s16+$0xFFFFFC80] =	vst v17  }
0xd5: {  	[tilespmem:s16+$0xFFFFFD00] =	vst v16  }
0xd6: {  	[tilespmem:s16+$0xFFFFFD80] =	vst v14  }
0xd7: {  	[tilespmem:s16+$0xFFFFFE00] =	vst v13  }
0xd8: {  	[tilespmem:s16+$0xFFFFFE80] =	vst v12  }
0xd9: {  	[tilespmem:s16+$0xFFFFFF00] =	vst v11  }
0xda: {  	[tilespmem:s16+$0xFFFFFF80] =	vst v10  }
0xdb: {  	[tilespmem:s16+$0x0] =	vst v9  }
0xdc: {  	[tilespmem:s16+$0x80] =	vst v8  }
0xdd: {  	[tilespmem:s16+$0x100] =	vst v7  }
0xde: {  	[tilespmem:s16+$0x180] =	vst v2  }
0xdf: {  	p0 =	sne.s32 s17, $0x7;
	[tilespmem:s16+$0x200] =	vst v5  }
0xe0: {  	s17 =	sshll.u32 @!p0 s15, $0x4;
	s18 =	simm.s32 @!p0 $0x20000;
	[tilespmem:s16+$0x280] =	vst v4  }
0xe1: {  	s19 =	simm.s32 @!p0 $0xD600;
	s15 =	sadd.s32 $0x1, s15;
	s17 =	sand.u32 @!p0 $0x180, s17;
	[tilespmem:s16+$0x300] =	vst v3  }
0xe2: {  	p1 =	sne.s32 s15, $0x20;
	s17 =	sadd.s32 @!p0 s17, s6;
	[tilespmem:s16+$0x380] =	vst v1;
	s16 =	simm.s32 @!p0 $0x400  }
0xe3: {  	[hbm4b:s17+s16] =	stream.strided.scatter @!p0 [tilespmem:s19], [sflag:$0x2], $0xD000, s18, s16, $0x38;
	[tilespmem:$0x1A600] =	vst v63  }
.Ltmp1:
0xe4: {  	_ = 	snop;
	(pc) =	sbr.rel @p1 .LBB2_2-.Ltmp1, $4  }
0xe5: {  	s16 =	simm.s32 @!p0 $0x2  }
0xe6: {  	_ =	swait.ge @!p0 [sflag:s16], $0xD000  }
0xe7: {  	[sflag:s16] =	ssyncset.done @!p0 $0x0  }
0xe8: {  	s14 =	sadd.s32 $0x1, s14;
	[sflag:s16] =	ssyncadd.s32 @!p0 $0xFFFF3000  }
0xe9: {  	s2 =	sadd.s32 $0x1, s2  }
0xea: {  	p0 =	sne.s32 s2, s7  }
.Ltmp2:
0xeb: {  	_ = 	snop;
	(pc) =	sbr.rel @p0 .LBB2_1-.Ltmp2, $1  }
0xec: {  	_ =	sdelay $0x3  }
0xed: {  	_ =	sfence.sel $0x180000  }
0xee: {  	[bflag:$0x0] =	sbarrier.arrive $0xFFFF  }
0xef: {  	p0 =	sne.s32 s1, $0x0;
	_ =	strace $0x9000004D  }
0xf0: {  	s0 =	sadd.s32 @!p0 $0x100000, s0;
	[bflag:$0x2] =	sbarrier.arrive $0xFFFF  }
0xf1: {  	[sflag:s0] =	ssyncadd.tile.s32 @!p0 $0x1;
	_ =	shalt  }
.Lfunc_end2:
_tile_overlayer_lowered:
.L_overlay_start_2:
0xf2: {  	(tag) =	ssettag $0x2  }
0xf3: {  	s0 =	rddreg [dreg:$0x0];
	s2 =	stileid.u32  }
0xf4: {  	s1 =	rddreg [dreg:$0x1];
	p0 =	sne.s32 s2, $0x0  }
0xf5: {  	s3 =	rddreg [dreg:$0x2];
	[bflag:$0x3] =	sbarrier.arrive $0xFFFF;
	s2 =	simm.s32 @!p0 $0x1C02  }
0xf6: {  	[timem:s3], [sflag:s2] =	dma.local @!p0 [hbm:s0], s1  }
0xf7: {  	s0 =	simm.s32 @!p0 $0x2  }
0xf8: {  	_ =	swait.ge @!p0 [sflag:s0], s1  }
0xf9: {  	s1 =	ssub.s32 @!p0 $0x0, s1;
	[sflag:s0] =	ssyncset.done @!p0 $0x0  }
0xfa: {  	[sflag:s0] =	ssyncadd.s32 @!p0 s1  }
0xfb: {  	[bflag:$0x3] =	sbarrier.arrive $0xFFFF  }
0xfc: {  	_ =	shalt  }

// kernel: kernel.5.cloned.1.call-start
scs
__scs_entry_jumppad:
0x0: {  	(pc) =	sbr.rel $0x88, $3  }
0x1: {  	(tag) =	ssettag $0x0;
	lr =	simm.s32 $0x1  }
0x2: {  	[smem:$0x3F9F] =	sst lr;
	_ =	strace $0xD0000000  }
0x3: {  	_ = 	snop  }
0x4: {  	_ = 	snop  }
0x5: {  	_ = 	snop  }
0x6: {  	_ = 	snop  }
0x7: {  	_ = 	snop  }
__scs_overlays_trampoline_lowered:
0x8: {  	[smem:$0x3FAE] =	sst s0  }
0x9: {  	[smem:$0x3FAF] =	sst s1  }
0xa: {  	[smem:$0x3FB0] =	sst s2  }
0xb: {  	[smem:$0x3FB1] =	sst s3  }
0xc: {  	[smem:$0x3FB2] =	sst s4  }
0xd: {  	[smem:$0x3FB3] =	sst s5  }
0xe: {  	[smem:$0x3FB4] =	sst s6  }
0xf: {  	[smem:$0x3FB5] =	sst s7  }
0x10: {  	[smem:$0x3FB6] =	sst s8  }
0x11: {  	[smem:$0x3FB7] =	sst s9;
	s0 =	simm.s32 @!p0 $0x0  }
0x12: {  	s1 =	sld [smem:$0x3F9D];
	s0 =	simm.s32 @p0 $0x1  }
0x13: {  	[smem:$0x3FB8] =	sst s0;
	s0 =	simm.s32 @!p1 $0x0  }
0x14: {  	s2 =	sld [smem:$0x3F9C];
	s0 =	simm.s32 @p1 $0x1  }
0x15: {  	[smem:$0x3FB9] =	sst s0;
	s0 =	simm.s32 @!p2 $0x0  }
0x16: {  	s3 =	sld [smem:$0x3FDB];
	s0 =	simm.s32 @p2 $0x1  }
0x17: {  	s4 =	simm.s32 $0x1BF5;
	[smem:$0x3FBB] =	sst s0  }
0x18: {  	s0 =	sld [smem:$0x3F9E];
	_ =	swait.ge [sflag:s4], $0x0  }
0x19: {  	s7 =	sld [smem:$0x3F9F]  }
0x1a: {  	s8 =	sadd.s32 $0xFFFFE003, lr  }
0x1b: {  	s9 =	sadd.s32 $0xFFFFFEF7, lr;
	s5 =	simm.s32 $0xFFFFFFFF;
	p2 =	slt.u32 s8, $0xFFFFF086  }
0x1c: {  	p1 =	slt.u32 s9, $0xF7A;
	s5 =	simm.s32 @!p2 $0x0  }
0x1d: {  	s5 =	simm.s32 @p1 $0x1;
	p0 =	seq.s32 s7, s2  }
0x1e: {  	s7 =	smul.u32 @!p0 $0xF7A, s2;
	p2 =	seq.s32 @!p0 s5, $0x0  }
0x1f: {  	s9 =	smul.u32 $0xF7A, s1;
	s8 =	simm.s32 @!p0 $0x1BF5;
	p2 =	por !p2, p0  }
0x20: {  	[sflag:s8] =	ssyncset.s32 @!p0 $0xFFFFF086;
	s6 =	sadd.s32 @!p0 s3, s7;
	s7 =	simm.s32 @!p0 $0x108  }
0x21: {  	s3 =	sadd.s32 s3, s9;
	s6 =	sadd.s32 @!p0 $0x88, s6;
	s7 =	simm.s32 @p2 $0x1082  }
0x22: {  	[simem:s7], [sflag:s8] =	dma.local @!p0 [hbm:s6], $0xF7A  }
0x23: {  	s9 =	sor.u32 $0xD0000000, s2;
	s6 =	simm.s32 $0x108;
	_ =	swait.ge @!p0 [sflag:s8], $0x0  }
0x24: {  	s3 =	sadd.s32 $0x88, s3;
	s6 =	simm.s32 @!p1 $0x1082;
	[sflag:s4] =	ssyncset.s32 $0xFFFFF086  }
0x25: {  	[simem:s6], [sflag:s4] =	dma.local [hbm:s3], $0xF7A  }
0x26: {  	[smem:$0x3F9F] =	sst s1;
	(tag) =	ssettag s2;
	_ =	strace s9  }
0x27: {  	s1 =	sld [smem:$0x3FAF]  }
0x28: {  	s2 =	sld [smem:$0x3FB0]  }
0x29: {  	s4 =	sld [smem:$0x3FB2]  }
0x2a: {  	p0 =	seq.s32 s5, $0x0;
	s5 =	sld [smem:$0x3FB3]  }
0x2b: {  	s6 =	sld [smem:$0x3FB4]  }
0x2c: {  	s7 =	sld [smem:$0x3FB5]  }
0x2d: {  	s3 =	simm.s32 $0x108;
	s8 =	sld [smem:$0x3FB6]  }
0x2e: {  	s3 =	simm.s32 @!p0 $0x1082;
	s9 =	sld [smem:$0x3FB7]  }
0x2f: {  	lr =	sadd.s32 s0, s3;
	s0 =	sld [smem:$0x3FAE]  }
0x30: {  	s3 =	sld [smem:$0x3FB1]  }
0x31: {  	[smem:$0x3FBA] =	sst s10  }
0x32: {  	s10 =	sld [smem:$0x3FB8];
	_ =	sdelay $0x3  }
0x33: {  	p0 =	seq.s32 s10, $0x1;
	s10 =	sld [smem:$0x3FBA];
	_ =	sdelay $0x3  }
0x34: {  	[smem:$0x3FBA] =	sst s10  }
0x35: {  	s10 =	sld [smem:$0x3FB9];
	_ =	sdelay $0x3  }
0x36: {  	p1 =	seq.s32 s10, $0x1;
	s10 =	sld [smem:$0x3FBA];
	_ =	sdelay $0x3  }
0x37: {  	[smem:$0x3FBA] =	sst s10  }
0x38: {  	s10 =	sld [smem:$0x3FBB]  }
0x39: {  	_ = 	snop;
	(pc) =	sbr.ind lr, $3  }
0x3a: {  	_ = 	snop  }
0x3b: {  	_ = 	snop  }
0x3c: {  	p2 =	seq.s32 s10, $0x1;
	s10 =	sld [smem:$0x3FBA]  }
0x3d: {  	_ =	shalt  }
0x3e: {  	_ =	shalt  }
0x3f: {  	_ =	shalt  }
0x40: {  	_ =	shalt  }
0x41: {  	_ =	shalt  }
0x42: {  	_ =	shalt  }
0x43: {  	_ =	shalt  }
0x44: {  	_ =	shalt  }
0x45: {  	_ =	shalt  }
0x46: {  	_ =	shalt  }
0x47: {  	_ =	shalt  }
0x48: {  	_ =	shalt  }
0x49: {  	_ =	shalt  }
0x4a: {  	_ =	shalt  }
0x4b: {  	_ =	shalt  }
0x4c: {  	_ =	shalt  }
0x4d: {  	_ =	shalt  }
0x4e: {  	_ =	shalt  }
0x4f: {  	_ =	shalt  }
0x50: {  	_ =	shalt  }
0x51: {  	_ =	shalt  }
0x52: {  	_ =	shalt  }
0x53: {  	_ =	shalt  }
0x54: {  	_ =	shalt  }
0x55: {  	_ =	shalt  }
0x56: {  	_ =	shalt  }
0x57: {  	_ =	shalt  }
0x58: {  	_ =	shalt  }
0x59: {  	_ =	shalt  }
0x5a: {  	_ =	shalt  }
0x5b: {  	_ =	shalt  }
0x5c: {  	_ =	shalt  }
0x5d: {  	_ =	shalt  }
0x5e: {  	_ =	shalt  }
0x5f: {  	_ =	shalt  }
0x60: {  	_ =	shalt  }
0x61: {  	_ =	shalt  }
0x62: {  	_ =	shalt  }
0x63: {  	_ =	shalt  }
0x64: {  	_ =	shalt  }
0x65: {  	_ =	shalt  }
0x66: {  	_ =	shalt  }
0x67: {  	_ =	shalt  }
0x68: {  	_ =	shalt  }
0x69: {  	_ =	shalt  }
0x6a: {  	_ =	shalt  }
0x6b: {  	_ =	shalt  }
0x6c: {  	_ =	shalt  }
0x6d: {  	_ =	shalt  }
0x6e: {  	_ =	shalt  }
0x6f: {  	_ =	shalt  }
0x70: {  	_ =	shalt  }
0x71: {  	_ =	shalt  }
0x72: {  	_ =	shalt  }
0x73: {  	_ =	shalt  }
0x74: {  	_ =	shalt  }
0x75: {  	_ =	shalt  }
0x76: {  	_ =	shalt  }
0x77: {  	_ =	shalt  }
0x78: {  	_ =	shalt  }
0x79: {  	_ =	shalt  }
0x7a: {  	_ =	shalt  }
0x7b: {  	_ =	shalt  }
0x7c: {  	_ =	shalt  }
0x7d: {  	_ =	shalt  }
0x7e: {  	_ =	shalt  }
0x7f: {  	_ =	shalt  }
0x80: {  	_ =	shalt  }
0x81: {  	_ =	shalt  }
0x82: {  	_ =	shalt  }
0x83: {  	_ =	shalt  }
0x84: {  	_ =	shalt  }
0x85: {  	_ =	shalt  }
0x86: {  	_ =	shalt  }
0x87: {  	_ =	shalt  }
.Lfunc_end0:
.L_simem_size_0:
called_computation_lowered:
.L_overlay_start_0:
0x88: {  	s2 =	sld [smem:$0x3FD9]  }
0x89: {  	s3 =	sld [smem:$0x3FFE];
	_ =	sdelay $0x1  }
0x8a: {  	s1 =	srdreg.scid  }
0x8b: {  	s0 =	sand.u32 $0x1, s1  }
0x8c: {  	s17 =	sshll.u32 s0, $0xA;
	s2 =	sadd.s32 s3, s2  }
0x8d: {  	s2 =	sadd.s32 s2, s17  }
0x8e: {  	[smem:$0x3FC6] =	sst s2  }
0x8f: {  	_ = 	snop  }
0x90: {  	s2 =	sld [smem:$0x3FC9];
	(tm) =	ssettm $0x1  }
0x91: {  	s18 =	sld [smem:$0x3FFB];
	_ =	sdelay $0x3  }
0x92: {  	_ =	strace s18  }
0x93: {  	s3 =	sld [smem:$0x3FFC];
	_ =	sdelay $0x3  }
0x94: {  	_ =	strace s3  }
0x95: {  	s3 =	sld [smem:$0x3FFD];
	_ =	sdelay $0x3  }
0x96: {  	_ =	strace s3  }
0x97: {  	_ =	strace $0x8FFFFFFF  }
0x98: {  	s19 =	sld [smem:$0x3FDB];
	_ =	sdelay $0x1  }
0x99: {  	s4 =	simm.s32 $_scs_section_size  }
0x9a: {  	s5 =	simm.s32 $_size__tile_overlayer_lowered;
	s6 =	simm.s32 $_tile_overlayer_lowered  }
0x9b: {  	s22 =	simm.s32 $0x1BFF;
	s21 =	sshll.u32 s6, $0x1;
	s3 =	sadd.s32 s4, s19  }
0x9c: {  	s7 =	simm.s32 $0x0;
	s20 =	sshll.u32 s5, $0x1;
	s5 =	sadd.s32 s21, s3  }
0x9d: {  	[timem:s7], [sflag:s22] =	dma.local [hbm:s5], s20  }
0x9e: {  	_ =	swait.ge [sflag:s22], s20  }
0x9f: {  	s4 =	ssub.s32 $0x0, s20;
	[sflag:s22] =	ssyncset.done $0x0  }
0xa0: {  	[sflag:s22] =	ssyncadd.s32 s4;
	_ =	sdelay $0x1  }
0xa1: {  	s23 =	simm.s32 $0x1B8B  }
0xa2: {  	_ =	swait.ge [sflag:s23], $0x1  }
0xa3: {  	[sflag:s23] =	ssyncset.done $0x0  }
0xa4: {  	s25 =	simm.s32 $0x1B8E;
	s24 =	sld [smem:$0x3FFE];
	[sflag:s23] =	ssyncadd.s32 $0xFFFFFFFF  }
0xa5: {  	s26 =	simm.s32 $execute0_lowered;
	[smem:$0x3FD2] =	sst s25  }
0xa6: {  	s5 =	sshll.u32 s26, $0x1;
	_ =	strace $0x80000046;
	[dreg:$0x1] =	wrdreg $0xFFFFFFFF  }
0xa7: {  	s28 =	simm.s32 $_size_execute0_lowered;
	s3 =	sadd.s32 s3, s5;
	[dreg:$0x0] =	wrdreg $0x0  }
0xa8: {  	s5 =	sshll.u32 s28, $0x1;
	[dreg:$0x2] =	wrdreg s3  }
0xa9: {  	[dreg:$0x3] =	wrdreg s5  }
0xaa: {  	[dreg:$0x4] =	wrdreg $0xC0  }
0xab: {  	_ =	task [dreg:s7], $0x5FFFF  }
0xac: {  	[dreg:$0x1] =	wrdreg $0xFFFFFFFF  }
0xad: {  	[dreg:$0x0] =	wrdreg $0x60  }
0xae: {  	[dreg:$0x2] =	wrdreg s2  }
0xaf: {  	[dreg:$0x3] =	wrdreg s24  }
0xb0: {  	[dreg:$0x4] =	wrdreg $0x9  }
0xb1: {  	_ =	task.clear_ibuf [dreg:s7], $0x5FFFF;
	_ =	strace $0x90000046  }
0xb2: {  	s29 =	simm.s32 $0x9;
	_ =	strace $0x80000048  }
0xb3: {  	_ =	swait.ge [sflag:s29], $0x1  }
0xb4: {  	[sflag:s29] =	ssyncadd.s32 $0xFFFFFFFF  }
0xb5: {  	_ =	strace $0x90000048  }
0xb6: {  	_ =	sfence  }
0xb7: {  	s30 =	sld [smem:$0x0];
	_ =	sdelay $0x2  }
0xb8: {  	s31 =	sshll.u32 s1, $0xD;
	s1 =	sshrl.u32 s1, $0x2  }
0xb9: {  	s3 =	sand.u32 $0x4000, s31;
	s1 =	sadd.s32 s1, s30  }
0xba: {  	s0 =	sor.u32 s3, s0;
	s1 =	sshll.u32 s1, $0x11  }
0xbb: {  	s0 =	sor.u32 s1, s0  }
0xbc: {  	s0 =	sadd.s32 $0x8F2B, s0  }
0xbd: {  	[sflag:s0] =	ssyncadd.remote.s32 $0x1  }
0xbe: {  	_ =	sfence.sel $0xFFFF  }
0xbf: {  	[dreg:$0x0] =	wrdreg $0xFFFFFFFF;
	(pc) =	sbr.abs _section_cstart, $3  }
0xc0: {  	[dreg:$0x1] =	wrdreg $0xFFFFFFFF  }
0xc1: {  	_ =	task.clear_ibuf [dreg:s7], $0x2FFFF;
	_ =	strace $0x9FFFFFFF  }
0xc2: {  	(tm) =	ssettm $0x7FFFFFFF  }
0xc3: {  	_ =	shalt  }
tec
execute0_lowered:
.L_overlay_start_1:
0x0: {  	(tag) =	ssettag $0x1  }
0x1: {  	v0 =	vimm.s32 $0x1380;
	vm6 =	vcmask $0x300  }
0x2: {  	vm7 =	vcmask $0x704;
	v0 =	vsel vm6, $0x0, v0  }
0x3: {  	vm8 =	vcmask $0xB08;
	v0 =	vsel vm7, $0x80, v0  }
0x4: {  	vm5 =	vcmask $0xF0C;
	v0 =	vsel vm8, $0x100, v0  }
0x5: {  	vm4 =	vcmask $0x1310;
	v0 =	vsel vm5, $0x180, v0  }
0x6: {  	vm3 =	vcmask $0x1714;
	vm2 =	vcmask $0x1B18;
	v0 =	vsel vm4, $0x200, v0  }
0x7: {  	s4 =	rddreg [dreg:$0x0];
	vm0 =	vcmask $0x1F1C;
	v1 =	vimm.s32 $0x3080;
	v0 =	vsel vm3, $0x280, v0  }
0x8: {  	s1 =	srdreg.scid;
	s0 =	stileid.u32;
	vm1 =	vcmask $0x2320;
	v1 =	vsel vm6, $0x2000, v1;
	v0 =	vsel vm2, $0x300, v0  }
0x9: {  	s5 =	rddreg [dreg:$0x1];
	vm10 =	vcmask $0x2724;
	s2 =	simm.s32 $0x0;
	s10 =	simm.s32 $0x20000;
	v1 =	vsel vm7, $0x2080, v1;
	v0 =	vsel vm0, $0x380, v0  }
0xa: {  	vm11 =	vcmask $0x2B28;
	s11 =	simm.s32 $0x4080;
	s3 =	sand.u32 $0x1, s1;
	s1 =	rddreg [dreg:$0x2];
	v1 =	vsel vm8, $0x2100, v1;
	v0 =	vsel vm1, $0x1000, v0  }
0xb: {  	vm12 =	vcmask $0x2F2C;
	s12 =	simm.s32 $0x0;
	s6 =	sshll.u32 s0, $0x1;
	[smem:$0x7FF] =	sst s2;
	v1 =	vsel vm5, $0x2180, v1;
	v0 =	vsel vm10, $0x1080, v0  }
0xc: {  	vm13 =	vcmask $0x3330;
	s6 =	sor.u32 s3, s6;
	s8 =	ssub.s32 $0x2, s3;
	_ =	strace $0x80000047;
	v1 =	vsel vm4, $0x2200, v1;
	v0 =	vsel vm11, $0x1100, v0  }
0xd: {  	vm14 =	vcmask $0x3734;
	s7 =	smul.u32 $0x680, s6;
	s9 =	sshrl.u32 s8, $0x1;
	s6 =	sshll.u32 s6, $0x9;
	v1 =	vsel vm3, $0x2280, v1;
	v0 =	vsel vm12, $0x1180, v0  }
0xe: {  	vm15 =	vcmask $0x3B38;
	s3 =	sadd.s32 $0xC00, s5;
	s31 =	ssub.s32 s8, s9;
	s4 =	sadd.s32 s4, s6;
	v1 =	vsel vm2, $0x2300, v1;
	v0 =	vsel vm13, $0x1200, v0  }
0xf: {  	v2 =	vlaneseq.u32;
	s8 =	simm.s32 $0x1;
	s9 =	simm.s32 $0x1000;
	s5 =	sadd.s32 s7, s5;
	v1 =	vsel vm0, $0x2380, v1;
	v0 =	vsel vm14, $0x1280, v0  }
0x10: {  	v2 =	vor.u32 $0x10, v2;
	s6 =	smax.u32 s31, $0x1;
	s7 =	simm.s32 $0x4000;
	s5 =	sadd.s32 $0xE00, s5;
	v1 =	vsel vm1, $0x3000, v1;
	v0 =	vsel vm15, $0x1300, v0  }
.LBB2_1:
0x11: {  	[tilespmem:s7], [sflag:$0x1] =	stream.linear.gather [hbm4b:s3+s2], $0x80, $0x38;
	[tilespmem:$0x7480] =	vst v63  }
0x12: {  	v3 =	vmov s2;
	_ =	swait.ge [sflag:s8], $0x80  }
0x13: {  	v4 =	vshll.u32 v3, $0x3;
	[sflag:s8] =	ssyncset.done $0x0  }
0x14: {  	v3 =	vand.u32 $0x7C, v3;
	v4 =	vand.u32 $0xC00, v4;
	[sflag:s8] =	ssyncadd.s32 $0xFFFFFF80  }
0x15: {  	v3 =	vor.u32 v3, v4;
	[tilespmem:s2], [sflag:$0x1] =	stream.strided.gather [hbm4b:s4+s9], $0x4000, s10, s9, $0x38;
	[tilespmem:$0x7480] =	vst v63  }
0x16: {  	v5 =	vor.u32 v0, v3;
	_ =	swait.ge [sflag:s8], $0x4000  }
0x17: {  	v6 =	vor.u32 v1, v3;
	[sflag:s8] =	ssyncset.done $0x0  }
0x18: {  	[sflag:s8] =	ssyncadd.s32 $0xFFFFC000  }
0x19: {  	s13 =	simm.s32 $0x1;
	v3 =	vld [tilespmem:$0x4000]  }
0x1a: {  	v7 =	vmov s13;
	v4 =	vld [tilespmem:$0x4010]  }
0x1b: {  	v8 =	vshll.u32 v7, $0x3;
	v5 =	vld.idx.msk [tilespmem:v5+s2+$0x0], $0xffff  }
0x1c: {  	s26 =	simm.s32 $0x0;
	v7 =	vand.u32 $0x7D, v7;
	v8 =	vand.u32 $0xC00, v8;
	v6 =	vld.idx.msk [tilespmem:v6+s2+$0x0], $0xffff  }
0x1d: {  	v9 =	vadd.s32 s26, v2;
	v7 =	vor.u32 v7, v8  }
0x1e: {  	v8 =	vor.u32 v0, v7  }
0x1f: {  	v7 =	vor.u32 v1, v7  }
0x20: {  	s28 =	simm.s32 $0x40B4;
	v5 =	vadd.s32 v3, v5  }
0x21: {  	s14 =	simm.s32 $0x2;
	v6 =	vadd.s32 v4, v6;
	[tilespmem:s28+$0xFFFFFFCC] =	vst v5  }
0x22: {  	v5 =	vmov s14;
	[tilespmem:v9+s11+$0x0] =	vst.idx.msk $0x3ff, v6  }
0x23: {  	v6 =	vld.idx.msk [tilespmem:v8+s2+$0x0], $0xffff;
	v8 =	vshll.u32 v5, $0x3  }
0x24: {  	s29 =	simm.s32 $0x1A;
	v7 =	vld.idx.msk [tilespmem:v7+s2+$0x0], $0xffff;
	v5 =	vand.u32 $0x7E, v5;
	v8 =	vand.u32 $0xC00, v8  }
0x25: {  	v9 =	vadd.s32 s29, v2;
	v5 =	vor.u32 v5, v8  }
0x26: {  	v8 =	vor.u32 v0, v5  }
0x27: {  	v5 =	vor.u32 v1, v5  }
0x28: {  	v6 =	vadd.s32 v3, v6  }
0x29: {  	s30 =	simm.s32 $0x3;
	v7 =	vadd.s32 v4, v7;
	[tilespmem:s28+$0xFFFFFFE6] =	vst v6  }
0x2a: {  	v6 =	vmov s30;
	[tilespmem:v9+s11+$0x0] =	vst.idx.msk $0x3ff, v7  }
0x2b: {  	v7 =	vld.idx.msk [tilespmem:v8+s2+$0x0], $0xffff;
	v8 =	vshll.u32 v6, $0x3  }
0x2c: {  	s31 =	simm.s32 $0x34;
	v5 =	vld.idx.msk [tilespmem:v5+s2+$0x0], $0xffff;
	v6 =	vand.u32 $0x7F, v6;
	v8 =	vand.u32 $0xC00, v8  }
0x2d: {  	v9 =	vadd.s32 s31, v2;
	v6 =	vor.u32 v6, v8  }
0x2e: {  	v8 =	vor.u32 v0, v6  }
0x2f: {  	v6 =	vor.u32 v1, v6  }
0x30: {  	v7 =	vadd.s32 v3, v7  }
0x31: {  	v5 =	vadd.s32 v4, v5;
	[tilespmem:s28+$0x0] =	vst v7  }
0x32: {  	[tilespmem:v9+s11+$0x0] =	vst.idx.msk $0x3ff, v5  }
0x33: {  	s14 =	simm.s32 $0x4;
	v5 =	vld.idx.msk [tilespmem:v8+s2+$0x0], $0xffff  }
0x34: {  	v8 =	vld.idx.msk [tilespmem:v6+s2+$0x0], $0xffff;
	v6 =	vmov s14  }
0x35: {  	v7 =	vshll.u32 v6, $0x3  }
0x36: {  	s15 =	simm.s32 $0x4E;
	v6 =	vand.u32 $0x7C, v6;
	v7 =	vand.u32 $0xC00, v7  }
0x37: {  	v9 =	vor.u32 v6, v7;
	v7 =	vadd.s32 s15, v2  }
0x38: {  	v6 =	vor.u32 v0, v9  }
0x39: {  	v10 =	vadd.s32 v3, v5;
	v5 =	vor.u32 v1, v9  }
0x3a: {  	s17 =	simm.s32 $0x8;
	s13 =	simm.s32 $0x411C;
	v8 =	vadd.s32 v4, v8;
	[tilespmem:s28+$0x1A] =	vst v10  }
.LBB2_2:
0x3b: {  	s18 =	sadd.s32 $0x1, s14  }
0x3c: {  	[tilespmem:v7+s11+$0x0] =	vst.idx.msk $0x3ff, v8;
	s15 =	sadd.s32 $0x68, s15;
	s19 =	smov.u32 s17;
	s16 =	sadd.s32 $0x4, s17  }
0x3d: {  	p0 =	slt.u32 s17, $0x1FC;
	v6 =	vld.idx.msk [tilespmem:v6+s2+$0x0], $0xffff;
	v7 =	vmov s18  }
0x3e: {  	v5 =	vld.idx.msk [tilespmem:v5+s2+$0x0], $0xffff;
	v8 =	vshll.u32 v7, $0x3  }
0x3f: {  	s17 =	sadd.s32 $0xFFFFFFB2, s15;
	v7 =	vand.u32 $0x7D, v7;
	v8 =	vand.u32 $0xC00, v8  }
0x40: {  	v9 =	vadd.s32 s17, v2;
	v7 =	vor.u32 v7, v8  }
0x41: {  	v8 =	vor.u32 v0, v7  }
0x42: {  	v7 =	vor.u32 v1, v7  }
0x43: {  	v6 =	vadd.s32 v3, v6  }
0x44: {  	v5 =	vadd.s32 v4, v5;
	[tilespmem:s13+$0xFFFFFFCC] =	vst v6  }
0x45: {  	s17 =	sadd.s32 $0x2, s14;
	[tilespmem:v9+s11+$0x0] =	vst.idx.msk $0x3ff, v5  }
0x46: {  	v6 =	vmov s17;
	v5 =	vld.idx.msk [tilespmem:v8+s2+$0x0], $0xffff  }
0x47: {  	v8 =	vshll.u32 v6, $0x3;
	v7 =	vld.idx.msk [tilespmem:v7+s2+$0x0], $0xffff  }
0x48: {  	s17 =	sadd.s32 $0xFFFFFFCC, s15;
	v6 =	vand.u32 $0x7E, v6;
	v8 =	vand.u32 $0xC00, v8  }
0x49: {  	v9 =	vadd.s32 s17, v2;
	v6 =	vor.u32 v6, v8  }
0x4a: {  	v8 =	vor.u32 v0, v6  }
0x4b: {  	v6 =	vor.u32 v1, v6  }
0x4c: {  	v5 =	vadd.s32 v3, v5  }
0x4d: {  	v7 =	vadd.s32 v4, v7;
	[tilespmem:s13+$0xFFFFFFE6] =	vst v5  }
0x4e: {  	s17 =	sadd.s32 $0x3, s14;
	s14 =	smov.u32 s19;
	[tilespmem:v9+s11+$0x0] =	vst.idx.msk $0x3ff, v7  }
0x4f: {  	v7 =	vmov s17;
	v5 =	vld.idx.msk [tilespmem:v8+s2+$0x0], $0xffff  }
0x50: {  	v8 =	vshll.u32 v7, $0x3;
	v6 =	vld.idx.msk [tilespmem:v6+s2+$0x0], $0xffff  }
0x51: {  	s17 =	sadd.s32 $0xFFFFFFE6, s15;
	v7 =	vand.u32 $0x7F, v7;
	v8 =	vand.u32 $0xC00, v8  }
0x52: {  	v9 =	vadd.s32 s17, v2;
	v7 =	vor.u32 v7, v8  }
0x53: {  	v8 =	vor.u32 v0, v7  }
0x54: {  	v7 =	vor.u32 v1, v7  }
0x55: {  	v5 =	vadd.s32 v3, v5  }
0x56: {  	v6 =	vadd.s32 v4, v6;
	[tilespmem:s13+$0x0] =	vst v5  }
0x57: {  	[tilespmem:v9+s11+$0x0] =	vst.idx.msk $0x3ff, v6  }
0x58: {  	v5 =	vmov s14;
	v8 =	vld.idx.msk [tilespmem:v8+s2+$0x0], $0xffff  }
0x59: {  	v6 =	vshll.u32 v5, $0x3;
	v9 =	vld.idx.msk [tilespmem:v7+s2+$0x0], $0xffff  }
0x5a: {  	v5 =	vand.u32 $0x7C, v5;
	v6 =	vand.u32 $0xC00, v6  }
.Ltmp0:
0x5b: {  	v5 =	vor.u32 v5, v6;
	v7 =	vadd.s32 s15, v2;
	(pc) =	sbr.rel @p0 .LBB2_2-.Ltmp0, $3  }
0x5c: {  	v6 =	vor.u32 v0, v5;
	v5 =	vor.u32 v1, v5;
	_ =	sdelay $0x1  }
0x5d: {  	v10 =	vadd.s32 v3, v8  }
0x5e: {  	s17 =	smov.u32 s16;
	v8 =	vadd.s32 v4, v9;
	[tilespmem:s13+$0x1A] =	vst v10;
	s13 =	sadd.s32 $0x68, s13  }
0x5f: {  	_ =	sdelay $0x2  }
0x60: {  	s16 =	sadd.s32 $0x1, s14  }
0x61: {  	[tilespmem:v7+s11+$0x0] =	vst.idx.msk $0x3ff, v8;
	v54 =	vmov s16  }
0x62: {  	s15 =	sadd.s32 $0x68, s15;
	v6 =	vld.idx.msk [tilespmem:v6+s2+$0x0], $0xffff;
	v55 =	vshll.u32 v54, $0x3  }
0x63: {  	v5 =	vld.idx.msk [tilespmem:v5+s2+$0x0], $0xffff;
	s26 =	sadd.s32 $0xFFFFFFB2, s15;
	v7 =	vand.u32 $0x7D, v54;
	v8 =	vand.u32 $0xC00, v55  }
0x64: {  	v9 =	vadd.s32 s26, v2;
	v7 =	vor.u32 v7, v8  }
0x65: {  	v8 =	vor.u32 v0, v7  }
0x66: {  	v7 =	vor.u32 v1, v7  }
0x67: {  	v6 =	vadd.s32 v3, v6  }
0x68: {  	s28 =	sadd.s32 $0x2, s14;
	v5 =	vadd.s32 v4, v5;
	[tilespmem:s13+$0xFFFFFFCC] =	vst v6  }
0x69: {  	v56 =	vmov s28;
	[tilespmem:v9+s11+$0x0] =	vst.idx.msk $0x3ff, v5  }
0x6a: {  	v57 =	vshll.u32 v56, $0x3;
	v6 =	vld.idx.msk [tilespmem:v8+s2+$0x0], $0xffff  }
0x6b: {  	s29 =	sadd.s32 $0xFFFFFFCC, s15;
	v5 =	vand.u32 $0x7E, v56;
	v7 =	vld.idx.msk [tilespmem:v7+s2+$0x0], $0xffff;
	v8 =	vand.u32 $0xC00, v57  }
0x6c: {  	v58 =	vadd.s32 s29, v2;
	v5 =	vor.u32 v5, v8  }
0x6d: {  	v8 =	vor.u32 v0, v5  }
0x6e: {  	v5 =	vor.u32 v1, v5  }
0x6f: {  	v6 =	vadd.s32 v3, v6  }
0x70: {  	s30 =	sadd.s32 $0x3, s14;
	v7 =	vadd.s32 v4, v7;
	[tilespmem:s13+$0xFFFFFFE6] =	vst v6  }
0x71: {  	v59 =	vmov s30;
	[tilespmem:v58+s11+$0x0] =	vst.idx.msk $0x3ff, v7  }
0x72: {  	v60 =	vshll.u32 v59, $0x3;
	v7 =	vld.idx.msk [tilespmem:v8+s2+$0x0], $0xffff  }
0x73: {  	s31 =	sadd.s32 $0xFFFFFFE6, s15;
	v6 =	vand.u32 $0x7F, v59;
	v5 =	vld.idx.msk [tilespmem:v5+s2+$0x0], $0xffff;
	v8 =	vand.u32 $0xC00, v60  }
0x74: {  	v61 =	vadd.s32 s31, v2;
	v6 =	vor.u32 v6, v8  }
0x75: {  	v8 =	vor.u32 v0, v6  }
0x76: {  	v6 =	vor.u32 v1, v6  }
0x77: {  	v7 =	vadd.s32 v3, v7  }
0x78: {  	v5 =	vadd.s32 v4, v5;
	[tilespmem:s13+$0x0] =	vst v7  }
0x79: {  	[tilespmem:v61+s11+$0x0] =	vst.idx.msk $0x3ff, v5  }
0x7a: {  	v5 =	vld.idx.msk [tilespmem:v8+s2+$0x0], $0xffff  }
0x7b: {  	v6 =	vld.idx.msk [tilespmem:v6+s2+$0x0], $0xffff  }
0x7c: {  	v62 =	vadd.s32 s15, v2;
	_ =	sdelay $0x2  }
0x7d: {  	s12 =	sadd.s32 $0x1, s12;
	v3 =	vadd.s32 v3, v5  }
0x7e: {  	p0 =	sne.s32 s12, s6;
	v63 =	vadd.s32 v4, v6;
	[tilespmem:s13+$0x1A] =	vst v3  }
.Ltmp1:
0x7f: {  	[tilespmem:v62+s11+$0x0] =	vst.idx.msk $0x3ff, v63;
	(pc) =	sbr.rel @p0 .LBB2_1-.Ltmp1, $4  }
0x80: {  	[hbm4b:s5+s2] =	stream.linear.scatter [tilespmem:s11], [sflag:$0x1], $0x3400, $0x38;
	[tilespmem:$0x7480] =	vst v63  }
0x81: {  	_ =	swait.ge [sflag:s8], $0x3400  }
0x82: {  	[sflag:s8] =	ssyncset.done $0x0  }
0x83: {  	[sflag:s8] =	ssyncadd.s32 $0xFFFFCC00  }
0x84: {  	_ =	sfence.sel $0x180000  }
0x85: {  	[bflag:$0x0] =	sbarrier.arrive $0xFFFF  }
0x86: {  	p0 =	sne.s32 s0, $0x0;
	_ =	strace $0x90000047  }
0x87: {  	s0 =	sadd.s32 @!p0 $0x100000, s1;
	[bflag:$0x2] =	sbarrier.arrive $0xFFFF  }
0x88: {  	[sflag:s0] =	ssyncadd.tile.s32 @!p0 $0x1;
	_ =	shalt  }
.Lfunc_end2:
_tile_overlayer_lowered:
.L_overlay_start_2:
0x89: {  	(tag) =	ssettag $0x2  }
0x8a: {  	s0 =	rddreg [dreg:$0x0];
	s2 =	stileid.u32  }
0x8b: {  	s1 =	rddreg [dreg:$0x1];
	p0 =	sne.s32 s2, $0x0  }
0x8c: {  	s3 =	rddreg [dreg:$0x2];
	[bflag:$0x3] =	sbarrier.arrive $0xFFFF;
	s2 =	simm.s32 @!p0 $0x1C01  }
0x8d: {  	[timem:s3], [sflag:s2] =	dma.local @!p0 [hbm:s0], s1  }
0x8e: {  	s0 =	simm.s32 @!p0 $0x1  }
0x8f: {  	_ =	swait.ge @!p0 [sflag:s0], s1  }
0x90: {  	s1 =	ssub.s32 @!p0 $0x0, s1;
	[sflag:s0] =	ssyncset.done @!p0 $0x0  }
0x91: {  	[sflag:s0] =	ssyncadd.s32 @!p0 s1  }
0x92: {  	[bflag:$0x3] =	sbarrier.arrive $0xFFFF  }
0x93: {  	_ =	shalt  }

// kernel: kernel.8.cloned.1.call-start
scs
__scs_entry_jumppad:
0x0: {  	(pc) =	sbr.rel $0x88, $3  }
0x1: {  	(tag) =	ssettag $0x0;
	lr =	simm.s32 $0x1  }
0x2: {  	[smem:$0x3F9F] =	sst lr;
	_ =	strace $0xD0000000  }
0x3: {  	_ = 	snop  }
0x4: {  	_ = 	snop  }
0x5: {  	_ = 	snop  }
0x6: {  	_ = 	snop  }
0x7: {  	_ = 	snop  }
__scs_overlays_trampoline_lowered:
0x8: {  	[smem:$0x3FAE] =	sst s0  }
0x9: {  	[smem:$0x3FAF] =	sst s1  }
0xa: {  	[smem:$0x3FB0] =	sst s2  }
0xb: {  	[smem:$0x3FB1] =	sst s3  }
0xc: {  	[smem:$0x3FB2] =	sst s4  }
0xd: {  	[smem:$0x3FB3] =	sst s5  }
0xe: {  	[smem:$0x3FB4] =	sst s6  }
0xf: {  	[smem:$0x3FB5] =	sst s7  }
0x10: {  	[smem:$0x3FB6] =	sst s8  }
0x11: {  	[smem:$0x3FB7] =	sst s9;
	s0 =	simm.s32 @!p0 $0x0  }
0x12: {  	s1 =	sld [smem:$0x3F9D];
	s0 =	simm.s32 @p0 $0x1  }
0x13: {  	[smem:$0x3FB8] =	sst s0;
	s0 =	simm.s32 @!p1 $0x0  }
0x14: {  	s2 =	sld [smem:$0x3F9C];
	s0 =	simm.s32 @p1 $0x1  }
0x15: {  	[smem:$0x3FB9] =	sst s0;
	s0 =	simm.s32 @!p2 $0x0  }
0x16: {  	s3 =	sld [smem:$0x3FDB];
	s0 =	simm.s32 @p2 $0x1  }
0x17: {  	s4 =	simm.s32 $0x1BF5;
	[smem:$0x3FBB] =	sst s0  }
0x18: {  	s0 =	sld [smem:$0x3F9E];
	_ =	swait.ge [sflag:s4], $0x0  }
0x19: {  	s7 =	sld [smem:$0x3F9F]  }
0x1a: {  	s8 =	sadd.s32 $0xFFFFE003, lr  }
0x1b: {  	s9 =	sadd.s32 $0xFFFFFEF7, lr;
	s5 =	simm.s32 $0xFFFFFFFF;
	p2 =	slt.u32 s8, $0xFFFFF086  }
0x1c: {  	p1 =	slt.u32 s9, $0xF7A;
	s5 =	simm.s32 @!p2 $0x0  }
0x1d: {  	s5 =	simm.s32 @p1 $0x1;
	p0 =	seq.s32 s7, s2  }
0x1e: {  	s7 =	smul.u32 @!p0 $0xF7A, s2;
	p2 =	seq.s32 @!p0 s5, $0x0  }
0x1f: {  	s9 =	smul.u32 $0xF7A, s1;
	s8 =	simm.s32 @!p0 $0x1BF5;
	p2 =	por !p2, p0  }
0x20: {  	[sflag:s8] =	ssyncset.s32 @!p0 $0xFFFFF086;
	s6 =	sadd.s32 @!p0 s3, s7;
	s7 =	simm.s32 @!p0 $0x108  }
0x21: {  	s3 =	sadd.s32 s3, s9;
	s6 =	sadd.s32 @!p0 $0x88, s6;
	s7 =	simm.s32 @p2 $0x1082  }
0x22: {  	[simem:s7], [sflag:s8] =	dma.local @!p0 [hbm:s6], $0xF7A  }
0x23: {  	s9 =	sor.u32 $0xD0000000, s2;
	s6 =	simm.s32 $0x108;
	_ =	swait.ge @!p0 [sflag:s8], $0x0  }
0x24: {  	s3 =	sadd.s32 $0x88, s3;
	s6 =	simm.s32 @!p1 $0x1082;
	[sflag:s4] =	ssyncset.s32 $0xFFFFF086  }
0x25: {  	[simem:s6], [sflag:s4] =	dma.local [hbm:s3], $0xF7A  }
0x26: {  	[smem:$0x3F9F] =	sst s1;
	(tag) =	ssettag s2;
	_ =	strace s9  }
0x27: {  	s1 =	sld [smem:$0x3FAF]  }
0x28: {  	s2 =	sld [smem:$0x3FB0]  }
0x29: {  	s4 =	sld [smem:$0x3FB2]  }
0x2a: {  	p0 =	seq.s32 s5, $0x0;
	s5 =	sld [smem:$0x3FB3]  }
0x2b: {  	s6 =	sld [smem:$0x3FB4]  }
0x2c: {  	s7 =	sld [smem:$0x3FB5]  }
0x2d: {  	s3 =	simm.s32 $0x108;
	s8 =	sld [smem:$0x3FB6]  }
0x2e: {  	s3 =	simm.s32 @!p0 $0x1082;
	s9 =	sld [smem:$0x3FB7]  }
0x2f: {  	lr =	sadd.s32 s0, s3;
	s0 =	sld [smem:$0x3FAE]  }
0x30: {  	s3 =	sld [smem:$0x3FB1]  }
0x31: {  	[smem:$0x3FBA] =	sst s10  }
0x32: {  	s10 =	sld [smem:$0x3FB8];
	_ =	sdelay $0x3  }
0x33: {  	p0 =	seq.s32 s10, $0x1;
	s10 =	sld [smem:$0x3FBA];
	_ =	sdelay $0x3  }
0x34: {  	[smem:$0x3FBA] =	sst s10  }
0x35: {  	s10 =	sld [smem:$0x3FB9];
	_ =	sdelay $0x3  }
0x36: {  	p1 =	seq.s32 s10, $0x1;
	s10 =	sld [smem:$0x3FBA];
	_ =	sdelay $0x3  }
0x37: {  	[smem:$0x3FBA] =	sst s10  }
0x38: {  	s10 =	sld [smem:$0x3FBB]  }
0x39: {  	_ = 	snop;
	(pc) =	sbr.ind lr, $3  }
0x3a: {  	_ = 	snop  }
0x3b: {  	_ = 	snop  }
0x3c: {  	p2 =	seq.s32 s10, $0x1;
	s10 =	sld [smem:$0x3FBA]  }
0x3d: {  	_ =	shalt  }
0x3e: {  	_ =	shalt  }
0x3f: {  	_ =	shalt  }
0x40: {  	_ =	shalt  }
0x41: {  	_ =	shalt  }
0x42: {  	_ =	shalt  }
0x43: {  	_ =	shalt  }
0x44: {  	_ =	shalt  }
0x45: {  	_ =	shalt  }
0x46: {  	_ =	shalt  }
0x47: {  	_ =	shalt  }
0x48: {  	_ =	shalt  }
0x49: {  	_ =	shalt  }
0x4a: {  	_ =	shalt  }
0x4b: {  	_ =	shalt  }
0x4c: {  	_ =	shalt  }
0x4d: {  	_ =	shalt  }
0x4e: {  	_ =	shalt  }
0x4f: {  	_ =	shalt  }
0x50: {  	_ =	shalt  }
0x51: {  	_ =	shalt  }
0x52: {  	_ =	shalt  }
0x53: {  	_ =	shalt  }
0x54: {  	_ =	shalt  }
0x55: {  	_ =	shalt  }
0x56: {  	_ =	shalt  }
0x57: {  	_ =	shalt  }
0x58: {  	_ =	shalt  }
0x59: {  	_ =	shalt  }
0x5a: {  	_ =	shalt  }
0x5b: {  	_ =	shalt  }
0x5c: {  	_ =	shalt  }
0x5d: {  	_ =	shalt  }
0x5e: {  	_ =	shalt  }
0x5f: {  	_ =	shalt  }
0x60: {  	_ =	shalt  }
0x61: {  	_ =	shalt  }
0x62: {  	_ =	shalt  }
0x63: {  	_ =	shalt  }
0x64: {  	_ =	shalt  }
0x65: {  	_ =	shalt  }
0x66: {  	_ =	shalt  }
0x67: {  	_ =	shalt  }
0x68: {  	_ =	shalt  }
0x69: {  	_ =	shalt  }
0x6a: {  	_ =	shalt  }
0x6b: {  	_ =	shalt  }
0x6c: {  	_ =	shalt  }
0x6d: {  	_ =	shalt  }
0x6e: {  	_ =	shalt  }
0x6f: {  	_ =	shalt  }
0x70: {  	_ =	shalt  }
0x71: {  	_ =	shalt  }
0x72: {  	_ =	shalt  }
0x73: {  	_ =	shalt  }
0x74: {  	_ =	shalt  }
0x75: {  	_ =	shalt  }
0x76: {  	_ =	shalt  }
0x77: {  	_ =	shalt  }
0x78: {  	_ =	shalt  }
0x79: {  	_ =	shalt  }
0x7a: {  	_ =	shalt  }
0x7b: {  	_ =	shalt  }
0x7c: {  	_ =	shalt  }
0x7d: {  	_ =	shalt  }
0x7e: {  	_ =	shalt  }
0x7f: {  	_ =	shalt  }
0x80: {  	_ =	shalt  }
0x81: {  	_ =	shalt  }
0x82: {  	_ =	shalt  }
0x83: {  	_ =	shalt  }
0x84: {  	_ =	shalt  }
0x85: {  	_ =	shalt  }
0x86: {  	_ =	shalt  }
0x87: {  	_ =	shalt  }
.Lfunc_end0:
.L_simem_size_0:
called_computation.1_lowered:
.L_overlay_start_0:
0x88: {  	s2 =	sld [smem:$0x3FD9]  }
0x89: {  	s3 =	sld [smem:$0x3FFE];
	_ =	sdelay $0x1  }
0x8a: {  	s1 =	srdreg.scid  }
0x8b: {  	s0 =	sand.u32 $0x1, s1  }
0x8c: {  	s17 =	sshll.u32 s0, $0xA;
	s2 =	sadd.s32 s3, s2  }
0x8d: {  	s2 =	sadd.s32 s2, s17  }
0x8e: {  	[smem:$0x3FC6] =	sst s2  }
0x8f: {  	_ = 	snop  }
0x90: {  	s18 =	sld [smem:$0x3FC8]  }
0x91: {  	s4 =	sld [smem:$0x3FD0];
	(tm) =	ssettm $0x1  }
0x92: {  	s19 =	sld [smem:$0x3FFB];
	_ =	sdelay $0x3  }
0x93: {  	_ =	strace s19  }
0x94: {  	s2 =	sld [smem:$0x3FFC];
	_ =	sdelay $0x3  }
0x95: {  	_ =	strace s2  }
0x96: {  	s2 =	sld [smem:$0x3FFD];
	_ =	sdelay $0x3  }
0x97: {  	_ =	strace s2  }
0x98: {  	_ =	strace $0x8FFFFFFF  }
0x99: {  	s20 =	sld [smem:$0x3FDB];
	_ =	sdelay $0x1  }
0x9a: {  	s5 =	simm.s32 $_scs_section_size  }
0x9b: {  	s6 =	simm.s32 $_size__tile_overlayer_lowered;
	s7 =	simm.s32 $_tile_overlayer_lowered  }
0x9c: {  	s8 =	simm.s32 $0x1BFF;
	s21 =	sshll.u32 s7, $0x1;
	s5 =	sadd.s32 s5, s20  }
0x9d: {  	s22 =	simm.s32 $0x0;
	s6 =	sshll.u32 s6, $0x1;
	s7 =	sadd.s32 s21, s5  }
0x9e: {  	[timem:s22], [sflag:s8] =	dma.local [hbm:s7], s6  }
0x9f: {  	_ =	swait.ge [sflag:s8], s6  }
0xa0: {  	s6 =	ssub.s32 $0x0, s6;
	[sflag:s8] =	ssyncset.done $0x0  }
0xa1: {  	[sflag:s8] =	ssyncadd.s32 s6;
	_ =	sdelay $0x1  }
0xa2: {  	s23 =	simm.s32 $0x1B8B  }
0xa3: {  	_ =	swait.ge [sflag:s23], $0x1  }
0xa4: {  	[sflag:s23] =	ssyncset.done $0x0  }
0xa5: {  	[sflag:s23] =	ssyncadd.s32 $0xFFFFFFFF  }
0xa6: {  	s6 =	sld [smem:$0x0]  }
0xa7: {  	s7 =	sand.u32 $0xFFFFFFFE, s1  }
0xa8: {  	p0 =	sne.s32 s1, s7  }
0xa9: {  	s7 =	sshll.u32 @p0 s7, $0xE  }
0xaa: {  	s7 =	sadd.s32 @p0 $0x11B8D, s7;
	s8 =	sshll.u32 @p0 s6, $0x11  }
0xab: {  	s7 =	sor.u32 @p0 s8, s7  }
0xac: {  	[sflag:s7] =	ssyncadd.remote.s32 @p0 $0x1;
	_ =	sdelay $0x1  }
0xad: {  	s7 =	simm.s32 @p0 $0x1B8D  }
0xae: {  	_ =	swait.eq @p0 [sflag:s7], $0x1  }
0xaf: {  	[sflag:s7] =	ssyncadd.s32 @p0 $0xFFFFFFFF  }
0xb0: {  	s8 =	sshll.u32 @!p0 s1, $0xE  }
0xb1: {  	s8 =	sor.u32 @!p0 $0x4000, s8;
	s7 =	simm.s32 @!p0 $0x1B8D  }
0xb2: {  	s6 =	sshll.u32 @!p0 s6, $0x11;
	s8 =	sadd.s32 @!p0 $0x11B8D, s8;
	_ =	swait.eq @!p0 [sflag:s7], $0x1  }
0xb3: {  	s6 =	sor.u32 @!p0 s6, s8;
	[sflag:s7] =	ssyncadd.s32 @!p0 $0xFFFFFFFF  }
0xb4: {  	s25 =	simm.s32 $0x1B8E;
	s24 =	sld [smem:$0x3FFE];
	[sflag:s6] =	ssyncadd.remote.s32 @!p0 $0x1  }
0xb5: {  	s26 =	simm.s32 $execute0_lowered;
	[smem:$0x3FD2] =	sst s25  }
0xb6: {  	s7 =	sshll.u32 s26, $0x1;
	_ =	strace $0x80000049;
	[dreg:$0x1] =	wrdreg $0xFFFFFFFF  }
0xb7: {  	s28 =	simm.s32 $_size_execute0_lowered;
	s5 =	sadd.s32 s5, s7;
	[dreg:$0x0] =	wrdreg $0x0  }
0xb8: {  	s7 =	sshll.u32 s28, $0x1;
	[dreg:$0x2] =	wrdreg s5  }
0xb9: {  	[dreg:$0x3] =	wrdreg s7  }
0xba: {  	[dreg:$0x4] =	wrdreg $0xC0  }
0xbb: {  	_ =	task [dreg:s22], $0x5FFFF  }
0xbc: {  	[dreg:$0x1] =	wrdreg $0xFFFFFFFF  }
0xbd: {  	[dreg:$0x0] =	wrdreg $0x60  }
0xbe: {  	[dreg:$0x2] =	wrdreg s18  }
0xbf: {  	[dreg:$0x3] =	wrdreg s4  }
0xc0: {  	[dreg:$0x4] =	wrdreg s24  }
0xc1: {  	[dreg:$0x5] =	wrdreg $0xA  }
0xc2: {  	_ =	task.clear_ibuf [dreg:s22], $0x6FFFF;
	_ =	strace $0x90000049  }
0xc3: {  	s29 =	simm.s32 $0xA;
	_ =	strace $0x8000004B  }
0xc4: {  	_ =	swait.ge [sflag:s29], $0x1  }
0xc5: {  	[sflag:s29] =	ssyncadd.s32 $0xFFFFFFFF  }
0xc6: {  	_ =	strace $0x9000004B  }
0xc7: {  	_ =	sfence  }
0xc8: {  	s30 =	sld [smem:$0x0];
	_ =	sdelay $0x2  }
0xc9: {  	s31 =	sshll.u32 s1, $0xD;
	s1 =	sshrl.u32 s1, $0x2  }
0xca: {  	s4 =	sand.u32 $0x4000, s31;
	s1 =	sadd.s32 s1, s30  }
0xcb: {  	s0 =	sor.u32 s4, s0;
	s1 =	sshll.u32 s1, $0x11  }
0xcc: {  	s0 =	sor.u32 s1, s0  }
0xcd: {  	s0 =	sadd.s32 $0x8F2B, s0  }
0xce: {  	[sflag:s0] =	ssyncadd.remote.s32 $0x1  }
0xcf: {  	_ =	sfence.sel $0xFFFF  }
0xd0: {  	[dreg:$0x0] =	wrdreg $0xFFFFFFFF;
	(pc) =	sbr.abs _section_cstart, $3  }
0xd1: {  	[dreg:$0x1] =	wrdreg $0xFFFFFFFF  }
0xd2: {  	_ =	task.clear_ibuf [dreg:s22], $0x2FFFF;
	_ =	strace $0x9FFFFFFF  }
0xd3: {  	(tm) =	ssettm $0x7FFFFFFF  }
tec
execute0_lowered:
.L_overlay_start_1:
0x0: {  	(tag) =	ssettag $0x1  }
0x1: {  	v0 =	vimm.s32 $0xB80;
	vm14 =	vcmask $0x300;
	vm13 =	vcmask $0x704  }
0x2: {  	vm7 =	vcmask $0xB08;
	v1 =	vimm.s32 $0xB81;
	vm8 =	vcmask $0xF0C  }
0x3: {  	vm9 =	vcmask $0x1310;
	vm10 =	vcmask $0x1714;
	vm11 =	vcmask $0x1B18  }
0x4: {  	vm12 =	vcmask $0x1F1C;
	vm6 =	vcmask $0x2320;
	vm5 =	vcmask $0x2724  }
0x5: {  	vm3 =	vcmask $0x2B28;
	vm4 =	vcmask $0x2F2C;
	vm2 =	vcmask $0x3330  }
0x6: {  	vm0 =	vcmask $0x3734;
	vm1 =	vcmask $0x3B38;
	v2 =	vimm.s32 $0xB82  }
0x7: {  	v3 =	vimm.s32 $0xB83;
	v4 =	vimm.s32 $0xB84;
	v5 =	vimm.s32 $0xB85  }
0x8: {  	v6 =	vimm.s32 $0xB86;
	v7 =	vimm.s32 $0xB87;
	v0 =	vsel vm14, $0x0, v0  }
0x9: {  	v1 =	vsel vm14, $0x1, v1;
	v2 =	vsel vm14, $0x2, v2;
	v3 =	vsel vm14, $0x3, v3  }
0xa: {  	v4 =	vsel vm14, $0x4, v4;
	v5 =	vsel vm14, $0x5, v5;
	v6 =	vsel vm14, $0x6, v6  }
0xb: {  	v7 =	vsel vm14, $0x7, v7;
	v0 =	vsel vm13, $0x80, v0;
	v1 =	vsel vm13, $0x81, v1  }
0xc: {  	v2 =	vsel vm13, $0x82, v2;
	v3 =	vsel vm13, $0x83, v3;
	v4 =	vsel vm13, $0x84, v4  }
0xd: {  	v5 =	vsel vm13, $0x85, v5;
	v6 =	vsel vm13, $0x86, v6;
	v7 =	vsel vm13, $0x87, v7  }
0xe: {  	v0 =	vsel vm7, $0x100, v0;
	v1 =	vsel vm7, $0x101, v1;
	v2 =	vsel vm7, $0x102, v2  }
0xf: {  	v3 =	vsel vm7, $0x103, v3;
	v4 =	vsel vm7, $0x104, v4;
	v5 =	vsel vm7, $0x105, v5  }
0x10: {  	v6 =	vsel vm7, $0x106, v6;
	v7 =	vsel vm7, $0x107, v7;
	v0 =	vsel vm8, $0x180, v0  }
0x11: {  	v1 =	vsel vm8, $0x181, v1;
	v2 =	vsel vm8, $0x182, v2;
	v3 =	vsel vm8, $0x183, v3  }
0x12: {  	v4 =	vsel vm8, $0x184, v4;
	v5 =	vsel vm8, $0x185, v5;
	v6 =	vsel vm8, $0x186, v6  }
0x13: {  	v7 =	vsel vm8, $0x187, v7;
	v0 =	vsel vm9, $0x200, v0;
	v1 =	vsel vm9, $0x201, v1  }
0x14: {  	v2 =	vsel vm9, $0x202, v2;
	v3 =	vsel vm9, $0x203, v3;
	v4 =	vsel vm9, $0x204, v4  }
0x15: {  	v5 =	vsel vm9, $0x205, v5;
	v6 =	vsel vm9, $0x206, v6;
	v7 =	vsel vm9, $0x207, v7  }
0x16: {  	v0 =	vsel vm10, $0x280, v0;
	v1 =	vsel vm10, $0x281, v1;
	v2 =	vsel vm10, $0x282, v2  }
0x17: {  	v3 =	vsel vm10, $0x283, v3;
	v4 =	vsel vm10, $0x284, v4;
	v5 =	vsel vm10, $0x285, v5  }
0x18: {  	v6 =	vsel vm10, $0x286, v6;
	v7 =	vsel vm10, $0x287, v7;
	v0 =	vsel vm11, $0x300, v0  }
0x19: {  	v1 =	vsel vm11, $0x301, v1;
	v2 =	vsel vm11, $0x302, v2;
	v3 =	vsel vm11, $0x303, v3  }
0x1a: {  	v4 =	vsel vm11, $0x304, v4;
	v5 =	vsel vm11, $0x305, v5;
	v6 =	vsel vm11, $0x306, v6  }
0x1b: {  	v7 =	vsel vm11, $0x307, v7;
	v0 =	vsel vm12, $0x380, v0;
	v1 =	vsel vm12, $0x381, v1  }
0x1c: {  	v2 =	vsel vm12, $0x382, v2;
	v3 =	vsel vm12, $0x383, v3;
	v4 =	vsel vm12, $0x384, v4  }
0x1d: {  	v5 =	vsel vm12, $0x385, v5;
	v6 =	vsel vm12, $0x386, v6;
	v7 =	vsel vm12, $0x387, v7  }
0x1e: {  	v0 =	vsel vm6, $0x800, v0;
	v1 =	vsel vm6, $0x801, v1;
	v2 =	vsel vm6, $0x802, v2  }
0x1f: {  	v3 =	vsel vm6, $0x803, v3;
	v4 =	vsel vm6, $0x804, v4;
	v5 =	vsel vm6, $0x805, v5  }
0x20: {  	v6 =	vsel vm6, $0x806, v6;
	v7 =	vsel vm6, $0x807, v7;
	v0 =	vsel vm5, $0x880, v0  }
0x21: {  	v1 =	vsel vm5, $0x881, v1;
	v2 =	vsel vm5, $0x882, v2;
	v3 =	vsel vm5, $0x883, v3  }
0x22: {  	v4 =	vsel vm5, $0x884, v4;
	v5 =	vsel vm5, $0x885, v5;
	v6 =	vsel vm5, $0x886, v6  }
0x23: {  	v7 =	vsel vm5, $0x887, v7;
	v0 =	vsel vm3, $0x900, v0;
	v1 =	vsel vm3, $0x901, v1  }
0x24: {  	v2 =	vsel vm3, $0x902, v2;
	v3 =	vsel vm3, $0x903, v3;
	v4 =	vsel vm3, $0x904, v4  }
0x25: {  	v5 =	vsel vm3, $0x905, v5;
	v6 =	vsel vm3, $0x906, v6;
	v0 =	vsel vm4, $0x980, v0  }
0x26: {  	v1 =	vsel vm4, $0x981, v1;
	v2 =	vsel vm4, $0x982, v2;
	v3 =	vsel vm4, $0x983, v3  }
0x27: {  	v4 =	vsel vm4, $0x984, v4;
	v5 =	vsel vm4, $0x985, v5;
	v0 =	vsel vm2, $0xA00, v0  }
0x28: {  	v1 =	vsel vm2, $0xA01, v1;
	v2 =	vsel vm2, $0xA02, v2;
	v3 =	vsel vm2, $0xA03, v3  }
0x29: {  	v4 =	vsel vm2, $0xA04, v4;
	v5 =	vsel vm2, $0xA05, v5;
	v0 =	vsel vm0, $0xA80, v0  }
0x2a: {  	v1 =	vsel vm0, $0xA81, v1;
	v2 =	vsel vm0, $0xA82, v2;
	v3 =	vsel vm0, $0xA83, v3  }
0x2b: {  	s0 =	rddreg [dreg:$0x0];
	v4 =	vsel vm0, $0xA84, v4;
	v8 =	vsel vm0, $0xA85, v5;
	v5 =	vsel vm4, $0x986, v6  }
0x2c: {  	s1 =	rddreg [dreg:$0x1];
	v6 =	vsel vm3, $0x907, v7;
	v7 =	vlaneseq.u32;
	v0 =	vsel vm1, $0xB00, v0  }
0x2d: {  	s9 =	rddreg [dreg:$0x2];
	v1 =	vsel vm1, $0xB01, v1;
	v2 =	vsel vm1, $0xB02, v2;
	v3 =	vsel vm1, $0xB03, v3  }
0x2e: {  	s2 =	rddreg [dreg:$0x3];
	v4 =	vsel vm1, $0xB04, v4;
	v5 =	vsel vm2, $0xA06, v5;
	v6 =	vsel vm4, $0x987, v6  }
0x2f: {  	s5 =	srdreg.scid;
	s3 =	stileid.u32;
	s4 =	simm.s32 $0x0;
	v9 =	vsel vm0, $0xA86, v5;
	v10 =	vsel vm2, $0xA07, v6;
	v5 =	vmul.u32 $0x80, v7  }
0x30: {  	s12 =	simm.s32 $0x13D6400;
	s13 =	simm.s32 $0x1;
	s14 =	simm.s32 $0x2800;
	v6 =	vsel vm1, $0xB05, v8;
	v7 =	vsel vm1, $0xB06, v9;
	v8 =	vsel vm0, $0xA87, v10  }
0x31: {  	s15 =	simm.s32 $0x1000;
	s16 =	simm.s32 $0x3800;
	s17 =	simm.s32 $0x3;
	v8 =	vsel vm1, $0xB07, v8;
	v9 =	vor.u32 $0x1, v5;
	v10 =	vor.u32 $0x2, v5  }
0x32: {  	s18 =	simm.s32 $0x2000;
	s19 =	simm.s32 $0x5;
	s20 =	simm.s32 $0x0;
	v11 =	vor.u32 $0x3, v5;
	v12 =	vor.u32 $0x4, v5;
	v13 =	vor.u32 $0x5, v5  }
0x33: {  	s5 =	sand.u32 $0x1, s5;
	s6 =	sshll.u32 s3, $0x1;
	[smem:$0x7FF] =	sst s4;
	v14 =	vor.u32 $0x6, v5;
	v15 =	vor.u32 $0x7, v5;
	v16 =	vor.u32 $0x8, v5  }
.Ltmp0:
0x34: {  	p0 =	sgt.u32 s3, $0x5;
	s7 =	ssub.s32 $0x2, s5;
	v17 =	vor.u32 $0x9, v5;
	v18 =	vor.u32 $0xA, v5;
	v19 =	vor.u32 $0xB, v5;
	(pc) =	sbr.rel .LBB2_1-.Ltmp0, $4  }
0x35: {  	s5 =	sor.u32 s5, s6;
	_ =	strace $0x8000004A;
	s6 =	sadd.s32 $0xDE00, s9;
	v20 =	vor.u32 $0xC, v5;
	v21 =	vor.u32 $0xD, v5;
	v22 =	vor.u32 $0xE, v5  }
0x36: {  	s9 =	sadd.s32 $0x503600, s9;
	s8 =	sshrl.u32 s7, $0x1;
	s10 =	sshll.u32 s5, $0x8;
	v23 =	vor.u32 $0xF, v5;
	v24 =	vor.u32 $0x10, v5;
	v25 =	vor.u32 $0x11, v5  }
0x37: {  	p1 =	sne.s32 s5, $0x1F;
	s11 =	ssub.s32 s7, s8;
	s7 =	sadd.s32 s0, s10;
	v26 =	vor.u32 $0x12, v5;
	v27 =	vor.u32 $0x13, v5;
	v28 =	vor.u32 $0x14, v5  }
0x38: {  	s8 =	sor.u32 $0x40, s5;
	s10 =	smax.u32 s11, $0x1;
	s11 =	simm.s32 $0x800;
	v29 =	vor.u32 $0x15, v5;
	v30 =	vor.u32 $0x16, v5;
	v31 =	vor.u32 $0x17, v5  }
.LBB2_11:
0x39: {  	s20 =	sadd.s32 $0x1, s20  }
0x3a: {  	p2 =	sne.s32 s20, s10  }
.Ltmp1:
0x3b: {  	_ = 	snop;
	(pc) =	sbr.rel @!p2 .LBB2_12-.Ltmp1, $1  }
0x3c: {  	_ =	sdelay $0x3  }
.LBB2_1:
.Ltmp2:
0x3d: {  	(pc) =	sbr.rel .LBB2_2-.Ltmp2, $3  }
0x3e: {  	_ =	sdelay $0x1  }
0x3f: {  	[tilespmem:s4], [sflag:$0x1] =	stream.strided.gather [hbm4b:s7+s11], $0x1000, s12, s11, $0x38;
	[tilespmem:$0x4800] =	vst v63  }
0x40: {  	s21 =	simm.s32 $0x0  }
.LBB2_8:
0x41: {  	s21 =	sadd.s32 $0x1, s21  }
0x42: {  	p2 =	sne.s32 s21, $0x9F  }
.Ltmp3:
0x43: {  	_ = 	snop;
	(pc) =	sbr.rel @!p2 .LBB2_9-.Ltmp3, $1  }
0x44: {  	_ =	sdelay $0x3  }
.LBB2_2:
0x45: {  	s23 =	sshll.u32 s21, $0x6  }
0x46: {  	s24 =	sor.u32 s23, s5  }
0x47: {  	s22 =	sor.u32 $0x20, s24  }
0x48: {  	p2 =	sgt.u32 s22, $0x27AB  }
0x49: {  	s25 =	sshll.u32 @!p2 s22, $0x8;
	s26 =	simm.s32 @!p2 $0x800  }
0x4a: {  	s28 =	simm.s32 @!p2 $0x13D6400;
	s29 =	simm.s32 @!p2 $0x1000;
	s25 =	sadd.s32 @!p2 s0, s25  }
0x4b: {  	[tilespmem:s29], [sflag:$0x2] =	stream.strided.gather @!p2 [hbm4b:s25+s26], $0x1000, s28, s26, $0x38;
	[tilespmem:$0x4800] =	vst v63  }
0x4c: {  	_ =	swait.ge [sflag:s13], $0x1000  }
0x4d: {  	p3 =	seq.s32 s21, $0x0;
	[sflag:s13] =	ssyncset.done $0x0  }
0x4e: {  	s25 =	simm.s32 @!p3 $0x3;
	[sflag:s13] =	ssyncadd.s32 $0xFFFFF000  }
0x4f: {  	_ =	swait.ge @!p3 [sflag:s25], $0x1000  }
0x50: {  	s26 =	simm.s32 $0x0;
	[sflag:s25] =	ssyncset.done @!p3 $0x0  }
0x51: {  	s28 =	simm.s32 $0x2A00;
	[sflag:s25] =	ssyncadd.s32 @!p3 $0xFFFFF000;
	s25 =	simm.s32 $0xFFFFFFF8  }
.LBB2_3:
0x52: {  	v32 =	vmov s26  }
0x53: {  	v33 =	vshll.u32 v32, $0x3  }
0x54: {  	v32 =	vand.u32 $0x40, v32;
	v33 =	vand.u32 $0x400, v33  }
0x55: {  	v32 =	vor.u32 v32, v33  }
0x56: {  	v33 =	vor.u32 v0, v32  }
0x57: {  	v34 =	vor.u32 v1, v32  }
0x58: {  	v35 =	vor.u32 v2, v32  }
0x59: {  	v36 =	vor.u32 v3, v32  }
0x5a: {  	v37 =	vor.u32 v4, v32  }
0x5b: {  	v38 =	vor.u32 v6, v32;
	v33 =	vld.idx.msk [tilespmem:v33+s4+$0x0], $0xffff  }
0x5c: {  	v39 =	vor.u32 v7, v32;
	v34 =	vld.idx.msk [tilespmem:v34+s4+$0x0], $0xffff  }
0x5d: {  	v32 =	vor.u32 v8, v32;
	v35 =	vld.idx.msk [tilespmem:v35+s4+$0x0], $0xffff  }
0x5e: {  	v36 =	vld.idx.msk [tilespmem:v36+s4+$0x0], $0xffff  }
0x5f: {  	v37 =	vld.idx.msk [tilespmem:v37+s4+$0x0], $0xffff  }
0x60: {  	s29 =	sadd.s32 $0x8, s26;
	v38 =	vld.idx.msk [tilespmem:v38+s4+$0x0], $0xffff  }
0x61: {  	v40 =	vmov s29;
	v39 =	vld.idx.msk [tilespmem:v39+s4+$0x0], $0xffff  }
0x62: {  	v46 =	vshll.u32 v40, $0x3;
	v32 =	vld.idx.msk [tilespmem:v32+s4+$0x0], $0xffff;
	[tilespmem:s28+$0xFFFFFE00] =	vst v33  }
0x63: {  	v47 =	vand.u32 $0x48, v40;
	[tilespmem:s28+$0xFFFFFE10] =	vst v34;
	v33 =	vand.u32 $0x400, v46  }
0x64: {  	[tilespmem:s28+$0xFFFFFE20] =	vst v35;
	v33 =	vor.u32 v47, v33  }
0x65: {  	[tilespmem:s28+$0xFFFFFE30] =	vst v36;
	v34 =	vor.u32 v0, v33  }
0x66: {  	[tilespmem:s28+$0xFFFFFE40] =	vst v37;
	v48 =	vor.u32 v1, v33  }
0x67: {  	[tilespmem:s28+$0xFFFFFE50] =	vst v38;
	v49 =	vor.u32 v2, v33  }
0x68: {  	[tilespmem:s28+$0xFFFFFE60] =	vst v39;
	v50 =	vor.u32 v3, v33  }
0x69: {  	[tilespmem:s28+$0xFFFFFE70] =	vst v32;
	v51 =	vor.u32 v4, v33  }
0x6a: {  	v52 =	vor.u32 v6, v33;
	v34 =	vld.idx.msk [tilespmem:v34+s4+$0x0], $0xffff  }
0x6b: {  	v53 =	vor.u32 v7, v33;
	v35 =	vld.idx.msk [tilespmem:v48+s4+$0x0], $0xffff  }
0x6c: {  	v33 =	vor.u32 v8, v33;
	v36 =	vld.idx.msk [tilespmem:v49+s4+$0x0], $0xffff  }
0x6d: {  	v37 =	vld.idx.msk [tilespmem:v50+s4+$0x0], $0xffff  }
0x6e: {  	v32 =	vld.idx.msk [tilespmem:v51+s4+$0x0], $0xffff  }
0x6f: {  	s30 =	sadd.s32 $0x10, s26;
	v38 =	vld.idx.msk [tilespmem:v52+s4+$0x0], $0xffff  }
0x70: {  	v54 =	vmov s30;
	v39 =	vld.idx.msk [tilespmem:v53+s4+$0x0], $0xffff  }
0x71: {  	v55 =	vshll.u32 v54, $0x3;
	v33 =	vld.idx.msk [tilespmem:v33+s4+$0x0], $0xffff;
	[tilespmem:s28+$0xFFFFFE80] =	vst v34  }
0x72: {  	v56 =	vand.u32 $0x50, v54;
	[tilespmem:s28+$0xFFFFFE90] =	vst v35;
	v34 =	vand.u32 $0x400, v55  }
0x73: {  	[tilespmem:s28+$0xFFFFFEA0] =	vst v36;
	v34 =	vor.u32 v56, v34  }
0x74: {  	[tilespmem:s28+$0xFFFFFEB0] =	vst v37;
	v35 =	vor.u32 v0, v34  }
0x75: {  	[tilespmem:s28+$0xFFFFFEC0] =	vst v32;
	v57 =	vor.u32 v1, v34  }
0x76: {  	[tilespmem:s28+$0xFFFFFED0] =	vst v38;
	v58 =	vor.u32 v2, v34  }
0x77: {  	[tilespmem:s28+$0xFFFFFEE0] =	vst v39;
	v59 =	vor.u32 v3, v34  }
0x78: {  	[tilespmem:s28+$0xFFFFFEF0] =	vst v33;
	v60 =	vor.u32 v4, v34  }
0x79: {  	v61 =	vor.u32 v6, v34;
	v35 =	vld.idx.msk [tilespmem:v35+s4+$0x0], $0xffff  }
0x7a: {  	v62 =	vor.u32 v7, v34;
	v32 =	vld.idx.msk [tilespmem:v57+s4+$0x0], $0xffff  }
0x7b: {  	v34 =	vor.u32 v8, v34;
	v36 =	vld.idx.msk [tilespmem:v58+s4+$0x0], $0xffff  }
0x7c: {  	v37 =	vld.idx.msk [tilespmem:v59+s4+$0x0], $0xffff  }
0x7d: {  	v33 =	vld.idx.msk [tilespmem:v60+s4+$0x0], $0xffff  }
0x7e: {  	s31 =	sadd.s32 $0x18, s26;
	v38 =	vld.idx.msk [tilespmem:v61+s4+$0x0], $0xffff  }
0x7f: {  	v63 =	vmov s31;
	v39 =	vld.idx.msk [tilespmem:v62+s4+$0x0], $0xffff  }
0x80: {  	v42 =	vshll.u32 v63, $0x3;
	v34 =	vld.idx.msk [tilespmem:v34+s4+$0x0], $0xffff;
	[tilespmem:s28+$0xFFFFFF00] =	vst v35  }
0x81: {  	v43 =	vand.u32 $0x58, v63;
	[tilespmem:s28+$0xFFFFFF10] =	vst v32;
	v35 =	vand.u32 $0x400, v42  }
0x82: {  	[tilespmem:s28+$0xFFFFFF20] =	vst v36;
	v32 =	vor.u32 v43, v35  }
0x83: {  	[tilespmem:s28+$0xFFFFFF30] =	vst v37;
	v35 =	vor.u32 v0, v32  }
0x84: {  	[tilespmem:s28+$0xFFFFFF40] =	vst v33;
	v44 =	vor.u32 v1, v32  }
0x85: {  	[tilespmem:s28+$0xFFFFFF50] =	vst v38;
	v45 =	vor.u32 v2, v32  }
0x86: {  	[tilespmem:s28+$0xFFFFFF60] =	vst v39;
	v46 =	vor.u32 v3, v32  }
0x87: {  	[tilespmem:s28+$0xFFFFFF70] =	vst v34;
	v47 =	vor.u32 v4, v32  }
0x88: {  	v48 =	vor.u32 v6, v32;
	v35 =	vld.idx.msk [tilespmem:v35+s4+$0x0], $0xffff  }
0x89: {  	v49 =	vor.u32 v7, v32;
	v33 =	vld.idx.msk [tilespmem:v44+s4+$0x0], $0xffff  }
0x8a: {  	v32 =	vor.u32 v8, v32;
	v36 =	vld.idx.msk [tilespmem:v45+s4+$0x0], $0xffff  }
0x8b: {  	v37 =	vld.idx.msk [tilespmem:v46+s4+$0x0], $0xffff  }
0x8c: {  	v34 =	vld.idx.msk [tilespmem:v47+s4+$0x0], $0xffff  }
0x8d: {  	s30 =	sadd.s32 $0x20, s26;
	v38 =	vld.idx.msk [tilespmem:v48+s4+$0x0], $0xffff  }
0x8e: {  	v50 =	vmov s30;
	v39 =	vld.idx.msk [tilespmem:v49+s4+$0x0], $0xffff  }
0x8f: {  	v51 =	vshll.u32 v50, $0x3;
	v32 =	vld.idx.msk [tilespmem:v32+s4+$0x0], $0xffff;
	[tilespmem:s28+$0xFFFFFF80] =	vst v35  }
0x90: {  	v52 =	vand.u32 $0x60, v50;
	[tilespmem:s28+$0xFFFFFF90] =	vst v33;
	v35 =	vand.u32 $0x400, v51  }
0x91: {  	[tilespmem:s28+$0xFFFFFFA0] =	vst v36;
	v33 =	vor.u32 v52, v35  }
0x92: {  	[tilespmem:s28+$0xFFFFFFB0] =	vst v37;
	v35 =	vor.u32 v0, v33  }
0x93: {  	[tilespmem:s28+$0xFFFFFFC0] =	vst v34;
	v53 =	vor.u32 v1, v33  }
0x94: {  	[tilespmem:s28+$0xFFFFFFD0] =	vst v38;
	v54 =	vor.u32 v2, v33  }
0x95: {  	[tilespmem:s28+$0xFFFFFFE0] =	vst v39;
	v55 =	vor.u32 v3, v33  }
0x96: {  	[tilespmem:s28+$0xFFFFFFF0] =	vst v32;
	v56 =	vor.u32 v4, v33  }
0x97: {  	v57 =	vor.u32 v6, v33;
	v35 =	vld.idx.msk [tilespmem:v35+s4+$0x0], $0xffff  }
0x98: {  	v58 =	vor.u32 v7, v33;
	v34 =	vld.idx.msk [tilespmem:v53+s4+$0x0], $0xffff  }
0x99: {  	v33 =	vor.u32 v8, v33;
	v36 =	vld.idx.msk [tilespmem:v54+s4+$0x0], $0xffff  }
0x9a: {  	v37 =	vld.idx.msk [tilespmem:v55+s4+$0x0], $0xffff  }
0x9b: {  	v32 =	vld.idx.msk [tilespmem:v56+s4+$0x0], $0xffff  }
0x9c: {  	s31 =	sadd.s32 $0x28, s26;
	v38 =	vld.idx.msk [tilespmem:v57+s4+$0x0], $0xffff  }
0x9d: {  	v59 =	vmov s31;
	v39 =	vld.idx.msk [tilespmem:v58+s4+$0x0], $0xffff  }
0x9e: {  	v60 =	vshll.u32 v59, $0x3;
	v33 =	vld.idx.msk [tilespmem:v33+s4+$0x0], $0xffff;
	[tilespmem:s28+$0x0] =	vst v35  }
0x9f: {  	v61 =	vand.u32 $0x68, v59;
	[tilespmem:s28+$0x10] =	vst v34;
	v35 =	vand.u32 $0x400, v60  }
0xa0: {  	[tilespmem:s28+$0x20] =	vst v36;
	v34 =	vor.u32 v61, v35  }
0xa1: {  	[tilespmem:s28+$0x30] =	vst v37;
	v35 =	vor.u32 v0, v34  }
0xa2: {  	[tilespmem:s28+$0x40] =	vst v32;
	v62 =	vor.u32 v1, v34  }
0xa3: {  	[tilespmem:s28+$0x50] =	vst v38;
	v63 =	vor.u32 v2, v34  }
0xa4: {  	[tilespmem:s28+$0x60] =	vst v39;
	v42 =	vor.u32 v3, v34  }
0xa5: {  	[tilespmem:s28+$0x70] =	vst v33;
	v43 =	vor.u32 v4, v34  }
0xa6: {  	v44 =	vor.u32 v6, v34;
	v35 =	vld.idx.msk [tilespmem:v35+s4+$0x0], $0xffff  }
0xa7: {  	v45 =	vor.u32 v7, v34;
	v32 =	vld.idx.msk [tilespmem:v62+s4+$0x0], $0xffff  }
0xa8: {  	v34 =	vor.u32 v8, v34;
	v36 =	vld.idx.msk [tilespmem:v63+s4+$0x0], $0xffff  }
0xa9: {  	v37 =	vld.idx.msk [tilespmem:v42+s4+$0x0], $0xffff  }
0xaa: {  	v33 =	vld.idx.msk [tilespmem:v43+s4+$0x0], $0xffff  }
0xab: {  	s30 =	sadd.s32 $0x30, s26;
	v38 =	vld.idx.msk [tilespmem:v44+s4+$0x0], $0xffff  }
0xac: {  	v46 =	vmov s30;
	v39 =	vld.idx.msk [tilespmem:v45+s4+$0x0], $0xffff  }
0xad: {  	v47 =	vshll.u32 v46, $0x3;
	v34 =	vld.idx.msk [tilespmem:v34+s4+$0x0], $0xffff;
	[tilespmem:s28+$0x80] =	vst v35  }
0xae: {  	v48 =	vand.u32 $0x70, v46;
	[tilespmem:s28+$0x90] =	vst v32;
	v35 =	vand.u32 $0x400, v47  }
0xaf: {  	[tilespmem:s28+$0xA0] =	vst v36;
	v32 =	vor.u32 v48, v35  }
0xb0: {  	[tilespmem:s28+$0xB0] =	vst v37;
	v35 =	vor.u32 v0, v32  }
0xb1: {  	[tilespmem:s28+$0xC0] =	vst v33;
	v49 =	vor.u32 v1, v32  }
0xb2: {  	[tilespmem:s28+$0xD0] =	vst v38;
	v50 =	vor.u32 v2, v32  }
0xb3: {  	[tilespmem:s28+$0xE0] =	vst v39;
	v51 =	vor.u32 v3, v32  }
0xb4: {  	[tilespmem:s28+$0xF0] =	vst v34;
	v52 =	vor.u32 v4, v32  }
0xb5: {  	v53 =	vor.u32 v6, v32;
	v35 =	vld.idx.msk [tilespmem:v35+s4+$0x0], $0xffff  }
0xb6: {  	v54 =	vor.u32 v7, v32;
	v33 =	vld.idx.msk [tilespmem:v49+s4+$0x0], $0xffff  }
0xb7: {  	v32 =	vor.u32 v8, v32;
	v36 =	vld.idx.msk [tilespmem:v50+s4+$0x0], $0xffff  }
0xb8: {  	v37 =	vld.idx.msk [tilespmem:v51+s4+$0x0], $0xffff  }
0xb9: {  	v34 =	vld.idx.msk [tilespmem:v52+s4+$0x0], $0xffff  }
0xba: {  	s31 =	sadd.s32 $0x38, s26;
	v38 =	vld.idx.msk [tilespmem:v53+s4+$0x0], $0xffff  }
0xbb: {  	v55 =	vmov s31;
	v39 =	vld.idx.msk [tilespmem:v54+s4+$0x0], $0xffff  }
0xbc: {  	v56 =	vshll.u32 v55, $0x3;
	v32 =	vld.idx.msk [tilespmem:v32+s4+$0x0], $0xffff;
	[tilespmem:s28+$0x100] =	vst v35  }
0xbd: {  	v57 =	vand.u32 $0x78, v55;
	[tilespmem:s28+$0x110] =	vst v33;
	v35 =	vand.u32 $0x400, v56  }
0xbe: {  	[tilespmem:s28+$0x120] =	vst v36;
	v33 =	vor.u32 v57, v35  }
0xbf: {  	[tilespmem:s28+$0x130] =	vst v37;
	v35 =	vor.u32 v0, v33  }
0xc0: {  	[tilespmem:s28+$0x140] =	vst v34;
	v58 =	vor.u32 v1, v33  }
0xc1: {  	[tilespmem:s28+$0x150] =	vst v38;
	v59 =	vor.u32 v2, v33  }
0xc2: {  	[tilespmem:s28+$0x160] =	vst v39;
	v60 =	vor.u32 v3, v33  }
0xc3: {  	[tilespmem:s28+$0x170] =	vst v32;
	v61 =	vor.u32 v4, v33  }
0xc4: {  	v62 =	vor.u32 v6, v33;
	v35 =	vld.idx.msk [tilespmem:v35+s4+$0x0], $0xffff  }
0xc5: {  	v63 =	vor.u32 v7, v33;
	v34 =	vld.idx.msk [tilespmem:v58+s4+$0x0], $0xffff  }
0xc6: {  	v33 =	vor.u32 v8, v33;
	v36 =	vld.idx.msk [tilespmem:v59+s4+$0x0], $0xffff  }
0xc7: {  	v37 =	vld.idx.msk [tilespmem:v60+s4+$0x0], $0xffff  }
0xc8: {  	v32 =	vld.idx.msk [tilespmem:v61+s4+$0x0], $0xffff  }
0xc9: {  	v38 =	vld.idx.msk [tilespmem:v62+s4+$0x0], $0xffff  }
0xca: {  	v39 =	vld.idx.msk [tilespmem:v63+s4+$0x0], $0xffff  }
0xcb: {  	v33 =	vld.idx.msk [tilespmem:v33+s4+$0x0], $0xffff;
	[tilespmem:s28+$0x180] =	vst v35  }
0xcc: {  	s25 =	sadd.s32 $0x8, s25;
	[tilespmem:s28+$0x190] =	vst v34  }
0xcd: {  	p4 =	slt.u32 s25, $0x18;
	[tilespmem:s28+$0x1A0] =	vst v36  }
.Ltmp4:
0xce: {  	[tilespmem:s28+$0x1B0] =	vst v37;
	(pc) =	sbr.rel @p4 .LBB2_3-.Ltmp4, $4  }
0xcf: {  	[tilespmem:s28+$0x1C0] =	vst v32  }
0xd0: {  	[tilespmem:s28+$0x1D0] =	vst v38  }
0xd1: {  	[tilespmem:s28+$0x1E0] =	vst v39  }
0xd2: {  	s26 =	sadd.s32 $0x40, s26;
	[tilespmem:s28+$0x1F0] =	vst v33;
	s28 =	sadd.s32 $0x400, s28  }
0xd3: {  	s24 =	sshll.u32 s24, $0x9;
	s23 =	sadd.s32 s8, s23  }
0xd4: {  	s24 =	sadd.s32 s6, s24;
	p4 =	sgt.u32 s23, $0x27AB  }
0xd5: {  	[hbm4b:s24+s4] =	stream.linear.scatter [tilespmem:s14], [sflag:$0x3], $0x1000, $0x38;
	[tilespmem:$0x4800] =	vst v63  }
0xd6: {  	s23 =	sshll.u32 @!p4 s23, $0x8;
	s24 =	simm.s32 @!p4 $0x800  }
0xd7: {  	s25 =	simm.s32 @!p4 $0x13D6400;
	s26 =	simm.s32 @!p4 $0x0;
	s23 =	sadd.s32 @!p4 s0, s23  }
0xd8: {  	[tilespmem:s26], [sflag:$0x1] =	stream.strided.gather @!p4 [hbm4b:s23+s24], $0x1000, s25, s24, $0x38;
	[tilespmem:$0x4800] =	vst v63  }
0xd9: {  	s23 =	simm.s32 @!p2 $0x2  }
0xda: {  	_ =	swait.ge @!p2 [sflag:s23], $0x1000  }
.Ltmp5:
0xdb: {  	[sflag:s23] =	ssyncset.done @!p2 $0x0;
	(pc) =	sbr.rel @p2 .LBB2_8-.Ltmp5, $4  }
0xdc: {  	[sflag:s23] =	ssyncadd.s32 @!p2 $0xFFFFF000;
	s23 =	simm.s32 @!p3 $0x4  }
0xdd: {  	_ =	swait.ge @!p3 [sflag:s23], $0x1000  }
0xde: {  	[sflag:s23] =	ssyncset.done @!p3 $0x0  }
0xdf: {  	[sflag:s23] =	ssyncadd.s32 @!p3 $0xFFFFF000  }
0xe0: {  	s23 =	simm.s32 $0xFFFFFFF8;
	s24 =	simm.s32 $0x0;
	s25 =	simm.s32 $0x3A00  }
.LBB2_6:
0xe1: {  	v32 =	vmov s24  }
0xe2: {  	v33 =	vshll.u32 v32, $0x3  }
0xe3: {  	v32 =	vand.u32 $0x40, v32;
	v33 =	vand.u32 $0x400, v33  }
0xe4: {  	v32 =	vor.u32 v32, v33  }
0xe5: {  	v33 =	vor.u32 v0, v32  }
0xe6: {  	v34 =	vor.u32 v1, v32  }
0xe7: {  	v35 =	vor.u32 v2, v32  }
0xe8: {  	v36 =	vor.u32 v3, v32  }
0xe9: {  	v37 =	vor.u32 v4, v32  }
0xea: {  	v38 =	vor.u32 v6, v32;
	v33 =	vld.idx.msk [tilespmem:v33+s15+$0x0], $0xffff  }
0xeb: {  	v39 =	vor.u32 v7, v32;
	v34 =	vld.idx.msk [tilespmem:v34+s15+$0x0], $0xffff  }
0xec: {  	v32 =	vor.u32 v8, v32;
	v35 =	vld.idx.msk [tilespmem:v35+s15+$0x0], $0xffff  }
0xed: {  	v36 =	vld.idx.msk [tilespmem:v36+s15+$0x0], $0xffff  }
0xee: {  	v37 =	vld.idx.msk [tilespmem:v37+s15+$0x0], $0xffff  }
0xef: {  	s26 =	sadd.s32 $0x8, s24;
	v38 =	vld.idx.msk [tilespmem:v38+s15+$0x0], $0xffff  }
0xf0: {  	v40 =	vmov s26;
	v39 =	vld.idx.msk [tilespmem:v39+s15+$0x0], $0xffff  }
0xf1: {  	v46 =	vshll.u32 v40, $0x3;
	v32 =	vld.idx.msk [tilespmem:v32+s15+$0x0], $0xffff;
	[tilespmem:s25+$0xFFFFFE00] =	vst v33  }
0xf2: {  	v47 =	vand.u32 $0x48, v40;
	[tilespmem:s25+$0xFFFFFE10] =	vst v34;
	v33 =	vand.u32 $0x400, v46  }
0xf3: {  	[tilespmem:s25+$0xFFFFFE20] =	vst v35;
	v33 =	vor.u32 v47, v33  }
0xf4: {  	[tilespmem:s25+$0xFFFFFE30] =	vst v36;
	v34 =	vor.u32 v0, v33  }
0xf5: {  	[tilespmem:s25+$0xFFFFFE40] =	vst v37;
	v48 =	vor.u32 v1, v33  }
0xf6: {  	[tilespmem:s25+$0xFFFFFE50] =	vst v38;
	v49 =	vor.u32 v2, v33  }
0xf7: {  	[tilespmem:s25+$0xFFFFFE60] =	vst v39;
	v50 =	vor.u32 v3, v33  }
0xf8: {  	[tilespmem:s25+$0xFFFFFE70] =	vst v32;
	v51 =	vor.u32 v4, v33  }
0xf9: {  	v52 =	vor.u32 v6, v33;
	v34 =	vld.idx.msk [tilespmem:v34+s15+$0x0], $0xffff  }
0xfa: {  	v53 =	vor.u32 v7, v33;
	v35 =	vld.idx.msk [tilespmem:v48+s15+$0x0], $0xffff  }
0xfb: {  	v33 =	vor.u32 v8, v33;
	v36 =	vld.idx.msk [tilespmem:v49+s15+$0x0], $0xffff  }
0xfc: {  	v37 =	vld.idx.msk [tilespmem:v50+s15+$0x0], $0xffff  }
0xfd: {  	v32 =	vld.idx.msk [tilespmem:v51+s15+$0x0], $0xffff  }
0xfe: {  	s30 =	sadd.s32 $0x10, s24;
	v38 =	vld.idx.msk [tilespmem:v52+s15+$0x0], $0xffff  }
0xff: {  	v54 =	vmov s30;
	v39 =	vld.idx.msk [tilespmem:v53+s15+$0x0], $0xffff  }
0x100: {  	v55 =	vshll.u32 v54, $0x3;
	v33 =	vld.idx.msk [tilespmem:v33+s15+$0x0], $0xffff;
	[tilespmem:s25+$0xFFFFFE80] =	vst v34  }
0x101: {  	v56 =	vand.u32 $0x50, v54;
	[tilespmem:s25+$0xFFFFFE90] =	vst v35;
	v34 =	vand.u32 $0x400, v55  }
0x102: {  	[tilespmem:s25+$0xFFFFFEA0] =	vst v36;
	v34 =	vor.u32 v56, v34  }
0x103: {  	[tilespmem:s25+$0xFFFFFEB0] =	vst v37;
	v35 =	vor.u32 v0, v34  }
0x104: {  	[tilespmem:s25+$0xFFFFFEC0] =	vst v32;
	v57 =	vor.u32 v1, v34  }
0x105: {  	[tilespmem:s25+$0xFFFFFED0] =	vst v38;
	v58 =	vor.u32 v2, v34  }
0x106: {  	[tilespmem:s25+$0xFFFFFEE0] =	vst v39;
	v59 =	vor.u32 v3, v34  }
0x107: {  	[tilespmem:s25+$0xFFFFFEF0] =	vst v33;
	v60 =	vor.u32 v4, v34  }
0x108: {  	v61 =	vor.u32 v6, v34;
	v35 =	vld.idx.msk [tilespmem:v35+s15+$0x0], $0xffff  }
0x109: {  	v62 =	vor.u32 v7, v34;
	v32 =	vld.idx.msk [tilespmem:v57+s15+$0x0], $0xffff  }
0x10a: {  	v34 =	vor.u32 v8, v34;
	v36 =	vld.idx.msk [tilespmem:v58+s15+$0x0], $0xffff  }
0x10b: {  	v37 =	vld.idx.msk [tilespmem:v59+s15+$0x0], $0xffff  }
0x10c: {  	v33 =	vld.idx.msk [tilespmem:v60+s15+$0x0], $0xffff  }
0x10d: {  	s31 =	sadd.s32 $0x18, s24;
	v38 =	vld.idx.msk [tilespmem:v61+s15+$0x0], $0xffff  }
0x10e: {  	v63 =	vmov s31;
	v39 =	vld.idx.msk [tilespmem:v62+s15+$0x0], $0xffff  }
0x10f: {  	v42 =	vshll.u32 v63, $0x3;
	v34 =	vld.idx.msk [tilespmem:v34+s15+$0x0], $0xffff;
	[tilespmem:s25+$0xFFFFFF00] =	vst v35  }
0x110: {  	v43 =	vand.u32 $0x58, v63;
	[tilespmem:s25+$0xFFFFFF10] =	vst v32;
	v35 =	vand.u32 $0x400, v42  }
0x111: {  	[tilespmem:s25+$0xFFFFFF20] =	vst v36;
	v32 =	vor.u32 v43, v35  }
0x112: {  	[tilespmem:s25+$0xFFFFFF30] =	vst v37;
	v35 =	vor.u32 v0, v32  }
0x113: {  	[tilespmem:s25+$0xFFFFFF40] =	vst v33;
	v44 =	vor.u32 v1, v32  }
0x114: {  	[tilespmem:s25+$0xFFFFFF50] =	vst v38;
	v45 =	vor.u32 v2, v32  }
0x115: {  	[tilespmem:s25+$0xFFFFFF60] =	vst v39;
	v46 =	vor.u32 v3, v32  }
0x116: {  	[tilespmem:s25+$0xFFFFFF70] =	vst v34;
	v47 =	vor.u32 v4, v32  }
0x117: {  	v48 =	vor.u32 v6, v32;
	v35 =	vld.idx.msk [tilespmem:v35+s15+$0x0], $0xffff  }
0x118: {  	v49 =	vor.u32 v7, v32;
	v33 =	vld.idx.msk [tilespmem:v44+s15+$0x0], $0xffff  }
0x119: {  	v32 =	vor.u32 v8, v32;
	v36 =	vld.idx.msk [tilespmem:v45+s15+$0x0], $0xffff  }
0x11a: {  	v37 =	vld.idx.msk [tilespmem:v46+s15+$0x0], $0xffff  }
0x11b: {  	v34 =	vld.idx.msk [tilespmem:v47+s15+$0x0], $0xffff  }
0x11c: {  	s28 =	sadd.s32 $0x20, s24;
	v38 =	vld.idx.msk [tilespmem:v48+s15+$0x0], $0xffff  }
0x11d: {  	v50 =	vmov s28;
	v39 =	vld.idx.msk [tilespmem:v49+s15+$0x0], $0xffff  }
0x11e: {  	v51 =	vshll.u32 v50, $0x3;
	v32 =	vld.idx.msk [tilespmem:v32+s15+$0x0], $0xffff;
	[tilespmem:s25+$0xFFFFFF80] =	vst v35  }
0x11f: {  	v52 =	vand.u32 $0x60, v50;
	[tilespmem:s25+$0xFFFFFF90] =	vst v33;
	v35 =	vand.u32 $0x400, v51  }
0x120: {  	[tilespmem:s25+$0xFFFFFFA0] =	vst v36;
	v33 =	vor.u32 v52, v35  }
0x121: {  	[tilespmem:s25+$0xFFFFFFB0] =	vst v37;
	v35 =	vor.u32 v0, v33  }
0x122: {  	[tilespmem:s25+$0xFFFFFFC0] =	vst v34;
	v53 =	vor.u32 v1, v33  }
0x123: {  	[tilespmem:s25+$0xFFFFFFD0] =	vst v38;
	v54 =	vor.u32 v2, v33  }
0x124: {  	[tilespmem:s25+$0xFFFFFFE0] =	vst v39;
	v55 =	vor.u32 v3, v33  }
0x125: {  	[tilespmem:s25+$0xFFFFFFF0] =	vst v32;
	v56 =	vor.u32 v4, v33  }
0x126: {  	v57 =	vor.u32 v6, v33;
	v35 =	vld.idx.msk [tilespmem:v35+s15+$0x0], $0xffff  }
0x127: {  	v58 =	vor.u32 v7, v33;
	v34 =	vld.idx.msk [tilespmem:v53+s15+$0x0], $0xffff  }
0x128: {  	v33 =	vor.u32 v8, v33;
	v36 =	vld.idx.msk [tilespmem:v54+s15+$0x0], $0xffff  }
0x129: {  	v37 =	vld.idx.msk [tilespmem:v55+s15+$0x0], $0xffff  }
0x12a: {  	v32 =	vld.idx.msk [tilespmem:v56+s15+$0x0], $0xffff  }
0x12b: {  	s29 =	sadd.s32 $0x28, s24;
	v38 =	vld.idx.msk [tilespmem:v57+s15+$0x0], $0xffff  }
0x12c: {  	v59 =	vmov s29;
	v39 =	vld.idx.msk [tilespmem:v58+s15+$0x0], $0xffff  }
0x12d: {  	v60 =	vshll.u32 v59, $0x3;
	v33 =	vld.idx.msk [tilespmem:v33+s15+$0x0], $0xffff;
	[tilespmem:s25+$0x0] =	vst v35  }
0x12e: {  	v61 =	vand.u32 $0x68, v59;
	[tilespmem:s25+$0x10] =	vst v34;
	v35 =	vand.u32 $0x400, v60  }
0x12f: {  	[tilespmem:s25+$0x20] =	vst v36;
	v34 =	vor.u32 v61, v35  }
0x130: {  	[tilespmem:s25+$0x30] =	vst v37;
	v35 =	vor.u32 v0, v34  }
0x131: {  	[tilespmem:s25+$0x40] =	vst v32;
	v62 =	vor.u32 v1, v34  }
0x132: {  	[tilespmem:s25+$0x50] =	vst v38;
	v63 =	vor.u32 v2, v34  }
0x133: {  	[tilespmem:s25+$0x60] =	vst v39;
	v42 =	vor.u32 v3, v34  }
0x134: {  	[tilespmem:s25+$0x70] =	vst v33;
	v43 =	vor.u32 v4, v34  }
0x135: {  	v44 =	vor.u32 v6, v34;
	v35 =	vld.idx.msk [tilespmem:v35+s15+$0x0], $0xffff  }
0x136: {  	v45 =	vor.u32 v7, v34;
	v32 =	vld.idx.msk [tilespmem:v62+s15+$0x0], $0xffff  }
0x137: {  	v34 =	vor.u32 v8, v34;
	v36 =	vld.idx.msk [tilespmem:v63+s15+$0x0], $0xffff  }
0x138: {  	v37 =	vld.idx.msk [tilespmem:v42+s15+$0x0], $0xffff  }
0x139: {  	v33 =	vld.idx.msk [tilespmem:v43+s15+$0x0], $0xffff  }
0x13a: {  	s30 =	sadd.s32 $0x30, s24;
	v38 =	vld.idx.msk [tilespmem:v44+s15+$0x0], $0xffff  }
0x13b: {  	v46 =	vmov s30;
	v39 =	vld.idx.msk [tilespmem:v45+s15+$0x0], $0xffff  }
0x13c: {  	v47 =	vshll.u32 v46, $0x3;
	v34 =	vld.idx.msk [tilespmem:v34+s15+$0x0], $0xffff;
	[tilespmem:s25+$0x80] =	vst v35  }
0x13d: {  	v48 =	vand.u32 $0x70, v46;
	[tilespmem:s25+$0x90] =	vst v32;
	v35 =	vand.u32 $0x400, v47  }
0x13e: {  	[tilespmem:s25+$0xA0] =	vst v36;
	v32 =	vor.u32 v48, v35  }
0x13f: {  	[tilespmem:s25+$0xB0] =	vst v37;
	v35 =	vor.u32 v0, v32  }
0x140: {  	[tilespmem:s25+$0xC0] =	vst v33;
	v49 =	vor.u32 v1, v32  }
0x141: {  	[tilespmem:s25+$0xD0] =	vst v38;
	v50 =	vor.u32 v2, v32  }
0x142: {  	[tilespmem:s25+$0xE0] =	vst v39;
	v51 =	vor.u32 v3, v32  }
0x143: {  	[tilespmem:s25+$0xF0] =	vst v34;
	v52 =	vor.u32 v4, v32  }
0x144: {  	v53 =	vor.u32 v6, v32;
	v35 =	vld.idx.msk [tilespmem:v35+s15+$0x0], $0xffff  }
0x145: {  	v54 =	vor.u32 v7, v32;
	v33 =	vld.idx.msk [tilespmem:v49+s15+$0x0], $0xffff  }
0x146: {  	v32 =	vor.u32 v8, v32;
	v36 =	vld.idx.msk [tilespmem:v50+s15+$0x0], $0xffff  }
0x147: {  	v37 =	vld.idx.msk [tilespmem:v51+s15+$0x0], $0xffff  }
0x148: {  	v34 =	vld.idx.msk [tilespmem:v52+s15+$0x0], $0xffff  }
0x149: {  	s31 =	sadd.s32 $0x38, s24;
	v38 =	vld.idx.msk [tilespmem:v53+s15+$0x0], $0xffff  }
0x14a: {  	v55 =	vmov s31;
	v39 =	vld.idx.msk [tilespmem:v54+s15+$0x0], $0xffff  }
0x14b: {  	v56 =	vshll.u32 v55, $0x3;
	v32 =	vld.idx.msk [tilespmem:v32+s15+$0x0], $0xffff;
	[tilespmem:s25+$0x100] =	vst v35  }
0x14c: {  	v57 =	vand.u32 $0x78, v55;
	[tilespmem:s25+$0x110] =	vst v33;
	v35 =	vand.u32 $0x400, v56  }
0x14d: {  	[tilespmem:s25+$0x120] =	vst v36;
	v33 =	vor.u32 v57, v35  }
0x14e: {  	[tilespmem:s25+$0x130] =	vst v37;
	v35 =	vor.u32 v0, v33  }
0x14f: {  	[tilespmem:s25+$0x140] =	vst v34;
	v58 =	vor.u32 v1, v33  }
0x150: {  	[tilespmem:s25+$0x150] =	vst v38;
	v59 =	vor.u32 v2, v33  }
0x151: {  	[tilespmem:s25+$0x160] =	vst v39;
	v60 =	vor.u32 v3, v33  }
0x152: {  	[tilespmem:s25+$0x170] =	vst v32;
	v61 =	vor.u32 v4, v33  }
0x153: {  	v62 =	vor.u32 v6, v33;
	v35 =	vld.idx.msk [tilespmem:v35+s15+$0x0], $0xffff  }
0x154: {  	v63 =	vor.u32 v7, v33;
	v34 =	vld.idx.msk [tilespmem:v58+s15+$0x0], $0xffff  }
0x155: {  	v33 =	vor.u32 v8, v33;
	v36 =	vld.idx.msk [tilespmem:v59+s15+$0x0], $0xffff  }
0x156: {  	v37 =	vld.idx.msk [tilespmem:v60+s15+$0x0], $0xffff  }
0x157: {  	v32 =	vld.idx.msk [tilespmem:v61+s15+$0x0], $0xffff  }
0x158: {  	v38 =	vld.idx.msk [tilespmem:v62+s15+$0x0], $0xffff  }
0x159: {  	v39 =	vld.idx.msk [tilespmem:v63+s15+$0x0], $0xffff  }
0x15a: {  	v33 =	vld.idx.msk [tilespmem:v33+s15+$0x0], $0xffff;
	[tilespmem:s25+$0x180] =	vst v35  }
0x15b: {  	s23 =	sadd.s32 $0x8, s23;
	[tilespmem:s25+$0x190] =	vst v34  }
0x15c: {  	p2 =	slt.u32 s23, $0x18;
	[tilespmem:s25+$0x1A0] =	vst v36  }
.Ltmp6:
0x15d: {  	[tilespmem:s25+$0x1B0] =	vst v37;
	(pc) =	sbr.rel @p2 .LBB2_6-.Ltmp6, $4  }
0x15e: {  	[tilespmem:s25+$0x1C0] =	vst v32  }
0x15f: {  	[tilespmem:s25+$0x1D0] =	vst v38  }
0x160: {  	[tilespmem:s25+$0x1E0] =	vst v39  }
0x161: {  	s24 =	sadd.s32 $0x40, s24;
	[tilespmem:s25+$0x1F0] =	vst v33;
	s25 =	sadd.s32 $0x400, s25  }
.Ltmp7:
0x162: {  	(pc) =	sbr.rel .LBB2_8-.Ltmp7, $4  }
0x163: {  	_ = 	snop  }
0x164: {  	s22 =	sshll.u32 s22, $0x9  }
0x165: {  	s22 =	sadd.s32 s6, s22  }
0x166: {  	[hbm4b:s22+s4] =	stream.linear.scatter [tilespmem:s16], [sflag:$0x4], $0x1000, $0x38;
	[tilespmem:$0x4800] =	vst v63  }
.LBB2_9:
0x167: {  	_ =	swait.ge [sflag:s17], $0x1000  }
.Ltmp8:
0x168: {  	[sflag:s17] =	ssyncset.done $0x0;
	(pc) =	sbr.rel @p1 .LBB2_11-.Ltmp8, $4  }
0x169: {  	s21 =	simm.s32 @!p0 $0x4;
	[sflag:s17] =	ssyncadd.s32 $0xFFFFF000  }
0x16a: {  	_ =	swait.ge @!p0 [sflag:s21], $0x1000  }
0x16b: {  	[sflag:s21] =	ssyncset.done @!p0 $0x0  }
0x16c: {  	[sflag:s21] =	ssyncadd.s32 @!p0 $0xFFFFF000  }
0x16d: {  	[tilespmem:s18], [sflag:$0x5] =	stream.linear.gather [hbm4b:s1+s4], $0x800, $0x38;
	[tilespmem:$0x4800] =	vst v63  }
0x16e: {  	_ =	swait.ge [sflag:s19], $0x800  }
0x16f: {  	[sflag:s19] =	ssyncset.done $0x0  }
0x170: {  	[sflag:s19] =	ssyncadd.s32 $0xFFFFF800  }
0x171: {  	v32 =	vld.idx.msk [tilespmem:v5+s18+$0x0], $0xffff;
	_ =	sdelay $0x4  }
0x172: {  	[tilespmem:$0x2800] =	vst v32  }
0x173: {  	v32 =	vld.idx.msk [tilespmem:v9+s18+$0x0], $0xffff;
	_ =	sdelay $0x4  }
0x174: {  	[tilespmem:$0x2810] =	vst v32  }
0x175: {  	v32 =	vld.idx.msk [tilespmem:v10+s18+$0x0], $0xffff;
	_ =	sdelay $0x4  }
0x176: {  	[tilespmem:$0x2820] =	vst v32  }
0x177: {  	v32 =	vld.idx.msk [tilespmem:v11+s18+$0x0], $0xffff;
	_ =	sdelay $0x4  }
0x178: {  	[tilespmem:$0x2830] =	vst v32  }
0x179: {  	v32 =	vld.idx.msk [tilespmem:v12+s18+$0x0], $0xffff;
	_ =	sdelay $0x4  }
0x17a: {  	[tilespmem:$0x2840] =	vst v32  }
0x17b: {  	v32 =	vld.idx.msk [tilespmem:v13+s18+$0x0], $0xffff;
	_ =	sdelay $0x4  }
0x17c: {  	[tilespmem:$0x2850] =	vst v32  }
0x17d: {  	v32 =	vld.idx.msk [tilespmem:v14+s18+$0x0], $0xffff;
	_ =	sdelay $0x4  }
0x17e: {  	[tilespmem:$0x2860] =	vst v32  }
0x17f: {  	v32 =	vld.idx.msk [tilespmem:v15+s18+$0x0], $0xffff;
	_ =	sdelay $0x4  }
0x180: {  	[tilespmem:$0x2870] =	vst v32  }
0x181: {  	v32 =	vld.idx.msk [tilespmem:v16+s18+$0x0], $0xffff;
	_ =	sdelay $0x4  }
0x182: {  	[tilespmem:$0x2880] =	vst v32  }
0x183: {  	v32 =	vld.idx.msk [tilespmem:v17+s18+$0x0], $0xffff;
	_ =	sdelay $0x4  }
0x184: {  	[tilespmem:$0x2890] =	vst v32  }
0x185: {  	v32 =	vld.idx.msk [tilespmem:v18+s18+$0x0], $0xffff;
	_ =	sdelay $0x4  }
0x186: {  	[tilespmem:$0x28A0] =	vst v32  }
0x187: {  	v32 =	vld.idx.msk [tilespmem:v19+s18+$0x0], $0xffff;
	_ =	sdelay $0x4  }
0x188: {  	[tilespmem:$0x28B0] =	vst v32  }
0x189: {  	v32 =	vld.idx.msk [tilespmem:v20+s18+$0x0], $0xffff;
	_ =	sdelay $0x4  }
0x18a: {  	[tilespmem:$0x28C0] =	vst v32  }
0x18b: {  	v32 =	vld.idx.msk [tilespmem:v21+s18+$0x0], $0xffff;
	_ =	sdelay $0x4  }
0x18c: {  	[tilespmem:$0x28D0] =	vst v32  }
0x18d: {  	v32 =	vld.idx.msk [tilespmem:v22+s18+$0x0], $0xffff;
	_ =	sdelay $0x4  }
0x18e: {  	[tilespmem:$0x28E0] =	vst v32  }
0x18f: {  	v32 =	vld.idx.msk [tilespmem:v23+s18+$0x0], $0xffff;
	_ =	sdelay $0x4  }
0x190: {  	[tilespmem:$0x28F0] =	vst v32  }
0x191: {  	v32 =	vld.idx.msk [tilespmem:v24+s18+$0x0], $0xffff;
	_ =	sdelay $0x4  }
0x192: {  	[tilespmem:$0x2900] =	vst v32  }
0x193: {  	v32 =	vld.idx.msk [tilespmem:v25+s18+$0x0], $0xffff;
	_ =	sdelay $0x4  }
0x194: {  	[tilespmem:$0x2910] =	vst v32  }
0x195: {  	v32 =	vld.idx.msk [tilespmem:v26+s18+$0x0], $0xffff;
	_ =	sdelay $0x4  }
0x196: {  	[tilespmem:$0x2920] =	vst v32  }
0x197: {  	v32 =	vld.idx.msk [tilespmem:v27+s18+$0x0], $0xffff;
	_ =	sdelay $0x4  }
0x198: {  	[tilespmem:$0x2930] =	vst v32  }
0x199: {  	v32 =	vld.idx.msk [tilespmem:v28+s18+$0x0], $0xffff;
	_ =	sdelay $0x4  }
0x19a: {  	[tilespmem:$0x2940] =	vst v32  }
0x19b: {  	v32 =	vld.idx.msk [tilespmem:v29+s18+$0x0], $0xffff;
	_ =	sdelay $0x4  }
0x19c: {  	[tilespmem:$0x2950] =	vst v32  }
0x19d: {  	v32 =	vld.idx.msk [tilespmem:v30+s18+$0x0], $0xffff;
	_ =	sdelay $0x4  }
0x19e: {  	[tilespmem:$0x2960] =	vst v32  }
0x19f: {  	v32 =	vld.idx.msk [tilespmem:v31+s18+$0x0], $0xffff  }
0x1a0: {  	v33 =	vor.u32 $0x18, v5;
	_ =	sdelay $0x3  }
0x1a1: {  	[tilespmem:$0x2970] =	vst v32  }
0x1a2: {  	v32 =	vld.idx.msk [tilespmem:v33+s18+$0x0], $0xffff  }
0x1a3: {  	v53 =	vor.u32 $0x19, v5;
	_ =	sdelay $0x3  }
0x1a4: {  	[tilespmem:$0x2980] =	vst v32  }
0x1a5: {  	v32 =	vld.idx.msk [tilespmem:v53+s18+$0x0], $0xffff  }
0x1a6: {  	v54 =	vor.u32 $0x1A, v5;
	_ =	sdelay $0x3  }
0x1a7: {  	[tilespmem:$0x2990] =	vst v32  }
0x1a8: {  	v32 =	vld.idx.msk [tilespmem:v54+s18+$0x0], $0xffff  }
0x1a9: {  	v55 =	vor.u32 $0x1B, v5;
	_ =	sdelay $0x3  }
0x1aa: {  	[tilespmem:$0x29A0] =	vst v32  }
0x1ab: {  	v32 =	vld.idx.msk [tilespmem:v55+s18+$0x0], $0xffff  }
0x1ac: {  	v56 =	vor.u32 $0x1C, v5;
	_ =	sdelay $0x3  }
0x1ad: {  	[tilespmem:$0x29B0] =	vst v32  }
0x1ae: {  	v32 =	vld.idx.msk [tilespmem:v56+s18+$0x0], $0xffff  }
0x1af: {  	v57 =	vor.u32 $0x1D, v5;
	_ =	sdelay $0x3  }
0x1b0: {  	[tilespmem:$0x29C0] =	vst v32  }
0x1b1: {  	v32 =	vld.idx.msk [tilespmem:v57+s18+$0x0], $0xffff  }
0x1b2: {  	v58 =	vor.u32 $0x1E, v5;
	_ =	sdelay $0x3  }
0x1b3: {  	[tilespmem:$0x29D0] =	vst v32  }
0x1b4: {  	v32 =	vld.idx.msk [tilespmem:v58+s18+$0x0], $0xffff  }
0x1b5: {  	v59 =	vor.u32 $0x1F, v5;
	_ =	sdelay $0x3  }
0x1b6: {  	[tilespmem:$0x29E0] =	vst v32  }
0x1b7: {  	v32 =	vld.idx.msk [tilespmem:v59+s18+$0x0], $0xffff  }
0x1b8: {  	v60 =	vor.u32 $0x20, v5;
	_ =	sdelay $0x3  }
0x1b9: {  	[tilespmem:$0x29F0] =	vst v32  }
0x1ba: {  	v32 =	vld.idx.msk [tilespmem:v60+s18+$0x0], $0xffff  }
0x1bb: {  	v61 =	vor.u32 $0x21, v5;
	_ =	sdelay $0x3  }
0x1bc: {  	[tilespmem:$0x2A00] =	vst v32  }
0x1bd: {  	v32 =	vld.idx.msk [tilespmem:v61+s18+$0x0], $0xffff  }
0x1be: {  	v62 =	vor.u32 $0x22, v5;
	_ =	sdelay $0x3  }
0x1bf: {  	[tilespmem:$0x2A10] =	vst v32  }
0x1c0: {  	v32 =	vld.idx.msk [tilespmem:v62+s18+$0x0], $0xffff  }
0x1c1: {  	v63 =	vor.u32 $0x23, v5;
	_ =	sdelay $0x3  }
0x1c2: {  	[tilespmem:$0x2A20] =	vst v32  }
0x1c3: {  	v32 =	vld.idx.msk [tilespmem:v63+s18+$0x0], $0xffff  }
0x1c4: {  	v36 =	vor.u32 $0x24, v5;
	_ =	sdelay $0x3  }
0x1c5: {  	[tilespmem:$0x2A30] =	vst v32  }
0x1c6: {  	v32 =	vld.idx.msk [tilespmem:v36+s18+$0x0], $0xffff  }
0x1c7: {  	v37 =	vor.u32 $0x25, v5;
	_ =	sdelay $0x3  }
0x1c8: {  	[tilespmem:$0x2A40] =	vst v32  }
0x1c9: {  	v32 =	vld.idx.msk [tilespmem:v37+s18+$0x0], $0xffff  }
0x1ca: {  	v38 =	vor.u32 $0x26, v5;
	_ =	sdelay $0x3  }
0x1cb: {  	[tilespmem:$0x2A50] =	vst v32  }
0x1cc: {  	v32 =	vld.idx.msk [tilespmem:v38+s18+$0x0], $0xffff  }
0x1cd: {  	v39 =	vor.u32 $0x27, v5;
	_ =	sdelay $0x3  }
0x1ce: {  	[tilespmem:$0x2A60] =	vst v32  }
0x1cf: {  	v32 =	vld.idx.msk [tilespmem:v39+s18+$0x0], $0xffff  }
0x1d0: {  	v40 =	vor.u32 $0x28, v5;
	_ =	sdelay $0x3  }
0x1d1: {  	[tilespmem:$0x2A70] =	vst v32  }
0x1d2: {  	v32 =	vld.idx.msk [tilespmem:v40+s18+$0x0], $0xffff  }
0x1d3: {  	v41 =	vor.u32 $0x29, v5;
	_ =	sdelay $0x3  }
0x1d4: {  	[tilespmem:$0x2A80] =	vst v32  }
0x1d5: {  	v32 =	vld.idx.msk [tilespmem:v41+s18+$0x0], $0xffff  }
0x1d6: {  	v42 =	vor.u32 $0x2A, v5;
	_ =	sdelay $0x3  }
0x1d7: {  	[tilespmem:$0x2A90] =	vst v32  }
0x1d8: {  	v32 =	vld.idx.msk [tilespmem:v42+s18+$0x0], $0xffff  }
0x1d9: {  	v43 =	vor.u32 $0x2B, v5;
	_ =	sdelay $0x3  }
0x1da: {  	[tilespmem:$0x2AA0] =	vst v32  }
0x1db: {  	v32 =	vld.idx.msk [tilespmem:v43+s18+$0x0], $0xffff  }
0x1dc: {  	v44 =	vor.u32 $0x2C, v5;
	_ =	sdelay $0x3  }
0x1dd: {  	[tilespmem:$0x2AB0] =	vst v32  }
0x1de: {  	v32 =	vld.idx.msk [tilespmem:v44+s18+$0x0], $0xffff  }
0x1df: {  	v45 =	vor.u32 $0x2D, v5;
	_ =	sdelay $0x3  }
0x1e0: {  	[tilespmem:$0x2AC0] =	vst v32  }
0x1e1: {  	v32 =	vld.idx.msk [tilespmem:v45+s18+$0x0], $0xffff  }
0x1e2: {  	v46 =	vor.u32 $0x2E, v5;
	_ =	sdelay $0x3  }
0x1e3: {  	[tilespmem:$0x2AD0] =	vst v32  }
0x1e4: {  	v32 =	vld.idx.msk [tilespmem:v46+s18+$0x0], $0xffff  }
0x1e5: {  	v47 =	vor.u32 $0x2F, v5;
	_ =	sdelay $0x3  }
0x1e6: {  	[tilespmem:$0x2AE0] =	vst v32  }
0x1e7: {  	v32 =	vld.idx.msk [tilespmem:v47+s18+$0x0], $0xffff  }
0x1e8: {  	v48 =	vor.u32 $0x30, v5;
	_ =	sdelay $0x3  }
0x1e9: {  	[tilespmem:$0x2AF0] =	vst v32  }
0x1ea: {  	v32 =	vld.idx.msk [tilespmem:v48+s18+$0x0], $0xffff  }
0x1eb: {  	v49 =	vor.u32 $0x31, v5;
	_ =	sdelay $0x3  }
0x1ec: {  	[tilespmem:$0x2B00] =	vst v32  }
0x1ed: {  	v32 =	vld.idx.msk [tilespmem:v49+s18+$0x0], $0xffff  }
0x1ee: {  	v50 =	vor.u32 $0x32, v5;
	_ =	sdelay $0x3  }
0x1ef: {  	[tilespmem:$0x2B10] =	vst v32  }
0x1f0: {  	v32 =	vld.idx.msk [tilespmem:v50+s18+$0x0], $0xffff  }
0x1f1: {  	v51 =	vor.u32 $0x33, v5;
	_ =	sdelay $0x3  }
0x1f2: {  	[tilespmem:$0x2B20] =	vst v32  }
0x1f3: {  	v32 =	vld.idx.msk [tilespmem:v51+s18+$0x0], $0xffff  }
0x1f4: {  	v52 =	vor.u32 $0x34, v5;
	_ =	sdelay $0x3  }
0x1f5: {  	[tilespmem:$0x2B30] =	vst v32  }
0x1f6: {  	v32 =	vld.idx.msk [tilespmem:v52+s18+$0x0], $0xffff  }
0x1f7: {  	v53 =	vor.u32 $0x35, v5;
	_ =	sdelay $0x3  }
0x1f8: {  	[tilespmem:$0x2B40] =	vst v32  }
0x1f9: {  	v32 =	vld.idx.msk [tilespmem:v53+s18+$0x0], $0xffff  }
0x1fa: {  	v54 =	vor.u32 $0x36, v5;
	_ =	sdelay $0x3  }
0x1fb: {  	[tilespmem:$0x2B50] =	vst v32  }
0x1fc: {  	v32 =	vld.idx.msk [tilespmem:v54+s18+$0x0], $0xffff  }
0x1fd: {  	v55 =	vor.u32 $0x37, v5;
	_ =	sdelay $0x3  }
0x1fe: {  	[tilespmem:$0x2B60] =	vst v32  }
0x1ff: {  	v32 =	vld.idx.msk [tilespmem:v55+s18+$0x0], $0xffff  }
0x200: {  	v56 =	vor.u32 $0x38, v5;
	_ =	sdelay $0x3  }
0x201: {  	[tilespmem:$0x2B70] =	vst v32  }
0x202: {  	v32 =	vld.idx.msk [tilespmem:v56+s18+$0x0], $0xffff  }
0x203: {  	v57 =	vor.u32 $0x39, v5;
	_ =	sdelay $0x3  }
0x204: {  	[tilespmem:$0x2B80] =	vst v32  }
0x205: {  	v32 =	vld.idx.msk [tilespmem:v57+s18+$0x0], $0xffff  }
0x206: {  	v58 =	vor.u32 $0x3A, v5;
	_ =	sdelay $0x3  }
0x207: {  	[tilespmem:$0x2B90] =	vst v32  }
0x208: {  	v32 =	vld.idx.msk [tilespmem:v58+s18+$0x0], $0xffff  }
0x209: {  	v59 =	vor.u32 $0x3B, v5;
	_ =	sdelay $0x3  }
0x20a: {  	[tilespmem:$0x2BA0] =	vst v32  }
0x20b: {  	v32 =	vld.idx.msk [tilespmem:v59+s18+$0x0], $0xffff  }
0x20c: {  	v60 =	vor.u32 $0x3C, v5;
	_ =	sdelay $0x3  }
0x20d: {  	[tilespmem:$0x2BB0] =	vst v32  }
0x20e: {  	v32 =	vld.idx.msk [tilespmem:v60+s18+$0x0], $0xffff  }
0x20f: {  	v61 =	vor.u32 $0x3D, v5;
	_ =	sdelay $0x3  }
0x210: {  	[tilespmem:$0x2BC0] =	vst v32  }
0x211: {  	v32 =	vld.idx.msk [tilespmem:v61+s18+$0x0], $0xffff  }
0x212: {  	v62 =	vor.u32 $0x3E, v5;
	_ =	sdelay $0x3  }
0x213: {  	[tilespmem:$0x2BD0] =	vst v32  }
0x214: {  	v32 =	vld.idx.msk [tilespmem:v62+s18+$0x0], $0xffff  }
0x215: {  	v63 =	vor.u32 $0x3F, v5;
	_ =	sdelay $0x3  }
0x216: {  	[tilespmem:$0x2BE0] =	vst v32  }
0x217: {  	v32 =	vld.idx.msk [tilespmem:v63+s18+$0x0], $0xffff;
	_ =	sdelay $0x4  }
.Ltmp9:
0x218: {  	[tilespmem:$0x2BF0] =	vst v32;
	(pc) =	sbr.rel .LBB2_11-.Ltmp9, $4  }
0x219: {  	[hbm4b:s9+s4] =	stream.linear.scatter [tilespmem:s14], [sflag:$0x5], $0x400, $0x38;
	[tilespmem:$0x4800] =	vst v63  }
0x21a: {  	_ =	swait.ge [sflag:s19], $0x400  }
0x21b: {  	[sflag:s19] =	ssyncset.done $0x0  }
0x21c: {  	[sflag:s19] =	ssyncadd.s32 $0xFFFFFC00  }
.LBB2_12:
0x21d: {  	_ =	sfence.sel $0x180000  }
0x21e: {  	[bflag:$0x0] =	sbarrier.arrive $0xFFFF  }
0x21f: {  	p0 =	sne.s32 s3, $0x0;
	_ =	strace $0x9000004A  }
0x220: {  	s0 =	sadd.s32 @!p0 $0x100000, s2;
	[bflag:$0x2] =	sbarrier.arrive $0xFFFF  }
0x221: {  	[sflag:s0] =	ssyncadd.tile.s32 @!p0 $0x1;
	_ =	shalt  }
.Lfunc_end2:
_tile_overlayer_lowered:
.L_overlay_start_2:
0x222: {  	(tag) =	ssettag $0x2  }
0x223: {  	s0 =	rddreg [dreg:$0x0];
	s2 =	stileid.u32  }
0x224: {  	s1 =	rddreg [dreg:$0x1];
	p0 =	sne.s32 s2, $0x0  }
0x225: {  	s3 =	rddreg [dreg:$0x2];
	[bflag:$0x3] =	sbarrier.arrive $0xFFFF;
	s2 =	simm.s32 @!p0 $0x1C05  }
0x226: {  	[timem:s3], [sflag:s2] =	dma.local @!p0 [hbm:s0], s1  }
0x227: {  	s0 =	simm.s32 @!p0 $0x5  }
0x228: {  	_ =	swait.ge @!p0 [sflag:s0], s1  }
0x229: {  	s1 =	ssub.s32 @!p0 $0x0, s1;
	[sflag:s0] =	ssyncset.done @!p0 $0x0  }
0x22a: {  	[sflag:s0] =	ssyncadd.s32 @!p0 s1  }
0x22b: {  	[bflag:$0x3] =	sbarrier.arrive $0xFFFF  }
0x22c: {  	_ =	shalt  }

</sc_bundles>
